<compile_context>
chip_gen: v7x
topology: tpu7x:2x2x1
jax: 0.10.2.dev20260603
libtpu: 0.0.44.dev20260713+nightly
codegen_flags: <defaults>
</compile_context>

<pallas_src>
import jax
import jax.numpy as jnp
from jax import lax
from jax.experimental import pallas as pl
from jax.experimental.pallas import tpu as pltpu
from jax.experimental.pallas import tpu_sc as plsc

N, T, S, D = 8, 64, 196, 384
SLABS = N * S
NUM_WORKERS = 32
PER_W = SLABS // NUM_WORKERS
LANES = 16
DV = D // LANES
RING = 4
ROWS_PER_STEP = 4


def _sc_body(xt_hbm, temb_hbm, y_hbm, tbuf, b0, b1, b2, b3,
             in0, in1, in2, in3, out0, out1, out2, out3):
    cid = lax.axis_index("c")
    sid = lax.axis_index("s")
    w = sid * 2 + cid

    pltpu.sync_copy(temb_hbm, tbuf)

    bufs = (b0, b1, b2, b3)
    in_sems = (in0, in1, in2, in3)
    out_sems = (out0, out1, out2, out3)

    def start_in(p, idx):
        pltpu.async_copy(xt_hbm.at[w + idx * NUM_WORKERS], bufs[p], in_sems[p])

    def wait_in(p):
        pltpu.make_async_copy(xt_hbm.at[0], bufs[p], in_sems[p]).wait()

    def start_out(p, idx):
        pltpu.async_copy(bufs[p], y_hbm.at[w + idx * NUM_WORKERS], out_sems[p])

    def wait_out(p):
        pltpu.make_async_copy(bufs[p], y_hbm.at[0], out_sems[p]).wait()

    start_in(0, 0)
    start_in(1, 1)

    def stage(p, q, idx):
        wait_in(p)

        @pl.when(idx + 2 < PER_W)
        def _():
            @pl.when(idx >= 2)
            def _():
                wait_out(q)

            start_in(q, idx + 2)

        xb = bufs[p]

        def per_rows(r0, c2):
            row0 = r0 * ROWS_PER_STEP
            for rr in range(ROWS_PER_STEP):
                row = row0 + rr
                for c in range(DV):
                    sl = pl.ds(c * LANES, LANES)
                    plsc.addupdate(xb.at[row, sl], tbuf[row, sl])
            return c2

        lax.fori_loop(0, T // ROWS_PER_STEP, per_rows, 0, unroll=False)
        start_out(p, idx)

    def body(k, carry):
        u0 = k * RING
        for p in range(RING):
            @pl.when(u0 + p < PER_W)
            def _(p=p):
                stage(p, (p + 2) % RING, u0 + p)
        return carry

    lax.fori_loop(0, (PER_W + RING - 1) // RING, body, 0, unroll=False)
    for p in range(RING):
        wait_out(p)


@jax.jit
def _sc_add(xt, T_embed):
    mesh = plsc.VectorSubcoreMesh(core_axis_name="c", subcore_axis_name="s")
    fn = pl.kernel(
        _sc_body,
        mesh=mesh,
        compiler_params=pltpu.CompilerParams(use_tc_tiling_on_sc=True),
        out_type=jax.ShapeDtypeStruct((SLABS, T, D), jnp.float32),
        scratch_types=(
            [pltpu.VMEM((T, D), jnp.float32) for _ in range(5)]
            + [pltpu.SemaphoreType.DMA for _ in range(8)]
        ),
    )
    return fn(xt, T_embed)


def kernel(x, T_embed):
    n, t_len, s, d = x.shape
    xt = jnp.transpose(x, (0, 2, 1, 3)).reshape(n * s, t_len, d)
    yt = _sc_add(xt, T_embed)
    return jnp.transpose(yt.reshape(n, s, t_len, d), (0, 2, 1, 3))

# --- scband reference (transcript-rebuilt; emitter-appended) ---
"""Pipeline reference for scband-learned-time-encoding-66451734004234 (READ-ONLY COPY).

The authoritative reference and input builder live on the scoring server;
editing this copy changes nothing except your own understanding.
"""

import jax, jax.numpy as jnp
import numpy as np

NUM_POS = 64
D_MODEL = 384
N, T, S, D = 8, 64, 196, 384

def setup_inputs(seed: int = 0) -> dict:
    key = jax.random.key(seed)
    kx, = jax.random.split(key, 1)
    x = jax.random.normal(kx, (N, T, S, D), dtype=jnp.float32)
    # Module initializes the embedding table to all zeros (reset_parameters)
    T_embed = jnp.zeros((NUM_POS, D_MODEL), dtype=jnp.float32)
    return {"x": x, "T_embed": T_embed}

def reference(x, T_embed):
    n, t_len, s, d = x.shape
    t = jnp.arange(t_len)
    t_emb = jnp.take(T_embed, t, axis=0)          # [T, D] embedding lookup
    y = x + t_emb[:, None, :]                      # broadcast over N and S
    return y

if __name__ == "__main__":
    import jax
    _d = setup_inputs()
    print(jax.jit(kernel)(*tuple(_d.values())))

</pallas_src>

<mosaic_0001>
#map = affine_map<(d0, d1) -> (0, 0, 0)>
#map1 = affine_map<(d0, d1) -> (0, 0)>
module attributes {stable_mosaic.version = 14 : i64} {
  func.func @_sc_body(%arg0: i32, %arg1: i32, %arg2: memref<1568x64x384xf32, #tpu.memory_space<hbm>>, %arg3: memref<64x384xf32, #tpu.memory_space<hbm>>, %arg4: memref<1568x64x384xf32, #tpu.memory_space<hbm>>, %arg5: memref<64x384xf32, #tpu.memory_space<vmem>>, %arg6: memref<64x384xf32, #tpu.memory_space<vmem>>, %arg7: memref<64x384xf32, #tpu.memory_space<vmem>>, %arg8: memref<64x384xf32, #tpu.memory_space<vmem>>, %arg9: memref<64x384xf32, #tpu.memory_space<vmem>>, %arg10: memref<!tpu.dma_semaphore, #tpu.memory_space<semaphore_mem>>, %arg11: memref<!tpu.dma_semaphore, #tpu.memory_space<semaphore_mem>>, %arg12: memref<!tpu.dma_semaphore, #tpu.memory_space<semaphore_mem>>, %arg13: memref<!tpu.dma_semaphore, #tpu.memory_space<semaphore_mem>>, %arg14: memref<!tpu.dma_semaphore, #tpu.memory_space<semaphore_mem>>, %arg15: memref<!tpu.dma_semaphore, #tpu.memory_space<semaphore_mem>>, %arg16: memref<!tpu.dma_semaphore, #tpu.memory_space<semaphore_mem>>, %arg17: memref<!tpu.dma_semaphore, #tpu.memory_space<semaphore_mem>>) attributes {dimension_semantics = [#tpu.dimension_semantics<core_parallel>, #tpu.dimension_semantics<subcore_parallel>], iteration_bounds = array<i64: 2, 16>, scalar_prefetch = 0 : i64, scratch_operands = 13 : i64, tpu.core_type = #tpu.core_type<sc_vector_subcore>, window_params = [{transform_indices = #map}, {transform_indices = #map1}, {transform_indices = #map}]} {
    %mul3A = arith.constant 2 : i32
    %mul3A_0 = arith.muli %arg1, %mul3A : i32
    %add3A = arith.addi %mul3A_0, %arg0 : i32
    "tpu.region"() ({
      %run_scoped3A = tpu.sem_alloc : memref<!tpu.dma_semaphore, #tpu.memory_space<semaphore_mem>>
      tpu.enqueue_dma source(%arg3 : memref<64x384xf32, #tpu.memory_space<hbm>>) target(%arg5 : memref<64x384xf32, #tpu.memory_space<vmem>>) target_semaphore(%run_scoped3A : memref<!tpu.dma_semaphore, #tpu.memory_space<semaphore_mem>>)
      tpu.wait_dma2 semaphore(%run_scoped3A : memref<!tpu.dma_semaphore, #tpu.memory_space<semaphore_mem>>) src(%arg3 : memref<64x384xf32, #tpu.memory_space<hbm>>) dst(%arg5 : memref<64x384xf32, #tpu.memory_space<vmem>>)
      tpu.yield
    }) : () -> ()
    %add3A_1 = arith.constant 0 : i32
    %add3A_2 = arith.addi %add3A, %add3A_1 : i32
    %dma_start3A = arith.constant 0 : i32
    %dma_start3A_3 = arith.constant 0 : i32
    %dma_start3A_4 = tpu.memref_slice %arg2[%add3A_2, %dma_start3A, %dma_start3A_3] : memref<1568x64x384xf32, #tpu.memory_space<hbm>> -> memref<1x64x384xf32, #tpu.memory_space<hbm>>
    %dma_start3A_5 = tpu.memref_squeeze %dma_start3A_4 : memref<1x64x384xf32, #tpu.memory_space<hbm>> -> memref<64x384xf32, #tpu.memory_space<hbm>>
    %dma_start3A_6 = arith.constant 0 : i32
    %dma_start3A_7 = arith.constant 0 : i32
    %dma_start3A_8 = tpu.memref_slice %arg2[%add3A_2, %dma_start3A_6, %dma_start3A_7] : memref<1568x64x384xf32, #tpu.memory_space<hbm>> -> memref<1x64x384xf32, #tpu.memory_space<hbm>>
    %dma_start3A_9 = tpu.memref_squeeze %dma_start3A_8 : memref<1x64x384xf32, #tpu.memory_space<hbm>> -> memref<64x384xf32, #tpu.memory_space<hbm>>
    tpu.enqueue_dma source(%dma_start3A_9 : memref<64x384xf32, #tpu.memory_space<hbm>>) target(%arg6 : memref<64x384xf32, #tpu.memory_space<vmem>>) target_semaphore(%arg10 : memref<!tpu.dma_semaphore, #tpu.memory_space<semaphore_mem>>)
    %add3A_10 = arith.constant 32 : i32
    %add3A_11 = arith.addi %add3A, %add3A_10 : i32
    %dma_start3A_12 = arith.constant 0 : i32
    %dma_start3A_13 = arith.constant 0 : i32
    %dma_start3A_14 = tpu.memref_slice %arg2[%add3A_11, %dma_start3A_12, %dma_start3A_13] : memref<1568x64x384xf32, #tpu.memory_space<hbm>> -> memref<1x64x384xf32, #tpu.memory_space<hbm>>
    %dma_start3A_15 = tpu.memref_squeeze %dma_start3A_14 : memref<1x64x384xf32, #tpu.memory_space<hbm>> -> memref<64x384xf32, #tpu.memory_space<hbm>>
    %dma_start3A_16 = arith.constant 0 : i32
    %dma_start3A_17 = arith.constant 0 : i32
    %dma_start3A_18 = tpu.memref_slice %arg2[%add3A_11, %dma_start3A_16, %dma_start3A_17] : memref<1568x64x384xf32, #tpu.memory_space<hbm>> -> memref<1x64x384xf32, #tpu.memory_space<hbm>>
    %dma_start3A_19 = tpu.memref_squeeze %dma_start3A_18 : memref<1x64x384xf32, #tpu.memory_space<hbm>> -> memref<64x384xf32, #tpu.memory_space<hbm>>
    tpu.enqueue_dma source(%dma_start3A_19 : memref<64x384xf32, #tpu.memory_space<hbm>>) target(%arg7 : memref<64x384xf32, #tpu.memory_space<vmem>>) target_semaphore(%arg11 : memref<!tpu.dma_semaphore, #tpu.memory_space<semaphore_mem>>)
    %scan3A = arith.constant 0 : i32
    %scan3A_20 = arith.constant 0 : i32
    %scan3A_21 = arith.constant 13 : i32
    %scan3A_22 = arith.addi %scan3A_20, %scan3A_21 : i32
    %scan3A_23 = arith.constant 1 : i32
    scf.for %scan3A_60 = %scan3A_20 to %scan3A_22 step %scan3A_23  : i32 {
      %mul3A_61 = arith.constant 4 : i32
      %mul3A_62 = arith.muli %scan3A_60, %mul3A_61 : i32
      %add3A_63 = arith.constant 0 : i32
      %add3A_64 = arith.addi %mul3A_62, %add3A_63 : i32
      %lt3A = arith.constant 49 : i32
      %lt3A_65 = arith.cmpi slt, %add3A_64, %lt3A : i32
      %convert_element_type3A = arith.extui %lt3A_65 : i1 to i32
      %cond3A = arith.constant 0 : i32
      %cond3A_66 = arith.cmpi ne, %convert_element_type3A, %cond3A : i32
      scf.if %cond3A_66 {
        %add3A_88 = arith.constant 0 : i32
        %add3A_89 = arith.addi %mul3A_62, %add3A_88 : i32
        %dma_wait3A_90 = arith.constant 0 : i32
        %dma_wait3A_91 = arith.constant 0 : i32
        %dma_wait3A_92 = arith.constant 0 : i32
        %dma_wait3A_93 = tpu.memref_slice %arg2[%dma_wait3A_90, %dma_wait3A_91, %dma_wait3A_92] : memref<1568x64x384xf32, #tpu.memory_space<hbm>> -> memref<1x64x384xf32, #tpu.memory_space<hbm>>
        %dma_wait3A_94 = tpu.memref_squeeze %dma_wait3A_93 : memref<1x64x384xf32, #tpu.memory_space<hbm>> -> memref<64x384xf32, #tpu.memory_space<hbm>>
        %dma_wait3A_95 = arith.constant 0 : i32
        %dma_wait3A_96 = arith.constant 0 : i32
        %dma_wait3A_97 = tpu.memref_slice %arg2[%dma_wait3A_90, %dma_wait3A_95, %dma_wait3A_96] : memref<1568x64x384xf32, #tpu.memory_space<hbm>> -> memref<1x64x384xf32, #tpu.memory_space<hbm>>
        %dma_wait3A_98 = tpu.memref_squeeze %dma_wait3A_97 : memref<1x64x384xf32, #tpu.memory_space<hbm>> -> memref<64x384xf32, #tpu.memory_space<hbm>>
        tpu.wait_dma2 semaphore(%arg10 : memref<!tpu.dma_semaphore, #tpu.memory_space<semaphore_mem>>) src(%dma_wait3A_98 : memref<64x384xf32, #tpu.memory_space<hbm>>) dst(%arg6 : memref<64x384xf32, #tpu.memory_space<vmem>>)
        %add3A_99 = arith.constant 2 : i32
        %add3A_100 = arith.addi %add3A_89, %add3A_99 : i32
        %lt3A_101 = arith.constant 49 : i32
        %lt3A_102 = arith.cmpi slt, %add3A_100, %lt3A_101 : i32
        %convert_element_type3A_103 = arith.extui %lt3A_102 : i1 to i32
        %cond3A_104 = arith.constant 0 : i32
        %cond3A_105 = arith.cmpi ne, %convert_element_type3A_103, %cond3A_104 : i32
        scf.if %cond3A_105 {
          %ge3A = arith.constant 2 : i32
          %ge3A_123 = arith.cmpi sge, %add3A_89, %ge3A : i32
          %convert_element_type3A_124 = arith.extui %ge3A_123 : i1 to i32
          %cond3A_125 = arith.constant 0 : i32
          %cond3A_126 = arith.cmpi ne, %convert_element_type3A_124, %cond3A_125 : i32
          scf.if %cond3A_126 {
            %dma_wait3A_140 = arith.constant 0 : i32
            %dma_wait3A_141 = arith.constant 0 : i32
            %dma_wait3A_142 = arith.constant 0 : i32
            %dma_wait3A_143 = tpu.memref_slice %arg4[%dma_wait3A_140, %dma_wait3A_141, %dma_wait3A_142] : memref<1568x64x384xf32, #tpu.memory_space<hbm>> -> memref<1x64x384xf32, #tpu.memory_space<hbm>>
            %dma_wait3A_144 = tpu.memref_squeeze %dma_wait3A_143 : memref<1x64x384xf32, #tpu.memory_space<hbm>> -> memref<64x384xf32, #tpu.memory_space<hbm>>
            %dma_wait3A_145 = arith.constant 0 : i32
            %dma_wait3A_146 = arith.constant 0 : i32
            %dma_wait3A_147 = tpu.memref_slice %arg4[%dma_wait3A_140, %dma_wait3A_145, %dma_wait3A_146] : memref<1568x64x384xf32, #tpu.memory_space<hbm>> -> memref<1x64x384xf32, #tpu.memory_space<hbm>>
            %dma_wait3A_148 = tpu.memref_squeeze %dma_wait3A_147 : memref<1x64x384xf32, #tpu.memory_space<hbm>> -> memref<64x384xf32, #tpu.memory_space<hbm>>
            tpu.wait_dma2 semaphore(%arg16 : memref<!tpu.dma_semaphore, #tpu.memory_space<semaphore_mem>>) src(%arg8 : memref<64x384xf32, #tpu.memory_space<vmem>>) dst(%dma_wait3A_148 : memref<64x384xf32, #tpu.memory_space<hbm>>)
          } else {
          }
          %add3A_127 = arith.constant 2 : i32
          %add3A_128 = arith.addi %add3A_89, %add3A_127 : i32
          %mul3A_129 = arith.constant 32 : i32
          %mul3A_130 = arith.muli %add3A_128, %mul3A_129 : i32
          %add3A_131 = arith.addi %add3A, %mul3A_130 : i32
          %dma_start3A_132 = arith.constant 0 : i32
          %dma_start3A_133 = arith.constant 0 : i32
          %dma_start3A_134 = tpu.memref_slice %arg2[%add3A_131, %dma_start3A_132, %dma_start3A_133] : memref<1568x64x384xf32, #tpu.memory_space<hbm>> -> memref<1x64x384xf32, #tpu.memory_space<hbm>>
          %dma_start3A_135 = tpu.memref_squeeze %dma_start3A_134 : memref<1x64x384xf32, #tpu.memory_space<hbm>> -> memref<64x384xf32, #tpu.memory_space<hbm>>
          %dma_start3A_136 = arith.constant 0 : i32
          %dma_start3A_137 = arith.constant 0 : i32
          %dma_start3A_138 = tpu.memref_slice %arg2[%add3A_131, %dma_start3A_136, %dma_start3A_137] : memref<1568x64x384xf32, #tpu.memory_space<hbm>> -> memref<1x64x384xf32, #tpu.memory_space<hbm>>
          %dma_start3A_139 = tpu.memref_squeeze %dma_start3A_138 : memref<1x64x384xf32, #tpu.memory_space<hbm>> -> memref<64x384xf32, #tpu.memory_space<hbm>>
          tpu.enqueue_dma source(%dma_start3A_139 : memref<64x384xf32, #tpu.memory_space<hbm>>) target(%arg8 : memref<64x384xf32, #tpu.memory_space<vmem>>) target_semaphore(%arg12 : memref<!tpu.dma_semaphore, #tpu.memory_space<semaphore_mem>>)
        } else {
        }
        %scan3A_106 = arith.constant 0 : i32
        %scan3A_107 = arith.constant 0 : i32
        %scan3A_108 = arith.constant 16 : i32
        %scan3A_109 = arith.addi %scan3A_107, %scan3A_108 : i32
        %scan3A_110 = arith.constant 1 : i32
        scf.for %scan3A_123 = %scan3A_107 to %scan3A_109 step %scan3A_110  : i32 {
          %mul3A_124 = arith.constant 4 : i32
          %mul3A_125 = arith.muli %scan3A_123, %mul3A_124 : i32
          %add3A_126 = arith.constant 0 : i32
          %add3A_127 = arith.addi %mul3A_125, %add3A_126 : i32
          %get3A = arith.index_cast %add3A_127 : i32 to index
          %get3A_128 = arith.constant 0 : index
          %get3A_129 = tpu.vector_load %arg5[%get3A, %get3A_128] {strides = array<i32>} : memref<64x384xf32, #tpu.memory_space<vmem>>, vector<1x16xf32>,
          %get3A_130 = vector.shape_cast %get3A_129 : vector<1x16xf32> to vector<16xf32>
          %swap3A = arith.index_cast %add3A_127 : i32 to index
          %swap3A_131 = arith.constant 0 : index
          %swap3A_132 = tpu.vector_load %arg6[%swap3A, %swap3A_131] {strides = array<i32>} : memref<64x384xf32, #tpu.memory_space<vmem>>, vector<1x16xf32>,
          %swap3A_133 = vector.shape_cast %swap3A_132 : vector<1x16xf32> to vector<16xf32>
          %swap3A_134 = vector.shape_cast %get3A_130 : vector<16xf32> to vector<1x16xf32>
          tpu.vector_store %arg6[%swap3A, %swap3A_131], %swap3A_134 {add = true, strides = array<i32>} : memref<64x384xf32, #tpu.memory_space<vmem>>, vector<1x16xf32>,
          %get3A_135 = arith.index_cast %add3A_127 : i32 to index
          %get3A_136 = arith.constant 16 : index
          %get3A_137 = tpu.vector_load %arg5[%get3A_135, %get3A_136] {strides = array<i32>} : memref<64x384xf32, #tpu.memory_space<vmem>>, vector<1x16xf32>,
          %get3A_138 = vector.shape_cast %get3A_137 : vector<1x16xf32> to vector<16xf32>
          %swap3A_139 = arith.index_cast %add3A_127 : i32 to index
          %swap3A_140 = arith.constant 16 : index
          %swap3A_141 = tpu.vector_load %arg6[%swap3A_139, %swap3A_140] {strides = array<i32>} : memref<64x384xf32, #tpu.memory_space<vmem>>, vector<1x16xf32>,
          %swap3A_142 = vector.shape_cast %swap3A_141 : vector<1x16xf32> to vector<16xf32>
          %swap3A_143 = vector.shape_cast %get3A_138 : vector<16xf32> to vector<1x16xf32>
          tpu.vector_store %arg6[%swap3A_139, %swap3A_140], %swap3A_143 {add = true, strides = array<i32>} : memref<64x384xf32, #tpu.memory_space<vmem>>, vector<1x16xf32>,
          %get3A_144 = arith.index_cast %add3A_127 : i32 to index
          %get3A_145 = arith.constant 32 : index
          %get3A_146 = tpu.vector_load %arg5[%get3A_144, %get3A_145] {strides = array<i32>} : memref<64x384xf32, #tpu.memory_space<vmem>>, vector<1x16xf32>,
          %get3A_147 = vector.shape_cast %get3A_146 : vector<1x16xf32> to vector<16xf32>
          %swap3A_148 = arith.index_cast %add3A_127 : i32 to index
          %swap3A_149 = arith.constant 32 : index
          %swap3A_150 = tpu.vector_load %arg6[%swap3A_148, %swap3A_149] {strides = array<i32>} : memref<64x384xf32, #tpu.memory_space<vmem>>, vector<1x16xf32>,
          %swap3A_151 = vector.shape_cast %swap3A_150 : vector<1x16xf32> to vector<16xf32>
          %swap3A_152 = vector.shape_cast %get3A_147 : vector<16xf32> to vector<1x16xf32>
          tpu.vector_store %arg6[%swap3A_148, %swap3A_149], %swap3A_152 {add = true, strides = array<i32>} : memref<64x384xf32, #tpu.memory_space<vmem>>, vector<1x16xf32>,
          %get3A_153 = arith.index_cast %add3A_127 : i32 to index
          %get3A_154 = arith.constant 48 : index
          %get3A_155 = tpu.vector_load %arg5[%get3A_153, %get3A_154] {strides = array<i32>} : memref<64x384xf32, #tpu.memory_space<vmem>>, vector<1x16xf32>,
          %get3A_156 = vector.shape_cast %get3A_155 : vector<1x16xf32> to vector<16xf32>
          %swap3A_157 = arith.index_cast %add3A_127 : i32 to index
          %swap3A_158 = arith.constant 48 : index
          %swap3A_159 = tpu.vector_load %arg6[%swap3A_157, %swap3A_158] {strides = array<i32>} : memref<64x384xf32, #tpu.memory_space<vmem>>, vector<1x16xf32>,
          %swap3A_160 = vector.shape_cast %swap3A_159 : vector<1x16xf32> to vector<16xf32>
          %swap3A_161 = vector.shape_cast %get3A_156 : vector<16xf32> to vector<1x16xf32>
          tpu.vector_store %arg6[%swap3A_157, %swap3A_158], %swap3A_161 {add = true, strides = array<i32>} : memref<64x384xf32, #tpu.memory_space<vmem>>, vector<1x16xf32>,
          %get3A_162 = arith.index_cast %add3A_127 : i32 to index
          %get3A_163 = arith.constant 64 : index
          %get3A_164 = tpu.vector_load %arg5[%get3A_162, %get3A_163] {strides = array<i32>} : memref<64x384xf32, #tpu.memory_space<vmem>>, vector<1x16xf32>,
          %get3A_165 = vector.shape_cast %get3A_164 : vector<1x16xf32> to vector<16xf32>
          %swap3A_166 = arith.index_cast %add3A_127 : i32 to index
          %swap3A_167 = arith.constant 64 : index
          %swap3A_168 = tpu.vector_load %arg6[%swap3A_166, %swap3A_167] {strides = array<i32>} : memref<64x384xf32, #tpu.memory_space<vmem>>, vector<1x16xf32>,
          %swap3A_169 = vector.shape_cast %swap3A_168 : vector<1x16xf32> to vector<16xf32>
          %swap3A_170 = vector.shape_cast %get3A_165 : vector<16xf32> to vector<1x16xf32>
          tpu.vector_store %arg6[%swap3A_166, %swap3A_167], %swap3A_170 {add = true, strides = array<i32>} : memref<64x384xf32, #tpu.memory_space<vmem>>, vector<1x16xf32>,
          %get3A_171 = arith.index_cast %add3A_127 : i32 to index
          %get3A_172 = arith.constant 80 : index
          %get3A_173 = tpu.vector_load %arg5[%get3A_171, %get3A_172] {strides = array<i32>} : memref<64x384xf32, #tpu.memory_space<vmem>>, vector<1x16xf32>,
          %get3A_174 = vector.shape_cast %get3A_173 : vector<1x16xf32> to vector<16xf32>
          %swap3A_175 = arith.index_cast %add3A_127 : i32 to index
          %swap3A_176 = arith.constant 80 : index
          %swap3A_177 = tpu.vector_load %arg6[%swap3A_175, %swap3A_176] {strides = array<i32>} : memref<64x384xf32, #tpu.memory_space<vmem>>, vector<1x16xf32>,
          %swap3A_178 = vector.shape_cast %swap3A_177 : vector<1x16xf32> to vector<16xf32>
          %swap3A_179 = vector.shape_cast %get3A_174 : vector<16xf32> to vector<1x16xf32>
          tpu.vector_store %arg6[%swap3A_175, %swap3A_176], %swap3A_179 {add = true, strides = array<i32>} : memref<64x384xf32, #tpu.memory_space<vmem>>, vector<1x16xf32>,
          %get3A_180 = arith.index_cast %add3A_127 : i32 to index
          %get3A_181 = arith.constant 96 : index
          %get3A_182 = tpu.vector_load %arg5[%get3A_180, %get3A_181] {strides = array<i32>} : memref<64x384xf32, #tpu.memory_space<vmem>>, vector<1x16xf32>,
          %get3A_183 = vector.shape_cast %get3A_182 : vector<1x16xf32> to vector<16xf32>
          %swap3A_184 = arith.index_cast %add3A_127 : i32 to index
          %swap3A_185 = arith.constant 96 : index
          %swap3A_186 = tpu.vector_load %arg6[%swap3A_184, %swap3A_185] {strides = array<i32>} : memref<64x384xf32, #tpu.memory_space<vmem>>, vector<1x16xf32>,
          %swap3A_187 = vector.shape_cast %swap3A_186 : vector<1x16xf32> to vector<16xf32>
          %swap3A_188 = vector.shape_cast %get3A_183 : vector<16xf32> to vector<1x16xf32>
          tpu.vector_store %arg6[%swap3A_184, %swap3A_185], %swap3A_188 {add = true, strides = array<i32>} : memref<64x384xf32, #tpu.memory_space<vmem>>, vector<1x16xf32>,
          %get3A_189 = arith.index_cast %add3A_127 : i32 to index
          %get3A_190 = arith.constant 112 : index
          %get3A_191 = tpu.vector_load %arg5[%get3A_189, %get3A_190] {strides = array<i32>} : memref<64x384xf32, #tpu.memory_space<vmem>>, vector<1x16xf32>,
          %get3A_192 = vector.shape_cast %get3A_191 : vector<1x16xf32> to vector<16xf32>
          %swap3A_193 = arith.index_cast %add3A_127 : i32 to index
          %swap3A_194 = arith.constant 112 : index
          %swap3A_195 = tpu.vector_load %arg6[%swap3A_193, %swap3A_194] {strides = array<i32>} : memref<64x384xf32, #tpu.memory_space<vmem>>, vector<1x16xf32>,
          %swap3A_196 = vector.shape_cast %swap3A_195 : vector<1x16xf32> to vector<16xf32>
          %swap3A_197 = vector.shape_cast %get3A_192 : vector<16xf32> to vector<1x16xf32>
          tpu.vector_store %arg6[%swap3A_193, %swap3A_194], %swap3A_197 {add = true, strides = array<i32>} : memref<64x384xf32, #tpu.memory_space<vmem>>, vector<1x16xf32>,
          %get3A_198 = arith.index_cast %add3A_127 : i32 to index
          %get3A_199 = arith.constant 128 : index
          %get3A_200 = tpu.vector_load %arg5[%get3A_198, %get3A_199] {strides = array<i32>} : memref<64x384xf32, #tpu.memory_space<vmem>>, vector<1x16xf32>,
          %get3A_201 = vector.shape_cast %get3A_200 : vector<1x16xf32> to vector<16xf32>
          %swap3A_202 = arith.index_cast %add3A_127 : i32 to index
          %swap3A_203 = arith.constant 128 : index
          %swap3A_204 = tpu.vector_load %arg6[%swap3A_202, %swap3A_203] {strides = array<i32>} : memref<64x384xf32, #tpu.memory_space<vmem>>, vector<1x16xf32>,
          %swap3A_205 = vector.shape_cast %swap3A_204 : vector<1x16xf32> to vector<16xf32>
          %swap3A_206 = vector.shape_cast %get3A_201 : vector<16xf32> to vector<1x16xf32>
          tpu.vector_store %arg6[%swap3A_202, %swap3A_203], %swap3A_206 {add = true, strides = array<i32>} : memref<64x384xf32, #tpu.memory_space<vmem>>, vector<1x16xf32>,
          %get3A_207 = arith.index_cast %add3A_127 : i32 to index
          %get3A_208 = arith.constant 144 : index
          %get3A_209 = tpu.vector_load %arg5[%get3A_207, %get3A_208] {strides = array<i32>} : memref<64x384xf32, #tpu.memory_space<vmem>>, vector<1x16xf32>,
          %get3A_210 = vector.shape_cast %get3A_209 : vector<1x16xf32> to vector<16xf32>
          %swap3A_211 = arith.index_cast %add3A_127 : i32 to index
          %swap3A_212 = arith.constant 144 : index
          %swap3A_213 = tpu.vector_load %arg6[%swap3A_211, %swap3A_212] {strides = array<i32>} : memref<64x384xf32, #tpu.memory_space<vmem>>, vector<1x16xf32>,
          %swap3A_214 = vector.shape_cast %swap3A_213 : vector<1x16xf32> to vector<16xf32>
          %swap3A_215 = vector.shape_cast %get3A_210 : vector<16xf32> to vector<1x16xf32>
          tpu.vector_store %arg6[%swap3A_211, %swap3A_212], %swap3A_215 {add = true, strides = array<i32>} : memref<64x384xf32, #tpu.memory_space<vmem>>, vector<1x16xf32>,
          %get3A_216 = arith.index_cast %add3A_127 : i32 to index
          %get3A_217 = arith.constant 160 : index
          %get3A_218 = tpu.vector_load %arg5[%get3A_216, %get3A_217] {strides = array<i32>} : memref<64x384xf32, #tpu.memory_space<vmem>>, vector<1x16xf32>,
          %get3A_219 = vector.shape_cast %get3A_218 : vector<1x16xf32> to vector<16xf32>
          %swap3A_220 = arith.index_cast %add3A_127 : i32 to index
          %swap3A_221 = arith.constant 160 : index
          %swap3A_222 = tpu.vector_load %arg6[%swap3A_220, %swap3A_221] {strides = array<i32>} : memref<64x384xf32, #tpu.memory_space<vmem>>, vector<1x16xf32>,
          %swap3A_223 = vector.shape_cast %swap3A_222 : vector<1x16xf32> to vector<16xf32>
          %swap3A_224 = vector.shape_cast %get3A_219 : vector<16xf32> to vector<1x16xf32>
          tpu.vector_store %arg6[%swap3A_220, %swap3A_221], %swap3A_224 {add = true, strides = array<i32>} : memref<64x384xf32, #tpu.memory_space<vmem>>, vector<1x16xf32>,
          %get3A_225 = arith.index_cast %add3A_127 : i32 to index
          %get3A_226 = arith.constant 176 : index
          %get3A_227 = tpu.vector_load %arg5[%get3A_225, %get3A_226] {strides = array<i32>} : memref<64x384xf32, #tpu.memory_space<vmem>>, vector<1x16xf32>,
          %get3A_228 = vector.shape_cast %get3A_227 : vector<1x16xf32> to vector<16xf32>
          %swap3A_229 = arith.index_cast %add3A_127 : i32 to index
          %swap3A_230 = arith.constant 176 : index
          %swap3A_231 = tpu.vector_load %arg6[%swap3A_229, %swap3A_230] {strides = array<i32>} : memref<64x384xf32, #tpu.memory_space<vmem>>, vector<1x16xf32>,
          %swap3A_232 = vector.shape_cast %swap3A_231 : vector<1x16xf32> to vector<16xf32>
          %swap3A_233 = vector.shape_cast %get3A_228 : vector<16xf32> to vector<1x16xf32>
          tpu.vector_store %arg6[%swap3A_229, %swap3A_230], %swap3A_233 {add = true, strides = array<i32>} : memref<64x384xf32, #tpu.memory_space<vmem>>, vector<1x16xf32>,
          %get3A_234 = arith.index_cast %add3A_127 : i32 to index
          %get3A_235 = arith.constant 192 : index
          %get3A_236 = tpu.vector_load %arg5[%get3A_234, %get3A_235] {strides = array<i32>} : memref<64x384xf32, #tpu.memory_space<vmem>>, vector<1x16xf32>,
          %get3A_237 = vector.shape_cast %get3A_236 : vector<1x16xf32> to vector<16xf32>
          %swap3A_238 = arith.index_cast %add3A_127 : i32 to index
          %swap3A_239 = arith.constant 192 : index
          %swap3A_240 = tpu.vector_load %arg6[%swap3A_238, %swap3A_239] {strides = array<i32>} : memref<64x384xf32, #tpu.memory_space<vmem>>, vector<1x16xf32>,
          %swap3A_241 = vector.shape_cast %swap3A_240 : vector<1x16xf32> to vector<16xf32>
          %swap3A_242 = vector.shape_cast %get3A_237 : vector<16xf32> to vector<1x16xf32>
          tpu.vector_store %arg6[%swap3A_238, %swap3A_239], %swap3A_242 {add = true, strides = array<i32>} : memref<64x384xf32, #tpu.memory_space<vmem>>, vector<1x16xf32>,
          %get3A_243 = arith.index_cast %add3A_127 : i32 to index
          %get3A_244 = arith.constant 208 : index
          %get3A_245 = tpu.vector_load %arg5[%get3A_243, %get3A_244] {strides = array<i32>} : memref<64x384xf32, #tpu.memory_space<vmem>>, vector<1x16xf32>,
          %get3A_246 = vector.shape_cast %get3A_245 : vector<1x16xf32> to vector<16xf32>
          %swap3A_247 = arith.index_cast %add3A_127 : i32 to index
          %swap3A_248 = arith.constant 208 : index
          %swap3A_249 = tpu.vector_load %arg6[%swap3A_247, %swap3A_248] {strides = array<i32>} : memref<64x384xf32, #tpu.memory_space<vmem>>, vector<1x16xf32>,
          %swap3A_250 = vector.shape_cast %swap3A_249 : vector<1x16xf32> to vector<16xf32>
          %swap3A_251 = vector.shape_cast %get3A_246 : vector<16xf32> to vector<1x16xf32>
          tpu.vector_store %arg6[%swap3A_247, %swap3A_248], %swap3A_251 {add = true, strides = array<i32>} : memref<64x384xf32, #tpu.memory_space<vmem>>, vector<1x16xf32>,
          %get3A_252 = arith.index_cast %add3A_127 : i32 to index
          %get3A_253 = arith.constant 224 : index
          %get3A_254 = tpu.vector_load %arg5[%get3A_252, %get3A_253] {strides = array<i32>} : memref<64x384xf32, #tpu.memory_space<vmem>>, vector<1x16xf32>,
          %get3A_255 = vector.shape_cast %get3A_254 : vector<1x16xf32> to vector<16xf32>
          %swap3A_256 = arith.index_cast %add3A_127 : i32 to index
          %swap3A_257 = arith.constant 224 : index
          %swap3A_258 = tpu.vector_load %arg6[%swap3A_256, %swap3A_257] {strides = array<i32>} : memref<64x384xf32, #tpu.memory_space<vmem>>, vector<1x16xf32>,
          %swap3A_259 = vector.shape_cast %swap3A_258 : vector<1x16xf32> to vector<16xf32>
          %swap3A_260 = vector.shape_cast %get3A_255 : vector<16xf32> to vector<1x16xf32>
          tpu.vector_store %arg6[%swap3A_256, %swap3A_257], %swap3A_260 {add = true, strides = array<i32>} : memref<64x384xf32, #tpu.memory_space<vmem>>, vector<1x16xf32>,
          %get3A_261 = arith.index_cast %add3A_127 : i32 to index
          %get3A_262 = arith.constant 240 : index
          %get3A_263 = tpu.vector_load %arg5[%get3A_261, %get3A_262] {strides = array<i32>} : memref<64x384xf32, #tpu.memory_space<vmem>>, vector<1x16xf32>,
          %get3A_264 = vector.shape_cast %get3A_263 : vector<1x16xf32> to vector<16xf32>
          %swap3A_265 = arith.index_cast %add3A_127 : i32 to index
          %swap3A_266 = arith.constant 240 : index
          %swap3A_267 = tpu.vector_load %arg6[%swap3A_265, %swap3A_266] {strides = array<i32>} : memref<64x384xf32, #tpu.memory_space<vmem>>, vector<1x16xf32>,
          %swap3A_268 = vector.shape_cast %swap3A_267 : vector<1x16xf32> to vector<16xf32>
          %swap3A_269 = vector.shape_cast %get3A_264 : vector<16xf32> to vector<1x16xf32>
          tpu.vector_store %arg6[%swap3A_265, %swap3A_266], %swap3A_269 {add = true, strides = array<i32>} : memref<64x384xf32, #tpu.memory_space<vmem>>, vector<1x16xf32>,
          %get3A_270 = arith.index_cast %add3A_127 : i32 to index
          %get3A_271 = arith.constant 256 : index
          %get3A_272 = tpu.vector_load %arg5[%get3A_270, %get3A_271] {strides = array<i32>} : memref<64x384xf32, #tpu.memory_space<vmem>>, vector<1x16xf32>,
          %get3A_273 = vector.shape_cast %get3A_272 : vector<1x16xf32> to vector<16xf32>
          %swap3A_274 = arith.index_cast %add3A_127 : i32 to index
          %swap3A_275 = arith.constant 256 : index
          %swap3A_276 = tpu.vector_load %arg6[%swap3A_274, %swap3A_275] {strides = array<i32>} : memref<64x384xf32, #tpu.memory_space<vmem>>, vector<1x16xf32>,
          %swap3A_277 = vector.shape_cast %swap3A_276 : vector<1x16xf32> to vector<16xf32>
          %swap3A_278 = vector.shape_cast %get3A_273 : vector<16xf32> to vector<1x16xf32>
          tpu.vector_store %arg6[%swap3A_274, %swap3A_275], %swap3A_278 {add = true, strides = array<i32>} : memref<64x384xf32, #tpu.memory_space<vmem>>, vector<1x16xf32>,
          %get3A_279 = arith.index_cast %add3A_127 : i32 to index
          %get3A_280 = arith.constant 272 : index
          %get3A_281 = tpu.vector_load %arg5[%get3A_279, %get3A_280] {strides = array<i32>} : memref<64x384xf32, #tpu.memory_space<vmem>>, vector<1x16xf32>,
          %get3A_282 = vector.shape_cast %get3A_281 : vector<1x16xf32> to vector<16xf32>
          %swap3A_283 = arith.index_cast %add3A_127 : i32 to index
          %swap3A_284 = arith.constant 272 : index
          %swap3A_285 = tpu.vector_load %arg6[%swap3A_283, %swap3A_284] {strides = array<i32>} : memref<64x384xf32, #tpu.memory_space<vmem>>, vector<1x16xf32>,
          %swap3A_286 = vector.shape_cast %swap3A_285 : vector<1x16xf32> to vector<16xf32>
          %swap3A_287 = vector.shape_cast %get3A_282 : vector<16xf32> to vector<1x16xf32>
          tpu.vector_store %arg6[%swap3A_283, %swap3A_284], %swap3A_287 {add = true, strides = array<i32>} : memref<64x384xf32, #tpu.memory_space<vmem>>, vector<1x16xf32>,
          %get3A_288 = arith.index_cast %add3A_127 : i32 to index
          %get3A_289 = arith.constant 288 : index
          %get3A_290 = tpu.vector_load %arg5[%get3A_288, %get3A_289] {strides = array<i32>} : memref<64x384xf32, #tpu.memory_space<vmem>>, vector<1x16xf32>,
          %get3A_291 = vector.shape_cast %get3A_290 : vector<1x16xf32> to vector<16xf32>
          %swap3A_292 = arith.index_cast %add3A_127 : i32 to index
          %swap3A_293 = arith.constant 288 : index
          %swap3A_294 = tpu.vector_load %arg6[%swap3A_292, %swap3A_293] {strides = array<i32>} : memref<64x384xf32, #tpu.memory_space<vmem>>, vector<1x16xf32>,
          %swap3A_295 = vector.shape_cast %swap3A_294 : vector<1x16xf32> to vector<16xf32>
          %swap3A_296 = vector.shape_cast %get3A_291 : vector<16xf32> to vector<1x16xf32>
          tpu.vector_store %arg6[%swap3A_292, %swap3A_293], %swap3A_296 {add = true, strides = array<i32>} : memref<64x384xf32, #tpu.memory_space<vmem>>, vector<1x16xf32>,
          %get3A_297 = arith.index_cast %add3A_127 : i32 to index
          %get3A_298 = arith.constant 304 : index
          %get3A_299 = tpu.vector_load %arg5[%get3A_297, %get3A_298] {strides = array<i32>} : memref<64x384xf32, #tpu.memory_space<vmem>>, vector<1x16xf32>,
          %get3A_300 = vector.shape_cast %get3A_299 : vector<1x16xf32> to vector<16xf32>
          %swap3A_301 = arith.index_cast %add3A_127 : i32 to index
          %swap3A_302 = arith.constant 304 : index
          %swap3A_303 = tpu.vector_load %arg6[%swap3A_301, %swap3A_302] {strides = array<i32>} : memref<64x384xf32, #tpu.memory_space<vmem>>, vector<1x16xf32>,
          %swap3A_304 = vector.shape_cast %swap3A_303 : vector<1x16xf32> to vector<16xf32>
          %swap3A_305 = vector.shape_cast %get3A_300 : vector<16xf32> to vector<1x16xf32>
          tpu.vector_store %arg6[%swap3A_301, %swap3A_302], %swap3A_305 {add = true, strides = array<i32>} : memref<64x384xf32, #tpu.memory_space<vmem>>, vector<1x16xf32>,
          %get3A_306 = arith.index_cast %add3A_127 : i32 to index
          %get3A_307 = arith.constant 320 : index
          %get3A_308 = tpu.vector_load %arg5[%get3A_306, %get3A_307] {strides = array<i32>} : memref<64x384xf32, #tpu.memory_space<vmem>>, vector<1x16xf32>,
          %get3A_309 = vector.shape_cast %get3A_308 : vector<1x16xf32> to vector<16xf32>
          %swap3A_310 = arith.index_cast %add3A_127 : i32 to index
          %swap3A_311 = arith.constant 320 : index
          %swap3A_312 = tpu.vector_load %arg6[%swap3A_310, %swap3A_311] {strides = array<i32>} : memref<64x384xf32, #tpu.memory_space<vmem>>, vector<1x16xf32>,
          %swap3A_313 = vector.shape_cast %swap3A_312 : vector<1x16xf32> to vector<16xf32>
          %swap3A_314 = vector.shape_cast %get3A_309 : vector<16xf32> to vector<1x16xf32>
          tpu.vector_store %arg6[%swap3A_310, %swap3A_311], %swap3A_314 {add = true, strides = array<i32>} : memref<64x384xf32, #tpu.memory_space<vmem>>, vector<1x16xf32>,
          %get3A_315 = arith.index_cast %add3A_127 : i32 to index
          %get3A_316 = arith.constant 336 : index
          %get3A_317 = tpu.vector_load %arg5[%get3A_315, %get3A_316] {strides = array<i32>} : memref<64x384xf32, #tpu.memory_space<vmem>>, vector<1x16xf32>,
          %get3A_318 = vector.shape_cast %get3A_317 : vector<1x16xf32> to vector<16xf32>
          %swap3A_319 = arith.index_cast %add3A_127 : i32 to index
          %swap3A_320 = arith.constant 336 : index
          %swap3A_321 = tpu.vector_load %arg6[%swap3A_319, %swap3A_320] {strides = array<i32>} : memref<64x384xf32, #tpu.memory_space<vmem>>, vector<1x16xf32>,
          %swap3A_322 = vector.shape_cast %swap3A_321 : vector<1x16xf32> to vector<16xf32>
          %swap3A_323 = vector.shape_cast %get3A_318 : vector<16xf32> to vector<1x16xf32>
          tpu.vector_store %arg6[%swap3A_319, %swap3A_320], %swap3A_323 {add = true, strides = array<i32>} : memref<64x384xf32, #tpu.memory_space<vmem>>, vector<1x16xf32>,
          %get3A_324 = arith.index_cast %add3A_127 : i32 to index
          %get3A_325 = arith.constant 352 : index
          %get3A_326 = tpu.vector_load %arg5[%get3A_324, %get3A_325] {strides = array<i32>} : memref<64x384xf32, #tpu.memory_space<vmem>>, vector<1x16xf32>,
          %get3A_327 = vector.shape_cast %get3A_326 : vector<1x16xf32> to vector<16xf32>
          %swap3A_328 = arith.index_cast %add3A_127 : i32 to index
          %swap3A_329 = arith.constant 352 : index
          %swap3A_330 = tpu.vector_load %arg6[%swap3A_328, %swap3A_329] {strides = array<i32>} : memref<64x384xf32, #tpu.memory_space<vmem>>, vector<1x16xf32>,
          %swap3A_331 = vector.shape_cast %swap3A_330 : vector<1x16xf32> to vector<16xf32>
          %swap3A_332 = vector.shape_cast %get3A_327 : vector<16xf32> to vector<1x16xf32>
          tpu.vector_store %arg6[%swap3A_328, %swap3A_329], %swap3A_332 {add = true, strides = array<i32>} : memref<64x384xf32, #tpu.memory_space<vmem>>, vector<1x16xf32>,
          %get3A_333 = arith.index_cast %add3A_127 : i32 to index
          %get3A_334 = arith.constant 368 : index
          %get3A_335 = tpu.vector_load %arg5[%get3A_333, %get3A_334] {strides = array<i32>} : memref<64x384xf32, #tpu.memory_space<vmem>>, vector<1x16xf32>,
          %get3A_336 = vector.shape_cast %get3A_335 : vector<1x16xf32> to vector<16xf32>
          %swap3A_337 = arith.index_cast %add3A_127 : i32 to index
          %swap3A_338 = arith.constant 368 : index
          %swap3A_339 = tpu.vector_load %arg6[%swap3A_337, %swap3A_338] {strides = array<i32>} : memref<64x384xf32, #tpu.memory_space<vmem>>, vector<1x16xf32>,
          %swap3A_340 = vector.shape_cast %swap3A_339 : vector<1x16xf32> to vector<16xf32>
          %swap3A_341 = vector.shape_cast %get3A_336 : vector<16xf32> to vector<1x16xf32>
          tpu.vector_store %arg6[%swap3A_337, %swap3A_338], %swap3A_341 {add = true, strides = array<i32>} : memref<64x384xf32, #tpu.memory_space<vmem>>, vector<1x16xf32>,
          %add3A_342 = arith.constant 1 : i32
          %add3A_343 = arith.addi %mul3A_125, %add3A_342 : i32
          %get3A_344 = arith.index_cast %add3A_343 : i32 to index
          %get3A_345 = arith.constant 0 : index
          %get3A_346 = tpu.vector_load %arg5[%get3A_344, %get3A_345] {strides = array<i32>} : memref<64x384xf32, #tpu.memory_space<vmem>>, vector<1x16xf32>,
          %get3A_347 = vector.shape_cast %get3A_346 : vector<1x16xf32> to vector<16xf32>
          %swap3A_348 = arith.index_cast %add3A_343 : i32 to index
          %swap3A_349 = arith.constant 0 : index
          %swap3A_350 = tpu.vector_load %arg6[%swap3A_348, %swap3A_349] {strides = array<i32>} : memref<64x384xf32, #tpu.memory_space<vmem>>, vector<1x16xf32>,
          %swap3A_351 = vector.shape_cast %swap3A_350 : vector<1x16xf32> to vector<16xf32>
          %swap3A_352 = vector.shape_cast %get3A_347 : vector<16xf32> to vector<1x16xf32>
          tpu.vector_store %arg6[%swap3A_348, %swap3A_349], %swap3A_352 {add = true, strides = array<i32>} : memref<64x384xf32, #tpu.memory_space<vmem>>, vector<1x16xf32>,
          %get3A_353 = arith.index_cast %add3A_343 : i32 to index
          %get3A_354 = arith.constant 16 : index
          %get3A_355 = tpu.vector_load %arg5[%get3A_353, %get3A_354] {strides = array<i32>} : memref<64x384xf32, #tpu.memory_space<vmem>>, vector<1x16xf32>,
          %get3A_356 = vector.shape_cast %get3A_355 : vector<1x16xf32> to vector<16xf32>
          %swap3A_357 = arith.index_cast %add3A_343 : i32 to index
          %swap3A_358 = arith.constant 16 : index
          %swap3A_359 = tpu.vector_load %arg6[%swap3A_357, %swap3A_358] {strides = array<i32>} : memref<64x384xf32, #tpu.memory_space<vmem>>, vector<1x16xf32>,
          %swap3A_360 = vector.shape_cast %swap3A_359 : vector<1x16xf32> to vector<16xf32>
          %swap3A_361 = vector.shape_cast %get3A_356 : vector<16xf32> to vector<1x16xf32>
          tpu.vector_store %arg6[%swap3A_357, %swap3A_358], %swap3A_361 {add = true, strides = array<i32>} : memref<64x384xf32, #tpu.memory_space<vmem>>, vector<1x16xf32>,
          %get3A_362 = arith.index_cast %add3A_343 : i32 to index
          %get3A_363 = arith.constant 32 : index
          %get3A_364 = tpu.vector_load %arg5[%get3A_362, %get3A_363] {strides = array<i32>} : memref<64x384xf32, #tpu.memory_space<vmem>>, vector<1x16xf32>,
          %get3A_365 = vector.shape_cast %get3A_364 : vector<1x16xf32> to vector<16xf32>
          %swap3A_366 = arith.index_cast %add3A_343 : i32 to index
          %swap3A_367 = arith.constant 32 : index
          %swap3A_368 = tpu.vector_load %arg6[%swap3A_366, %swap3A_367] {strides = array<i32>} : memref<64x384xf32, #tpu.memory_space<vmem>>, vector<1x16xf32>,
          %swap3A_369 = vector.shape_cast %swap3A_368 : vector<1x16xf32> to vector<16xf32>
          %swap3A_370 = vector.shape_cast %get3A_365 : vector<16xf32> to vector<1x16xf32>
          tpu.vector_store %arg6[%swap3A_366, %swap3A_367], %swap3A_370 {add = true, strides = array<i32>} : memref<64x384xf32, #tpu.memory_space<vmem>>, vector<1x16xf32>,
          %get3A_371 = arith.index_cast %add3A_343 : i32 to index
          %get3A_372 = arith.constant 48 : index
          %get3A_373 = tpu.vector_load %arg5[%get3A_371, %get3A_372] {strides = array<i32>} : memref<64x384xf32, #tpu.memory_space<vmem>>, vector<1x16xf32>,
          %get3A_374 = vector.shape_cast %get3A_373 : vector<1x16xf32> to vector<16xf32>
          %swap3A_375 = arith.index_cast %add3A_343 : i32 to index
          %swap3A_376 = arith.constant 48 : index
          %swap3A_377 = tpu.vector_load %arg6[%swap3A_375, %swap3A_376] {strides = array<i32>} : memref<64x384xf32, #tpu.memory_space<vmem>>, vector<1x16xf32>,
          %swap3A_378 = vector.shape_cast %swap3A_377 : vector<1x16xf32> to vector<16xf32>
          %swap3A_379 = vector.shape_cast %get3A_374 : vector<16xf32> to vector<1x16xf32>
          tpu.vector_store %arg6[%swap3A_375, %swap3A_376], %swap3A_379 {add = true, strides = array<i32>} : memref<64x384xf32, #tpu.memory_space<vmem>>, vector<1x16xf32>,
          %get3A_380 = arith.index_cast %add3A_343 : i32 to index
          %get3A_381 = arith.constant 64 : index
          %get3A_382 = tpu.vector_load %arg5[%get3A_380, %get3A_381] {strides = array<i32>} : memref<64x384xf32, #tpu.memory_space<vmem>>, vector<1x16xf32>,
          %get3A_383 = vector.shape_cast %get3A_382 : vector<1x16xf32> to vector<16xf32>
          %swap3A_384 = arith.index_cast %add3A_343 : i32 to index
          %swap3A_385 = arith.constant 64 : index
          %swap3A_386 = tpu.vector_load %arg6[%swap3A_384, %swap3A_385] {strides = array<i32>} : memref<64x384xf32, #tpu.memory_space<vmem>>, vector<1x16xf32>,
          %swap3A_387 = vector.shape_cast %swap3A_386 : vector<1x16xf32> to vector<16xf32>
          %swap3A_388 = vector.shape_cast %get3A_383 : vector<16xf32> to vector<1x16xf32>
          tpu.vector_store %arg6[%swap3A_384, %swap3A_385], %swap3A_388 {add = true, strides = array<i32>} : memref<64x384xf32, #tpu.memory_space<vmem>>, vector<1x16xf32>,
          %get3A_389 = arith.index_cast %add3A_343 : i32 to index
          %get3A_390 = arith.constant 80 : index
          %get3A_391 = tpu.vector_load %arg5[%get3A_389, %get3A_390] {strides = array<i32>} : memref<64x384xf32, #tpu.memory_space<vmem>>, vector<1x16xf32>,
          %get3A_392 = vector.shape_cast %get3A_391 : vector<1x16xf32> to vector<16xf32>
          %swap3A_393 = arith.index_cast %add3A_343 : i32 to index
          %swap3A_394 = arith.constant 80 : index
          %swap3A_395 = tpu.vector_load %arg6[%swap3A_393, %swap3A_394] {strides = array<i32>} : memref<64x384xf32, #tpu.memory_space<vmem>>, vector<1x16xf32>,
          %swap3A_396 = vector.shape_cast %swap3A_395 : vector<1x16xf32> to vector<16xf32>
          %swap3A_397 = vector.shape_cast %get3A_392 : vector<16xf32> to vector<1x16xf32>
          tpu.vector_store %arg6[%swap3A_393, %swap3A_394], %swap3A_397 {add = true, strides = array<i32>} : memref<64x384xf32, #tpu.memory_space<vmem>>, vector<1x16xf32>,
          %get3A_398 = arith.index_cast %add3A_343 : i32 to index
          %get3A_399 = arith.constant 96 : index
          %get3A_400 = tpu.vector_load %arg5[%get3A_398, %get3A_399] {strides = array<i32>} : memref<64x384xf32, #tpu.memory_space<vmem>>, vector<1x16xf32>,
          %get3A_401 = vector.shape_cast %get3A_400 : vector<1x16xf32> to vector<16xf32>
          %swap3A_402 = arith.index_cast %add3A_343 : i32 to index
          %swap3A_403 = arith.constant 96 : index
          %swap3A_404 = tpu.vector_load %arg6[%swap3A_402, %swap3A_403] {strides = array<i32>} : memref<64x384xf32, #tpu.memory_space<vmem>>, vector<1x16xf32>,
          %swap3A_405 = vector.shape_cast %swap3A_404 : vector<1x16xf32> to vector<16xf32>
          %swap3A_406 = vector.shape_cast %get3A_401 : vector<16xf32> to vector<1x16xf32>
          tpu.vector_store %arg6[%swap3A_402, %swap3A_403], %swap3A_406 {add = true, strides = array<i32>} : memref<64x384xf32, #tpu.memory_space<vmem>>, vector<1x16xf32>,
          %get3A_407 = arith.index_cast %add3A_343 : i32 to index
          %get3A_408 = arith.constant 112 : index
          %get3A_409 = tpu.vector_load %arg5[%get3A_407, %get3A_408] {strides = array<i32>} : memref<64x384xf32, #tpu.memory_space<vmem>>, vector<1x16xf32>,
          %get3A_410 = vector.shape_cast %get3A_409 : vector<1x16xf32> to vector<16xf32>
          %swap3A_411 = arith.index_cast %add3A_343 : i32 to index
          %swap3A_412 = arith.constant 112 : index
          %swap3A_413 = tpu.vector_load %arg6[%swap3A_411, %swap3A_412] {strides = array<i32>} : memref<64x384xf32, #tpu.memory_space<vmem>>, vector<1x16xf32>,
          %swap3A_414 = vector.shape_cast %swap3A_413 : vector<1x16xf32> to vector<16xf32>
          %swap3A_415 = vector.shape_cast %get3A_410 : vector<16xf32> to vector<1x16xf32>
          tpu.vector_store %arg6[%swap3A_411, %swap3A_412], %swap3A_415 {add = true, strides = array<i32>} : memref<64x384xf32, #tpu.memory_space<vmem>>, vector<1x16xf32>,
          %get3A_416 = arith.index_cast %add3A_343 : i32 to index
          %get3A_417 = arith.constant 128 : index
          %get3A_418 = tpu.vector_load %arg5[%get3A_416, %get3A_417] {strides = array<i32>} : memref<64x384xf32, #tpu.memory_space<vmem>>, vector<1x16xf32>,
          %get3A_419 = vector.shape_cast %get3A_418 : vector<1x16xf32> to vector<16xf32>
          %swap3A_420 = arith.index_cast %add3A_343 : i32 to index
          %swap3A_421 = arith.constant 128 : index
          %swap3A_422 = tpu.vector_load %arg6[%swap3A_420, %swap3A_421] {strides = array<i32>} : memref<64x384xf32, #tpu.memory_space<vmem>>, vector<1x16xf32>,
          %swap3A_423 = vector.shape_cast %swap3A_422 : vector<1x16xf32> to vector<16xf32>
          %swap3A_424 = vector.shape_cast %get3A_419 : vector<16xf32> to vector<1x16xf32>
          tpu.vector_store %arg6[%swap3A_420, %swap3A_421], %swap3A_424 {add = true, strides = array<i32>} : memref<64x384xf32, #tpu.memory_space<vmem>>, vector<1x16xf32>,
          %get3A_425 = arith.index_cast %add3A_343 : i32 to index
          %get3A_426 = arith.constant 144 : index
          %get3A_427 = tpu.vector_load %arg5[%get3A_425, %get3A_426] {strides = array<i32>} : memref<64x384xf32, #tpu.memory_space<vmem>>, vector<1x16xf32>,
          %get3A_428 = vector.shape_cast %get3A_427 : vector<1x16xf32> to vector<16xf32>
          %swap3A_429 = arith.index_cast %add3A_343 : i32 to index
          %swap3A_430 = arith.constant 144 : index
          %swap3A_431 = tpu.vector_load %arg6[%swap3A_429, %swap3A_430] {strides = array<i32>} : memref<64x384xf32, #tpu.memory_space<vmem>>, vector<1x16xf32>,
          %swap3A_432 = vector.shape_cast %swap3A_431 : vector<1x16xf32> to vector<16xf32>
          %swap3A_433 = vector.shape_cast %get3A_428 : vector<16xf32> to vector<1x16xf32>
          tpu.vector_store %arg6[%swap3A_429, %swap3A_430], %swap3A_433 {add = true, strides = array<i32>} : memref<64x384xf32, #tpu.memory_space<vmem>>, vector<1x16xf32>,
          %get3A_434 = arith.index_cast %add3A_343 : i32 to index
          %get3A_435 = arith.constant 160 : index
          %get3A_436 = tpu.vector_load %arg5[%get3A_434, %get3A_435] {strides = array<i32>} : memref<64x384xf32, #tpu.memory_space<vmem>>, vector<1x16xf32>,
          %get3A_437 = vector.shape_cast %get3A_436 : vector<1x16xf32> to vector<16xf32>
          %swap3A_438 = arith.index_cast %add3A_343 : i32 to index
          %swap3A_439 = arith.constant 160 : index
          %swap3A_440 = tpu.vector_load %arg6[%swap3A_438, %swap3A_439] {strides = array<i32>} : memref<64x384xf32, #tpu.memory_space<vmem>>, vector<1x16xf32>,
          %swap3A_441 = vector.shape_cast %swap3A_440 : vector<1x16xf32> to vector<16xf32>
          %swap3A_442 = vector.shape_cast %get3A_437 : vector<16xf32> to vector<1x16xf32>
          tpu.vector_store %arg6[%swap3A_438, %swap3A_439], %swap3A_442 {add = true, strides = array<i32>} : memref<64x384xf32, #tpu.memory_space<vmem>>, vector<1x16xf32>,
          %get3A_443 = arith.index_cast %add3A_343 : i32 to index
          %get3A_444 = arith.constant 176 : index
          %get3A_445 = tpu.vector_load %arg5[%get3A_443, %get3A_444] {strides = array<i32>} : memref<64x384xf32, #tpu.memory_space<vmem>>, vector<1x16xf32>,
          %get3A_446 = vector.shape_cast %get3A_445 : vector<1x16xf32> to vector<16xf32>
          %swap3A_447 = arith.index_cast %add3A_343 : i32 to index
          %swap3A_448 = arith.constant 176 : index
          %swap3A_449 = tpu.vector_load %arg6[%swap3A_447, %swap3A_448] {strides = array<i32>} : memref<64x384xf32, #tpu.memory_space<vmem>>, vector<1x16xf32>,
          %swap3A_450 = vector.shape_cast %swap3A_449 : vector<1x16xf32> to vector<16xf32>
          %swap3A_451 = vector.shape_cast %get3A_446 : vector<16xf32> to vector<1x16xf32>
          tpu.vector_store %arg6[%swap3A_447, %swap3A_448], %swap3A_451 {add = true, strides = array<i32>} : memref<64x384xf32, #tpu.memory_space<vmem>>, vector<1x16xf32>,
          %get3A_452 = arith.index_cast %add3A_343 : i32 to index
          %get3A_453 = arith.constant 192 : index
          %get3A_454 = tpu.vector_load %arg5[%get3A_452, %get3A_453] {strides = array<i32>} : memref<64x384xf32, #tpu.memory_space<vmem>>, vector<1x16xf32>,
          %get3A_455 = vector.shape_cast %get3A_454 : vector<1x16xf32> to vector<16xf32>
          %swap3A_456 = arith.index_cast %add3A_343 : i32 to index
          %swap3A_457 = arith.constant 192 : index
          %swap3A_458 = tpu.vector_load %arg6[%swap3A_456, %swap3A_457] {strides = array<i32>} : memref<64x384xf32, #tpu.memory_space<vmem>>, vector<1x16xf32>,
          %swap3A_459 = vector.shape_cast %swap3A_458 : vector<1x16xf32> to vector<16xf32>
          %swap3A_460 = vector.shape_cast %get3A_455 : vector<16xf32> to vector<1x16xf32>
          tpu.vector_store %arg6[%swap3A_456, %swap3A_457], %swap3A_460 {add = true, strides = array<i32>} : memref<64x384xf32, #tpu.memory_space<vmem>>, vector<1x16xf32>,
          %get3A_461 = arith.index_cast %add3A_343 : i32 to index
          %get3A_462 = arith.constant 208 : index
          %get3A_463 = tpu.vector_load %arg5[%get3A_461, %get3A_462] {strides = array<i32>} : memref<64x384xf32, #tpu.memory_space<vmem>>, vector<1x16xf32>,
          %get3A_464 = vector.shape_cast %get3A_463 : vector<1x16xf32> to vector<16xf32>
          %swap3A_465 = arith.index_cast %add3A_343 : i32 to index
          %swap3A_466 = arith.constant 208 : index
          %swap3A_467 = tpu.vector_load %arg6[%swap3A_465, %swap3A_466] {strides = array<i32>} : memref<64x384xf32, #tpu.memory_space<vmem>>, vector<1x16xf32>,
          %swap3A_468 = vector.shape_cast %swap3A_467 : vector<1x16xf32> to vector<16xf32>
          %swap3A_469 = vector.shape_cast %get3A_464 : vector<16xf32> to vector<1x16xf32>
          tpu.vector_store %arg6[%swap3A_465, %swap3A_466], %swap3A_469 {add = true, strides = array<i32>} : memref<64x384xf32, #tpu.memory_space<vmem>>, vector<1x16xf32>,
          %get3A_470 = arith.index_cast %add3A_343 : i32 to index
          %get3A_471 = arith.constant 224 : index
          %get3A_472 = tpu.vector_load %arg5[%get3A_470, %get3A_471] {strides = array<i32>} : memref<64x384xf32, #tpu.memory_space<vmem>>, vector<1x16xf32>,
          %get3A_473 = vector.shape_cast %get3A_472 : vector<1x16xf32> to vector<16xf32>
          %swap3A_474 = arith.index_cast %add3A_343 : i32 to index
          %swap3A_475 = arith.constant 224 : index
          %swap3A_476 = tpu.vector_load %arg6[%swap3A_474, %swap3A_475] {strides = array<i32>} : memref<64x384xf32, #tpu.memory_space<vmem>>, vector<1x16xf32>,
          %swap3A_477 = vector.shape_cast %swap3A_476 : vector<1x16xf32> to vector<16xf32>
          %swap3A_478 = vector.shape_cast %get3A_473 : vector<16xf32> to vector<1x16xf32>
          tpu.vector_store %arg6[%swap3A_474, %swap3A_475], %swap3A_478 {add = true, strides = array<i32>} : memref<64x384xf32, #tpu.memory_space<vmem>>, vector<1x16xf32>,
          %get3A_479 = arith.index_cast %add3A_343 : i32 to index
          %get3A_480 = arith.constant 240 : index
          %get3A_481 = tpu.vector_load %arg5[%get3A_479, %get3A_480] {strides = array<i32>} : memref<64x384xf32, #tpu.memory_space<vmem>>, vector<1x16xf32>,
          %get3A_482 = vector.shape_cast %get3A_481 : vector<1x16xf32> to vector<16xf32>
          %swap3A_483 = arith.index_cast %add3A_343 : i32 to index
          %swap3A_484 = arith.constant 240 : index
          %swap3A_485 = tpu.vector_load %arg6[%swap3A_483, %swap3A_484] {strides = array<i32>} : memref<64x384xf32, #tpu.memory_space<vmem>>, vector<1x16xf32>,
          %swap3A_486 = vector.shape_cast %swap3A_485 : vector<1x16xf32> to vector<16xf32>
          %swap3A_487 = vector.shape_cast %get3A_482 : vector<16xf32> to vector<1x16xf32>
          tpu.vector_store %arg6[%swap3A_483, %swap3A_484], %swap3A_487 {add = true, strides = array<i32>} : memref<64x384xf32, #tpu.memory_space<vmem>>, vector<1x16xf32>,
          %get3A_488 = arith.index_cast %add3A_343 : i32 to index
          %get3A_489 = arith.constant 256 : index
          %get3A_490 = tpu.vector_load %arg5[%get3A_488, %get3A_489] {strides = array<i32>} : memref<64x384xf32, #tpu.memory_space<vmem>>, vector<1x16xf32>,
          %get3A_491 = vector.shape_cast %get3A_490 : vector<1x16xf32> to vector<16xf32>
          %swap3A_492 = arith.index_cast %add3A_343 : i32 to index
          %swap3A_493 = arith.constant 256 : index
          %swap3A_494 = tpu.vector_load %arg6[%swap3A_492, %swap3A_493] {strides = array<i32>} : memref<64x384xf32, #tpu.memory_space<vmem>>, vector<1x16xf32>,
          %swap3A_495 = vector.shape_cast %swap3A_494 : vector<1x16xf32> to vector<16xf32>
          %swap3A_496 = vector.shape_cast %get3A_491 : vector<16xf32> to vector<1x16xf32>
          tpu.vector_store %arg6[%swap3A_492, %swap3A_493], %swap3A_496 {add = true, strides = array<i32>} : memref<64x384xf32, #tpu.memory_space<vmem>>, vector<1x16xf32>,
          %get3A_497 = arith.index_cast %add3A_343 : i32 to index
          %get3A_498 = arith.constant 272 : index
          %get3A_499 = tpu.vector_load %arg5[%get3A_497, %get3A_498] {strides = array<i32>} : memref<64x384xf32, #tpu.memory_space<vmem>>, vector<1x16xf32>,
          %get3A_500 = vector.shape_cast %get3A_499 : vector<1x16xf32> to vector<16xf32>
          %swap3A_501 = arith.index_cast %add3A_343 : i32 to index
          %swap3A_502 = arith.constant 272 : index
          %swap3A_503 = tpu.vector_load %arg6[%swap3A_501, %swap3A_502] {strides = array<i32>} : memref<64x384xf32, #tpu.memory_space<vmem>>, vector<1x16xf32>,
          %swap3A_504 = vector.shape_cast %swap3A_503 : vector<1x16xf32> to vector<16xf32>
          %swap3A_505 = vector.shape_cast %get3A_500 : vector<16xf32> to vector<1x16xf32>
          tpu.vector_store %arg6[%swap3A_501, %swap3A_502], %swap3A_505 {add = true, strides = array<i32>} : memref<64x384xf32, #tpu.memory_space<vmem>>, vector<1x16xf32>,
          %get3A_506 = arith.index_cast %add3A_343 : i32 to index
          %get3A_507 = arith.constant 288 : index
          %get3A_508 = tpu.vector_load %arg5[%get3A_506, %get3A_507] {strides = array<i32>} : memref<64x384xf32, #tpu.memory_space<vmem>>, vector<1x16xf32>,
          %get3A_509 = vector.shape_cast %get3A_508 : vector<1x16xf32> to vector<16xf32>
          %swap3A_510 = arith.index_cast %add3A_343 : i32 to index
          %swap3A_511 = arith.constant 288 : index
          %swap3A_512 = tpu.vector_load %arg6[%swap3A_510, %swap3A_511] {strides = array<i32>} : memref<64x384xf32, #tpu.memory_space<vmem>>, vector<1x16xf32>,
          %swap3A_513 = vector.shape_cast %swap3A_512 : vector<1x16xf32> to vector<16xf32>
          %swap3A_514 = vector.shape_cast %get3A_509 : vector<16xf32> to vector<1x16xf32>
          tpu.vector_store %arg6[%swap3A_510, %swap3A_511], %swap3A_514 {add = true, strides = array<i32>} : memref<64x384xf32, #tpu.memory_space<vmem>>, vector<1x16xf32>,
          %get3A_515 = arith.index_cast %add3A_343 : i32 to index
          %get3A_516 = arith.constant 304 : index
          %get3A_517 = tpu.vector_load %arg5[%get3A_515, %get3A_516] {strides = array<i32>} : memref<64x384xf32, #tpu.memory_space<vmem>>, vector<1x16xf32>,
          %get3A_518 = vector.shape_cast %get3A_517 : vector<1x16xf32> to vector<16xf32>
          %swap3A_519 = arith.index_cast %add3A_343 : i32 to index
          %swap3A_520 = arith.constant 304 : index
          %swap3A_521 = tpu.vector_load %arg6[%swap3A_519, %swap3A_520] {strides = array<i32>} : memref<64x384xf32, #tpu.memory_space<vmem>>, vector<1x16xf32>,
          %swap3A_522 = vector.shape_cast %swap3A_521 : vector<1x16xf32> to vector<16xf32>
          %swap3A_523 = vector.shape_cast %get3A_518 : vector<16xf32> to vector<1x16xf32>
          tpu.vector_store %arg6[%swap3A_519, %swap3A_520], %swap3A_523 {add = true, strides = array<i32>} : memref<64x384xf32, #tpu.memory_space<vmem>>, vector<1x16xf32>,
          %get3A_524 = arith.index_cast %add3A_343 : i32 to index
          %get3A_525 = arith.constant 320 : index
          %get3A_526 = tpu.vector_load %arg5[%get3A_524, %get3A_525] {strides = array<i32>} : memref<64x384xf32, #tpu.memory_space<vmem>>, vector<1x16xf32>,
          %get3A_527 = vector.shape_cast %get3A_526 : vector<1x16xf32> to vector<16xf32>
          %swap3A_528 = arith.index_cast %add3A_343 : i32 to index
          %swap3A_529 = arith.constant 320 : index
          %swap3A_530 = tpu.vector_load %arg6[%swap3A_528, %swap3A_529] {strides = array<i32>} : memref<64x384xf32, #tpu.memory_space<vmem>>, vector<1x16xf32>,
          %swap3A_531 = vector.shape_cast %swap3A_530 : vector<1x16xf32> to vector<16xf32>
          %swap3A_532 = vector.shape_cast %get3A_527 : vector<16xf32> to vector<1x16xf32>
          tpu.vector_store %arg6[%swap3A_528, %swap3A_529], %swap3A_532 {add = true, strides = array<i32>} : memref<64x384xf32, #tpu.memory_space<vmem>>, vector<1x16xf32>,
          %get3A_533 = arith.index_cast %add3A_343 : i32 to index
          %get3A_534 = arith.constant 336 : index
          %get3A_535 = tpu.vector_load %arg5[%get3A_533, %get3A_534] {strides = array<i32>} : memref<64x384xf32, #tpu.memory_space<vmem>>, vector<1x16xf32>,
          %get3A_536 = vector.shape_cast %get3A_535 : vector<1x16xf32> to vector<16xf32>
          %swap3A_537 = arith.index_cast %add3A_343 : i32 to index
          %swap3A_538 = arith.constant 336 : index
          %swap3A_539 = tpu.vector_load %arg6[%swap3A_537, %swap3A_538] {strides = array<i32>} : memref<64x384xf32, #tpu.memory_space<vmem>>, vector<1x16xf32>,
          %swap3A_540 = vector.shape_cast %swap3A_539 : vector<1x16xf32> to vector<16xf32>
          %swap3A_541 = vector.shape_cast %get3A_536 : vector<16xf32> to vector<1x16xf32>
          tpu.vector_store %arg6[%swap3A_537, %swap3A_538], %swap3A_541 {add = true, strides = array<i32>} : memref<64x384xf32, #tpu.memory_space<vmem>>, vector<1x16xf32>,
          %get3A_542 = arith.index_cast %add3A_343 : i32 to index
          %get3A_543 = arith.constant 352 : index
          %get3A_544 = tpu.vector_load %arg5[%get3A_542, %get3A_543] {strides = array<i32>} : memref<64x384xf32, #tpu.memory_space<vmem>>, vector<1x16xf32>,
          %get3A_545 = vector.shape_cast %get3A_544 : vector<1x16xf32> to vector<16xf32>
          %swap3A_546 = arith.index_cast %add3A_343 : i32 to index
          %swap3A_547 = arith.constant 352 : index
          %swap3A_548 = tpu.vector_load %arg6[%swap3A_546, %swap3A_547] {strides = array<i32>} : memref<64x384xf32, #tpu.memory_space<vmem>>, vector<1x16xf32>,
          %swap3A_549 = vector.shape_cast %swap3A_548 : vector<1x16xf32> to vector<16xf32>
          %swap3A_550 = vector.shape_cast %get3A_545 : vector<16xf32> to vector<1x16xf32>
          tpu.vector_store %arg6[%swap3A_546, %swap3A_547], %swap3A_550 {add = true, strides = array<i32>} : memref<64x384xf32, #tpu.memory_space<vmem>>, vector<1x16xf32>,
          %get3A_551 = arith.index_cast %add3A_343 : i32 to index
          %get3A_552 = arith.constant 368 : index
          %get3A_553 = tpu.vector_load %arg5[%get3A_551, %get3A_552] {strides = array<i32>} : memref<64x384xf32, #tpu.memory_space<vmem>>, vector<1x16xf32>,
          %get3A_554 = vector.shape_cast %get3A_553 : vector<1x16xf32> to vector<16xf32>
          %swap3A_555 = arith.index_cast %add3A_343 : i32 to index
          %swap3A_556 = arith.constant 368 : index
          %swap3A_557 = tpu.vector_load %arg6[%swap3A_555, %swap3A_556] {strides = array<i32>} : memref<64x384xf32, #tpu.memory_space<vmem>>, vector<1x16xf32>,
          %swap3A_558 = vector.shape_cast %swap3A_557 : vector<1x16xf32> to vector<16xf32>
          %swap3A_559 = vector.shape_cast %get3A_554 : vector<16xf32> to vector<1x16xf32>
          tpu.vector_store %arg6[%swap3A_555, %swap3A_556], %swap3A_559 {add = true, strides = array<i32>} : memref<64x384xf32, #tpu.memory_space<vmem>>, vector<1x16xf32>,
          %add3A_560 = arith.constant 2 : i32
          %add3A_561 = arith.addi %mul3A_125, %add3A_560 : i32
          %get3A_562 = arith.index_cast %add3A_561 : i32 to index
          %get3A_563 = arith.constant 0 : index
          %get3A_564 = tpu.vector_load %arg5[%get3A_562, %get3A_563] {strides = array<i32>} : memref<64x384xf32, #tpu.memory_space<vmem>>, vector<1x16xf32>,
          %get3A_565 = vector.shape_cast %get3A_564 : vector<1x16xf32> to vector<16xf32>
          %swap3A_566 = arith.index_cast %add3A_561 : i32 to index
          %swap3A_567 = arith.constant 0 : index
          %swap3A_568 = tpu.vector_load %arg6[%swap3A_566, %swap3A_567] {strides = array<i32>} : memref<64x384xf32, #tpu.memory_space<vmem>>, vector<1x16xf32>,
          %swap3A_569 = vector.shape_cast %swap3A_568 : vector<1x16xf32> to vector<16xf32>
          %swap3A_570 = vector.shape_cast %get3A_565 : vector<16xf32> to vector<1x16xf32>
          tpu.vector_store %arg6[%swap3A_566, %swap3A_567], %swap3A_570 {add = true, strides = array<i32>} : memref<64x384xf32, #tpu.memory_space<vmem>>, vector<1x16xf32>,
          %get3A_571 = arith.index_cast %add3A_561 : i32 to index
          %get3A_572 = arith.constant 16 : index
          %get3A_573 = tpu.vector_load %arg5[%get3A_571, %get3A_572] {strides = array<i32>} : memref<64x384xf32, #tpu.memory_space<vmem>>, vector<1x16xf32>,
          %get3A_574 = vector.shape_cast %get3A_573 : vector<1x16xf32> to vector<16xf32>
          %swap3A_575 = arith.index_cast %add3A_561 : i32 to index
          %swap3A_576 = arith.constant 16 : index
          %swap3A_577 = tpu.vector_load %arg6[%swap3A_575, %swap3A_576] {strides = array<i32>} : memref<64x384xf32, #tpu.memory_space<vmem>>, vector<1x16xf32>,
          %swap3A_578 = vector.shape_cast %swap3A_577 : vector<1x16xf32> to vector<16xf32>
          %swap3A_579 = vector.shape_cast %get3A_574 : vector<16xf32> to vector<1x16xf32>
          tpu.vector_store %arg6[%swap3A_575, %swap3A_576], %swap3A_579 {add = true, strides = array<i32>} : memref<64x384xf32, #tpu.memory_space<vmem>>, vector<1x16xf32>,
          %get3A_580 = arith.index_cast %add3A_561 : i32 to index
          %get3A_581 = arith.constant 32 : index
          %get3A_582 = tpu.vector_load %arg5[%get3A_580, %get3A_581] {strides = array<i32>} : memref<64x384xf32, #tpu.memory_space<vmem>>, vector<1x16xf32>,
          %get3A_583 = vector.shape_cast %get3A_582 : vector<1x16xf32> to vector<16xf32>
          %swap3A_584 = arith.index_cast %add3A_561 : i32 to index
          %swap3A_585 = arith.constant 32 : index
          %swap3A_586 = tpu.vector_load %arg6[%swap3A_584, %swap3A_585] {strides = array<i32>} : memref<64x384xf32, #tpu.memory_space<vmem>>, vector<1x16xf32>,
          %swap3A_587 = vector.shape_cast %swap3A_586 : vector<1x16xf32> to vector<16xf32>
          %swap3A_588 = vector.shape_cast %get3A_583 : vector<16xf32> to vector<1x16xf32>
          tpu.vector_store %arg6[%swap3A_584, %swap3A_585], %swap3A_588 {add = true, strides = array<i32>} : memref<64x384xf32, #tpu.memory_space<vmem>>, vector<1x16xf32>,
          %get3A_589 = arith.index_cast %add3A_561 : i32 to index
          %get3A_590 = arith.constant 48 : index
          %get3A_591 = tpu.vector_load %arg5[%get3A_589, %get3A_590] {strides = array<i32>} : memref<64x384xf32, #tpu.memory_space<vmem>>, vector<1x16xf32>,
          %get3A_592 = vector.shape_cast %get3A_591 : vector<1x16xf32> to vector<16xf32>
          %swap3A_593 = arith.index_cast %add3A_561 : i32 to index
          %swap3A_594 = arith.constant 48 : index
          %swap3A_595 = tpu.vector_load %arg6[%swap3A_593, %swap3A_594] {strides = array<i32>} : memref<64x384xf32, #tpu.memory_space<vmem>>, vector<1x16xf32>,
          %swap3A_596 = vector.shape_cast %swap3A_595 : vector<1x16xf32> to vector<16xf32>
          %swap3A_597 = vector.shape_cast %get3A_592 : vector<16xf32> to vector<1x16xf32>
          tpu.vector_store %arg6[%swap3A_593, %swap3A_594], %swap3A_597 {add = true, strides = array<i32>} : memref<64x384xf32, #tpu.memory_space<vmem>>, vector<1x16xf32>,
          %get3A_598 = arith.index_cast %add3A_561 : i32 to index
          %get3A_599 = arith.constant 64 : index
          %get3A_600 = tpu.vector_load %arg5[%get3A_598, %get3A_599] {strides = array<i32>} : memref<64x384xf32, #tpu.memory_space<vmem>>, vector<1x16xf32>,
          %get3A_601 = vector.shape_cast %get3A_600 : vector<1x16xf32> to vector<16xf32>
          %swap3A_602 = arith.index_cast %add3A_561 : i32 to index
          %swap3A_603 = arith.constant 64 : index
          %swap3A_604 = tpu.vector_load %arg6[%swap3A_602, %swap3A_603] {strides = array<i32>} : memref<64x384xf32, #tpu.memory_space<vmem>>, vector<1x16xf32>,
          %swap3A_605 = vector.shape_cast %swap3A_604 : vector<1x16xf32> to vector<16xf32>
          %swap3A_606 = vector.shape_cast %get3A_601 : vector<16xf32> to vector<1x16xf32>
          tpu.vector_store %arg6[%swap3A_602, %swap3A_603], %swap3A_606 {add = true, strides = array<i32>} : memref<64x384xf32, #tpu.memory_space<vmem>>, vector<1x16xf32>,
          %get3A_607 = arith.index_cast %add3A_561 : i32 to index
          %get3A_608 = arith.constant 80 : index
          %get3A_609 = tpu.vector_load %arg5[%get3A_607, %get3A_608] {strides = array<i32>} : memref<64x384xf32, #tpu.memory_space<vmem>>, vector<1x16xf32>,
          %get3A_610 = vector.shape_cast %get3A_609 : vector<1x16xf32> to vector<16xf32>
          %swap3A_611 = arith.index_cast %add3A_561 : i32 to index
          %swap3A_612 = arith.constant 80 : index
          %swap3A_613 = tpu.vector_load %arg6[%swap3A_611, %swap3A_612] {strides = array<i32>} : memref<64x384xf32, #tpu.memory_space<vmem>>, vector<1x16xf32>,
          %swap3A_614 = vector.shape_cast %swap3A_613 : vector<1x16xf32> to vector<16xf32>
          %swap3A_615 = vector.shape_cast %get3A_610 : vector<16xf32> to vector<1x16xf32>
          tpu.vector_store %arg6[%swap3A_611, %swap3A_612], %swap3A_615 {add = true, strides = array<i32>} : memref<64x384xf32, #tpu.memory_space<vmem>>, vector<1x16xf32>,
          %get3A_616 = arith.index_cast %add3A_561 : i32 to index
          %get3A_617 = arith.constant 96 : index
          %get3A_618 = tpu.vector_load %arg5[%get3A_616, %get3A_617] {strides = array<i32>} : memref<64x384xf32, #tpu.memory_space<vmem>>, vector<1x16xf32>,
          %get3A_619 = vector.shape_cast %get3A_618 : vector<1x16xf32> to vector<16xf32>
          %swap3A_620 = arith.index_cast %add3A_561 : i32 to index
          %swap3A_621 = arith.constant 96 : index
          %swap3A_622 = tpu.vector_load %arg6[%swap3A_620, %swap3A_621] {strides = array<i32>} : memref<64x384xf32, #tpu.memory_space<vmem>>, vector<1x16xf32>,
          %swap3A_623 = vector.shape_cast %swap3A_622 : vector<1x16xf32> to vector<16xf32>
          %swap3A_624 = vector.shape_cast %get3A_619 : vector<16xf32> to vector<1x16xf32>
          tpu.vector_store %arg6[%swap3A_620, %swap3A_621], %swap3A_624 {add = true, strides = array<i32>} : memref<64x384xf32, #tpu.memory_space<vmem>>, vector<1x16xf32>,
          %get3A_625 = arith.index_cast %add3A_561 : i32 to index
          %get3A_626 = arith.constant 112 : index
          %get3A_627 = tpu.vector_load %arg5[%get3A_625, %get3A_626] {strides = array<i32>} : memref<64x384xf32, #tpu.memory_space<vmem>>, vector<1x16xf32>,
          %get3A_628 = vector.shape_cast %get3A_627 : vector<1x16xf32> to vector<16xf32>
          %swap3A_629 = arith.index_cast %add3A_561 : i32 to index
          %swap3A_630 = arith.constant 112 : index
          %swap3A_631 = tpu.vector_load %arg6[%swap3A_629, %swap3A_630] {strides = array<i32>} : memref<64x384xf32, #tpu.memory_space<vmem>>, vector<1x16xf32>,
          %swap3A_632 = vector.shape_cast %swap3A_631 : vector<1x16xf32> to vector<16xf32>
          %swap3A_633 = vector.shape_cast %get3A_628 : vector<16xf32> to vector<1x16xf32>
          tpu.vector_store %arg6[%swap3A_629, %swap3A_630], %swap3A_633 {add = true, strides = array<i32>} : memref<64x384xf32, #tpu.memory_space<vmem>>, vector<1x16xf32>,
          %get3A_634 = arith.index_cast %add3A_561 : i32 to index
          %get3A_635 = arith.constant 128 : index
          %get3A_636 = tpu.vector_load %arg5[%get3A_634, %get3A_635] {strides = array<i32>} : memref<64x384xf32, #tpu.memory_space<vmem>>, vector<1x16xf32>,
          %get3A_637 = vector.shape_cast %get3A_636 : vector<1x16xf32> to vector<16xf32>
          %swap3A_638 = arith.index_cast %add3A_561 : i32 to index
          %swap3A_639 = arith.constant 128 : index
          %swap3A_640 = tpu.vector_load %arg6[%swap3A_638, %swap3A_639] {strides = array<i32>} : memref<64x384xf32, #tpu.memory_space<vmem>>, vector<1x16xf32>,
          %swap3A_641 = vector.shape_cast %swap3A_640 : vector<1x16xf32> to vector<16xf32>
          %swap3A_642 = vector.shape_cast %get3A_637 : vector<16xf32> to vector<1x16xf32>
          tpu.vector_store %arg6[%swap3A_638, %swap3A_639], %swap3A_642 {add = true, strides = array<i32>} : memref<64x384xf32, #tpu.memory_space<vmem>>, vector<1x16xf32>,
          %get3A_643 = arith.index_cast %add3A_561 : i32 to index
          %get3A_644 = arith.constant 144 : index
          %get3A_645 = tpu.vector_load %arg5[%get3A_643, %get3A_644] {strides = array<i32>} : memref<64x384xf32, #tpu.memory_space<vmem>>, vector<1x16xf32>,
          %get3A_646 = vector.shape_cast %get3A_645 : vector<1x16xf32> to vector<16xf32>
          %swap3A_647 = arith.index_cast %add3A_561 : i32 to index
          %swap3A_648 = arith.constant 144 : index
          %swap3A_649 = tpu.vector_load %arg6[%swap3A_647, %swap3A_648] {strides = array<i32>} : memref<64x384xf32, #tpu.memory_space<vmem>>, vector<1x16xf32>,
          %swap3A_650 = vector.shape_cast %swap3A_649 : vector<1x16xf32> to vector<16xf32>
          %swap3A_651 = vector.shape_cast %get3A_646 : vector<16xf32> to vector<1x16xf32>
          tpu.vector_store %arg6[%swap3A_647, %swap3A_648], %swap3A_651 {add = true, strides = array<i32>} : memref<64x384xf32, #tpu.memory_space<vmem>>, vector<1x16xf32>,
          %get3A_652 = arith.index_cast %add3A_561 : i32 to index
          %get3A_653 = arith.constant 160 : index
          %get3A_654 = tpu.vector_load %arg5[%get3A_652, %get3A_653] {strides = array<i32>} : memref<64x384xf32, #tpu.memory_space<vmem>>, vector<1x16xf32>,
          %get3A_655 = vector.shape_cast %get3A_654 : vector<1x16xf32> to vector<16xf32>
          %swap3A_656 = arith.index_cast %add3A_561 : i32 to index
          %swap3A_657 = arith.constant 160 : index
          %swap3A_658 = tpu.vector_load %arg6[%swap3A_656, %swap3A_657] {strides = array<i32>} : memref<64x384xf32, #tpu.memory_space<vmem>>, vector<1x16xf32>,
          %swap3A_659 = vector.shape_cast %swap3A_658 : vector<1x16xf32> to vector<16xf32>
          %swap3A_660 = vector.shape_cast %get3A_655 : vector<16xf32> to vector<1x16xf32>
          tpu.vector_store %arg6[%swap3A_656, %swap3A_657], %swap3A_660 {add = true, strides = array<i32>} : memref<64x384xf32, #tpu.memory_space<vmem>>, vector<1x16xf32>,
          %get3A_661 = arith.index_cast %add3A_561 : i32 to index
          %get3A_662 = arith.constant 176 : index
          %get3A_663 = tpu.vector_load %arg5[%get3A_661, %get3A_662] {strides = array<i32>} : memref<64x384xf32, #tpu.memory_space<vmem>>, vector<1x16xf32>,
          %get3A_664 = vector.shape_cast %get3A_663 : vector<1x16xf32> to vector<16xf32>
          %swap3A_665 = arith.index_cast %add3A_561 : i32 to index
          %swap3A_666 = arith.constant 176 : index
          %swap3A_667 = tpu.vector_load %arg6[%swap3A_665, %swap3A_666] {strides = array<i32>} : memref<64x384xf32, #tpu.memory_space<vmem>>, vector<1x16xf32>,
          %swap3A_668 = vector.shape_cast %swap3A_667 : vector<1x16xf32> to vector<16xf32>
          %swap3A_669 = vector.shape_cast %get3A_664 : vector<16xf32> to vector<1x16xf32>
          tpu.vector_store %arg6[%swap3A_665, %swap3A_666], %swap3A_669 {add = true, strides = array<i32>} : memref<64x384xf32, #tpu.memory_space<vmem>>, vector<1x16xf32>,
          %get3A_670 = arith.index_cast %add3A_561 : i32 to index
          %get3A_671 = arith.constant 192 : index
          %get3A_672 = tpu.vector_load %arg5[%get3A_670, %get3A_671] {strides = array<i32>} : memref<64x384xf32, #tpu.memory_space<vmem>>, vector<1x16xf32>,
          %get3A_673 = vector.shape_cast %get3A_672 : vector<1x16xf32> to vector<16xf32>
          %swap3A_674 = arith.index_cast %add3A_561 : i32 to index
          %swap3A_675 = arith.constant 192 : index
          %swap3A_676 = tpu.vector_load %arg6[%swap3A_674, %swap3A_675] {strides = array<i32>} : memref<64x384xf32, #tpu.memory_space<vmem>>, vector<1x16xf32>,
          %swap3A_677 = vector.shape_cast %swap3A_676 : vector<1x16xf32> to vector<16xf32>
          %swap3A_678 = vector.shape_cast %get3A_673 : vector<16xf32> to vector<1x16xf32>
          tpu.vector_store %arg6[%swap3A_674, %swap3A_675], %swap3A_678 {add = true, strides = array<i32>} : memref<64x384xf32, #tpu.memory_space<vmem>>, vector<1x16xf32>,
          %get3A_679 = arith.index_cast %add3A_561 : i32 to index
          %get3A_680 = arith.constant 208 : index
          %get3A_681 = tpu.vector_load %arg5[%get3A_679, %get3A_680] {strides = array<i32>} : memref<64x384xf32, #tpu.memory_space<vmem>>, vector<1x16xf32>,
          %get3A_682 = vector.shape_cast %get3A_681 : vector<1x16xf32> to vector<16xf32>
          %swap3A_683 = arith.index_cast %add3A_561 : i32 to index
          %swap3A_684 = arith.constant 208 : index
          %swap3A_685 = tpu.vector_load %arg6[%swap3A_683, %swap3A_684] {strides = array<i32>} : memref<64x384xf32, #tpu.memory_space<vmem>>, vector<1x16xf32>,
          %swap3A_686 = vector.shape_cast %swap3A_685 : vector<1x16xf32> to vector<16xf32>
          %swap3A_687 = vector.shape_cast %get3A_682 : vector<16xf32> to vector<1x16xf32>
          tpu.vector_store %arg6[%swap3A_683, %swap3A_684], %swap3A_687 {add = true, strides = array<i32>} : memref<64x384xf32, #tpu.memory_space<vmem>>, vector<1x16xf32>,
          %get3A_688 = arith.index_cast %add3A_561 : i32 to index
          %get3A_689 = arith.constant 224 : index
          %get3A_690 = tpu.vector_load %arg5[%get3A_688, %get3A_689] {strides = array<i32>} : memref<64x384xf32, #tpu.memory_space<vmem>>, vector<1x16xf32>,
          %get3A_691 = vector.shape_cast %get3A_690 : vector<1x16xf32> to vector<16xf32>
          %swap3A_692 = arith.index_cast %add3A_561 : i32 to index
          %swap3A_693 = arith.constant 224 : index
          %swap3A_694 = tpu.vector_load %arg6[%swap3A_692, %swap3A_693] {strides = array<i32>} : memref<64x384xf32, #tpu.memory_space<vmem>>, vector<1x16xf32>,
          %swap3A_695 = vector.shape_cast %swap3A_694 : vector<1x16xf32> to vector<16xf32>
          %swap3A_696 = vector.shape_cast %get3A_691 : vector<16xf32> to vector<1x16xf32>
          tpu.vector_store %arg6[%swap3A_692, %swap3A_693], %swap3A_696 {add = true, strides = array<i32>} : memref<64x384xf32, #tpu.memory_space<vmem>>, vector<1x16xf32>,
          %get3A_697 = arith.index_cast %add3A_561 : i32 to index
          %get3A_698 = arith.constant 240 : index
          %get3A_699 = tpu.vector_load %arg5[%get3A_697, %get3A_698] {strides = array<i32>} : memref<64x384xf32, #tpu.memory_space<vmem>>, vector<1x16xf32>,
          %get3A_700 = vector.shape_cast %get3A_699 : vector<1x16xf32> to vector<16xf32>
          %swap3A_701 = arith.index_cast %add3A_561 : i32 to index
          %swap3A_702 = arith.constant 240 : index
          %swap3A_703 = tpu.vector_load %arg6[%swap3A_701, %swap3A_702] {strides = array<i32>} : memref<64x384xf32, #tpu.memory_space<vmem>>, vector<1x16xf32>,
          %swap3A_704 = vector.shape_cast %swap3A_703 : vector<1x16xf32> to vector<16xf32>
          %swap3A_705 = vector.shape_cast %get3A_700 : vector<16xf32> to vector<1x16xf32>
          tpu.vector_store %arg6[%swap3A_701, %swap3A_702], %swap3A_705 {add = true, strides = array<i32>} : memref<64x384xf32, #tpu.memory_space<vmem>>, vector<1x16xf32>,
          %get3A_706 = arith.index_cast %add3A_561 : i32 to index
          %get3A_707 = arith.constant 256 : index
          %get3A_708 = tpu.vector_load %arg5[%get3A_706, %get3A_707] {strides = array<i32>} : memref<64x384xf32, #tpu.memory_space<vmem>>, vector<1x16xf32>,
          %get3A_709 = vector.shape_cast %get3A_708 : vector<1x16xf32> to vector<16xf32>
          %swap3A_710 = arith.index_cast %add3A_561 : i32 to index
          %swap3A_711 = arith.constant 256 : index
          %swap3A_712 = tpu.vector_load %arg6[%swap3A_710, %swap3A_711] {strides = array<i32>} : memref<64x384xf32, #tpu.memory_space<vmem>>, vector<1x16xf32>,
          %swap3A_713 = vector.shape_cast %swap3A_712 : vector<1x16xf32> to vector<16xf32>
          %swap3A_714 = vector.shape_cast %get3A_709 : vector<16xf32> to vector<1x16xf32>
          tpu.vector_store %arg6[%swap3A_710, %swap3A_711], %swap3A_714 {add = true, strides = array<i32>} : memref<64x384xf32, #tpu.memory_space<vmem>>, vector<1x16xf32>,
          %get3A_715 = arith.index_cast %add3A_561 : i32 to index
          %get3A_716 = arith.constant 272 : index
          %get3A_717 = tpu.vector_load %arg5[%get3A_715, %get3A_716] {strides = array<i32>} : memref<64x384xf32, #tpu.memory_space<vmem>>, vector<1x16xf32>,
          %get3A_718 = vector.shape_cast %get3A_717 : vector<1x16xf32> to vector<16xf32>
          %swap3A_719 = arith.index_cast %add3A_561 : i32 to index
          %swap3A_720 = arith.constant 272 : index
          %swap3A_721 = tpu.vector_load %arg6[%swap3A_719, %swap3A_720] {strides = array<i32>} : memref<64x384xf32, #tpu.memory_space<vmem>>, vector<1x16xf32>,
          %swap3A_722 = vector.shape_cast %swap3A_721 : vector<1x16xf32> to vector<16xf32>
          %swap3A_723 = vector.shape_cast %get3A_718 : vector<16xf32> to vector<1x16xf32>
          tpu.vector_store %arg6[%swap3A_719, %swap3A_720], %swap3A_723 {add = true, strides = array<i32>} : memref<64x384xf32, #tpu.memory_space<vmem>>, vector<1x16xf32>,
          %get3A_724 = arith.index_cast %add3A_561 : i32 to index
          %get3A_725 = arith.constant 288 : index
          %get3A_726 = tpu.vector_load %arg5[%get3A_724, %get3A_725] {strides = array<i32>} : memref<64x384xf32, #tpu.memory_space<vmem>>, vector<1x16xf32>,
          %get3A_727 = vector.shape_cast %get3A_726 : vector<1x16xf32> to vector<16xf32>
          %swap3A_728 = arith.index_cast %add3A_561 : i32 to index
          %swap3A_729 = arith.constant 288 : index
          %swap3A_730 = tpu.vector_load %arg6[%swap3A_728, %swap3A_729] {strides = array<i32>} : memref<64x384xf32, #tpu.memory_space<vmem>>, vector<1x16xf32>,
          %swap3A_731 = vector.shape_cast %swap3A_730 : vector<1x16xf32> to vector<16xf32>
          %swap3A_732 = vector.shape_cast %get3A_727 : vector<16xf32> to vector<1x16xf32>
          tpu.vector_store %arg6[%swap3A_728, %swap3A_729], %swap3A_732 {add = true, strides = array<i32>} : memref<64x384xf32, #tpu.memory_space<vmem>>, vector<1x16xf32>,
          %get3A_733 = arith.index_cast %add3A_561 : i32 to index
          %get3A_734 = arith.constant 304 : index
          %get3A_735 = tpu.vector_load %arg5[%get3A_733, %get3A_734] {strides = array<i32>} : memref<64x384xf32, #tpu.memory_space<vmem>>, vector<1x16xf32>,
          %get3A_736 = vector.shape_cast %get3A_735 : vector<1x16xf32> to vector<16xf32>
          %swap3A_737 = arith.index_cast %add3A_561 : i32 to index
          %swap3A_738 = arith.constant 304 : index
          %swap3A_739 = tpu.vector_load %arg6[%swap3A_737, %swap3A_738] {strides = array<i32>} : memref<64x384xf32, #tpu.memory_space<vmem>>, vector<1x16xf32>,
          %swap3A_740 = vector.shape_cast %swap3A_739 : vector<1x16xf32> to vector<16xf32>
          %swap3A_741 = vector.shape_cast %get3A_736 : vector<16xf32> to vector<1x16xf32>
          tpu.vector_store %arg6[%swap3A_737, %swap3A_738], %swap3A_741 {add = true, strides = array<i32>} : memref<64x384xf32, #tpu.memory_space<vmem>>, vector<1x16xf32>,
          %get3A_742 = arith.index_cast %add3A_561 : i32 to index
          %get3A_743 = arith.constant 320 : index
          %get3A_744 = tpu.vector_load %arg5[%get3A_742, %get3A_743] {strides = array<i32>} : memref<64x384xf32, #tpu.memory_space<vmem>>, vector<1x16xf32>,
          %get3A_745 = vector.shape_cast %get3A_744 : vector<1x16xf32> to vector<16xf32>
          %swap3A_746 = arith.index_cast %add3A_561 : i32 to index
          %swap3A_747 = arith.constant 320 : index
          %swap3A_748 = tpu.vector_load %arg6[%swap3A_746, %swap3A_747] {strides = array<i32>} : memref<64x384xf32, #tpu.memory_space<vmem>>, vector<1x16xf32>,
          %swap3A_749 = vector.shape_cast %swap3A_748 : vector<1x16xf32> to vector<16xf32>
          %swap3A_750 = vector.shape_cast %get3A_745 : vector<16xf32> to vector<1x16xf32>
          tpu.vector_store %arg6[%swap3A_746, %swap3A_747], %swap3A_750 {add = true, strides = array<i32>} : memref<64x384xf32, #tpu.memory_space<vmem>>, vector<1x16xf32>,
          %get3A_751 = arith.index_cast %add3A_561 : i32 to index
          %get3A_752 = arith.constant 336 : index
          %get3A_753 = tpu.vector_load %arg5[%get3A_751, %get3A_752] {strides = array<i32>} : memref<64x384xf32, #tpu.memory_space<vmem>>, vector<1x16xf32>,
          %get3A_754 = vector.shape_cast %get3A_753 : vector<1x16xf32> to vector<16xf32>
          %swap3A_755 = arith.index_cast %add3A_561 : i32 to index
          %swap3A_756 = arith.constant 336 : index
          %swap3A_757 = tpu.vector_load %arg6[%swap3A_755, %swap3A_756] {strides = array<i32>} : memref<64x384xf32, #tpu.memory_space<vmem>>, vector<1x16xf32>,
          %swap3A_758 = vector.shape_cast %swap3A_757 : vector<1x16xf32> to vector<16xf32>
          %swap3A_759 = vector.shape_cast %get3A_754 : vector<16xf32> to vector<1x16xf32>
          tpu.vector_store %arg6[%swap3A_755, %swap3A_756], %swap3A_759 {add = true, strides = array<i32>} : memref<64x384xf32, #tpu.memory_space<vmem>>, vector<1x16xf32>,
          %get3A_760 = arith.index_cast %add3A_561 : i32 to index
          %get3A_761 = arith.constant 352 : index
          %get3A_762 = tpu.vector_load %arg5[%get3A_760, %get3A_761] {strides = array<i32>} : memref<64x384xf32, #tpu.memory_space<vmem>>, vector<1x16xf32>,
          %get3A_763 = vector.shape_cast %get3A_762 : vector<1x16xf32> to vector<16xf32>
          %swap3A_764 = arith.index_cast %add3A_561 : i32 to index
          %swap3A_765 = arith.constant 352 : index
          %swap3A_766 = tpu.vector_load %arg6[%swap3A_764, %swap3A_765] {strides = array<i32>} : memref<64x384xf32, #tpu.memory_space<vmem>>, vector<1x16xf32>,
          %swap3A_767 = vector.shape_cast %swap3A_766 : vector<1x16xf32> to vector<16xf32>
          %swap3A_768 = vector.shape_cast %get3A_763 : vector<16xf32> to vector<1x16xf32>
          tpu.vector_store %arg6[%swap3A_764, %swap3A_765], %swap3A_768 {add = true, strides = array<i32>} : memref<64x384xf32, #tpu.memory_space<vmem>>, vector<1x16xf32>,
          %get3A_769 = arith.index_cast %add3A_561 : i32 to index
          %get3A_770 = arith.constant 368 : index
          %get3A_771 = tpu.vector_load %arg5[%get3A_769, %get3A_770] {strides = array<i32>} : memref<64x384xf32, #tpu.memory_space<vmem>>, vector<1x16xf32>,
          %get3A_772 = vector.shape_cast %get3A_771 : vector<1x16xf32> to vector<16xf32>
          %swap3A_773 = arith.index_cast %add3A_561 : i32 to index
          %swap3A_774 = arith.constant 368 : index
          %swap3A_775 = tpu.vector_load %arg6[%swap3A_773, %swap3A_774] {strides = array<i32>} : memref<64x384xf32, #tpu.memory_space<vmem>>, vector<1x16xf32>,
          %swap3A_776 = vector.shape_cast %swap3A_775 : vector<1x16xf32> to vector<16xf32>
          %swap3A_777 = vector.shape_cast %get3A_772 : vector<16xf32> to vector<1x16xf32>
          tpu.vector_store %arg6[%swap3A_773, %swap3A_774], %swap3A_777 {add = true, strides = array<i32>} : memref<64x384xf32, #tpu.memory_space<vmem>>, vector<1x16xf32>,
          %add3A_778 = arith.constant 3 : i32
          %add3A_779 = arith.addi %mul3A_125, %add3A_778 : i32
          %get3A_780 = arith.index_cast %add3A_779 : i32 to index
          %get3A_781 = arith.constant 0 : index
          %get3A_782 = tpu.vector_load %arg5[%get3A_780, %get3A_781] {strides = array<i32>} : memref<64x384xf32, #tpu.memory_space<vmem>>, vector<1x16xf32>,
          %get3A_783 = vector.shape_cast %get3A_782 : vector<1x16xf32> to vector<16xf32>
          %swap3A_784 = arith.index_cast %add3A_779 : i32 to index
          %swap3A_785 = arith.constant 0 : index
          %swap3A_786 = tpu.vector_load %arg6[%swap3A_784, %swap3A_785] {strides = array<i32>} : memref<64x384xf32, #tpu.memory_space<vmem>>, vector<1x16xf32>,
          %swap3A_787 = vector.shape_cast %swap3A_786 : vector<1x16xf32> to vector<16xf32>
          %swap3A_788 = vector.shape_cast %get3A_783 : vector<16xf32> to vector<1x16xf32>
          tpu.vector_store %arg6[%swap3A_784, %swap3A_785], %swap3A_788 {add = true, strides = array<i32>} : memref<64x384xf32, #tpu.memory_space<vmem>>, vector<1x16xf32>,
          %get3A_789 = arith.index_cast %add3A_779 : i32 to index
          %get3A_790 = arith.constant 16 : index
          %get3A_791 = tpu.vector_load %arg5[%get3A_789, %get3A_790] {strides = array<i32>} : memref<64x384xf32, #tpu.memory_space<vmem>>, vector<1x16xf32>,
          %get3A_792 = vector.shape_cast %get3A_791 : vector<1x16xf32> to vector<16xf32>
          %swap3A_793 = arith.index_cast %add3A_779 : i32 to index
          %swap3A_794 = arith.constant 16 : index
          %swap3A_795 = tpu.vector_load %arg6[%swap3A_793, %swap3A_794] {strides = array<i32>} : memref<64x384xf32, #tpu.memory_space<vmem>>, vector<1x16xf32>,
          %swap3A_796 = vector.shape_cast %swap3A_795 : vector<1x16xf32> to vector<16xf32>
          %swap3A_797 = vector.shape_cast %get3A_792 : vector<16xf32> to vector<1x16xf32>
          tpu.vector_store %arg6[%swap3A_793, %swap3A_794], %swap3A_797 {add = true, strides = array<i32>} : memref<64x384xf32, #tpu.memory_space<vmem>>, vector<1x16xf32>,
          %get3A_798 = arith.index_cast %add3A_779 : i32 to index
          %get3A_799 = arith.constant 32 : index
          %get3A_800 = tpu.vector_load %arg5[%get3A_798, %get3A_799] {strides = array<i32>} : memref<64x384xf32, #tpu.memory_space<vmem>>, vector<1x16xf32>,
          %get3A_801 = vector.shape_cast %get3A_800 : vector<1x16xf32> to vector<16xf32>
          %swap3A_802 = arith.index_cast %add3A_779 : i32 to index
          %swap3A_803 = arith.constant 32 : index
          %swap3A_804 = tpu.vector_load %arg6[%swap3A_802, %swap3A_803] {strides = array<i32>} : memref<64x384xf32, #tpu.memory_space<vmem>>, vector<1x16xf32>,
          %swap3A_805 = vector.shape_cast %swap3A_804 : vector<1x16xf32> to vector<16xf32>
          %swap3A_806 = vector.shape_cast %get3A_801 : vector<16xf32> to vector<1x16xf32>
          tpu.vector_store %arg6[%swap3A_802, %swap3A_803], %swap3A_806 {add = true, strides = array<i32>} : memref<64x384xf32, #tpu.memory_space<vmem>>, vector<1x16xf32>,
          %get3A_807 = arith.index_cast %add3A_779 : i32 to index
          %get3A_808 = arith.constant 48 : index
          %get3A_809 = tpu.vector_load %arg5[%get3A_807, %get3A_808] {strides = array<i32>} : memref<64x384xf32, #tpu.memory_space<vmem>>, vector<1x16xf32>,
          %get3A_810 = vector.shape_cast %get3A_809 : vector<1x16xf32> to vector<16xf32>
          %swap3A_811 = arith.index_cast %add3A_779 : i32 to index
          %swap3A_812 = arith.constant 48 : index
          %swap3A_813 = tpu.vector_load %arg6[%swap3A_811, %swap3A_812] {strides = array<i32>} : memref<64x384xf32, #tpu.memory_space<vmem>>, vector<1x16xf32>,
          %swap3A_814 = vector.shape_cast %swap3A_813 : vector<1x16xf32> to vector<16xf32>
          %swap3A_815 = vector.shape_cast %get3A_810 : vector<16xf32> to vector<1x16xf32>
          tpu.vector_store %arg6[%swap3A_811, %swap3A_812], %swap3A_815 {add = true, strides = array<i32>} : memref<64x384xf32, #tpu.memory_space<vmem>>, vector<1x16xf32>,
          %get3A_816 = arith.index_cast %add3A_779 : i32 to index
          %get3A_817 = arith.constant 64 : index
          %get3A_818 = tpu.vector_load %arg5[%get3A_816, %get3A_817] {strides = array<i32>} : memref<64x384xf32, #tpu.memory_space<vmem>>, vector<1x16xf32>,
          %get3A_819 = vector.shape_cast %get3A_818 : vector<1x16xf32> to vector<16xf32>
          %swap3A_820 = arith.index_cast %add3A_779 : i32 to index
          %swap3A_821 = arith.constant 64 : index
          %swap3A_822 = tpu.vector_load %arg6[%swap3A_820, %swap3A_821] {strides = array<i32>} : memref<64x384xf32, #tpu.memory_space<vmem>>, vector<1x16xf32>,
          %swap3A_823 = vector.shape_cast %swap3A_822 : vector<1x16xf32> to vector<16xf32>
          %swap3A_824 = vector.shape_cast %get3A_819 : vector<16xf32> to vector<1x16xf32>
          tpu.vector_store %arg6[%swap3A_820, %swap3A_821], %swap3A_824 {add = true, strides = array<i32>} : memref<64x384xf32, #tpu.memory_space<vmem>>, vector<1x16xf32>,
          %get3A_825 = arith.index_cast %add3A_779 : i32 to index
          %get3A_826 = arith.constant 80 : index
          %get3A_827 = tpu.vector_load %arg5[%get3A_825, %get3A_826] {strides = array<i32>} : memref<64x384xf32, #tpu.memory_space<vmem>>, vector<1x16xf32>,
          %get3A_828 = vector.shape_cast %get3A_827 : vector<1x16xf32> to vector<16xf32>
          %swap3A_829 = arith.index_cast %add3A_779 : i32 to index
          %swap3A_830 = arith.constant 80 : index
          %swap3A_831 = tpu.vector_load %arg6[%swap3A_829, %swap3A_830] {strides = array<i32>} : memref<64x384xf32, #tpu.memory_space<vmem>>, vector<1x16xf32>,
          %swap3A_832 = vector.shape_cast %swap3A_831 : vector<1x16xf32> to vector<16xf32>
          %swap3A_833 = vector.shape_cast %get3A_828 : vector<16xf32> to vector<1x16xf32>
          tpu.vector_store %arg6[%swap3A_829, %swap3A_830], %swap3A_833 {add = true, strides = array<i32>} : memref<64x384xf32, #tpu.memory_space<vmem>>, vector<1x16xf32>,
          %get3A_834 = arith.index_cast %add3A_779 : i32 to index
          %get3A_835 = arith.constant 96 : index
          %get3A_836 = tpu.vector_load %arg5[%get3A_834, %get3A_835] {strides = array<i32>} : memref<64x384xf32, #tpu.memory_space<vmem>>, vector<1x16xf32>,
          %get3A_837 = vector.shape_cast %get3A_836 : vector<1x16xf32> to vector<16xf32>
          %swap3A_838 = arith.index_cast %add3A_779 : i32 to index
          %swap3A_839 = arith.constant 96 : index
          %swap3A_840 = tpu.vector_load %arg6[%swap3A_838, %swap3A_839] {strides = array<i32>} : memref<64x384xf32, #tpu.memory_space<vmem>>, vector<1x16xf32>,
          %swap3A_841 = vector.shape_cast %swap3A_840 : vector<1x16xf32> to vector<16xf32>
          %swap3A_842 = vector.shape_cast %get3A_837 : vector<16xf32> to vector<1x16xf32>
          tpu.vector_store %arg6[%swap3A_838, %swap3A_839], %swap3A_842 {add = true, strides = array<i32>} : memref<64x384xf32, #tpu.memory_space<vmem>>, vector<1x16xf32>,
          %get3A_843 = arith.index_cast %add3A_779 : i32 to index
          %get3A_844 = arith.constant 112 : index
          %get3A_845 = tpu.vector_load %arg5[%get3A_843, %get3A_844] {strides = array<i32>} : memref<64x384xf32, #tpu.memory_space<vmem>>, vector<1x16xf32>,
          %get3A_846 = vector.shape_cast %get3A_845 : vector<1x16xf32> to vector<16xf32>
          %swap3A_847 = arith.index_cast %add3A_779 : i32 to index
          %swap3A_848 = arith.constant 112 : index
          %swap3A_849 = tpu.vector_load %arg6[%swap3A_847, %swap3A_848] {strides = array<i32>} : memref<64x384xf32, #tpu.memory_space<vmem>>, vector<1x16xf32>,
          %swap3A_850 = vector.shape_cast %swap3A_849 : vector<1x16xf32> to vector<16xf32>
          %swap3A_851 = vector.shape_cast %get3A_846 : vector<16xf32> to vector<1x16xf32>
          tpu.vector_store %arg6[%swap3A_847, %swap3A_848], %swap3A_851 {add = true, strides = array<i32>} : memref<64x384xf32, #tpu.memory_space<vmem>>, vector<1x16xf32>,
          %get3A_852 = arith.index_cast %add3A_779 : i32 to index
          %get3A_853 = arith.constant 128 : index
          %get3A_854 = tpu.vector_load %arg5[%get3A_852, %get3A_853] {strides = array<i32>} : memref<64x384xf32, #tpu.memory_space<vmem>>, vector<1x16xf32>,
          %get3A_855 = vector.shape_cast %get3A_854 : vector<1x16xf32> to vector<16xf32>
          %swap3A_856 = arith.index_cast %add3A_779 : i32 to index
          %swap3A_857 = arith.constant 128 : index
          %swap3A_858 = tpu.vector_load %arg6[%swap3A_856, %swap3A_857] {strides = array<i32>} : memref<64x384xf32, #tpu.memory_space<vmem>>, vector<1x16xf32>,
          %swap3A_859 = vector.shape_cast %swap3A_858 : vector<1x16xf32> to vector<16xf32>
          %swap3A_860 = vector.shape_cast %get3A_855 : vector<16xf32> to vector<1x16xf32>
          tpu.vector_store %arg6[%swap3A_856, %swap3A_857], %swap3A_860 {add = true, strides = array<i32>} : memref<64x384xf32, #tpu.memory_space<vmem>>, vector<1x16xf32>,
          %get3A_861 = arith.index_cast %add3A_779 : i32 to index
          %get3A_862 = arith.constant 144 : index
          %get3A_863 = tpu.vector_load %arg5[%get3A_861, %get3A_862] {strides = array<i32>} : memref<64x384xf32, #tpu.memory_space<vmem>>, vector<1x16xf32>,
          %get3A_864 = vector.shape_cast %get3A_863 : vector<1x16xf32> to vector<16xf32>
          %swap3A_865 = arith.index_cast %add3A_779 : i32 to index
          %swap3A_866 = arith.constant 144 : index
          %swap3A_867 = tpu.vector_load %arg6[%swap3A_865, %swap3A_866] {strides = array<i32>} : memref<64x384xf32, #tpu.memory_space<vmem>>, vector<1x16xf32>,
          %swap3A_868 = vector.shape_cast %swap3A_867 : vector<1x16xf32> to vector<16xf32>
          %swap3A_869 = vector.shape_cast %get3A_864 : vector<16xf32> to vector<1x16xf32>
          tpu.vector_store %arg6[%swap3A_865, %swap3A_866], %swap3A_869 {add = true, strides = array<i32>} : memref<64x384xf32, #tpu.memory_space<vmem>>, vector<1x16xf32>,
          %get3A_870 = arith.index_cast %add3A_779 : i32 to index
          %get3A_871 = arith.constant 160 : index
          %get3A_872 = tpu.vector_load %arg5[%get3A_870, %get3A_871] {strides = array<i32>} : memref<64x384xf32, #tpu.memory_space<vmem>>, vector<1x16xf32>,
          %get3A_873 = vector.shape_cast %get3A_872 : vector<1x16xf32> to vector<16xf32>
          %swap3A_874 = arith.index_cast %add3A_779 : i32 to index
          %swap3A_875 = arith.constant 160 : index
          %swap3A_876 = tpu.vector_load %arg6[%swap3A_874, %swap3A_875] {strides = array<i32>} : memref<64x384xf32, #tpu.memory_space<vmem>>, vector<1x16xf32>,
          %swap3A_877 = vector.shape_cast %swap3A_876 : vector<1x16xf32> to vector<16xf32>
          %swap3A_878 = vector.shape_cast %get3A_873 : vector<16xf32> to vector<1x16xf32>
          tpu.vector_store %arg6[%swap3A_874, %swap3A_875], %swap3A_878 {add = true, strides = array<i32>} : memref<64x384xf32, #tpu.memory_space<vmem>>, vector<1x16xf32>,
          %get3A_879 = arith.index_cast %add3A_779 : i32 to index
          %get3A_880 = arith.constant 176 : index
          %get3A_881 = tpu.vector_load %arg5[%get3A_879, %get3A_880] {strides = array<i32>} : memref<64x384xf32, #tpu.memory_space<vmem>>, vector<1x16xf32>,
          %get3A_882 = vector.shape_cast %get3A_881 : vector<1x16xf32> to vector<16xf32>
          %swap3A_883 = arith.index_cast %add3A_779 : i32 to index
          %swap3A_884 = arith.constant 176 : index
          %swap3A_885 = tpu.vector_load %arg6[%swap3A_883, %swap3A_884] {strides = array<i32>} : memref<64x384xf32, #tpu.memory_space<vmem>>, vector<1x16xf32>,
          %swap3A_886 = vector.shape_cast %swap3A_885 : vector<1x16xf32> to vector<16xf32>
          %swap3A_887 = vector.shape_cast %get3A_882 : vector<16xf32> to vector<1x16xf32>
          tpu.vector_store %arg6[%swap3A_883, %swap3A_884], %swap3A_887 {add = true, strides = array<i32>} : memref<64x384xf32, #tpu.memory_space<vmem>>, vector<1x16xf32>,
          %get3A_888 = arith.index_cast %add3A_779 : i32 to index
          %get3A_889 = arith.constant 192 : index
          %get3A_890 = tpu.vector_load %arg5[%get3A_888, %get3A_889] {strides = array<i32>} : memref<64x384xf32, #tpu.memory_space<vmem>>, vector<1x16xf32>,
          %get3A_891 = vector.shape_cast %get3A_890 : vector<1x16xf32> to vector<16xf32>
          %swap3A_892 = arith.index_cast %add3A_779 : i32 to index
          %swap3A_893 = arith.constant 192 : index
          %swap3A_894 = tpu.vector_load %arg6[%swap3A_892, %swap3A_893] {strides = array<i32>} : memref<64x384xf32, #tpu.memory_space<vmem>>, vector<1x16xf32>,
          %swap3A_895 = vector.shape_cast %swap3A_894 : vector<1x16xf32> to vector<16xf32>
          %swap3A_896 = vector.shape_cast %get3A_891 : vector<16xf32> to vector<1x16xf32>
          tpu.vector_store %arg6[%swap3A_892, %swap3A_893], %swap3A_896 {add = true, strides = array<i32>} : memref<64x384xf32, #tpu.memory_space<vmem>>, vector<1x16xf32>,
          %get3A_897 = arith.index_cast %add3A_779 : i32 to index
          %get3A_898 = arith.constant 208 : index
          %get3A_899 = tpu.vector_load %arg5[%get3A_897, %get3A_898] {strides = array<i32>} : memref<64x384xf32, #tpu.memory_space<vmem>>, vector<1x16xf32>,
          %get3A_900 = vector.shape_cast %get3A_899 : vector<1x16xf32> to vector<16xf32>
          %swap3A_901 = arith.index_cast %add3A_779 : i32 to index
          %swap3A_902 = arith.constant 208 : index
          %swap3A_903 = tpu.vector_load %arg6[%swap3A_901, %swap3A_902] {strides = array<i32>} : memref<64x384xf32, #tpu.memory_space<vmem>>, vector<1x16xf32>,
          %swap3A_904 = vector.shape_cast %swap3A_903 : vector<1x16xf32> to vector<16xf32>
          %swap3A_905 = vector.shape_cast %get3A_900 : vector<16xf32> to vector<1x16xf32>
          tpu.vector_store %arg6[%swap3A_901, %swap3A_902], %swap3A_905 {add = true, strides = array<i32>} : memref<64x384xf32, #tpu.memory_space<vmem>>, vector<1x16xf32>,
          %get3A_906 = arith.index_cast %add3A_779 : i32 to index
          %get3A_907 = arith.constant 224 : index
          %get3A_908 = tpu.vector_load %arg5[%get3A_906, %get3A_907] {strides = array<i32>} : memref<64x384xf32, #tpu.memory_space<vmem>>, vector<1x16xf32>,
          %get3A_909 = vector.shape_cast %get3A_908 : vector<1x16xf32> to vector<16xf32>
          %swap3A_910 = arith.index_cast %add3A_779 : i32 to index
          %swap3A_911 = arith.constant 224 : index
          %swap3A_912 = tpu.vector_load %arg6[%swap3A_910, %swap3A_911] {strides = array<i32>} : memref<64x384xf32, #tpu.memory_space<vmem>>, vector<1x16xf32>,
          %swap3A_913 = vector.shape_cast %swap3A_912 : vector<1x16xf32> to vector<16xf32>
          %swap3A_914 = vector.shape_cast %get3A_909 : vector<16xf32> to vector<1x16xf32>
          tpu.vector_store %arg6[%swap3A_910, %swap3A_911], %swap3A_914 {add = true, strides = array<i32>} : memref<64x384xf32, #tpu.memory_space<vmem>>, vector<1x16xf32>,
          %get3A_915 = arith.index_cast %add3A_779 : i32 to index
          %get3A_916 = arith.constant 240 : index
          %get3A_917 = tpu.vector_load %arg5[%get3A_915, %get3A_916] {strides = array<i32>} : memref<64x384xf32, #tpu.memory_space<vmem>>, vector<1x16xf32>,
          %get3A_918 = vector.shape_cast %get3A_917 : vector<1x16xf32> to vector<16xf32>
          %swap3A_919 = arith.index_cast %add3A_779 : i32 to index
          %swap3A_920 = arith.constant 240 : index
          %swap3A_921 = tpu.vector_load %arg6[%swap3A_919, %swap3A_920] {strides = array<i32>} : memref<64x384xf32, #tpu.memory_space<vmem>>, vector<1x16xf32>,
          %swap3A_922 = vector.shape_cast %swap3A_921 : vector<1x16xf32> to vector<16xf32>
          %swap3A_923 = vector.shape_cast %get3A_918 : vector<16xf32> to vector<1x16xf32>
          tpu.vector_store %arg6[%swap3A_919, %swap3A_920], %swap3A_923 {add = true, strides = array<i32>} : memref<64x384xf32, #tpu.memory_space<vmem>>, vector<1x16xf32>,
          %get3A_924 = arith.index_cast %add3A_779 : i32 to index
          %get3A_925 = arith.constant 256 : index
          %get3A_926 = tpu.vector_load %arg5[%get3A_924, %get3A_925] {strides = array<i32>} : memref<64x384xf32, #tpu.memory_space<vmem>>, vector<1x16xf32>,
          %get3A_927 = vector.shape_cast %get3A_926 : vector<1x16xf32> to vector<16xf32>
          %swap3A_928 = arith.index_cast %add3A_779 : i32 to index
          %swap3A_929 = arith.constant 256 : index
          %swap3A_930 = tpu.vector_load %arg6[%swap3A_928, %swap3A_929] {strides = array<i32>} : memref<64x384xf32, #tpu.memory_space<vmem>>, vector<1x16xf32>,
          %swap3A_931 = vector.shape_cast %swap3A_930 : vector<1x16xf32> to vector<16xf32>
          %swap3A_932 = vector.shape_cast %get3A_927 : vector<16xf32> to vector<1x16xf32>
          tpu.vector_store %arg6[%swap3A_928, %swap3A_929], %swap3A_932 {add = true, strides = array<i32>} : memref<64x384xf32, #tpu.memory_space<vmem>>, vector<1x16xf32>,
          %get3A_933 = arith.index_cast %add3A_779 : i32 to index
          %get3A_934 = arith.constant 272 : index
          %get3A_935 = tpu.vector_load %arg5[%get3A_933, %get3A_934] {strides = array<i32>} : memref<64x384xf32, #tpu.memory_space<vmem>>, vector<1x16xf32>,
          %get3A_936 = vector.shape_cast %get3A_935 : vector<1x16xf32> to vector<16xf32>
          %swap3A_937 = arith.index_cast %add3A_779 : i32 to index
          %swap3A_938 = arith.constant 272 : index
          %swap3A_939 = tpu.vector_load %arg6[%swap3A_937, %swap3A_938] {strides = array<i32>} : memref<64x384xf32, #tpu.memory_space<vmem>>, vector<1x16xf32>,
          %swap3A_940 = vector.shape_cast %swap3A_939 : vector<1x16xf32> to vector<16xf32>
          %swap3A_941 = vector.shape_cast %get3A_936 : vector<16xf32> to vector<1x16xf32>
          tpu.vector_store %arg6[%swap3A_937, %swap3A_938], %swap3A_941 {add = true, strides = array<i32>} : memref<64x384xf32, #tpu.memory_space<vmem>>, vector<1x16xf32>,
          %get3A_942 = arith.index_cast %add3A_779 : i32 to index
          %get3A_943 = arith.constant 288 : index
          %get3A_944 = tpu.vector_load %arg5[%get3A_942, %get3A_943] {strides = array<i32>} : memref<64x384xf32, #tpu.memory_space<vmem>>, vector<1x16xf32>,
          %get3A_945 = vector.shape_cast %get3A_944 : vector<1x16xf32> to vector<16xf32>
          %swap3A_946 = arith.index_cast %add3A_779 : i32 to index
          %swap3A_947 = arith.constant 288 : index
          %swap3A_948 = tpu.vector_load %arg6[%swap3A_946, %swap3A_947] {strides = array<i32>} : memref<64x384xf32, #tpu.memory_space<vmem>>, vector<1x16xf32>,
          %swap3A_949 = vector.shape_cast %swap3A_948 : vector<1x16xf32> to vector<16xf32>
          %swap3A_950 = vector.shape_cast %get3A_945 : vector<16xf32> to vector<1x16xf32>
          tpu.vector_store %arg6[%swap3A_946, %swap3A_947], %swap3A_950 {add = true, strides = array<i32>} : memref<64x384xf32, #tpu.memory_space<vmem>>, vector<1x16xf32>,
          %get3A_951 = arith.index_cast %add3A_779 : i32 to index
          %get3A_952 = arith.constant 304 : index
          %get3A_953 = tpu.vector_load %arg5[%get3A_951, %get3A_952] {strides = array<i32>} : memref<64x384xf32, #tpu.memory_space<vmem>>, vector<1x16xf32>,
          %get3A_954 = vector.shape_cast %get3A_953 : vector<1x16xf32> to vector<16xf32>
          %swap3A_955 = arith.index_cast %add3A_779 : i32 to index
          %swap3A_956 = arith.constant 304 : index
          %swap3A_957 = tpu.vector_load %arg6[%swap3A_955, %swap3A_956] {strides = array<i32>} : memref<64x384xf32, #tpu.memory_space<vmem>>, vector<1x16xf32>,
          %swap3A_958 = vector.shape_cast %swap3A_957 : vector<1x16xf32> to vector<16xf32>
          %swap3A_959 = vector.shape_cast %get3A_954 : vector<16xf32> to vector<1x16xf32>
          tpu.vector_store %arg6[%swap3A_955, %swap3A_956], %swap3A_959 {add = true, strides = array<i32>} : memref<64x384xf32, #tpu.memory_space<vmem>>, vector<1x16xf32>,
          %get3A_960 = arith.index_cast %add3A_779 : i32 to index
          %get3A_961 = arith.constant 320 : index
          %get3A_962 = tpu.vector_load %arg5[%get3A_960, %get3A_961] {strides = array<i32>} : memref<64x384xf32, #tpu.memory_space<vmem>>, vector<1x16xf32>,
          %get3A_963 = vector.shape_cast %get3A_962 : vector<1x16xf32> to vector<16xf32>
          %swap3A_964 = arith.index_cast %add3A_779 : i32 to index
          %swap3A_965 = arith.constant 320 : index
          %swap3A_966 = tpu.vector_load %arg6[%swap3A_964, %swap3A_965] {strides = array<i32>} : memref<64x384xf32, #tpu.memory_space<vmem>>, vector<1x16xf32>,
          %swap3A_967 = vector.shape_cast %swap3A_966 : vector<1x16xf32> to vector<16xf32>
          %swap3A_968 = vector.shape_cast %get3A_963 : vector<16xf32> to vector<1x16xf32>
          tpu.vector_store %arg6[%swap3A_964, %swap3A_965], %swap3A_968 {add = true, strides = array<i32>} : memref<64x384xf32, #tpu.memory_space<vmem>>, vector<1x16xf32>,
          %get3A_969 = arith.index_cast %add3A_779 : i32 to index
          %get3A_970 = arith.constant 336 : index
          %get3A_971 = tpu.vector_load %arg5[%get3A_969, %get3A_970] {strides = array<i32>} : memref<64x384xf32, #tpu.memory_space<vmem>>, vector<1x16xf32>,
          %get3A_972 = vector.shape_cast %get3A_971 : vector<1x16xf32> to vector<16xf32>
          %swap3A_973 = arith.index_cast %add3A_779 : i32 to index
          %swap3A_974 = arith.constant 336 : index
          %swap3A_975 = tpu.vector_load %arg6[%swap3A_973, %swap3A_974] {strides = array<i32>} : memref<64x384xf32, #tpu.memory_space<vmem>>, vector<1x16xf32>,
          %swap3A_976 = vector.shape_cast %swap3A_975 : vector<1x16xf32> to vector<16xf32>
          %swap3A_977 = vector.shape_cast %get3A_972 : vector<16xf32> to vector<1x16xf32>
          tpu.vector_store %arg6[%swap3A_973, %swap3A_974], %swap3A_977 {add = true, strides = array<i32>} : memref<64x384xf32, #tpu.memory_space<vmem>>, vector<1x16xf32>,
          %get3A_978 = arith.index_cast %add3A_779 : i32 to index
          %get3A_979 = arith.constant 352 : index
          %get3A_980 = tpu.vector_load %arg5[%get3A_978, %get3A_979] {strides = array<i32>} : memref<64x384xf32, #tpu.memory_space<vmem>>, vector<1x16xf32>,
          %get3A_981 = vector.shape_cast %get3A_980 : vector<1x16xf32> to vector<16xf32>
          %swap3A_982 = arith.index_cast %add3A_779 : i32 to index
          %swap3A_983 = arith.constant 352 : index
          %swap3A_984 = tpu.vector_load %arg6[%swap3A_982, %swap3A_983] {strides = array<i32>} : memref<64x384xf32, #tpu.memory_space<vmem>>, vector<1x16xf32>,
          %swap3A_985 = vector.shape_cast %swap3A_984 : vector<1x16xf32> to vector<16xf32>
          %swap3A_986 = vector.shape_cast %get3A_981 : vector<16xf32> to vector<1x16xf32>
          tpu.vector_store %arg6[%swap3A_982, %swap3A_983], %swap3A_986 {add = true, strides = array<i32>} : memref<64x384xf32, #tpu.memory_space<vmem>>, vector<1x16xf32>,
          %get3A_987 = arith.index_cast %add3A_779 : i32 to index
          %get3A_988 = arith.constant 368 : index
          %get3A_989 = tpu.vector_load %arg5[%get3A_987, %get3A_988] {strides = array<i32>} : memref<64x384xf32, #tpu.memory_space<vmem>>, vector<1x16xf32>,
          %get3A_990 = vector.shape_cast %get3A_989 : vector<1x16xf32> to vector<16xf32>
          %swap3A_991 = arith.index_cast %add3A_779 : i32 to index
          %swap3A_992 = arith.constant 368 : index
          %swap3A_993 = tpu.vector_load %arg6[%swap3A_991, %swap3A_992] {strides = array<i32>} : memref<64x384xf32, #tpu.memory_space<vmem>>, vector<1x16xf32>,
          %swap3A_994 = vector.shape_cast %swap3A_993 : vector<1x16xf32> to vector<16xf32>
          %swap3A_995 = vector.shape_cast %get3A_990 : vector<16xf32> to vector<1x16xf32>
          tpu.vector_store %arg6[%swap3A_991, %swap3A_992], %swap3A_995 {add = true, strides = array<i32>} : memref<64x384xf32, #tpu.memory_space<vmem>>, vector<1x16xf32>,
        }
        %scan3A_111 = arith.constant 16 : i32
        %mul3A_112 = arith.constant 32 : i32
        %mul3A_113 = arith.muli %add3A_89, %mul3A_112 : i32
        %add3A_114 = arith.addi %add3A, %mul3A_113 : i32
        %dma_start3A_115 = arith.constant 0 : i32
        %dma_start3A_116 = arith.constant 0 : i32
        %dma_start3A_117 = tpu.memref_slice %arg4[%add3A_114, %dma_start3A_115, %dma_start3A_116] : memref<1568x64x384xf32, #tpu.memory_space<hbm>> -> memref<1x64x384xf32, #tpu.memory_space<hbm>>
        %dma_start3A_118 = tpu.memref_squeeze %dma_start3A_117 : memref<1x64x384xf32, #tpu.memory_space<hbm>> -> memref<64x384xf32, #tpu.memory_space<hbm>>
        %dma_start3A_119 = arith.constant 0 : i32
        %dma_start3A_120 = arith.constant 0 : i32
        %dma_start3A_121 = tpu.memref_slice %arg4[%add3A_114, %dma_start3A_119, %dma_start3A_120] : memref<1568x64x384xf32, #tpu.memory_space<hbm>> -> memref<1x64x384xf32, #tpu.memory_space<hbm>>
        %dma_start3A_122 = tpu.memref_squeeze %dma_start3A_121 : memref<1x64x384xf32, #tpu.memory_space<hbm>> -> memref<64x384xf32, #tpu.memory_space<hbm>>
        tpu.enqueue_dma source(%arg6 : memref<64x384xf32, #tpu.memory_space<vmem>>) target(%dma_start3A_122 : memref<64x384xf32, #tpu.memory_space<hbm>>) target_semaphore(%arg14 : memref<!tpu.dma_semaphore, #tpu.memory_space<semaphore_mem>>)
      } else {
      }
      %add3A_67 = arith.constant 1 : i32
      %add3A_68 = arith.addi %mul3A_62, %add3A_67 : i32
      %lt3A_69 = arith.constant 49 : i32
      %lt3A_70 = arith.cmpi slt, %add3A_68, %lt3A_69 : i32
      %convert_element_type3A_71 = arith.extui %lt3A_70 : i1 to i32
      %cond3A_72 = arith.constant 0 : i32
      %cond3A_73 = arith.cmpi ne, %convert_element_type3A_71, %cond3A_72 : i32
      scf.if %cond3A_73 {
        %add3A_88 = arith.constant 1 : i32
        %add3A_89 = arith.addi %mul3A_62, %add3A_88 : i32
        %dma_wait3A_90 = arith.constant 0 : i32
        %dma_wait3A_91 = arith.constant 0 : i32
        %dma_wait3A_92 = arith.constant 0 : i32
        %dma_wait3A_93 = tpu.memref_slice %arg2[%dma_wait3A_90, %dma_wait3A_91, %dma_wait3A_92] : memref<1568x64x384xf32, #tpu.memory_space<hbm>> -> memref<1x64x384xf32, #tpu.memory_space<hbm>>
        %dma_wait3A_94 = tpu.memref_squeeze %dma_wait3A_93 : memref<1x64x384xf32, #tpu.memory_space<hbm>> -> memref<64x384xf32, #tpu.memory_space<hbm>>
        %dma_wait3A_95 = arith.constant 0 : i32
        %dma_wait3A_96 = arith.constant 0 : i32
        %dma_wait3A_97 = tpu.memref_slice %arg2[%dma_wait3A_90, %dma_wait3A_95, %dma_wait3A_96] : memref<1568x64x384xf32, #tpu.memory_space<hbm>> -> memref<1x64x384xf32, #tpu.memory_space<hbm>>
        %dma_wait3A_98 = tpu.memref_squeeze %dma_wait3A_97 : memref<1x64x384xf32, #tpu.memory_space<hbm>> -> memref<64x384xf32, #tpu.memory_space<hbm>>
        tpu.wait_dma2 semaphore(%arg11 : memref<!tpu.dma_semaphore, #tpu.memory_space<semaphore_mem>>) src(%dma_wait3A_98 : memref<64x384xf32, #tpu.memory_space<hbm>>) dst(%arg7 : memref<64x384xf32, #tpu.memory_space<vmem>>)
        %add3A_99 = arith.constant 2 : i32
        %add3A_100 = arith.addi %add3A_89, %add3A_99 : i32
        %lt3A_101 = arith.constant 49 : i32
        %lt3A_102 = arith.cmpi slt, %add3A_100, %lt3A_101 : i32
        %convert_element_type3A_103 = arith.extui %lt3A_102 : i1 to i32
        %cond3A_104 = arith.constant 0 : i32
        %cond3A_105 = arith.cmpi ne, %convert_element_type3A_103, %cond3A_104 : i32
        scf.if %cond3A_105 {
          %ge3A = arith.constant 2 : i32
          %ge3A_123 = arith.cmpi sge, %add3A_89, %ge3A : i32
          %convert_element_type3A_124 = arith.extui %ge3A_123 : i1 to i32
          %cond3A_125 = arith.constant 0 : i32
          %cond3A_126 = arith.cmpi ne, %convert_element_type3A_124, %cond3A_125 : i32
          scf.if %cond3A_126 {
            %dma_wait3A_140 = arith.constant 0 : i32
            %dma_wait3A_141 = arith.constant 0 : i32
            %dma_wait3A_142 = arith.constant 0 : i32
            %dma_wait3A_143 = tpu.memref_slice %arg4[%dma_wait3A_140, %dma_wait3A_141, %dma_wait3A_142] : memref<1568x64x384xf32, #tpu.memory_space<hbm>> -> memref<1x64x384xf32, #tpu.memory_space<hbm>>
            %dma_wait3A_144 = tpu.memref_squeeze %dma_wait3A_143 : memref<1x64x384xf32, #tpu.memory_space<hbm>> -> memref<64x384xf32, #tpu.memory_space<hbm>>
            %dma_wait3A_145 = arith.constant 0 : i32
            %dma_wait3A_146 = arith.constant 0 : i32
            %dma_wait3A_147 = tpu.memref_slice %arg4[%dma_wait3A_140, %dma_wait3A_145, %dma_wait3A_146] : memref<1568x64x384xf32, #tpu.memory_space<hbm>> -> memref<1x64x384xf32, #tpu.memory_space<hbm>>
            %dma_wait3A_148 = tpu.memref_squeeze %dma_wait3A_147 : memref<1x64x384xf32, #tpu.memory_space<hbm>> -> memref<64x384xf32, #tpu.memory_space<hbm>>
            tpu.wait_dma2 semaphore(%arg17 : memref<!tpu.dma_semaphore, #tpu.memory_space<semaphore_mem>>) src(%arg9 : memref<64x384xf32, #tpu.memory_space<vmem>>) dst(%dma_wait3A_148 : memref<64x384xf32, #tpu.memory_space<hbm>>)
          } else {
          }
          %add3A_127 = arith.constant 2 : i32
          %add3A_128 = arith.addi %add3A_89, %add3A_127 : i32
          %mul3A_129 = arith.constant 32 : i32
          %mul3A_130 = arith.muli %add3A_128, %mul3A_129 : i32
          %add3A_131 = arith.addi %add3A, %mul3A_130 : i32
          %dma_start3A_132 = arith.constant 0 : i32
          %dma_start3A_133 = arith.constant 0 : i32
          %dma_start3A_134 = tpu.memref_slice %arg2[%add3A_131, %dma_start3A_132, %dma_start3A_133] : memref<1568x64x384xf32, #tpu.memory_space<hbm>> -> memref<1x64x384xf32, #tpu.memory_space<hbm>>
          %dma_start3A_135 = tpu.memref_squeeze %dma_start3A_134 : memref<1x64x384xf32, #tpu.memory_space<hbm>> -> memref<64x384xf32, #tpu.memory_space<hbm>>
          %dma_start3A_136 = arith.constant 0 : i32
          %dma_start3A_137 = arith.constant 0 : i32
          %dma_start3A_138 = tpu.memref_slice %arg2[%add3A_131, %dma_start3A_136, %dma_start3A_137] : memref<1568x64x384xf32, #tpu.memory_space<hbm>> -> memref<1x64x384xf32, #tpu.memory_space<hbm>>
          %dma_start3A_139 = tpu.memref_squeeze %dma_start3A_138 : memref<1x64x384xf32, #tpu.memory_space<hbm>> -> memref<64x384xf32, #tpu.memory_space<hbm>>
          tpu.enqueue_dma source(%dma_start3A_139 : memref<64x384xf32, #tpu.memory_space<hbm>>) target(%arg9 : memref<64x384xf32, #tpu.memory_space<vmem>>) target_semaphore(%arg13 : memref<!tpu.dma_semaphore, #tpu.memory_space<semaphore_mem>>)
        } else {
        }
        %scan3A_106 = arith.constant 0 : i32
        %scan3A_107 = arith.constant 0 : i32
        %scan3A_108 = arith.constant 16 : i32
        %scan3A_109 = arith.addi %scan3A_107, %scan3A_108 : i32
        %scan3A_110 = arith.constant 1 : i32
        scf.for %scan3A_123 = %scan3A_107 to %scan3A_109 step %scan3A_110  : i32 {
          %mul3A_124 = arith.constant 4 : i32
          %mul3A_125 = arith.muli %scan3A_123, %mul3A_124 : i32
          %add3A_126 = arith.constant 0 : i32
          %add3A_127 = arith.addi %mul3A_125, %add3A_126 : i32
          %get3A = arith.index_cast %add3A_127 : i32 to index
          %get3A_128 = arith.constant 0 : index
          %get3A_129 = tpu.vector_load %arg5[%get3A, %get3A_128] {strides = array<i32>} : memref<64x384xf32, #tpu.memory_space<vmem>>, vector<1x16xf32>,
          %get3A_130 = vector.shape_cast %get3A_129 : vector<1x16xf32> to vector<16xf32>
          %swap3A = arith.index_cast %add3A_127 : i32 to index
          %swap3A_131 = arith.constant 0 : index
          %swap3A_132 = tpu.vector_load %arg7[%swap3A, %swap3A_131] {strides = array<i32>} : memref<64x384xf32, #tpu.memory_space<vmem>>, vector<1x16xf32>,
          %swap3A_133 = vector.shape_cast %swap3A_132 : vector<1x16xf32> to vector<16xf32>
          %swap3A_134 = vector.shape_cast %get3A_130 : vector<16xf32> to vector<1x16xf32>
          tpu.vector_store %arg7[%swap3A, %swap3A_131], %swap3A_134 {add = true, strides = array<i32>} : memref<64x384xf32, #tpu.memory_space<vmem>>, vector<1x16xf32>,
          %get3A_135 = arith.index_cast %add3A_127 : i32 to index
          %get3A_136 = arith.constant 16 : index
          %get3A_137 = tpu.vector_load %arg5[%get3A_135, %get3A_136] {strides = array<i32>} : memref<64x384xf32, #tpu.memory_space<vmem>>, vector<1x16xf32>,
          %get3A_138 = vector.shape_cast %get3A_137 : vector<1x16xf32> to vector<16xf32>
          %swap3A_139 = arith.index_cast %add3A_127 : i32 to index
          %swap3A_140 = arith.constant 16 : index
          %swap3A_141 = tpu.vector_load %arg7[%swap3A_139, %swap3A_140] {strides = array<i32>} : memref<64x384xf32, #tpu.memory_space<vmem>>, vector<1x16xf32>,
          %swap3A_142 = vector.shape_cast %swap3A_141 : vector<1x16xf32> to vector<16xf32>
          %swap3A_143 = vector.shape_cast %get3A_138 : vector<16xf32> to vector<1x16xf32>
          tpu.vector_store %arg7[%swap3A_139, %swap3A_140], %swap3A_143 {add = true, strides = array<i32>} : memref<64x384xf32, #tpu.memory_space<vmem>>, vector<1x16xf32>,
          %get3A_144 = arith.index_cast %add3A_127 : i32 to index
          %get3A_145 = arith.constant 32 : index
          %get3A_146 = tpu.vector_load %arg5[%get3A_144, %get3A_145] {strides = array<i32>} : memref<64x384xf32, #tpu.memory_space<vmem>>, vector<1x16xf32>,
          %get3A_147 = vector.shape_cast %get3A_146 : vector<1x16xf32> to vector<16xf32>
          %swap3A_148 = arith.index_cast %add3A_127 : i32 to index
          %swap3A_149 = arith.constant 32 : index
          %swap3A_150 = tpu.vector_load %arg7[%swap3A_148, %swap3A_149] {strides = array<i32>} : memref<64x384xf32, #tpu.memory_space<vmem>>, vector<1x16xf32>,
          %swap3A_151 = vector.shape_cast %swap3A_150 : vector<1x16xf32> to vector<16xf32>
          %swap3A_152 = vector.shape_cast %get3A_147 : vector<16xf32> to vector<1x16xf32>
          tpu.vector_store %arg7[%swap3A_148, %swap3A_149], %swap3A_152 {add = true, strides = array<i32>} : memref<64x384xf32, #tpu.memory_space<vmem>>, vector<1x16xf32>,
          %get3A_153 = arith.index_cast %add3A_127 : i32 to index
          %get3A_154 = arith.constant 48 : index
          %get3A_155 = tpu.vector_load %arg5[%get3A_153, %get3A_154] {strides = array<i32>} : memref<64x384xf32, #tpu.memory_space<vmem>>, vector<1x16xf32>,
          %get3A_156 = vector.shape_cast %get3A_155 : vector<1x16xf32> to vector<16xf32>
          %swap3A_157 = arith.index_cast %add3A_127 : i32 to index
          %swap3A_158 = arith.constant 48 : index
          %swap3A_159 = tpu.vector_load %arg7[%swap3A_157, %swap3A_158] {strides = array<i32>} : memref<64x384xf32, #tpu.memory_space<vmem>>, vector<1x16xf32>,
          %swap3A_160 = vector.shape_cast %swap3A_159 : vector<1x16xf32> to vector<16xf32>
          %swap3A_161 = vector.shape_cast %get3A_156 : vector<16xf32> to vector<1x16xf32>
          tpu.vector_store %arg7[%swap3A_157, %swap3A_158], %swap3A_161 {add = true, strides = array<i32>} : memref<64x384xf32, #tpu.memory_space<vmem>>, vector<1x16xf32>,
          %get3A_162 = arith.index_cast %add3A_127 : i32 to index
          %get3A_163 = arith.constant 64 : index
          %get3A_164 = tpu.vector_load %arg5[%get3A_162, %get3A_163] {strides = array<i32>} : memref<64x384xf32, #tpu.memory_space<vmem>>, vector<1x16xf32>,
          %get3A_165 = vector.shape_cast %get3A_164 : vector<1x16xf32> to vector<16xf32>
          %swap3A_166 = arith.index_cast %add3A_127 : i32 to index
          %swap3A_167 = arith.constant 64 : index
          %swap3A_168 = tpu.vector_load %arg7[%swap3A_166, %swap3A_167] {strides = array<i32>} : memref<64x384xf32, #tpu.memory_space<vmem>>, vector<1x16xf32>,
          %swap3A_169 = vector.shape_cast %swap3A_168 : vector<1x16xf32> to vector<16xf32>
          %swap3A_170 = vector.shape_cast %get3A_165 : vector<16xf32> to vector<1x16xf32>
          tpu.vector_store %arg7[%swap3A_166, %swap3A_167], %swap3A_170 {add = true, strides = array<i32>} : memref<64x384xf32, #tpu.memory_space<vmem>>, vector<1x16xf32>,
          %get3A_171 = arith.index_cast %add3A_127 : i32 to index
          %get3A_172 = arith.constant 80 : index
          %get3A_173 = tpu.vector_load %arg5[%get3A_171, %get3A_172] {strides = array<i32>} : memref<64x384xf32, #tpu.memory_space<vmem>>, vector<1x16xf32>,
          %get3A_174 = vector.shape_cast %get3A_173 : vector<1x16xf32> to vector<16xf32>
          %swap3A_175 = arith.index_cast %add3A_127 : i32 to index
          %swap3A_176 = arith.constant 80 : index
          %swap3A_177 = tpu.vector_load %arg7[%swap3A_175, %swap3A_176] {strides = array<i32>} : memref<64x384xf32, #tpu.memory_space<vmem>>, vector<1x16xf32>,
          %swap3A_178 = vector.shape_cast %swap3A_177 : vector<1x16xf32> to vector<16xf32>
          %swap3A_179 = vector.shape_cast %get3A_174 : vector<16xf32> to vector<1x16xf32>
          tpu.vector_store %arg7[%swap3A_175, %swap3A_176], %swap3A_179 {add = true, strides = array<i32>} : memref<64x384xf32, #tpu.memory_space<vmem>>, vector<1x16xf32>,
          %get3A_180 = arith.index_cast %add3A_127 : i32 to index
          %get3A_181 = arith.constant 96 : index
          %get3A_182 = tpu.vector_load %arg5[%get3A_180, %get3A_181] {strides = array<i32>} : memref<64x384xf32, #tpu.memory_space<vmem>>, vector<1x16xf32>,
          %get3A_183 = vector.shape_cast %get3A_182 : vector<1x16xf32> to vector<16xf32>
          %swap3A_184 = arith.index_cast %add3A_127 : i32 to index
          %swap3A_185 = arith.constant 96 : index
          %swap3A_186 = tpu.vector_load %arg7[%swap3A_184, %swap3A_185] {strides = array<i32>} : memref<64x384xf32, #tpu.memory_space<vmem>>, vector<1x16xf32>,
          %swap3A_187 = vector.shape_cast %swap3A_186 : vector<1x16xf32> to vector<16xf32>
          %swap3A_188 = vector.shape_cast %get3A_183 : vector<16xf32> to vector<1x16xf32>
          tpu.vector_store %arg7[%swap3A_184, %swap3A_185], %swap3A_188 {add = true, strides = array<i32>} : memref<64x384xf32, #tpu.memory_space<vmem>>, vector<1x16xf32>,
          %get3A_189 = arith.index_cast %add3A_127 : i32 to index
          %get3A_190 = arith.constant 112 : index
          %get3A_191 = tpu.vector_load %arg5[%get3A_189, %get3A_190] {strides = array<i32>} : memref<64x384xf32, #tpu.memory_space<vmem>>, vector<1x16xf32>,
          %get3A_192 = vector.shape_cast %get3A_191 : vector<1x16xf32> to vector<16xf32>
          %swap3A_193 = arith.index_cast %add3A_127 : i32 to index
          %swap3A_194 = arith.constant 112 : index
          %swap3A_195 = tpu.vector_load %arg7[%swap3A_193, %swap3A_194] {strides = array<i32>} : memref<64x384xf32, #tpu.memory_space<vmem>>, vector<1x16xf32>,
          %swap3A_196 = vector.shape_cast %swap3A_195 : vector<1x16xf32> to vector<16xf32>
          %swap3A_197 = vector.shape_cast %get3A_192 : vector<16xf32> to vector<1x16xf32>
          tpu.vector_store %arg7[%swap3A_193, %swap3A_194], %swap3A_197 {add = true, strides = array<i32>} : memref<64x384xf32, #tpu.memory_space<vmem>>, vector<1x16xf32>,
          %get3A_198 = arith.index_cast %add3A_127 : i32 to index
          %get3A_199 = arith.constant 128 : index
          %get3A_200 = tpu.vector_load %arg5[%get3A_198, %get3A_199] {strides = array<i32>} : memref<64x384xf32, #tpu.memory_space<vmem>>, vector<1x16xf32>,
          %get3A_201 = vector.shape_cast %get3A_200 : vector<1x16xf32> to vector<16xf32>
          %swap3A_202 = arith.index_cast %add3A_127 : i32 to index
          %swap3A_203 = arith.constant 128 : index
          %swap3A_204 = tpu.vector_load %arg7[%swap3A_202, %swap3A_203] {strides = array<i32>} : memref<64x384xf32, #tpu.memory_space<vmem>>, vector<1x16xf32>,
          %swap3A_205 = vector.shape_cast %swap3A_204 : vector<1x16xf32> to vector<16xf32>
          %swap3A_206 = vector.shape_cast %get3A_201 : vector<16xf32> to vector<1x16xf32>
          tpu.vector_store %arg7[%swap3A_202, %swap3A_203], %swap3A_206 {add = true, strides = array<i32>} : memref<64x384xf32, #tpu.memory_space<vmem>>, vector<1x16xf32>,
          %get3A_207 = arith.index_cast %add3A_127 : i32 to index
          %get3A_208 = arith.constant 144 : index
          %get3A_209 = tpu.vector_load %arg5[%get3A_207, %get3A_208] {strides = array<i32>} : memref<64x384xf32, #tpu.memory_space<vmem>>, vector<1x16xf32>,
          %get3A_210 = vector.shape_cast %get3A_209 : vector<1x16xf32> to vector<16xf32>
          %swap3A_211 = arith.index_cast %add3A_127 : i32 to index
          %swap3A_212 = arith.constant 144 : index
          %swap3A_213 = tpu.vector_load %arg7[%swap3A_211, %swap3A_212] {strides = array<i32>} : memref<64x384xf32, #tpu.memory_space<vmem>>, vector<1x16xf32>,
          %swap3A_214 = vector.shape_cast %swap3A_213 : vector<1x16xf32> to vector<16xf32>
          %swap3A_215 = vector.shape_cast %get3A_210 : vector<16xf32> to vector<1x16xf32>
          tpu.vector_store %arg7[%swap3A_211, %swap3A_212], %swap3A_215 {add = true, strides = array<i32>} : memref<64x384xf32, #tpu.memory_space<vmem>>, vector<1x16xf32>,
          %get3A_216 = arith.index_cast %add3A_127 : i32 to index
          %get3A_217 = arith.constant 160 : index
          %get3A_218 = tpu.vector_load %arg5[%get3A_216, %get3A_217] {strides = array<i32>} : memref<64x384xf32, #tpu.memory_space<vmem>>, vector<1x16xf32>,
          %get3A_219 = vector.shape_cast %get3A_218 : vector<1x16xf32> to vector<16xf32>
          %swap3A_220 = arith.index_cast %add3A_127 : i32 to index
          %swap3A_221 = arith.constant 160 : index
          %swap3A_222 = tpu.vector_load %arg7[%swap3A_220, %swap3A_221] {strides = array<i32>} : memref<64x384xf32, #tpu.memory_space<vmem>>, vector<1x16xf32>,
          %swap3A_223 = vector.shape_cast %swap3A_222 : vector<1x16xf32> to vector<16xf32>
          %swap3A_224 = vector.shape_cast %get3A_219 : vector<16xf32> to vector<1x16xf32>
          tpu.vector_store %arg7[%swap3A_220, %swap3A_221], %swap3A_224 {add = true, strides = array<i32>} : memref<64x384xf32, #tpu.memory_space<vmem>>, vector<1x16xf32>,
          %get3A_225 = arith.index_cast %add3A_127 : i32 to index
          %get3A_226 = arith.constant 176 : index
          %get3A_227 = tpu.vector_load %arg5[%get3A_225, %get3A_226] {strides = array<i32>} : memref<64x384xf32, #tpu.memory_space<vmem>>, vector<1x16xf32>,
          %get3A_228 = vector.shape_cast %get3A_227 : vector<1x16xf32> to vector<16xf32>
          %swap3A_229 = arith.index_cast %add3A_127 : i32 to index
          %swap3A_230 = arith.constant 176 : index
          %swap3A_231 = tpu.vector_load %arg7[%swap3A_229, %swap3A_230] {strides = array<i32>} : memref<64x384xf32, #tpu.memory_space<vmem>>, vector<1x16xf32>,
          %swap3A_232 = vector.shape_cast %swap3A_231 : vector<1x16xf32> to vector<16xf32>
          %swap3A_233 = vector.shape_cast %get3A_228 : vector<16xf32> to vector<1x16xf32>
          tpu.vector_store %arg7[%swap3A_229, %swap3A_230], %swap3A_233 {add = true, strides = array<i32>} : memref<64x384xf32, #tpu.memory_space<vmem>>, vector<1x16xf32>,
          %get3A_234 = arith.index_cast %add3A_127 : i32 to index
          %get3A_235 = arith.constant 192 : index
          %get3A_236 = tpu.vector_load %arg5[%get3A_234, %get3A_235] {strides = array<i32>} : memref<64x384xf32, #tpu.memory_space<vmem>>, vector<1x16xf32>,
          %get3A_237 = vector.shape_cast %get3A_236 : vector<1x16xf32> to vector<16xf32>
          %swap3A_238 = arith.index_cast %add3A_127 : i32 to index
          %swap3A_239 = arith.constant 192 : index
          %swap3A_240 = tpu.vector_load %arg7[%swap3A_238, %swap3A_239] {strides = array<i32>} : memref<64x384xf32, #tpu.memory_space<vmem>>, vector<1x16xf32>,
          %swap3A_241 = vector.shape_cast %swap3A_240 : vector<1x16xf32> to vector<16xf32>
          %swap3A_242 = vector.shape_cast %get3A_237 : vector<16xf32> to vector<1x16xf32>
          tpu.vector_store %arg7[%swap3A_238, %swap3A_239], %swap3A_242 {add = true, strides = array<i32>} : memref<64x384xf32, #tpu.memory_space<vmem>>, vector<1x16xf32>,
          %get3A_243 = arith.index_cast %add3A_127 : i32 to index
          %get3A_244 = arith.constant 208 : index
          %get3A_245 = tpu.vector_load %arg5[%get3A_243, %get3A_244] {strides = array<i32>} : memref<64x384xf32, #tpu.memory_space<vmem>>, vector<1x16xf32>,
          %get3A_246 = vector.shape_cast %get3A_245 : vector<1x16xf32> to vector<16xf32>
          %swap3A_247 = arith.index_cast %add3A_127 : i32 to index
          %swap3A_248 = arith.constant 208 : index
          %swap3A_249 = tpu.vector_load %arg7[%swap3A_247, %swap3A_248] {strides = array<i32>} : memref<64x384xf32, #tpu.memory_space<vmem>>, vector<1x16xf32>,
          %swap3A_250 = vector.shape_cast %swap3A_249 : vector<1x16xf32> to vector<16xf32>
          %swap3A_251 = vector.shape_cast %get3A_246 : vector<16xf32> to vector<1x16xf32>
          tpu.vector_store %arg7[%swap3A_247, %swap3A_248], %swap3A_251 {add = true, strides = array<i32>} : memref<64x384xf32, #tpu.memory_space<vmem>>, vector<1x16xf32>,
          %get3A_252 = arith.index_cast %add3A_127 : i32 to index
          %get3A_253 = arith.constant 224 : index
          %get3A_254 = tpu.vector_load %arg5[%get3A_252, %get3A_253] {strides = array<i32>} : memref<64x384xf32, #tpu.memory_space<vmem>>, vector<1x16xf32>,
          %get3A_255 = vector.shape_cast %get3A_254 : vector<1x16xf32> to vector<16xf32>
          %swap3A_256 = arith.index_cast %add3A_127 : i32 to index
          %swap3A_257 = arith.constant 224 : index
          %swap3A_258 = tpu.vector_load %arg7[%swap3A_256, %swap3A_257] {strides = array<i32>} : memref<64x384xf32, #tpu.memory_space<vmem>>, vector<1x16xf32>,
          %swap3A_259 = vector.shape_cast %swap3A_258 : vector<1x16xf32> to vector<16xf32>
          %swap3A_260 = vector.shape_cast %get3A_255 : vector<16xf32> to vector<1x16xf32>
          tpu.vector_store %arg7[%swap3A_256, %swap3A_257], %swap3A_260 {add = true, strides = array<i32>} : memref<64x384xf32, #tpu.memory_space<vmem>>, vector<1x16xf32>,
          %get3A_261 = arith.index_cast %add3A_127 : i32 to index
          %get3A_262 = arith.constant 240 : index
          %get3A_263 = tpu.vector_load %arg5[%get3A_261, %get3A_262] {strides = array<i32>} : memref<64x384xf32, #tpu.memory_space<vmem>>, vector<1x16xf32>,
          %get3A_264 = vector.shape_cast %get3A_263 : vector<1x16xf32> to vector<16xf32>
          %swap3A_265 = arith.index_cast %add3A_127 : i32 to index
          %swap3A_266 = arith.constant 240 : index
          %swap3A_267 = tpu.vector_load %arg7[%swap3A_265, %swap3A_266] {strides = array<i32>} : memref<64x384xf32, #tpu.memory_space<vmem>>, vector<1x16xf32>,
          %swap3A_268 = vector.shape_cast %swap3A_267 : vector<1x16xf32> to vector<16xf32>
          %swap3A_269 = vector.shape_cast %get3A_264 : vector<16xf32> to vector<1x16xf32>
          tpu.vector_store %arg7[%swap3A_265, %swap3A_266], %swap3A_269 {add = true, strides = array<i32>} : memref<64x384xf32, #tpu.memory_space<vmem>>, vector<1x16xf32>,
          %get3A_270 = arith.index_cast %add3A_127 : i32 to index
          %get3A_271 = arith.constant 256 : index
          %get3A_272 = tpu.vector_load %arg5[%get3A_270, %get3A_271] {strides = array<i32>} : memref<64x384xf32, #tpu.memory_space<vmem>>, vector<1x16xf32>,
          %get3A_273 = vector.shape_cast %get3A_272 : vector<1x16xf32> to vector<16xf32>
          %swap3A_274 = arith.index_cast %add3A_127 : i32 to index
          %swap3A_275 = arith.constant 256 : index
          %swap3A_276 = tpu.vector_load %arg7[%swap3A_274, %swap3A_275] {strides = array<i32>} : memref<64x384xf32, #tpu.memory_space<vmem>>, vector<1x16xf32>,
          %swap3A_277 = vector.shape_cast %swap3A_276 : vector<1x16xf32> to vector<16xf32>
          %swap3A_278 = vector.shape_cast %get3A_273 : vector<16xf32> to vector<1x16xf32>
          tpu.vector_store %arg7[%swap3A_274, %swap3A_275], %swap3A_278 {add = true, strides = array<i32>} : memref<64x384xf32, #tpu.memory_space<vmem>>, vector<1x16xf32>,
          %get3A_279 = arith.index_cast %add3A_127 : i32 to index
          %get3A_280 = arith.constant 272 : index
          %get3A_281 = tpu.vector_load %arg5[%get3A_279, %get3A_280] {strides = array<i32>} : memref<64x384xf32, #tpu.memory_space<vmem>>, vector<1x16xf32>,
          %get3A_282 = vector.shape_cast %get3A_281 : vector<1x16xf32> to vector<16xf32>
          %swap3A_283 = arith.index_cast %add3A_127 : i32 to index
          %swap3A_284 = arith.constant 272 : index
          %swap3A_285 = tpu.vector_load %arg7[%swap3A_283, %swap3A_284] {strides = array<i32>} : memref<64x384xf32, #tpu.memory_space<vmem>>, vector<1x16xf32>,
          %swap3A_286 = vector.shape_cast %swap3A_285 : vector<1x16xf32> to vector<16xf32>
          %swap3A_287 = vector.shape_cast %get3A_282 : vector<16xf32> to vector<1x16xf32>
          tpu.vector_store %arg7[%swap3A_283, %swap3A_284], %swap3A_287 {add = true, strides = array<i32>} : memref<64x384xf32, #tpu.memory_space<vmem>>, vector<1x16xf32>,
          %get3A_288 = arith.index_cast %add3A_127 : i32 to index
          %get3A_289 = arith.constant 288 : index
          %get3A_290 = tpu.vector_load %arg5[%get3A_288, %get3A_289] {strides = array<i32>} : memref<64x384xf32, #tpu.memory_space<vmem>>, vector<1x16xf32>,
          %get3A_291 = vector.shape_cast %get3A_290 : vector<1x16xf32> to vector<16xf32>
          %swap3A_292 = arith.index_cast %add3A_127 : i32 to index
          %swap3A_293 = arith.constant 288 : index
          %swap3A_294 = tpu.vector_load %arg7[%swap3A_292, %swap3A_293] {strides = array<i32>} : memref<64x384xf32, #tpu.memory_space<vmem>>, vector<1x16xf32>,
          %swap3A_295 = vector.shape_cast %swap3A_294 : vector<1x16xf32> to vector<16xf32>
          %swap3A_296 = vector.shape_cast %get3A_291 : vector<16xf32> to vector<1x16xf32>
          tpu.vector_store %arg7[%swap3A_292, %swap3A_293], %swap3A_296 {add = true, strides = array<i32>} : memref<64x384xf32, #tpu.memory_space<vmem>>, vector<1x16xf32>,
          %get3A_297 = arith.index_cast %add3A_127 : i32 to index
          %get3A_298 = arith.constant 304 : index
          %get3A_299 = tpu.vector_load %arg5[%get3A_297, %get3A_298] {strides = array<i32>} : memref<64x384xf32, #tpu.memory_space<vmem>>, vector<1x16xf32>,
          %get3A_300 = vector.shape_cast %get3A_299 : vector<1x16xf32> to vector<16xf32>
          %swap3A_301 = arith.index_cast %add3A_127 : i32 to index
          %swap3A_302 = arith.constant 304 : index
          %swap3A_303 = tpu.vector_load %arg7[%swap3A_301, %swap3A_302] {strides = array<i32>} : memref<64x384xf32, #tpu.memory_space<vmem>>, vector<1x16xf32>,
          %swap3A_304 = vector.shape_cast %swap3A_303 : vector<1x16xf32> to vector<16xf32>
          %swap3A_305 = vector.shape_cast %get3A_300 : vector<16xf32> to vector<1x16xf32>
          tpu.vector_store %arg7[%swap3A_301, %swap3A_302], %swap3A_305 {add = true, strides = array<i32>} : memref<64x384xf32, #tpu.memory_space<vmem>>, vector<1x16xf32>,
          %get3A_306 = arith.index_cast %add3A_127 : i32 to index
          %get3A_307 = arith.constant 320 : index
          %get3A_308 = tpu.vector_load %arg5[%get3A_306, %get3A_307] {strides = array<i32>} : memref<64x384xf32, #tpu.memory_space<vmem>>, vector<1x16xf32>,
          %get3A_309 = vector.shape_cast %get3A_308 : vector<1x16xf32> to vector<16xf32>
          %swap3A_310 = arith.index_cast %add3A_127 : i32 to index
          %swap3A_311 = arith.constant 320 : index
          %swap3A_312 = tpu.vector_load %arg7[%swap3A_310, %swap3A_311] {strides = array<i32>} : memref<64x384xf32, #tpu.memory_space<vmem>>, vector<1x16xf32>,
          %swap3A_313 = vector.shape_cast %swap3A_312 : vector<1x16xf32> to vector<16xf32>
          %swap3A_314 = vector.shape_cast %get3A_309 : vector<16xf32> to vector<1x16xf32>
          tpu.vector_store %arg7[%swap3A_310, %swap3A_311], %swap3A_314 {add = true, strides = array<i32>} : memref<64x384xf32, #tpu.memory_space<vmem>>, vector<1x16xf32>,
          %get3A_315 = arith.index_cast %add3A_127 : i32 to index
          %get3A_316 = arith.constant 336 : index
          %get3A_317 = tpu.vector_load %arg5[%get3A_315, %get3A_316] {strides = array<i32>} : memref<64x384xf32, #tpu.memory_space<vmem>>, vector<1x16xf32>,
          %get3A_318 = vector.shape_cast %get3A_317 : vector<1x16xf32> to vector<16xf32>
          %swap3A_319 = arith.index_cast %add3A_127 : i32 to index
          %swap3A_320 = arith.constant 336 : index
          %swap3A_321 = tpu.vector_load %arg7[%swap3A_319, %swap3A_320] {strides = array<i32>} : memref<64x384xf32, #tpu.memory_space<vmem>>, vector<1x16xf32>,
          %swap3A_322 = vector.shape_cast %swap3A_321 : vector<1x16xf32> to vector<16xf32>
          %swap3A_323 = vector.shape_cast %get3A_318 : vector<16xf32> to vector<1x16xf32>
          tpu.vector_store %arg7[%swap3A_319, %swap3A_320], %swap3A_323 {add = true, strides = array<i32>} : memref<64x384xf32, #tpu.memory_space<vmem>>, vector<1x16xf32>,
          %get3A_324 = arith.index_cast %add3A_127 : i32 to index
          %get3A_325 = arith.constant 352 : index
          %get3A_326 = tpu.vector_load %arg5[%get3A_324, %get3A_325] {strides = array<i32>} : memref<64x384xf32, #tpu.memory_space<vmem>>, vector<1x16xf32>,
          %get3A_327 = vector.shape_cast %get3A_326 : vector<1x16xf32> to vector<16xf32>
          %swap3A_328 = arith.index_cast %add3A_127 : i32 to index
          %swap3A_329 = arith.constant 352 : index
          %swap3A_330 = tpu.vector_load %arg7[%swap3A_328, %swap3A_329] {strides = array<i32>} : memref<64x384xf32, #tpu.memory_space<vmem>>, vector<1x16xf32>,
          %swap3A_331 = vector.shape_cast %swap3A_330 : vector<1x16xf32> to vector<16xf32>
          %swap3A_332 = vector.shape_cast %get3A_327 : vector<16xf32> to vector<1x16xf32>
          tpu.vector_store %arg7[%swap3A_328, %swap3A_329], %swap3A_332 {add = true, strides = array<i32>} : memref<64x384xf32, #tpu.memory_space<vmem>>, vector<1x16xf32>,
          %get3A_333 = arith.index_cast %add3A_127 : i32 to index
          %get3A_334 = arith.constant 368 : index
          %get3A_335 = tpu.vector_load %arg5[%get3A_333, %get3A_334] {strides = array<i32>} : memref<64x384xf32, #tpu.memory_space<vmem>>, vector<1x16xf32>,
          %get3A_336 = vector.shape_cast %get3A_335 : vector<1x16xf32> to vector<16xf32>
          %swap3A_337 = arith.index_cast %add3A_127 : i32 to index
          %swap3A_338 = arith.constant 368 : index
          %swap3A_339 = tpu.vector_load %arg7[%swap3A_337, %swap3A_338] {strides = array<i32>} : memref<64x384xf32, #tpu.memory_space<vmem>>, vector<1x16xf32>,
          %swap3A_340 = vector.shape_cast %swap3A_339 : vector<1x16xf32> to vector<16xf32>
          %swap3A_341 = vector.shape_cast %get3A_336 : vector<16xf32> to vector<1x16xf32>
          tpu.vector_store %arg7[%swap3A_337, %swap3A_338], %swap3A_341 {add = true, strides = array<i32>} : memref<64x384xf32, #tpu.memory_space<vmem>>, vector<1x16xf32>,
          %add3A_342 = arith.constant 1 : i32
          %add3A_343 = arith.addi %mul3A_125, %add3A_342 : i32
          %get3A_344 = arith.index_cast %add3A_343 : i32 to index
          %get3A_345 = arith.constant 0 : index
          %get3A_346 = tpu.vector_load %arg5[%get3A_344, %get3A_345] {strides = array<i32>} : memref<64x384xf32, #tpu.memory_space<vmem>>, vector<1x16xf32>,
          %get3A_347 = vector.shape_cast %get3A_346 : vector<1x16xf32> to vector<16xf32>
          %swap3A_348 = arith.index_cast %add3A_343 : i32 to index
          %swap3A_349 = arith.constant 0 : index
          %swap3A_350 = tpu.vector_load %arg7[%swap3A_348, %swap3A_349] {strides = array<i32>} : memref<64x384xf32, #tpu.memory_space<vmem>>, vector<1x16xf32>,
          %swap3A_351 = vector.shape_cast %swap3A_350 : vector<1x16xf32> to vector<16xf32>
          %swap3A_352 = vector.shape_cast %get3A_347 : vector<16xf32> to vector<1x16xf32>
          tpu.vector_store %arg7[%swap3A_348, %swap3A_349], %swap3A_352 {add = true, strides = array<i32>} : memref<64x384xf32, #tpu.memory_space<vmem>>, vector<1x16xf32>,
          %get3A_353 = arith.index_cast %add3A_343 : i32 to index
          %get3A_354 = arith.constant 16 : index
          %get3A_355 = tpu.vector_load %arg5[%get3A_353, %get3A_354] {strides = array<i32>} : memref<64x384xf32, #tpu.memory_space<vmem>>, vector<1x16xf32>,
          %get3A_356 = vector.shape_cast %get3A_355 : vector<1x16xf32> to vector<16xf32>
          %swap3A_357 = arith.index_cast %add3A_343 : i32 to index
          %swap3A_358 = arith.constant 16 : index
          %swap3A_359 = tpu.vector_load %arg7[%swap3A_357, %swap3A_358] {strides = array<i32>} : memref<64x384xf32, #tpu.memory_space<vmem>>, vector<1x16xf32>,
          %swap3A_360 = vector.shape_cast %swap3A_359 : vector<1x16xf32> to vector<16xf32>
          %swap3A_361 = vector.shape_cast %get3A_356 : vector<16xf32> to vector<1x16xf32>
          tpu.vector_store %arg7[%swap3A_357, %swap3A_358], %swap3A_361 {add = true, strides = array<i32>} : memref<64x384xf32, #tpu.memory_space<vmem>>, vector<1x16xf32>,
          %get3A_362 = arith.index_cast %add3A_343 : i32 to index
          %get3A_363 = arith.constant 32 : index
          %get3A_364 = tpu.vector_load %arg5[%get3A_362, %get3A_363] {strides = array<i32>} : memref<64x384xf32, #tpu.memory_space<vmem>>, vector<1x16xf32>,
          %get3A_365 = vector.shape_cast %get3A_364 : vector<1x16xf32> to vector<16xf32>
          %swap3A_366 = arith.index_cast %add3A_343 : i32 to index
          %swap3A_367 = arith.constant 32 : index
          %swap3A_368 = tpu.vector_load %arg7[%swap3A_366, %swap3A_367] {strides = array<i32>} : memref<64x384xf32, #tpu.memory_space<vmem>>, vector<1x16xf32>,
          %swap3A_369 = vector.shape_cast %swap3A_368 : vector<1x16xf32> to vector<16xf32>
          %swap3A_370 = vector.shape_cast %get3A_365 : vector<16xf32> to vector<1x16xf32>
          tpu.vector_store %arg7[%swap3A_366, %swap3A_367], %swap3A_370 {add = true, strides = array<i32>} : memref<64x384xf32, #tpu.memory_space<vmem>>, vector<1x16xf32>,
          %get3A_371 = arith.index_cast %add3A_343 : i32 to index
          %get3A_372 = arith.constant 48 : index
          %get3A_373 = tpu.vector_load %arg5[%get3A_371, %get3A_372] {strides = array<i32>} : memref<64x384xf32, #tpu.memory_space<vmem>>, vector<1x16xf32>,
          %get3A_374 = vector.shape_cast %get3A_373 : vector<1x16xf32> to vector<16xf32>
          %swap3A_375 = arith.index_cast %add3A_343 : i32 to index
          %swap3A_376 = arith.constant 48 : index
          %swap3A_377 = tpu.vector_load %arg7[%swap3A_375, %swap3A_376] {strides = array<i32>} : memref<64x384xf32, #tpu.memory_space<vmem>>, vector<1x16xf32>,
          %swap3A_378 = vector.shape_cast %swap3A_377 : vector<1x16xf32> to vector<16xf32>
          %swap3A_379 = vector.shape_cast %get3A_374 : vector<16xf32> to vector<1x16xf32>
          tpu.vector_store %arg7[%swap3A_375, %swap3A_376], %swap3A_379 {add = true, strides = array<i32>} : memref<64x384xf32, #tpu.memory_space<vmem>>, vector<1x16xf32>,
          %get3A_380 = arith.index_cast %add3A_343 : i32 to index
          %get3A_381 = arith.constant 64 : index
          %get3A_382 = tpu.vector_load %arg5[%get3A_380, %get3A_381] {strides = array<i32>} : memref<64x384xf32, #tpu.memory_space<vmem>>, vector<1x16xf32>,
          %get3A_383 = vector.shape_cast %get3A_382 : vector<1x16xf32> to vector<16xf32>
          %swap3A_384 = arith.index_cast %add3A_343 : i32 to index
          %swap3A_385 = arith.constant 64 : index
          %swap3A_386 = tpu.vector_load %arg7[%swap3A_384, %swap3A_385] {strides = array<i32>} : memref<64x384xf32, #tpu.memory_space<vmem>>, vector<1x16xf32>,
          %swap3A_387 = vector.shape_cast %swap3A_386 : vector<1x16xf32> to vector<16xf32>
          %swap3A_388 = vector.shape_cast %get3A_383 : vector<16xf32> to vector<1x16xf32>
          tpu.vector_store %arg7[%swap3A_384, %swap3A_385], %swap3A_388 {add = true, strides = array<i32>} : memref<64x384xf32, #tpu.memory_space<vmem>>, vector<1x16xf32>,
          %get3A_389 = arith.index_cast %add3A_343 : i32 to index
          %get3A_390 = arith.constant 80 : index
          %get3A_391 = tpu.vector_load %arg5[%get3A_389, %get3A_390] {strides = array<i32>} : memref<64x384xf32, #tpu.memory_space<vmem>>, vector<1x16xf32>,
          %get3A_392 = vector.shape_cast %get3A_391 : vector<1x16xf32> to vector<16xf32>
          %swap3A_393 = arith.index_cast %add3A_343 : i32 to index
          %swap3A_394 = arith.constant 80 : index
          %swap3A_395 = tpu.vector_load %arg7[%swap3A_393, %swap3A_394] {strides = array<i32>} : memref<64x384xf32, #tpu.memory_space<vmem>>, vector<1x16xf32>,
          %swap3A_396 = vector.shape_cast %swap3A_395 : vector<1x16xf32> to vector<16xf32>
          %swap3A_397 = vector.shape_cast %get3A_392 : vector<16xf32> to vector<1x16xf32>
          tpu.vector_store %arg7[%swap3A_393, %swap3A_394], %swap3A_397 {add = true, strides = array<i32>} : memref<64x384xf32, #tpu.memory_space<vmem>>, vector<1x16xf32>,
          %get3A_398 = arith.index_cast %add3A_343 : i32 to index
          %get3A_399 = arith.constant 96 : index
          %get3A_400 = tpu.vector_load %arg5[%get3A_398, %get3A_399] {strides = array<i32>} : memref<64x384xf32, #tpu.memory_space<vmem>>, vector<1x16xf32>,
          %get3A_401 = vector.shape_cast %get3A_400 : vector<1x16xf32> to vector<16xf32>
          %swap3A_402 = arith.index_cast %add3A_343 : i32 to index
          %swap3A_403 = arith.constant 96 : index
          %swap3A_404 = tpu.vector_load %arg7[%swap3A_402, %swap3A_403] {strides = array<i32>} : memref<64x384xf32, #tpu.memory_space<vmem>>, vector<1x16xf32>,
          %swap3A_405 = vector.shape_cast %swap3A_404 : vector<1x16xf32> to vector<16xf32>
          %swap3A_406 = vector.shape_cast %get3A_401 : vector<16xf32> to vector<1x16xf32>
          tpu.vector_store %arg7[%swap3A_402, %swap3A_403], %swap3A_406 {add = true, strides = array<i32>} : memref<64x384xf32, #tpu.memory_space<vmem>>, vector<1x16xf32>,
          %get3A_407 = arith.index_cast %add3A_343 : i32 to index
          %get3A_408 = arith.constant 112 : index
          %get3A_409 = tpu.vector_load %arg5[%get3A_407, %get3A_408] {strides = array<i32>} : memref<64x384xf32, #tpu.memory_space<vmem>>, vector<1x16xf32>,
          %get3A_410 = vector.shape_cast %get3A_409 : vector<1x16xf32> to vector<16xf32>
          %swap3A_411 = arith.index_cast %add3A_343 : i32 to index
          %swap3A_412 = arith.constant 112 : index
          %swap3A_413 = tpu.vector_load %arg7[%swap3A_411, %swap3A_412] {strides = array<i32>} : memref<64x384xf32, #tpu.memory_space<vmem>>, vector<1x16xf32>,
          %swap3A_414 = vector.shape_cast %swap3A_413 : vector<1x16xf32> to vector<16xf32>
          %swap3A_415 = vector.shape_cast %get3A_410 : vector<16xf32> to vector<1x16xf32>
          tpu.vector_store %arg7[%swap3A_411, %swap3A_412], %swap3A_415 {add = true, strides = array<i32>} : memref<64x384xf32, #tpu.memory_space<vmem>>, vector<1x16xf32>,
          %get3A_416 = arith.index_cast %add3A_343 : i32 to index
          %get3A_417 = arith.constant 128 : index
          %get3A_418 = tpu.vector_load %arg5[%get3A_416, %get3A_417] {strides = array<i32>} : memref<64x384xf32, #tpu.memory_space<vmem>>, vector<1x16xf32>,
          %get3A_419 = vector.shape_cast %get3A_418 : vector<1x16xf32> to vector<16xf32>
          %swap3A_420 = arith.index_cast %add3A_343 : i32 to index
          %swap3A_421 = arith.constant 128 : index
          %swap3A_422 = tpu.vector_load %arg7[%swap3A_420, %swap3A_421] {strides = array<i32>} : memref<64x384xf32, #tpu.memory_space<vmem>>, vector<1x16xf32>,
          %swap3A_423 = vector.shape_cast %swap3A_422 : vector<1x16xf32> to vector<16xf32>
          %swap3A_424 = vector.shape_cast %get3A_419 : vector<16xf32> to vector<1x16xf32>
          tpu.vector_store %arg7[%swap3A_420, %swap3A_421], %swap3A_424 {add = true, strides = array<i32>} : memref<64x384xf32, #tpu.memory_space<vmem>>, vector<1x16xf32>,
          %get3A_425 = arith.index_cast %add3A_343 : i32 to index
          %get3A_426 = arith.constant 144 : index
          %get3A_427 = tpu.vector_load %arg5[%get3A_425, %get3A_426] {strides = array<i32>} : memref<64x384xf32, #tpu.memory_space<vmem>>, vector<1x16xf32>,
          %get3A_428 = vector.shape_cast %get3A_427 : vector<1x16xf32> to vector<16xf32>
          %swap3A_429 = arith.index_cast %add3A_343 : i32 to index
          %swap3A_430 = arith.constant 144 : index
          %swap3A_431 = tpu.vector_load %arg7[%swap3A_429, %swap3A_430] {strides = array<i32>} : memref<64x384xf32, #tpu.memory_space<vmem>>, vector<1x16xf32>,
          %swap3A_432 = vector.shape_cast %swap3A_431 : vector<1x16xf32> to vector<16xf32>
          %swap3A_433 = vector.shape_cast %get3A_428 : vector<16xf32> to vector<1x16xf32>
          tpu.vector_store %arg7[%swap3A_429, %swap3A_430], %swap3A_433 {add = true, strides = array<i32>} : memref<64x384xf32, #tpu.memory_space<vmem>>, vector<1x16xf32>,
          %get3A_434 = arith.index_cast %add3A_343 : i32 to index
          %get3A_435 = arith.constant 160 : index
          %get3A_436 = tpu.vector_load %arg5[%get3A_434, %get3A_435] {strides = array<i32>} : memref<64x384xf32, #tpu.memory_space<vmem>>, vector<1x16xf32>,
          %get3A_437 = vector.shape_cast %get3A_436 : vector<1x16xf32> to vector<16xf32>
          %swap3A_438 = arith.index_cast %add3A_343 : i32 to index
          %swap3A_439 = arith.constant 160 : index
          %swap3A_440 = tpu.vector_load %arg7[%swap3A_438, %swap3A_439] {strides = array<i32>} : memref<64x384xf32, #tpu.memory_space<vmem>>, vector<1x16xf32>,
          %swap3A_441 = vector.shape_cast %swap3A_440 : vector<1x16xf32> to vector<16xf32>
          %swap3A_442 = vector.shape_cast %get3A_437 : vector<16xf32> to vector<1x16xf32>
          tpu.vector_store %arg7[%swap3A_438, %swap3A_439], %swap3A_442 {add = true, strides = array<i32>} : memref<64x384xf32, #tpu.memory_space<vmem>>, vector<1x16xf32>,
          %get3A_443 = arith.index_cast %add3A_343 : i32 to index
          %get3A_444 = arith.constant 176 : index
          %get3A_445 = tpu.vector_load %arg5[%get3A_443, %get3A_444] {strides = array<i32>} : memref<64x384xf32, #tpu.memory_space<vmem>>, vector<1x16xf32>,
          %get3A_446 = vector.shape_cast %get3A_445 : vector<1x16xf32> to vector<16xf32>
          %swap3A_447 = arith.index_cast %add3A_343 : i32 to index
          %swap3A_448 = arith.constant 176 : index
          %swap3A_449 = tpu.vector_load %arg7[%swap3A_447, %swap3A_448] {strides = array<i32>} : memref<64x384xf32, #tpu.memory_space<vmem>>, vector<1x16xf32>,
          %swap3A_450 = vector.shape_cast %swap3A_449 : vector<1x16xf32> to vector<16xf32>
          %swap3A_451 = vector.shape_cast %get3A_446 : vector<16xf32> to vector<1x16xf32>
          tpu.vector_store %arg7[%swap3A_447, %swap3A_448], %swap3A_451 {add = true, strides = array<i32>} : memref<64x384xf32, #tpu.memory_space<vmem>>, vector<1x16xf32>,
          %get3A_452 = arith.index_cast %add3A_343 : i32 to index
          %get3A_453 = arith.constant 192 : index
          %get3A_454 = tpu.vector_load %arg5[%get3A_452, %get3A_453] {strides = array<i32>} : memref<64x384xf32, #tpu.memory_space<vmem>>, vector<1x16xf32>,
          %get3A_455 = vector.shape_cast %get3A_454 : vector<1x16xf32> to vector<16xf32>
          %swap3A_456 = arith.index_cast %add3A_343 : i32 to index
          %swap3A_457 = arith.constant 192 : index
          %swap3A_458 = tpu.vector_load %arg7[%swap3A_456, %swap3A_457] {strides = array<i32>} : memref<64x384xf32, #tpu.memory_space<vmem>>, vector<1x16xf32>,
          %swap3A_459 = vector.shape_cast %swap3A_458 : vector<1x16xf32> to vector<16xf32>
          %swap3A_460 = vector.shape_cast %get3A_455 : vector<16xf32> to vector<1x16xf32>
          tpu.vector_store %arg7[%swap3A_456, %swap3A_457], %swap3A_460 {add = true, strides = array<i32>} : memref<64x384xf32, #tpu.memory_space<vmem>>, vector<1x16xf32>,
          %get3A_461 = arith.index_cast %add3A_343 : i32 to index
          %get3A_462 = arith.constant 208 : index
          %get3A_463 = tpu.vector_load %arg5[%get3A_461, %get3A_462] {strides = array<i32>} : memref<64x384xf32, #tpu.memory_space<vmem>>, vector<1x16xf32>,
          %get3A_464 = vector.shape_cast %get3A_463 : vector<1x16xf32> to vector<16xf32>
          %swap3A_465 = arith.index_cast %add3A_343 : i32 to index
          %swap3A_466 = arith.constant 208 : index
          %swap3A_467 = tpu.vector_load %arg7[%swap3A_465, %swap3A_466] {strides = array<i32>} : memref<64x384xf32, #tpu.memory_space<vmem>>, vector<1x16xf32>,
          %swap3A_468 = vector.shape_cast %swap3A_467 : vector<1x16xf32> to vector<16xf32>
          %swap3A_469 = vector.shape_cast %get3A_464 : vector<16xf32> to vector<1x16xf32>
          tpu.vector_store %arg7[%swap3A_465, %swap3A_466], %swap3A_469 {add = true, strides = array<i32>} : memref<64x384xf32, #tpu.memory_space<vmem>>, vector<1x16xf32>,
          %get3A_470 = arith.index_cast %add3A_343 : i32 to index
          %get3A_471 = arith.constant 224 : index
          %get3A_472 = tpu.vector_load %arg5[%get3A_470, %get3A_471] {strides = array<i32>} : memref<64x384xf32, #tpu.memory_space<vmem>>, vector<1x16xf32>,
          %get3A_473 = vector.shape_cast %get3A_472 : vector<1x16xf32> to vector<16xf32>
          %swap3A_474 = arith.index_cast %add3A_343 : i32 to index
          %swap3A_475 = arith.constant 224 : index
          %swap3A_476 = tpu.vector_load %arg7[%swap3A_474, %swap3A_475] {strides = array<i32>} : memref<64x384xf32, #tpu.memory_space<vmem>>, vector<1x16xf32>,
          %swap3A_477 = vector.shape_cast %swap3A_476 : vector<1x16xf32> to vector<16xf32>
          %swap3A_478 = vector.shape_cast %get3A_473 : vector<16xf32> to vector<1x16xf32>
          tpu.vector_store %arg7[%swap3A_474, %swap3A_475], %swap3A_478 {add = true, strides = array<i32>} : memref<64x384xf32, #tpu.memory_space<vmem>>, vector<1x16xf32>,
          %get3A_479 = arith.index_cast %add3A_343 : i32 to index
          %get3A_480 = arith.constant 240 : index
          %get3A_481 = tpu.vector_load %arg5[%get3A_479, %get3A_480] {strides = array<i32>} : memref<64x384xf32, #tpu.memory_space<vmem>>, vector<1x16xf32>,
          %get3A_482 = vector.shape_cast %get3A_481 : vector<1x16xf32> to vector<16xf32>
          %swap3A_483 = arith.index_cast %add3A_343 : i32 to index
          %swap3A_484 = arith.constant 240 : index
          %swap3A_485 = tpu.vector_load %arg7[%swap3A_483, %swap3A_484] {strides = array<i32>} : memref<64x384xf32, #tpu.memory_space<vmem>>, vector<1x16xf32>,
          %swap3A_486 = vector.shape_cast %swap3A_485 : vector<1x16xf32> to vector<16xf32>
          %swap3A_487 = vector.shape_cast %get3A_482 : vector<16xf32> to vector<1x16xf32>
          tpu.vector_store %arg7[%swap3A_483, %swap3A_484], %swap3A_487 {add = true, strides = array<i32>} : memref<64x384xf32, #tpu.memory_space<vmem>>, vector<1x16xf32>,
          %get3A_488 = arith.index_cast %add3A_343 : i32 to index
          %get3A_489 = arith.constant 256 : index
          %get3A_490 = tpu.vector_load %arg5[%get3A_488, %get3A_489] {strides = array<i32>} : memref<64x384xf32, #tpu.memory_space<vmem>>, vector<1x16xf32>,
          %get3A_491 = vector.shape_cast %get3A_490 : vector<1x16xf32> to vector<16xf32>
          %swap3A_492 = arith.index_cast %add3A_343 : i32 to index
          %swap3A_493 = arith.constant 256 : index
          %swap3A_494 = tpu.vector_load %arg7[%swap3A_492, %swap3A_493] {strides = array<i32>} : memref<64x384xf32, #tpu.memory_space<vmem>>, vector<1x16xf32>,
          %swap3A_495 = vector.shape_cast %swap3A_494 : vector<1x16xf32> to vector<16xf32>
          %swap3A_496 = vector.shape_cast %get3A_491 : vector<16xf32> to vector<1x16xf32>
          tpu.vector_store %arg7[%swap3A_492, %swap3A_493], %swap3A_496 {add = true, strides = array<i32>} : memref<64x384xf32, #tpu.memory_space<vmem>>, vector<1x16xf32>,
          %get3A_497 = arith.index_cast %add3A_343 : i32 to index
          %get3A_498 = arith.constant 272 : index
          %get3A_499 = tpu.vector_load %arg5[%get3A_497, %get3A_498] {strides = array<i32>} : memref<64x384xf32, #tpu.memory_space<vmem>>, vector<1x16xf32>,
          %get3A_500 = vector.shape_cast %get3A_499 : vector<1x16xf32> to vector<16xf32>
          %swap3A_501 = arith.index_cast %add3A_343 : i32 to index
          %swap3A_502 = arith.constant 272 : index
          %swap3A_503 = tpu.vector_load %arg7[%swap3A_501, %swap3A_502] {strides = array<i32>} : memref<64x384xf32, #tpu.memory_space<vmem>>, vector<1x16xf32>,
          %swap3A_504 = vector.shape_cast %swap3A_503 : vector<1x16xf32> to vector<16xf32>
          %swap3A_505 = vector.shape_cast %get3A_500 : vector<16xf32> to vector<1x16xf32>
          tpu.vector_store %arg7[%swap3A_501, %swap3A_502], %swap3A_505 {add = true, strides = array<i32>} : memref<64x384xf32, #tpu.memory_space<vmem>>, vector<1x16xf32>,
          %get3A_506 = arith.index_cast %add3A_343 : i32 to index
          %get3A_507 = arith.constant 288 : index
          %get3A_508 = tpu.vector_load %arg5[%get3A_506, %get3A_507] {strides = array<i32>} : memref<64x384xf32, #tpu.memory_space<vmem>>, vector<1x16xf32>,
          %get3A_509 = vector.shape_cast %get3A_508 : vector<1x16xf32> to vector<16xf32>
          %swap3A_510 = arith.index_cast %add3A_343 : i32 to index
          %swap3A_511 = arith.constant 288 : index
          %swap3A_512 = tpu.vector_load %arg7[%swap3A_510, %swap3A_511] {strides = array<i32>} : memref<64x384xf32, #tpu.memory_space<vmem>>, vector<1x16xf32>,
          %swap3A_513 = vector.shape_cast %swap3A_512 : vector<1x16xf32> to vector<16xf32>
          %swap3A_514 = vector.shape_cast %get3A_509 : vector<16xf32> to vector<1x16xf32>
          tpu.vector_store %arg7[%swap3A_510, %swap3A_511], %swap3A_514 {add = true, strides = array<i32>} : memref<64x384xf32, #tpu.memory_space<vmem>>, vector<1x16xf32>,
          %get3A_515 = arith.index_cast %add3A_343 : i32 to index
          %get3A_516 = arith.constant 304 : index
          %get3A_517 = tpu.vector_load %arg5[%get3A_515, %get3A_516] {strides = array<i32>} : memref<64x384xf32, #tpu.memory_space<vmem>>, vector<1x16xf32>,
          %get3A_518 = vector.shape_cast %get3A_517 : vector<1x16xf32> to vector<16xf32>
          %swap3A_519 = arith.index_cast %add3A_343 : i32 to index
          %swap3A_520 = arith.constant 304 : index
          %swap3A_521 = tpu.vector_load %arg7[%swap3A_519, %swap3A_520] {strides = array<i32>} : memref<64x384xf32, #tpu.memory_space<vmem>>, vector<1x16xf32>,
          %swap3A_522 = vector.shape_cast %swap3A_521 : vector<1x16xf32> to vector<16xf32>
          %swap3A_523 = vector.shape_cast %get3A_518 : vector<16xf32> to vector<1x16xf32>
          tpu.vector_store %arg7[%swap3A_519, %swap3A_520], %swap3A_523 {add = true, strides = array<i32>} : memref<64x384xf32, #tpu.memory_space<vmem>>, vector<1x16xf32>,
          %get3A_524 = arith.index_cast %add3A_343 : i32 to index
          %get3A_525 = arith.constant 320 : index
          %get3A_526 = tpu.vector_load %arg5[%get3A_524, %get3A_525] {strides = array<i32>} : memref<64x384xf32, #tpu.memory_space<vmem>>, vector<1x16xf32>,
          %get3A_527 = vector.shape_cast %get3A_526 : vector<1x16xf32> to vector<16xf32>
          %swap3A_528 = arith.index_cast %add3A_343 : i32 to index
          %swap3A_529 = arith.constant 320 : index
          %swap3A_530 = tpu.vector_load %arg7[%swap3A_528, %swap3A_529] {strides = array<i32>} : memref<64x384xf32, #tpu.memory_space<vmem>>, vector<1x16xf32>,
          %swap3A_531 = vector.shape_cast %swap3A_530 : vector<1x16xf32> to vector<16xf32>
          %swap3A_532 = vector.shape_cast %get3A_527 : vector<16xf32> to vector<1x16xf32>
          tpu.vector_store %arg7[%swap3A_528, %swap3A_529], %swap3A_532 {add = true, strides = array<i32>} : memref<64x384xf32, #tpu.memory_space<vmem>>, vector<1x16xf32>,
          %get3A_533 = arith.index_cast %add3A_343 : i32 to index
          %get3A_534 = arith.constant 336 : index
          %get3A_535 = tpu.vector_load %arg5[%get3A_533, %get3A_534] {strides = array<i32>} : memref<64x384xf32, #tpu.memory_space<vmem>>, vector<1x16xf32>,
          %get3A_536 = vector.shape_cast %get3A_535 : vector<1x16xf32> to vector<16xf32>
          %swap3A_537 = arith.index_cast %add3A_343 : i32 to index
          %swap3A_538 = arith.constant 336 : index
          %swap3A_539 = tpu.vector_load %arg7[%swap3A_537, %swap3A_538] {strides = array<i32>} : memref<64x384xf32, #tpu.memory_space<vmem>>, vector<1x16xf32>,
          %swap3A_540 = vector.shape_cast %swap3A_539 : vector<1x16xf32> to vector<16xf32>
          %swap3A_541 = vector.shape_cast %get3A_536 : vector<16xf32> to vector<1x16xf32>
          tpu.vector_store %arg7[%swap3A_537, %swap3A_538], %swap3A_541 {add = true, strides = array<i32>} : memref<64x384xf32, #tpu.memory_space<vmem>>, vector<1x16xf32>,
          %get3A_542 = arith.index_cast %add3A_343 : i32 to index
          %get3A_543 = arith.constant 352 : index
          %get3A_544 = tpu.vector_load %arg5[%get3A_542, %get3A_543] {strides = array<i32>} : memref<64x384xf32, #tpu.memory_space<vmem>>, vector<1x16xf32>,
          %get3A_545 = vector.shape_cast %get3A_544 : vector<1x16xf32> to vector<16xf32>
          %swap3A_546 = arith.index_cast %add3A_343 : i32 to index
          %swap3A_547 = arith.constant 352 : index
          %swap3A_548 = tpu.vector_load %arg7[%swap3A_546, %swap3A_547] {strides = array<i32>} : memref<64x384xf32, #tpu.memory_space<vmem>>, vector<1x16xf32>,
          %swap3A_549 = vector.shape_cast %swap3A_548 : vector<1x16xf32> to vector<16xf32>
          %swap3A_550 = vector.shape_cast %get3A_545 : vector<16xf32> to vector<1x16xf32>
          tpu.vector_store %arg7[%swap3A_546, %swap3A_547], %swap3A_550 {add = true, strides = array<i32>} : memref<64x384xf32, #tpu.memory_space<vmem>>, vector<1x16xf32>,
          %get3A_551 = arith.index_cast %add3A_343 : i32 to index
          %get3A_552 = arith.constant 368 : index
          %get3A_553 = tpu.vector_load %arg5[%get3A_551, %get3A_552] {strides = array<i32>} : memref<64x384xf32, #tpu.memory_space<vmem>>, vector<1x16xf32>,
          %get3A_554 = vector.shape_cast %get3A_553 : vector<1x16xf32> to vector<16xf32>
          %swap3A_555 = arith.index_cast %add3A_343 : i32 to index
          %swap3A_556 = arith.constant 368 : index
          %swap3A_557 = tpu.vector_load %arg7[%swap3A_555, %swap3A_556] {strides = array<i32>} : memref<64x384xf32, #tpu.memory_space<vmem>>, vector<1x16xf32>,
          %swap3A_558 = vector.shape_cast %swap3A_557 : vector<1x16xf32> to vector<16xf32>
          %swap3A_559 = vector.shape_cast %get3A_554 : vector<16xf32> to vector<1x16xf32>
          tpu.vector_store %arg7[%swap3A_555, %swap3A_556], %swap3A_559 {add = true, strides = array<i32>} : memref<64x384xf32, #tpu.memory_space<vmem>>, vector<1x16xf32>,
          %add3A_560 = arith.constant 2 : i32
          %add3A_561 = arith.addi %mul3A_125, %add3A_560 : i32
          %get3A_562 = arith.index_cast %add3A_561 : i32 to index
          %get3A_563 = arith.constant 0 : index
          %get3A_564 = tpu.vector_load %arg5[%get3A_562, %get3A_563] {strides = array<i32>} : memref<64x384xf32, #tpu.memory_space<vmem>>, vector<1x16xf32>,
          %get3A_565 = vector.shape_cast %get3A_564 : vector<1x16xf32> to vector<16xf32>
          %swap3A_566 = arith.index_cast %add3A_561 : i32 to index
          %swap3A_567 = arith.constant 0 : index
          %swap3A_568 = tpu.vector_load %arg7[%swap3A_566, %swap3A_567] {strides = array<i32>} : memref<64x384xf32, #tpu.memory_space<vmem>>, vector<1x16xf32>,
          %swap3A_569 = vector.shape_cast %swap3A_568 : vector<1x16xf32> to vector<16xf32>
          %swap3A_570 = vector.shape_cast %get3A_565 : vector<16xf32> to vector<1x16xf32>
          tpu.vector_store %arg7[%swap3A_566, %swap3A_567], %swap3A_570 {add = true, strides = array<i32>} : memref<64x384xf32, #tpu.memory_space<vmem>>, vector<1x16xf32>,
          %get3A_571 = arith.index_cast %add3A_561 : i32 to index
          %get3A_572 = arith.constant 16 : index
          %get3A_573 = tpu.vector_load %arg5[%get3A_571, %get3A_572] {strides = array<i32>} : memref<64x384xf32, #tpu.memory_space<vmem>>, vector<1x16xf32>,
          %get3A_574 = vector.shape_cast %get3A_573 : vector<1x16xf32> to vector<16xf32>
          %swap3A_575 = arith.index_cast %add3A_561 : i32 to index
          %swap3A_576 = arith.constant 16 : index
          %swap3A_577 = tpu.vector_load %arg7[%swap3A_575, %swap3A_576] {strides = array<i32>} : memref<64x384xf32, #tpu.memory_space<vmem>>, vector<1x16xf32>,
          %swap3A_578 = vector.shape_cast %swap3A_577 : vector<1x16xf32> to vector<16xf32>
          %swap3A_579 = vector.shape_cast %get3A_574 : vector<16xf32> to vector<1x16xf32>
          tpu.vector_store %arg7[%swap3A_575, %swap3A_576], %swap3A_579 {add = true, strides = array<i32>} : memref<64x384xf32, #tpu.memory_space<vmem>>, vector<1x16xf32>,
          %get3A_580 = arith.index_cast %add3A_561 : i32 to index
          %get3A_581 = arith.constant 32 : index
          %get3A_582 = tpu.vector_load %arg5[%get3A_580, %get3A_581] {strides = array<i32>} : memref<64x384xf32, #tpu.memory_space<vmem>>, vector<1x16xf32>,
          %get3A_583 = vector.shape_cast %get3A_582 : vector<1x16xf32> to vector<16xf32>
          %swap3A_584 = arith.index_cast %add3A_561 : i32 to index
          %swap3A_585 = arith.constant 32 : index
          %swap3A_586 = tpu.vector_load %arg7[%swap3A_584, %swap3A_585] {strides = array<i32>} : memref<64x384xf32, #tpu.memory_space<vmem>>, vector<1x16xf32>,
          %swap3A_587 = vector.shape_cast %swap3A_586 : vector<1x16xf32> to vector<16xf32>
          %swap3A_588 = vector.shape_cast %get3A_583 : vector<16xf32> to vector<1x16xf32>
          tpu.vector_store %arg7[%swap3A_584, %swap3A_585], %swap3A_588 {add = true, strides = array<i32>} : memref<64x384xf32, #tpu.memory_space<vmem>>, vector<1x16xf32>,
          %get3A_589 = arith.index_cast %add3A_561 : i32 to index
          %get3A_590 = arith.constant 48 : index
          %get3A_591 = tpu.vector_load %arg5[%get3A_589, %get3A_590] {strides = array<i32>} : memref<64x384xf32, #tpu.memory_space<vmem>>, vector<1x16xf32>,
          %get3A_592 = vector.shape_cast %get3A_591 : vector<1x16xf32> to vector<16xf32>
          %swap3A_593 = arith.index_cast %add3A_561 : i32 to index
          %swap3A_594 = arith.constant 48 : index
          %swap3A_595 = tpu.vector_load %arg7[%swap3A_593, %swap3A_594] {strides = array<i32>} : memref<64x384xf32, #tpu.memory_space<vmem>>, vector<1x16xf32>,
          %swap3A_596 = vector.shape_cast %swap3A_595 : vector<1x16xf32> to vector<16xf32>
          %swap3A_597 = vector.shape_cast %get3A_592 : vector<16xf32> to vector<1x16xf32>
          tpu.vector_store %arg7[%swap3A_593, %swap3A_594], %swap3A_597 {add = true, strides = array<i32>} : memref<64x384xf32, #tpu.memory_space<vmem>>, vector<1x16xf32>,
          %get3A_598 = arith.index_cast %add3A_561 : i32 to index
          %get3A_599 = arith.constant 64 : index
          %get3A_600 = tpu.vector_load %arg5[%get3A_598, %get3A_599] {strides = array<i32>} : memref<64x384xf32, #tpu.memory_space<vmem>>, vector<1x16xf32>,
          %get3A_601 = vector.shape_cast %get3A_600 : vector<1x16xf32> to vector<16xf32>
          %swap3A_602 = arith.index_cast %add3A_561 : i32 to index
          %swap3A_603 = arith.constant 64 : index
          %swap3A_604 = tpu.vector_load %arg7[%swap3A_602, %swap3A_603] {strides = array<i32>} : memref<64x384xf32, #tpu.memory_space<vmem>>, vector<1x16xf32>,
          %swap3A_605 = vector.shape_cast %swap3A_604 : vector<1x16xf32> to vector<16xf32>
          %swap3A_606 = vector.shape_cast %get3A_601 : vector<16xf32> to vector<1x16xf32>
          tpu.vector_store %arg7[%swap3A_602, %swap3A_603], %swap3A_606 {add = true, strides = array<i32>} : memref<64x384xf32, #tpu.memory_space<vmem>>, vector<1x16xf32>,
          %get3A_607 = arith.index_cast %add3A_561 : i32 to index
          %get3A_608 = arith.constant 80 : index
          %get3A_609 = tpu.vector_load %arg5[%get3A_607, %get3A_608] {strides = array<i32>} : memref<64x384xf32, #tpu.memory_space<vmem>>, vector<1x16xf32>,
          %get3A_610 = vector.shape_cast %get3A_609 : vector<1x16xf32> to vector<16xf32>
          %swap3A_611 = arith.index_cast %add3A_561 : i32 to index
          %swap3A_612 = arith.constant 80 : index
          %swap3A_613 = tpu.vector_load %arg7[%swap3A_611, %swap3A_612] {strides = array<i32>} : memref<64x384xf32, #tpu.memory_space<vmem>>, vector<1x16xf32>,
          %swap3A_614 = vector.shape_cast %swap3A_613 : vector<1x16xf32> to vector<16xf32>
          %swap3A_615 = vector.shape_cast %get3A_610 : vector<16xf32> to vector<1x16xf32>
          tpu.vector_store %arg7[%swap3A_611, %swap3A_612], %swap3A_615 {add = true, strides = array<i32>} : memref<64x384xf32, #tpu.memory_space<vmem>>, vector<1x16xf32>,
          %get3A_616 = arith.index_cast %add3A_561 : i32 to index
          %get3A_617 = arith.constant 96 : index
          %get3A_618 = tpu.vector_load %arg5[%get3A_616, %get3A_617] {strides = array<i32>} : memref<64x384xf32, #tpu.memory_space<vmem>>, vector<1x16xf32>,
          %get3A_619 = vector.shape_cast %get3A_618 : vector<1x16xf32> to vector<16xf32>
          %swap3A_620 = arith.index_cast %add3A_561 : i32 to index
          %swap3A_621 = arith.constant 96 : index
          %swap3A_622 = tpu.vector_load %arg7[%swap3A_620, %swap3A_621] {strides = array<i32>} : memref<64x384xf32, #tpu.memory_space<vmem>>, vector<1x16xf32>,
          %swap3A_623 = vector.shape_cast %swap3A_622 : vector<1x16xf32> to vector<16xf32>
          %swap3A_624 = vector.shape_cast %get3A_619 : vector<16xf32> to vector<1x16xf32>
          tpu.vector_store %arg7[%swap3A_620, %swap3A_621], %swap3A_624 {add = true, strides = array<i32>} : memref<64x384xf32, #tpu.memory_space<vmem>>, vector<1x16xf32>,
          %get3A_625 = arith.index_cast %add3A_561 : i32 to index
          %get3A_626 = arith.constant 112 : index
          %get3A_627 = tpu.vector_load %arg5[%get3A_625, %get3A_626] {strides = array<i32>} : memref<64x384xf32, #tpu.memory_space<vmem>>, vector<1x16xf32>,
          %get3A_628 = vector.shape_cast %get3A_627 : vector<1x16xf32> to vector<16xf32>
          %swap3A_629 = arith.index_cast %add3A_561 : i32 to index
          %swap3A_630 = arith.constant 112 : index
          %swap3A_631 = tpu.vector_load %arg7[%swap3A_629, %swap3A_630] {strides = array<i32>} : memref<64x384xf32, #tpu.memory_space<vmem>>, vector<1x16xf32>,
          %swap3A_632 = vector.shape_cast %swap3A_631 : vector<1x16xf32> to vector<16xf32>
          %swap3A_633 = vector.shape_cast %get3A_628 : vector<16xf32> to vector<1x16xf32>
          tpu.vector_store %arg7[%swap3A_629, %swap3A_630], %swap3A_633 {add = true, strides = array<i32>} : memref<64x384xf32, #tpu.memory_space<vmem>>, vector<1x16xf32>,
          %get3A_634 = arith.index_cast %add3A_561 : i32 to index
          %get3A_635 = arith.constant 128 : index
          %get3A_636 = tpu.vector_load %arg5[%get3A_634, %get3A_635] {strides = array<i32>} : memref<64x384xf32, #tpu.memory_space<vmem>>, vector<1x16xf32>,
          %get3A_637 = vector.shape_cast %get3A_636 : vector<1x16xf32> to vector<16xf32>
          %swap3A_638 = arith.index_cast %add3A_561 : i32 to index
          %swap3A_639 = arith.constant 128 : index
          %swap3A_640 = tpu.vector_load %arg7[%swap3A_638, %swap3A_639] {strides = array<i32>} : memref<64x384xf32, #tpu.memory_space<vmem>>, vector<1x16xf32>,
          %swap3A_641 = vector.shape_cast %swap3A_640 : vector<1x16xf32> to vector<16xf32>
          %swap3A_642 = vector.shape_cast %get3A_637 : vector<16xf32> to vector<1x16xf32>
          tpu.vector_store %arg7[%swap3A_638, %swap3A_639], %swap3A_642 {add = true, strides = array<i32>} : memref<64x384xf32, #tpu.memory_space<vmem>>, vector<1x16xf32>,
          %get3A_643 = arith.index_cast %add3A_561 : i32 to index
          %get3A_644 = arith.constant 144 : index
          %get3A_645 = tpu.vector_load %arg5[%get3A_643, %get3A_644] {strides = array<i32>} : memref<64x384xf32, #tpu.memory_space<vmem>>, vector<1x16xf32>,
          %get3A_646 = vector.shape_cast %get3A_645 : vector<1x16xf32> to vector<16xf32>
          %swap3A_647 = arith.index_cast %add3A_561 : i32 to index
          %swap3A_648 = arith.constant 144 : index
          %swap3A_649 = tpu.vector_load %arg7[%swap3A_647, %swap3A_648] {strides = array<i32>} : memref<64x384xf32, #tpu.memory_space<vmem>>, vector<1x16xf32>,
          %swap3A_650 = vector.shape_cast %swap3A_649 : vector<1x16xf32> to vector<16xf32>
          %swap3A_651 = vector.shape_cast %get3A_646 : vector<16xf32> to vector<1x16xf32>
          tpu.vector_store %arg7[%swap3A_647, %swap3A_648], %swap3A_651 {add = true, strides = array<i32>} : memref<64x384xf32, #tpu.memory_space<vmem>>, vector<1x16xf32>,
          %get3A_652 = arith.index_cast %add3A_561 : i32 to index
          %get3A_653 = arith.constant 160 : index
          %get3A_654 = tpu.vector_load %arg5[%get3A_652, %get3A_653] {strides = array<i32>} : memref<64x384xf32, #tpu.memory_space<vmem>>, vector<1x16xf32>,
          %get3A_655 = vector.shape_cast %get3A_654 : vector<1x16xf32> to vector<16xf32>
          %swap3A_656 = arith.index_cast %add3A_561 : i32 to index
          %swap3A_657 = arith.constant 160 : index
          %swap3A_658 = tpu.vector_load %arg7[%swap3A_656, %swap3A_657] {strides = array<i32>} : memref<64x384xf32, #tpu.memory_space<vmem>>, vector<1x16xf32>,
          %swap3A_659 = vector.shape_cast %swap3A_658 : vector<1x16xf32> to vector<16xf32>
          %swap3A_660 = vector.shape_cast %get3A_655 : vector<16xf32> to vector<1x16xf32>
          tpu.vector_store %arg7[%swap3A_656, %swap3A_657], %swap3A_660 {add = true, strides = array<i32>} : memref<64x384xf32, #tpu.memory_space<vmem>>, vector<1x16xf32>,
          %get3A_661 = arith.index_cast %add3A_561 : i32 to index
          %get3A_662 = arith.constant 176 : index
          %get3A_663 = tpu.vector_load %arg5[%get3A_661, %get3A_662] {strides = array<i32>} : memref<64x384xf32, #tpu.memory_space<vmem>>, vector<1x16xf32>,
          %get3A_664 = vector.shape_cast %get3A_663 : vector<1x16xf32> to vector<16xf32>
          %swap3A_665 = arith.index_cast %add3A_561 : i32 to index
          %swap3A_666 = arith.constant 176 : index
          %swap3A_667 = tpu.vector_load %arg7[%swap3A_665, %swap3A_666] {strides = array<i32>} : memref<64x384xf32, #tpu.memory_space<vmem>>, vector<1x16xf32>,
          %swap3A_668 = vector.shape_cast %swap3A_667 : vector<1x16xf32> to vector<16xf32>
          %swap3A_669 = vector.shape_cast %get3A_664 : vector<16xf32> to vector<1x16xf32>
          tpu.vector_store %arg7[%swap3A_665, %swap3A_666], %swap3A_669 {add = true, strides = array<i32>} : memref<64x384xf32, #tpu.memory_space<vmem>>, vector<1x16xf32>,
          %get3A_670 = arith.index_cast %add3A_561 : i32 to index
          %get3A_671 = arith.constant 192 : index
          %get3A_672 = tpu.vector_load %arg5[%get3A_670, %get3A_671] {strides = array<i32>} : memref<64x384xf32, #tpu.memory_space<vmem>>, vector<1x16xf32>,
          %get3A_673 = vector.shape_cast %get3A_672 : vector<1x16xf32> to vector<16xf32>
          %swap3A_674 = arith.index_cast %add3A_561 : i32 to index
          %swap3A_675 = arith.constant 192 : index
          %swap3A_676 = tpu.vector_load %arg7[%swap3A_674, %swap3A_675] {strides = array<i32>} : memref<64x384xf32, #tpu.memory_space<vmem>>, vector<1x16xf32>,
          %swap3A_677 = vector.shape_cast %swap3A_676 : vector<1x16xf32> to vector<16xf32>
          %swap3A_678 = vector.shape_cast %get3A_673 : vector<16xf32> to vector<1x16xf32>
          tpu.vector_store %arg7[%swap3A_674, %swap3A_675], %swap3A_678 {add = true, strides = array<i32>} : memref<64x384xf32, #tpu.memory_space<vmem>>, vector<1x16xf32>,
          %get3A_679 = arith.index_cast %add3A_561 : i32 to index
          %get3A_680 = arith.constant 208 : index
          %get3A_681 = tpu.vector_load %arg5[%get3A_679, %get3A_680] {strides = array<i32>} : memref<64x384xf32, #tpu.memory_space<vmem>>, vector<1x16xf32>,
          %get3A_682 = vector.shape_cast %get3A_681 : vector<1x16xf32> to vector<16xf32>
          %swap3A_683 = arith.index_cast %add3A_561 : i32 to index
          %swap3A_684 = arith.constant 208 : index
          %swap3A_685 = tpu.vector_load %arg7[%swap3A_683, %swap3A_684] {strides = array<i32>} : memref<64x384xf32, #tpu.memory_space<vmem>>, vector<1x16xf32>,
          %swap3A_686 = vector.shape_cast %swap3A_685 : vector<1x16xf32> to vector<16xf32>
          %swap3A_687 = vector.shape_cast %get3A_682 : vector<16xf32> to vector<1x16xf32>
          tpu.vector_store %arg7[%swap3A_683, %swap3A_684], %swap3A_687 {add = true, strides = array<i32>} : memref<64x384xf32, #tpu.memory_space<vmem>>, vector<1x16xf32>,
          %get3A_688 = arith.index_cast %add3A_561 : i32 to index
          %get3A_689 = arith.constant 224 : index
          %get3A_690 = tpu.vector_load %arg5[%get3A_688, %get3A_689] {strides = array<i32>} : memref<64x384xf32, #tpu.memory_space<vmem>>, vector<1x16xf32>,
          %get3A_691 = vector.shape_cast %get3A_690 : vector<1x16xf32> to vector<16xf32>
          %swap3A_692 = arith.index_cast %add3A_561 : i32 to index
          %swap3A_693 = arith.constant 224 : index
          %swap3A_694 = tpu.vector_load %arg7[%swap3A_692, %swap3A_693] {strides = array<i32>} : memref<64x384xf32, #tpu.memory_space<vmem>>, vector<1x16xf32>,
          %swap3A_695 = vector.shape_cast %swap3A_694 : vector<1x16xf32> to vector<16xf32>
          %swap3A_696 = vector.shape_cast %get3A_691 : vector<16xf32> to vector<1x16xf32>
          tpu.vector_store %arg7[%swap3A_692, %swap3A_693], %swap3A_696 {add = true, strides = array<i32>} : memref<64x384xf32, #tpu.memory_space<vmem>>, vector<1x16xf32>,
          %get3A_697 = arith.index_cast %add3A_561 : i32 to index
          %get3A_698 = arith.constant 240 : index
          %get3A_699 = tpu.vector_load %arg5[%get3A_697, %get3A_698] {strides = array<i32>} : memref<64x384xf32, #tpu.memory_space<vmem>>, vector<1x16xf32>,
          %get3A_700 = vector.shape_cast %get3A_699 : vector<1x16xf32> to vector<16xf32>
          %swap3A_701 = arith.index_cast %add3A_561 : i32 to index
          %swap3A_702 = arith.constant 240 : index
          %swap3A_703 = tpu.vector_load %arg7[%swap3A_701, %swap3A_702] {strides = array<i32>} : memref<64x384xf32, #tpu.memory_space<vmem>>, vector<1x16xf32>,
          %swap3A_704 = vector.shape_cast %swap3A_703 : vector<1x16xf32> to vector<16xf32>
          %swap3A_705 = vector.shape_cast %get3A_700 : vector<16xf32> to vector<1x16xf32>
          tpu.vector_store %arg7[%swap3A_701, %swap3A_702], %swap3A_705 {add = true, strides = array<i32>} : memref<64x384xf32, #tpu.memory_space<vmem>>, vector<1x16xf32>,
          %get3A_706 = arith.index_cast %add3A_561 : i32 to index
          %get3A_707 = arith.constant 256 : index
          %get3A_708 = tpu.vector_load %arg5[%get3A_706, %get3A_707] {strides = array<i32>} : memref<64x384xf32, #tpu.memory_space<vmem>>, vector<1x16xf32>,
          %get3A_709 = vector.shape_cast %get3A_708 : vector<1x16xf32> to vector<16xf32>
          %swap3A_710 = arith.index_cast %add3A_561 : i32 to index
          %swap3A_711 = arith.constant 256 : index
          %swap3A_712 = tpu.vector_load %arg7[%swap3A_710, %swap3A_711] {strides = array<i32>} : memref<64x384xf32, #tpu.memory_space<vmem>>, vector<1x16xf32>,
          %swap3A_713 = vector.shape_cast %swap3A_712 : vector<1x16xf32> to vector<16xf32>
          %swap3A_714 = vector.shape_cast %get3A_709 : vector<16xf32> to vector<1x16xf32>
          tpu.vector_store %arg7[%swap3A_710, %swap3A_711], %swap3A_714 {add = true, strides = array<i32>} : memref<64x384xf32, #tpu.memory_space<vmem>>, vector<1x16xf32>,
          %get3A_715 = arith.index_cast %add3A_561 : i32 to index
          %get3A_716 = arith.constant 272 : index
          %get3A_717 = tpu.vector_load %arg5[%get3A_715, %get3A_716] {strides = array<i32>} : memref<64x384xf32, #tpu.memory_space<vmem>>, vector<1x16xf32>,
          %get3A_718 = vector.shape_cast %get3A_717 : vector<1x16xf32> to vector<16xf32>
          %swap3A_719 = arith.index_cast %add3A_561 : i32 to index
          %swap3A_720 = arith.constant 272 : index
          %swap3A_721 = tpu.vector_load %arg7[%swap3A_719, %swap3A_720] {strides = array<i32>} : memref<64x384xf32, #tpu.memory_space<vmem>>, vector<1x16xf32>,
          %swap3A_722 = vector.shape_cast %swap3A_721 : vector<1x16xf32> to vector<16xf32>
          %swap3A_723 = vector.shape_cast %get3A_718 : vector<16xf32> to vector<1x16xf32>
          tpu.vector_store %arg7[%swap3A_719, %swap3A_720], %swap3A_723 {add = true, strides = array<i32>} : memref<64x384xf32, #tpu.memory_space<vmem>>, vector<1x16xf32>,
          %get3A_724 = arith.index_cast %add3A_561 : i32 to index
          %get3A_725 = arith.constant 288 : index
          %get3A_726 = tpu.vector_load %arg5[%get3A_724, %get3A_725] {strides = array<i32>} : memref<64x384xf32, #tpu.memory_space<vmem>>, vector<1x16xf32>,
          %get3A_727 = vector.shape_cast %get3A_726 : vector<1x16xf32> to vector<16xf32>
          %swap3A_728 = arith.index_cast %add3A_561 : i32 to index
          %swap3A_729 = arith.constant 288 : index
          %swap3A_730 = tpu.vector_load %arg7[%swap3A_728, %swap3A_729] {strides = array<i32>} : memref<64x384xf32, #tpu.memory_space<vmem>>, vector<1x16xf32>,
          %swap3A_731 = vector.shape_cast %swap3A_730 : vector<1x16xf32> to vector<16xf32>
          %swap3A_732 = vector.shape_cast %get3A_727 : vector<16xf32> to vector<1x16xf32>
          tpu.vector_store %arg7[%swap3A_728, %swap3A_729], %swap3A_732 {add = true, strides = array<i32>} : memref<64x384xf32, #tpu.memory_space<vmem>>, vector<1x16xf32>,
          %get3A_733 = arith.index_cast %add3A_561 : i32 to index
          %get3A_734 = arith.constant 304 : index
          %get3A_735 = tpu.vector_load %arg5[%get3A_733, %get3A_734] {strides = array<i32>} : memref<64x384xf32, #tpu.memory_space<vmem>>, vector<1x16xf32>,
          %get3A_736 = vector.shape_cast %get3A_735 : vector<1x16xf32> to vector<16xf32>
          %swap3A_737 = arith.index_cast %add3A_561 : i32 to index
          %swap3A_738 = arith.constant 304 : index
          %swap3A_739 = tpu.vector_load %arg7[%swap3A_737, %swap3A_738] {strides = array<i32>} : memref<64x384xf32, #tpu.memory_space<vmem>>, vector<1x16xf32>,
          %swap3A_740 = vector.shape_cast %swap3A_739 : vector<1x16xf32> to vector<16xf32>
          %swap3A_741 = vector.shape_cast %get3A_736 : vector<16xf32> to vector<1x16xf32>
          tpu.vector_store %arg7[%swap3A_737, %swap3A_738], %swap3A_741 {add = true, strides = array<i32>} : memref<64x384xf32, #tpu.memory_space<vmem>>, vector<1x16xf32>,
          %get3A_742 = arith.index_cast %add3A_561 : i32 to index
          %get3A_743 = arith.constant 320 : index
          %get3A_744 = tpu.vector_load %arg5[%get3A_742, %get3A_743] {strides = array<i32>} : memref<64x384xf32, #tpu.memory_space<vmem>>, vector<1x16xf32>,
          %get3A_745 = vector.shape_cast %get3A_744 : vector<1x16xf32> to vector<16xf32>
          %swap3A_746 = arith.index_cast %add3A_561 : i32 to index
          %swap3A_747 = arith.constant 320 : index
          %swap3A_748 = tpu.vector_load %arg7[%swap3A_746, %swap3A_747] {strides = array<i32>} : memref<64x384xf32, #tpu.memory_space<vmem>>, vector<1x16xf32>,
          %swap3A_749 = vector.shape_cast %swap3A_748 : vector<1x16xf32> to vector<16xf32>
          %swap3A_750 = vector.shape_cast %get3A_745 : vector<16xf32> to vector<1x16xf32>
          tpu.vector_store %arg7[%swap3A_746, %swap3A_747], %swap3A_750 {add = true, strides = array<i32>} : memref<64x384xf32, #tpu.memory_space<vmem>>, vector<1x16xf32>,
          %get3A_751 = arith.index_cast %add3A_561 : i32 to index
          %get3A_752 = arith.constant 336 : index
          %get3A_753 = tpu.vector_load %arg5[%get3A_751, %get3A_752] {strides = array<i32>} : memref<64x384xf32, #tpu.memory_space<vmem>>, vector<1x16xf32>,
          %get3A_754 = vector.shape_cast %get3A_753 : vector<1x16xf32> to vector<16xf32>
          %swap3A_755 = arith.index_cast %add3A_561 : i32 to index
          %swap3A_756 = arith.constant 336 : index
          %swap3A_757 = tpu.vector_load %arg7[%swap3A_755, %swap3A_756] {strides = array<i32>} : memref<64x384xf32, #tpu.memory_space<vmem>>, vector<1x16xf32>,
          %swap3A_758 = vector.shape_cast %swap3A_757 : vector<1x16xf32> to vector<16xf32>
          %swap3A_759 = vector.shape_cast %get3A_754 : vector<16xf32> to vector<1x16xf32>
          tpu.vector_store %arg7[%swap3A_755, %swap3A_756], %swap3A_759 {add = true, strides = array<i32>} : memref<64x384xf32, #tpu.memory_space<vmem>>, vector<1x16xf32>,
          %get3A_760 = arith.index_cast %add3A_561 : i32 to index
          %get3A_761 = arith.constant 352 : index
          %get3A_762 = tpu.vector_load %arg5[%get3A_760, %get3A_761] {strides = array<i32>} : memref<64x384xf32, #tpu.memory_space<vmem>>, vector<1x16xf32>,
          %get3A_763 = vector.shape_cast %get3A_762 : vector<1x16xf32> to vector<16xf32>
          %swap3A_764 = arith.index_cast %add3A_561 : i32 to index
          %swap3A_765 = arith.constant 352 : index
          %swap3A_766 = tpu.vector_load %arg7[%swap3A_764, %swap3A_765] {strides = array<i32>} : memref<64x384xf32, #tpu.memory_space<vmem>>, vector<1x16xf32>,
          %swap3A_767 = vector.shape_cast %swap3A_766 : vector<1x16xf32> to vector<16xf32>
          %swap3A_768 = vector.shape_cast %get3A_763 : vector<16xf32> to vector<1x16xf32>
          tpu.vector_store %arg7[%swap3A_764, %swap3A_765], %swap3A_768 {add = true, strides = array<i32>} : memref<64x384xf32, #tpu.memory_space<vmem>>, vector<1x16xf32>,
          %get3A_769 = arith.index_cast %add3A_561 : i32 to index
          %get3A_770 = arith.constant 368 : index
          %get3A_771 = tpu.vector_load %arg5[%get3A_769, %get3A_770] {strides = array<i32>} : memref<64x384xf32, #tpu.memory_space<vmem>>, vector<1x16xf32>,
          %get3A_772 = vector.shape_cast %get3A_771 : vector<1x16xf32> to vector<16xf32>
          %swap3A_773 = arith.index_cast %add3A_561 : i32 to index
          %swap3A_774 = arith.constant 368 : index
          %swap3A_775 = tpu.vector_load %arg7[%swap3A_773, %swap3A_774] {strides = array<i32>} : memref<64x384xf32, #tpu.memory_space<vmem>>, vector<1x16xf32>,
          %swap3A_776 = vector.shape_cast %swap3A_775 : vector<1x16xf32> to vector<16xf32>
          %swap3A_777 = vector.shape_cast %get3A_772 : vector<16xf32> to vector<1x16xf32>
          tpu.vector_store %arg7[%swap3A_773, %swap3A_774], %swap3A_777 {add = true, strides = array<i32>} : memref<64x384xf32, #tpu.memory_space<vmem>>, vector<1x16xf32>,
          %add3A_778 = arith.constant 3 : i32
          %add3A_779 = arith.addi %mul3A_125, %add3A_778 : i32
          %get3A_780 = arith.index_cast %add3A_779 : i32 to index
          %get3A_781 = arith.constant 0 : index
          %get3A_782 = tpu.vector_load %arg5[%get3A_780, %get3A_781] {strides = array<i32>} : memref<64x384xf32, #tpu.memory_space<vmem>>, vector<1x16xf32>,
          %get3A_783 = vector.shape_cast %get3A_782 : vector<1x16xf32> to vector<16xf32>
          %swap3A_784 = arith.index_cast %add3A_779 : i32 to index
          %swap3A_785 = arith.constant 0 : index
          %swap3A_786 = tpu.vector_load %arg7[%swap3A_784, %swap3A_785] {strides = array<i32>} : memref<64x384xf32, #tpu.memory_space<vmem>>, vector<1x16xf32>,
          %swap3A_787 = vector.shape_cast %swap3A_786 : vector<1x16xf32> to vector<16xf32>
          %swap3A_788 = vector.shape_cast %get3A_783 : vector<16xf32> to vector<1x16xf32>
          tpu.vector_store %arg7[%swap3A_784, %swap3A_785], %swap3A_788 {add = true, strides = array<i32>} : memref<64x384xf32, #tpu.memory_space<vmem>>, vector<1x16xf32>,
          %get3A_789 = arith.index_cast %add3A_779 : i32 to index
          %get3A_790 = arith.constant 16 : index
          %get3A_791 = tpu.vector_load %arg5[%get3A_789, %get3A_790] {strides = array<i32>} : memref<64x384xf32, #tpu.memory_space<vmem>>, vector<1x16xf32>,
          %get3A_792 = vector.shape_cast %get3A_791 : vector<1x16xf32> to vector<16xf32>
          %swap3A_793 = arith.index_cast %add3A_779 : i32 to index
          %swap3A_794 = arith.constant 16 : index
          %swap3A_795 = tpu.vector_load %arg7[%swap3A_793, %swap3A_794] {strides = array<i32>} : memref<64x384xf32, #tpu.memory_space<vmem>>, vector<1x16xf32>,
          %swap3A_796 = vector.shape_cast %swap3A_795 : vector<1x16xf32> to vector<16xf32>
          %swap3A_797 = vector.shape_cast %get3A_792 : vector<16xf32> to vector<1x16xf32>
          tpu.vector_store %arg7[%swap3A_793, %swap3A_794], %swap3A_797 {add = true, strides = array<i32>} : memref<64x384xf32, #tpu.memory_space<vmem>>, vector<1x16xf32>,
          %get3A_798 = arith.index_cast %add3A_779 : i32 to index
          %get3A_799 = arith.constant 32 : index
          %get3A_800 = tpu.vector_load %arg5[%get3A_798, %get3A_799] {strides = array<i32>} : memref<64x384xf32, #tpu.memory_space<vmem>>, vector<1x16xf32>,
          %get3A_801 = vector.shape_cast %get3A_800 : vector<1x16xf32> to vector<16xf32>
          %swap3A_802 = arith.index_cast %add3A_779 : i32 to index
          %swap3A_803 = arith.constant 32 : index
          %swap3A_804 = tpu.vector_load %arg7[%swap3A_802, %swap3A_803] {strides = array<i32>} : memref<64x384xf32, #tpu.memory_space<vmem>>, vector<1x16xf32>,
          %swap3A_805 = vector.shape_cast %swap3A_804 : vector<1x16xf32> to vector<16xf32>
          %swap3A_806 = vector.shape_cast %get3A_801 : vector<16xf32> to vector<1x16xf32>
          tpu.vector_store %arg7[%swap3A_802, %swap3A_803], %swap3A_806 {add = true, strides = array<i32>} : memref<64x384xf32, #tpu.memory_space<vmem>>, vector<1x16xf32>,
          %get3A_807 = arith.index_cast %add3A_779 : i32 to index
          %get3A_808 = arith.constant 48 : index
          %get3A_809 = tpu.vector_load %arg5[%get3A_807, %get3A_808] {strides = array<i32>} : memref<64x384xf32, #tpu.memory_space<vmem>>, vector<1x16xf32>,
          %get3A_810 = vector.shape_cast %get3A_809 : vector<1x16xf32> to vector<16xf32>
          %swap3A_811 = arith.index_cast %add3A_779 : i32 to index
          %swap3A_812 = arith.constant 48 : index
          %swap3A_813 = tpu.vector_load %arg7[%swap3A_811, %swap3A_812] {strides = array<i32>} : memref<64x384xf32, #tpu.memory_space<vmem>>, vector<1x16xf32>,
          %swap3A_814 = vector.shape_cast %swap3A_813 : vector<1x16xf32> to vector<16xf32>
          %swap3A_815 = vector.shape_cast %get3A_810 : vector<16xf32> to vector<1x16xf32>
          tpu.vector_store %arg7[%swap3A_811, %swap3A_812], %swap3A_815 {add = true, strides = array<i32>} : memref<64x384xf32, #tpu.memory_space<vmem>>, vector<1x16xf32>,
          %get3A_816 = arith.index_cast %add3A_779 : i32 to index
          %get3A_817 = arith.constant 64 : index
          %get3A_818 = tpu.vector_load %arg5[%get3A_816, %get3A_817] {strides = array<i32>} : memref<64x384xf32, #tpu.memory_space<vmem>>, vector<1x16xf32>,
          %get3A_819 = vector.shape_cast %get3A_818 : vector<1x16xf32> to vector<16xf32>
          %swap3A_820 = arith.index_cast %add3A_779 : i32 to index
          %swap3A_821 = arith.constant 64 : index
          %swap3A_822 = tpu.vector_load %arg7[%swap3A_820, %swap3A_821] {strides = array<i32>} : memref<64x384xf32, #tpu.memory_space<vmem>>, vector<1x16xf32>,
          %swap3A_823 = vector.shape_cast %swap3A_822 : vector<1x16xf32> to vector<16xf32>
          %swap3A_824 = vector.shape_cast %get3A_819 : vector<16xf32> to vector<1x16xf32>
          tpu.vector_store %arg7[%swap3A_820, %swap3A_821], %swap3A_824 {add = true, strides = array<i32>} : memref<64x384xf32, #tpu.memory_space<vmem>>, vector<1x16xf32>,
          %get3A_825 = arith.index_cast %add3A_779 : i32 to index
          %get3A_826 = arith.constant 80 : index
          %get3A_827 = tpu.vector_load %arg5[%get3A_825, %get3A_826] {strides = array<i32>} : memref<64x384xf32, #tpu.memory_space<vmem>>, vector<1x16xf32>,
          %get3A_828 = vector.shape_cast %get3A_827 : vector<1x16xf32> to vector<16xf32>
          %swap3A_829 = arith.index_cast %add3A_779 : i32 to index
          %swap3A_830 = arith.constant 80 : index
          %swap3A_831 = tpu.vector_load %arg7[%swap3A_829, %swap3A_830] {strides = array<i32>} : memref<64x384xf32, #tpu.memory_space<vmem>>, vector<1x16xf32>,
          %swap3A_832 = vector.shape_cast %swap3A_831 : vector<1x16xf32> to vector<16xf32>
          %swap3A_833 = vector.shape_cast %get3A_828 : vector<16xf32> to vector<1x16xf32>
          tpu.vector_store %arg7[%swap3A_829, %swap3A_830], %swap3A_833 {add = true, strides = array<i32>} : memref<64x384xf32, #tpu.memory_space<vmem>>, vector<1x16xf32>,
          %get3A_834 = arith.index_cast %add3A_779 : i32 to index
          %get3A_835 = arith.constant 96 : index
          %get3A_836 = tpu.vector_load %arg5[%get3A_834, %get3A_835] {strides = array<i32>} : memref<64x384xf32, #tpu.memory_space<vmem>>, vector<1x16xf32>,
          %get3A_837 = vector.shape_cast %get3A_836 : vector<1x16xf32> to vector<16xf32>
          %swap3A_838 = arith.index_cast %add3A_779 : i32 to index
          %swap3A_839 = arith.constant 96 : index
          %swap3A_840 = tpu.vector_load %arg7[%swap3A_838, %swap3A_839] {strides = array<i32>} : memref<64x384xf32, #tpu.memory_space<vmem>>, vector<1x16xf32>,
          %swap3A_841 = vector.shape_cast %swap3A_840 : vector<1x16xf32> to vector<16xf32>
          %swap3A_842 = vector.shape_cast %get3A_837 : vector<16xf32> to vector<1x16xf32>
          tpu.vector_store %arg7[%swap3A_838, %swap3A_839], %swap3A_842 {add = true, strides = array<i32>} : memref<64x384xf32, #tpu.memory_space<vmem>>, vector<1x16xf32>,
          %get3A_843 = arith.index_cast %add3A_779 : i32 to index
          %get3A_844 = arith.constant 112 : index
          %get3A_845 = tpu.vector_load %arg5[%get3A_843, %get3A_844] {strides = array<i32>} : memref<64x384xf32, #tpu.memory_space<vmem>>, vector<1x16xf32>,
          %get3A_846 = vector.shape_cast %get3A_845 : vector<1x16xf32> to vector<16xf32>
          %swap3A_847 = arith.index_cast %add3A_779 : i32 to index
          %swap3A_848 = arith.constant 112 : index
          %swap3A_849 = tpu.vector_load %arg7[%swap3A_847, %swap3A_848] {strides = array<i32>} : memref<64x384xf32, #tpu.memory_space<vmem>>, vector<1x16xf32>,
          %swap3A_850 = vector.shape_cast %swap3A_849 : vector<1x16xf32> to vector<16xf32>
          %swap3A_851 = vector.shape_cast %get3A_846 : vector<16xf32> to vector<1x16xf32>
          tpu.vector_store %arg7[%swap3A_847, %swap3A_848], %swap3A_851 {add = true, strides = array<i32>} : memref<64x384xf32, #tpu.memory_space<vmem>>, vector<1x16xf32>,
          %get3A_852 = arith.index_cast %add3A_779 : i32 to index
          %get3A_853 = arith.constant 128 : index
          %get3A_854 = tpu.vector_load %arg5[%get3A_852, %get3A_853] {strides = array<i32>} : memref<64x384xf32, #tpu.memory_space<vmem>>, vector<1x16xf32>,
          %get3A_855 = vector.shape_cast %get3A_854 : vector<1x16xf32> to vector<16xf32>
          %swap3A_856 = arith.index_cast %add3A_779 : i32 to index
          %swap3A_857 = arith.constant 128 : index
          %swap3A_858 = tpu.vector_load %arg7[%swap3A_856, %swap3A_857] {strides = array<i32>} : memref<64x384xf32, #tpu.memory_space<vmem>>, vector<1x16xf32>,
          %swap3A_859 = vector.shape_cast %swap3A_858 : vector<1x16xf32> to vector<16xf32>
          %swap3A_860 = vector.shape_cast %get3A_855 : vector<16xf32> to vector<1x16xf32>
          tpu.vector_store %arg7[%swap3A_856, %swap3A_857], %swap3A_860 {add = true, strides = array<i32>} : memref<64x384xf32, #tpu.memory_space<vmem>>, vector<1x16xf32>,
          %get3A_861 = arith.index_cast %add3A_779 : i32 to index
          %get3A_862 = arith.constant 144 : index
          %get3A_863 = tpu.vector_load %arg5[%get3A_861, %get3A_862] {strides = array<i32>} : memref<64x384xf32, #tpu.memory_space<vmem>>, vector<1x16xf32>,
          %get3A_864 = vector.shape_cast %get3A_863 : vector<1x16xf32> to vector<16xf32>
          %swap3A_865 = arith.index_cast %add3A_779 : i32 to index
          %swap3A_866 = arith.constant 144 : index
          %swap3A_867 = tpu.vector_load %arg7[%swap3A_865, %swap3A_866] {strides = array<i32>} : memref<64x384xf32, #tpu.memory_space<vmem>>, vector<1x16xf32>,
          %swap3A_868 = vector.shape_cast %swap3A_867 : vector<1x16xf32> to vector<16xf32>
          %swap3A_869 = vector.shape_cast %get3A_864 : vector<16xf32> to vector<1x16xf32>
          tpu.vector_store %arg7[%swap3A_865, %swap3A_866], %swap3A_869 {add = true, strides = array<i32>} : memref<64x384xf32, #tpu.memory_space<vmem>>, vector<1x16xf32>,
          %get3A_870 = arith.index_cast %add3A_779 : i32 to index
          %get3A_871 = arith.constant 160 : index
          %get3A_872 = tpu.vector_load %arg5[%get3A_870, %get3A_871] {strides = array<i32>} : memref<64x384xf32, #tpu.memory_space<vmem>>, vector<1x16xf32>,
          %get3A_873 = vector.shape_cast %get3A_872 : vector<1x16xf32> to vector<16xf32>
          %swap3A_874 = arith.index_cast %add3A_779 : i32 to index
          %swap3A_875 = arith.constant 160 : index
          %swap3A_876 = tpu.vector_load %arg7[%swap3A_874, %swap3A_875] {strides = array<i32>} : memref<64x384xf32, #tpu.memory_space<vmem>>, vector<1x16xf32>,
          %swap3A_877 = vector.shape_cast %swap3A_876 : vector<1x16xf32> to vector<16xf32>
          %swap3A_878 = vector.shape_cast %get3A_873 : vector<16xf32> to vector<1x16xf32>
          tpu.vector_store %arg7[%swap3A_874, %swap3A_875], %swap3A_878 {add = true, strides = array<i32>} : memref<64x384xf32, #tpu.memory_space<vmem>>, vector<1x16xf32>,
          %get3A_879 = arith.index_cast %add3A_779 : i32 to index
          %get3A_880 = arith.constant 176 : index
          %get3A_881 = tpu.vector_load %arg5[%get3A_879, %get3A_880] {strides = array<i32>} : memref<64x384xf32, #tpu.memory_space<vmem>>, vector<1x16xf32>,
          %get3A_882 = vector.shape_cast %get3A_881 : vector<1x16xf32> to vector<16xf32>
          %swap3A_883 = arith.index_cast %add3A_779 : i32 to index
          %swap3A_884 = arith.constant 176 : index
          %swap3A_885 = tpu.vector_load %arg7[%swap3A_883, %swap3A_884] {strides = array<i32>} : memref<64x384xf32, #tpu.memory_space<vmem>>, vector<1x16xf32>,
          %swap3A_886 = vector.shape_cast %swap3A_885 : vector<1x16xf32> to vector<16xf32>
          %swap3A_887 = vector.shape_cast %get3A_882 : vector<16xf32> to vector<1x16xf32>
          tpu.vector_store %arg7[%swap3A_883, %swap3A_884], %swap3A_887 {add = true, strides = array<i32>} : memref<64x384xf32, #tpu.memory_space<vmem>>, vector<1x16xf32>,
          %get3A_888 = arith.index_cast %add3A_779 : i32 to index
          %get3A_889 = arith.constant 192 : index
          %get3A_890 = tpu.vector_load %arg5[%get3A_888, %get3A_889] {strides = array<i32>} : memref<64x384xf32, #tpu.memory_space<vmem>>, vector<1x16xf32>,
          %get3A_891 = vector.shape_cast %get3A_890 : vector<1x16xf32> to vector<16xf32>
          %swap3A_892 = arith.index_cast %add3A_779 : i32 to index
          %swap3A_893 = arith.constant 192 : index
          %swap3A_894 = tpu.vector_load %arg7[%swap3A_892, %swap3A_893] {strides = array<i32>} : memref<64x384xf32, #tpu.memory_space<vmem>>, vector<1x16xf32>,
          %swap3A_895 = vector.shape_cast %swap3A_894 : vector<1x16xf32> to vector<16xf32>
          %swap3A_896 = vector.shape_cast %get3A_891 : vector<16xf32> to vector<1x16xf32>
          tpu.vector_store %arg7[%swap3A_892, %swap3A_893], %swap3A_896 {add = true, strides = array<i32>} : memref<64x384xf32, #tpu.memory_space<vmem>>, vector<1x16xf32>,
          %get3A_897 = arith.index_cast %add3A_779 : i32 to index
          %get3A_898 = arith.constant 208 : index
          %get3A_899 = tpu.vector_load %arg5[%get3A_897, %get3A_898] {strides = array<i32>} : memref<64x384xf32, #tpu.memory_space<vmem>>, vector<1x16xf32>,
          %get3A_900 = vector.shape_cast %get3A_899 : vector<1x16xf32> to vector<16xf32>
          %swap3A_901 = arith.index_cast %add3A_779 : i32 to index
          %swap3A_902 = arith.constant 208 : index
          %swap3A_903 = tpu.vector_load %arg7[%swap3A_901, %swap3A_902] {strides = array<i32>} : memref<64x384xf32, #tpu.memory_space<vmem>>, vector<1x16xf32>,
          %swap3A_904 = vector.shape_cast %swap3A_903 : vector<1x16xf32> to vector<16xf32>
          %swap3A_905 = vector.shape_cast %get3A_900 : vector<16xf32> to vector<1x16xf32>
          tpu.vector_store %arg7[%swap3A_901, %swap3A_902], %swap3A_905 {add = true, strides = array<i32>} : memref<64x384xf32, #tpu.memory_space<vmem>>, vector<1x16xf32>,
          %get3A_906 = arith.index_cast %add3A_779 : i32 to index
          %get3A_907 = arith.constant 224 : index
          %get3A_908 = tpu.vector_load %arg5[%get3A_906, %get3A_907] {strides = array<i32>} : memref<64x384xf32, #tpu.memory_space<vmem>>, vector<1x16xf32>,
          %get3A_909 = vector.shape_cast %get3A_908 : vector<1x16xf32> to vector<16xf32>
          %swap3A_910 = arith.index_cast %add3A_779 : i32 to index
          %swap3A_911 = arith.constant 224 : index
          %swap3A_912 = tpu.vector_load %arg7[%swap3A_910, %swap3A_911] {strides = array<i32>} : memref<64x384xf32, #tpu.memory_space<vmem>>, vector<1x16xf32>,
          %swap3A_913 = vector.shape_cast %swap3A_912 : vector<1x16xf32> to vector<16xf32>
          %swap3A_914 = vector.shape_cast %get3A_909 : vector<16xf32> to vector<1x16xf32>
          tpu.vector_store %arg7[%swap3A_910, %swap3A_911], %swap3A_914 {add = true, strides = array<i32>} : memref<64x384xf32, #tpu.memory_space<vmem>>, vector<1x16xf32>,
          %get3A_915 = arith.index_cast %add3A_779 : i32 to index
          %get3A_916 = arith.constant 240 : index
          %get3A_917 = tpu.vector_load %arg5[%get3A_915, %get3A_916] {strides = array<i32>} : memref<64x384xf32, #tpu.memory_space<vmem>>, vector<1x16xf32>,
          %get3A_918 = vector.shape_cast %get3A_917 : vector<1x16xf32> to vector<16xf32>
          %swap3A_919 = arith.index_cast %add3A_779 : i32 to index
          %swap3A_920 = arith.constant 240 : index
          %swap3A_921 = tpu.vector_load %arg7[%swap3A_919, %swap3A_920] {strides = array<i32>} : memref<64x384xf32, #tpu.memory_space<vmem>>, vector<1x16xf32>,
          %swap3A_922 = vector.shape_cast %swap3A_921 : vector<1x16xf32> to vector<16xf32>
          %swap3A_923 = vector.shape_cast %get3A_918 : vector<16xf32> to vector<1x16xf32>
          tpu.vector_store %arg7[%swap3A_919, %swap3A_920], %swap3A_923 {add = true, strides = array<i32>} : memref<64x384xf32, #tpu.memory_space<vmem>>, vector<1x16xf32>,
          %get3A_924 = arith.index_cast %add3A_779 : i32 to index
          %get3A_925 = arith.constant 256 : index
          %get3A_926 = tpu.vector_load %arg5[%get3A_924, %get3A_925] {strides = array<i32>} : memref<64x384xf32, #tpu.memory_space<vmem>>, vector<1x16xf32>,
          %get3A_927 = vector.shape_cast %get3A_926 : vector<1x16xf32> to vector<16xf32>
          %swap3A_928 = arith.index_cast %add3A_779 : i32 to index
          %swap3A_929 = arith.constant 256 : index
          %swap3A_930 = tpu.vector_load %arg7[%swap3A_928, %swap3A_929] {strides = array<i32>} : memref<64x384xf32, #tpu.memory_space<vmem>>, vector<1x16xf32>,
          %swap3A_931 = vector.shape_cast %swap3A_930 : vector<1x16xf32> to vector<16xf32>
          %swap3A_932 = vector.shape_cast %get3A_927 : vector<16xf32> to vector<1x16xf32>
          tpu.vector_store %arg7[%swap3A_928, %swap3A_929], %swap3A_932 {add = true, strides = array<i32>} : memref<64x384xf32, #tpu.memory_space<vmem>>, vector<1x16xf32>,
          %get3A_933 = arith.index_cast %add3A_779 : i32 to index
          %get3A_934 = arith.constant 272 : index
          %get3A_935 = tpu.vector_load %arg5[%get3A_933, %get3A_934] {strides = array<i32>} : memref<64x384xf32, #tpu.memory_space<vmem>>, vector<1x16xf32>,
          %get3A_936 = vector.shape_cast %get3A_935 : vector<1x16xf32> to vector<16xf32>
          %swap3A_937 = arith.index_cast %add3A_779 : i32 to index
          %swap3A_938 = arith.constant 272 : index
          %swap3A_939 = tpu.vector_load %arg7[%swap3A_937, %swap3A_938] {strides = array<i32>} : memref<64x384xf32, #tpu.memory_space<vmem>>, vector<1x16xf32>,
          %swap3A_940 = vector.shape_cast %swap3A_939 : vector<1x16xf32> to vector<16xf32>
          %swap3A_941 = vector.shape_cast %get3A_936 : vector<16xf32> to vector<1x16xf32>
          tpu.vector_store %arg7[%swap3A_937, %swap3A_938], %swap3A_941 {add = true, strides = array<i32>} : memref<64x384xf32, #tpu.memory_space<vmem>>, vector<1x16xf32>,
          %get3A_942 = arith.index_cast %add3A_779 : i32 to index
          %get3A_943 = arith.constant 288 : index
          %get3A_944 = tpu.vector_load %arg5[%get3A_942, %get3A_943] {strides = array<i32>} : memref<64x384xf32, #tpu.memory_space<vmem>>, vector<1x16xf32>,
          %get3A_945 = vector.shape_cast %get3A_944 : vector<1x16xf32> to vector<16xf32>
          %swap3A_946 = arith.index_cast %add3A_779 : i32 to index
          %swap3A_947 = arith.constant 288 : index
          %swap3A_948 = tpu.vector_load %arg7[%swap3A_946, %swap3A_947] {strides = array<i32>} : memref<64x384xf32, #tpu.memory_space<vmem>>, vector<1x16xf32>,
          %swap3A_949 = vector.shape_cast %swap3A_948 : vector<1x16xf32> to vector<16xf32>
          %swap3A_950 = vector.shape_cast %get3A_945 : vector<16xf32> to vector<1x16xf32>
          tpu.vector_store %arg7[%swap3A_946, %swap3A_947], %swap3A_950 {add = true, strides = array<i32>} : memref<64x384xf32, #tpu.memory_space<vmem>>, vector<1x16xf32>,
          %get3A_951 = arith.index_cast %add3A_779 : i32 to index
          %get3A_952 = arith.constant 304 : index
          %get3A_953 = tpu.vector_load %arg5[%get3A_951, %get3A_952] {strides = array<i32>} : memref<64x384xf32, #tpu.memory_space<vmem>>, vector<1x16xf32>,
          %get3A_954 = vector.shape_cast %get3A_953 : vector<1x16xf32> to vector<16xf32>
          %swap3A_955 = arith.index_cast %add3A_779 : i32 to index
          %swap3A_956 = arith.constant 304 : index
          %swap3A_957 = tpu.vector_load %arg7[%swap3A_955, %swap3A_956] {strides = array<i32>} : memref<64x384xf32, #tpu.memory_space<vmem>>, vector<1x16xf32>,
          %swap3A_958 = vector.shape_cast %swap3A_957 : vector<1x16xf32> to vector<16xf32>
          %swap3A_959 = vector.shape_cast %get3A_954 : vector<16xf32> to vector<1x16xf32>
          tpu.vector_store %arg7[%swap3A_955, %swap3A_956], %swap3A_959 {add = true, strides = array<i32>} : memref<64x384xf32, #tpu.memory_space<vmem>>, vector<1x16xf32>,
          %get3A_960 = arith.index_cast %add3A_779 : i32 to index
          %get3A_961 = arith.constant 320 : index
          %get3A_962 = tpu.vector_load %arg5[%get3A_960, %get3A_961] {strides = array<i32>} : memref<64x384xf32, #tpu.memory_space<vmem>>, vector<1x16xf32>,
          %get3A_963 = vector.shape_cast %get3A_962 : vector<1x16xf32> to vector<16xf32>
          %swap3A_964 = arith.index_cast %add3A_779 : i32 to index
          %swap3A_965 = arith.constant 320 : index
          %swap3A_966 = tpu.vector_load %arg7[%swap3A_964, %swap3A_965] {strides = array<i32>} : memref<64x384xf32, #tpu.memory_space<vmem>>, vector<1x16xf32>,
          %swap3A_967 = vector.shape_cast %swap3A_966 : vector<1x16xf32> to vector<16xf32>
          %swap3A_968 = vector.shape_cast %get3A_963 : vector<16xf32> to vector<1x16xf32>
          tpu.vector_store %arg7[%swap3A_964, %swap3A_965], %swap3A_968 {add = true, strides = array<i32>} : memref<64x384xf32, #tpu.memory_space<vmem>>, vector<1x16xf32>,
          %get3A_969 = arith.index_cast %add3A_779 : i32 to index
          %get3A_970 = arith.constant 336 : index
          %get3A_971 = tpu.vector_load %arg5[%get3A_969, %get3A_970] {strides = array<i32>} : memref<64x384xf32, #tpu.memory_space<vmem>>, vector<1x16xf32>,
          %get3A_972 = vector.shape_cast %get3A_971 : vector<1x16xf32> to vector<16xf32>
          %swap3A_973 = arith.index_cast %add3A_779 : i32 to index
          %swap3A_974 = arith.constant 336 : index
          %swap3A_975 = tpu.vector_load %arg7[%swap3A_973, %swap3A_974] {strides = array<i32>} : memref<64x384xf32, #tpu.memory_space<vmem>>, vector<1x16xf32>,
          %swap3A_976 = vector.shape_cast %swap3A_975 : vector<1x16xf32> to vector<16xf32>
          %swap3A_977 = vector.shape_cast %get3A_972 : vector<16xf32> to vector<1x16xf32>
          tpu.vector_store %arg7[%swap3A_973, %swap3A_974], %swap3A_977 {add = true, strides = array<i32>} : memref<64x384xf32, #tpu.memory_space<vmem>>, vector<1x16xf32>,
          %get3A_978 = arith.index_cast %add3A_779 : i32 to index
          %get3A_979 = arith.constant 352 : index
          %get3A_980 = tpu.vector_load %arg5[%get3A_978, %get3A_979] {strides = array<i32>} : memref<64x384xf32, #tpu.memory_space<vmem>>, vector<1x16xf32>,
          %get3A_981 = vector.shape_cast %get3A_980 : vector<1x16xf32> to vector<16xf32>
          %swap3A_982 = arith.index_cast %add3A_779 : i32 to index
          %swap3A_983 = arith.constant 352 : index
          %swap3A_984 = tpu.vector_load %arg7[%swap3A_982, %swap3A_983] {strides = array<i32>} : memref<64x384xf32, #tpu.memory_space<vmem>>, vector<1x16xf32>,
          %swap3A_985 = vector.shape_cast %swap3A_984 : vector<1x16xf32> to vector<16xf32>
          %swap3A_986 = vector.shape_cast %get3A_981 : vector<16xf32> to vector<1x16xf32>
          tpu.vector_store %arg7[%swap3A_982, %swap3A_983], %swap3A_986 {add = true, strides = array<i32>} : memref<64x384xf32, #tpu.memory_space<vmem>>, vector<1x16xf32>,
          %get3A_987 = arith.index_cast %add3A_779 : i32 to index
          %get3A_988 = arith.constant 368 : index
          %get3A_989 = tpu.vector_load %arg5[%get3A_987, %get3A_988] {strides = array<i32>} : memref<64x384xf32, #tpu.memory_space<vmem>>, vector<1x16xf32>,
          %get3A_990 = vector.shape_cast %get3A_989 : vector<1x16xf32> to vector<16xf32>
          %swap3A_991 = arith.index_cast %add3A_779 : i32 to index
          %swap3A_992 = arith.constant 368 : index
          %swap3A_993 = tpu.vector_load %arg7[%swap3A_991, %swap3A_992] {strides = array<i32>} : memref<64x384xf32, #tpu.memory_space<vmem>>, vector<1x16xf32>,
          %swap3A_994 = vector.shape_cast %swap3A_993 : vector<1x16xf32> to vector<16xf32>
          %swap3A_995 = vector.shape_cast %get3A_990 : vector<16xf32> to vector<1x16xf32>
          tpu.vector_store %arg7[%swap3A_991, %swap3A_992], %swap3A_995 {add = true, strides = array<i32>} : memref<64x384xf32, #tpu.memory_space<vmem>>, vector<1x16xf32>,
        }
        %scan3A_111 = arith.constant 16 : i32
        %mul3A_112 = arith.constant 32 : i32
        %mul3A_113 = arith.muli %add3A_89, %mul3A_112 : i32
        %add3A_114 = arith.addi %add3A, %mul3A_113 : i32
        %dma_start3A_115 = arith.constant 0 : i32
        %dma_start3A_116 = arith.constant 0 : i32
        %dma_start3A_117 = tpu.memref_slice %arg4[%add3A_114, %dma_start3A_115, %dma_start3A_116] : memref<1568x64x384xf32, #tpu.memory_space<hbm>> -> memref<1x64x384xf32, #tpu.memory_space<hbm>>
        %dma_start3A_118 = tpu.memref_squeeze %dma_start3A_117 : memref<1x64x384xf32, #tpu.memory_space<hbm>> -> memref<64x384xf32, #tpu.memory_space<hbm>>
        %dma_start3A_119 = arith.constant 0 : i32
        %dma_start3A_120 = arith.constant 0 : i32
        %dma_start3A_121 = tpu.memref_slice %arg4[%add3A_114, %dma_start3A_119, %dma_start3A_120] : memref<1568x64x384xf32, #tpu.memory_space<hbm>> -> memref<1x64x384xf32, #tpu.memory_space<hbm>>
        %dma_start3A_122 = tpu.memref_squeeze %dma_start3A_121 : memref<1x64x384xf32, #tpu.memory_space<hbm>> -> memref<64x384xf32, #tpu.memory_space<hbm>>
        tpu.enqueue_dma source(%arg7 : memref<64x384xf32, #tpu.memory_space<vmem>>) target(%dma_start3A_122 : memref<64x384xf32, #tpu.memory_space<hbm>>) target_semaphore(%arg15 : memref<!tpu.dma_semaphore, #tpu.memory_space<semaphore_mem>>)
      } else {
      }
      %add3A_74 = arith.constant 2 : i32
      %add3A_75 = arith.addi %mul3A_62, %add3A_74 : i32
      %lt3A_76 = arith.constant 49 : i32
      %lt3A_77 = arith.cmpi slt, %add3A_75, %lt3A_76 : i32
      %convert_element_type3A_78 = arith.extui %lt3A_77 : i1 to i32
      %cond3A_79 = arith.constant 0 : i32
      %cond3A_80 = arith.cmpi ne, %convert_element_type3A_78, %cond3A_79 : i32
      scf.if %cond3A_80 {
        %add3A_88 = arith.constant 2 : i32
        %add3A_89 = arith.addi %mul3A_62, %add3A_88 : i32
        %dma_wait3A_90 = arith.constant 0 : i32
        %dma_wait3A_91 = arith.constant 0 : i32
        %dma_wait3A_92 = arith.constant 0 : i32
        %dma_wait3A_93 = tpu.memref_slice %arg2[%dma_wait3A_90, %dma_wait3A_91, %dma_wait3A_92] : memref<1568x64x384xf32, #tpu.memory_space<hbm>> -> memref<1x64x384xf32, #tpu.memory_space<hbm>>
        %dma_wait3A_94 = tpu.memref_squeeze %dma_wait3A_93 : memref<1x64x384xf32, #tpu.memory_space<hbm>> -> memref<64x384xf32, #tpu.memory_space<hbm>>
        %dma_wait3A_95 = arith.constant 0 : i32
        %dma_wait3A_96 = arith.constant 0 : i32
        %dma_wait3A_97 = tpu.memref_slice %arg2[%dma_wait3A_90, %dma_wait3A_95, %dma_wait3A_96] : memref<1568x64x384xf32, #tpu.memory_space<hbm>> -> memref<1x64x384xf32, #tpu.memory_space<hbm>>
        %dma_wait3A_98 = tpu.memref_squeeze %dma_wait3A_97 : memref<1x64x384xf32, #tpu.memory_space<hbm>> -> memref<64x384xf32, #tpu.memory_space<hbm>>
        tpu.wait_dma2 semaphore(%arg12 : memref<!tpu.dma_semaphore, #tpu.memory_space<semaphore_mem>>) src(%dma_wait3A_98 : memref<64x384xf32, #tpu.memory_space<hbm>>) dst(%arg8 : memref<64x384xf32, #tpu.memory_space<vmem>>)
        %add3A_99 = arith.constant 2 : i32
        %add3A_100 = arith.addi %add3A_89, %add3A_99 : i32
        %lt3A_101 = arith.constant 49 : i32
        %lt3A_102 = arith.cmpi slt, %add3A_100, %lt3A_101 : i32
        %convert_element_type3A_103 = arith.extui %lt3A_102 : i1 to i32
        %cond3A_104 = arith.constant 0 : i32
        %cond3A_105 = arith.cmpi ne, %convert_element_type3A_103, %cond3A_104 : i32
        scf.if %cond3A_105 {
          %ge3A = arith.constant 2 : i32
          %ge3A_123 = arith.cmpi sge, %add3A_89, %ge3A : i32
          %convert_element_type3A_124 = arith.extui %ge3A_123 : i1 to i32
          %cond3A_125 = arith.constant 0 : i32
          %cond3A_126 = arith.cmpi ne, %convert_element_type3A_124, %cond3A_125 : i32
          scf.if %cond3A_126 {
            %dma_wait3A_140 = arith.constant 0 : i32
            %dma_wait3A_141 = arith.constant 0 : i32
            %dma_wait3A_142 = arith.constant 0 : i32
            %dma_wait3A_143 = tpu.memref_slice %arg4[%dma_wait3A_140, %dma_wait3A_141, %dma_wait3A_142] : memref<1568x64x384xf32, #tpu.memory_space<hbm>> -> memref<1x64x384xf32, #tpu.memory_space<hbm>>
            %dma_wait3A_144 = tpu.memref_squeeze %dma_wait3A_143 : memref<1x64x384xf32, #tpu.memory_space<hbm>> -> memref<64x384xf32, #tpu.memory_space<hbm>>
            %dma_wait3A_145 = arith.constant 0 : i32
            %dma_wait3A_146 = arith.constant 0 : i32
            %dma_wait3A_147 = tpu.memref_slice %arg4[%dma_wait3A_140, %dma_wait3A_145, %dma_wait3A_146] : memref<1568x64x384xf32, #tpu.memory_space<hbm>> -> memref<1x64x384xf32, #tpu.memory_space<hbm>>
            %dma_wait3A_148 = tpu.memref_squeeze %dma_wait3A_147 : memref<1x64x384xf32, #tpu.memory_space<hbm>> -> memref<64x384xf32, #tpu.memory_space<hbm>>
            tpu.wait_dma2 semaphore(%arg14 : memref<!tpu.dma_semaphore, #tpu.memory_space<semaphore_mem>>) src(%arg6 : memref<64x384xf32, #tpu.memory_space<vmem>>) dst(%dma_wait3A_148 : memref<64x384xf32, #tpu.memory_space<hbm>>)
          } else {
          }
          %add3A_127 = arith.constant 2 : i32
          %add3A_128 = arith.addi %add3A_89, %add3A_127 : i32
          %mul3A_129 = arith.constant 32 : i32
          %mul3A_130 = arith.muli %add3A_128, %mul3A_129 : i32
          %add3A_131 = arith.addi %add3A, %mul3A_130 : i32
          %dma_start3A_132 = arith.constant 0 : i32
          %dma_start3A_133 = arith.constant 0 : i32
          %dma_start3A_134 = tpu.memref_slice %arg2[%add3A_131, %dma_start3A_132, %dma_start3A_133] : memref<1568x64x384xf32, #tpu.memory_space<hbm>> -> memref<1x64x384xf32, #tpu.memory_space<hbm>>
          %dma_start3A_135 = tpu.memref_squeeze %dma_start3A_134 : memref<1x64x384xf32, #tpu.memory_space<hbm>> -> memref<64x384xf32, #tpu.memory_space<hbm>>
          %dma_start3A_136 = arith.constant 0 : i32
          %dma_start3A_137 = arith.constant 0 : i32
          %dma_start3A_138 = tpu.memref_slice %arg2[%add3A_131, %dma_start3A_136, %dma_start3A_137] : memref<1568x64x384xf32, #tpu.memory_space<hbm>> -> memref<1x64x384xf32, #tpu.memory_space<hbm>>
          %dma_start3A_139 = tpu.memref_squeeze %dma_start3A_138 : memref<1x64x384xf32, #tpu.memory_space<hbm>> -> memref<64x384xf32, #tpu.memory_space<hbm>>
          tpu.enqueue_dma source(%dma_start3A_139 : memref<64x384xf32, #tpu.memory_space<hbm>>) target(%arg6 : memref<64x384xf32, #tpu.memory_space<vmem>>) target_semaphore(%arg10 : memref<!tpu.dma_semaphore, #tpu.memory_space<semaphore_mem>>)
        } else {
        }
        %scan3A_106 = arith.constant 0 : i32
        %scan3A_107 = arith.constant 0 : i32
        %scan3A_108 = arith.constant 16 : i32
        %scan3A_109 = arith.addi %scan3A_107, %scan3A_108 : i32
        %scan3A_110 = arith.constant 1 : i32
        scf.for %scan3A_123 = %scan3A_107 to %scan3A_109 step %scan3A_110  : i32 {
          %mul3A_124 = arith.constant 4 : i32
          %mul3A_125 = arith.muli %scan3A_123, %mul3A_124 : i32
          %add3A_126 = arith.constant 0 : i32
          %add3A_127 = arith.addi %mul3A_125, %add3A_126 : i32
          %get3A = arith.index_cast %add3A_127 : i32 to index
          %get3A_128 = arith.constant 0 : index
          %get3A_129 = tpu.vector_load %arg5[%get3A, %get3A_128] {strides = array<i32>} : memref<64x384xf32, #tpu.memory_space<vmem>>, vector<1x16xf32>,
          %get3A_130 = vector.shape_cast %get3A_129 : vector<1x16xf32> to vector<16xf32>
          %swap3A = arith.index_cast %add3A_127 : i32 to index
          %swap3A_131 = arith.constant 0 : index
          %swap3A_132 = tpu.vector_load %arg8[%swap3A, %swap3A_131] {strides = array<i32>} : memref<64x384xf32, #tpu.memory_space<vmem>>, vector<1x16xf32>,
          %swap3A_133 = vector.shape_cast %swap3A_132 : vector<1x16xf32> to vector<16xf32>
          %swap3A_134 = vector.shape_cast %get3A_130 : vector<16xf32> to vector<1x16xf32>
          tpu.vector_store %arg8[%swap3A, %swap3A_131], %swap3A_134 {add = true, strides = array<i32>} : memref<64x384xf32, #tpu.memory_space<vmem>>, vector<1x16xf32>,
          %get3A_135 = arith.index_cast %add3A_127 : i32 to index
          %get3A_136 = arith.constant 16 : index
          %get3A_137 = tpu.vector_load %arg5[%get3A_135, %get3A_136] {strides = array<i32>} : memref<64x384xf32, #tpu.memory_space<vmem>>, vector<1x16xf32>,
          %get3A_138 = vector.shape_cast %get3A_137 : vector<1x16xf32> to vector<16xf32>
          %swap3A_139 = arith.index_cast %add3A_127 : i32 to index
          %swap3A_140 = arith.constant 16 : index
          %swap3A_141 = tpu.vector_load %arg8[%swap3A_139, %swap3A_140] {strides = array<i32>} : memref<64x384xf32, #tpu.memory_space<vmem>>, vector<1x16xf32>,
          %swap3A_142 = vector.shape_cast %swap3A_141 : vector<1x16xf32> to vector<16xf32>
          %swap3A_143 = vector.shape_cast %get3A_138 : vector<16xf32> to vector<1x16xf32>
          tpu.vector_store %arg8[%swap3A_139, %swap3A_140], %swap3A_143 {add = true, strides = array<i32>} : memref<64x384xf32, #tpu.memory_space<vmem>>, vector<1x16xf32>,
          %get3A_144 = arith.index_cast %add3A_127 : i32 to index
          %get3A_145 = arith.constant 32 : index
          %get3A_146 = tpu.vector_load %arg5[%get3A_144, %get3A_145] {strides = array<i32>} : memref<64x384xf32, #tpu.memory_space<vmem>>, vector<1x16xf32>,
          %get3A_147 = vector.shape_cast %get3A_146 : vector<1x16xf32> to vector<16xf32>
          %swap3A_148 = arith.index_cast %add3A_127 : i32 to index
          %swap3A_149 = arith.constant 32 : index
          %swap3A_150 = tpu.vector_load %arg8[%swap3A_148, %swap3A_149] {strides = array<i32>} : memref<64x384xf32, #tpu.memory_space<vmem>>, vector<1x16xf32>,
          %swap3A_151 = vector.shape_cast %swap3A_150 : vector<1x16xf32> to vector<16xf32>
          %swap3A_152 = vector.shape_cast %get3A_147 : vector<16xf32> to vector<1x16xf32>
          tpu.vector_store %arg8[%swap3A_148, %swap3A_149], %swap3A_152 {add = true, strides = array<i32>} : memref<64x384xf32, #tpu.memory_space<vmem>>, vector<1x16xf32>,
          %get3A_153 = arith.index_cast %add3A_127 : i32 to index
          %get3A_154 = arith.constant 48 : index
          %get3A_155 = tpu.vector_load %arg5[%get3A_153, %get3A_154] {strides = array<i32>} : memref<64x384xf32, #tpu.memory_space<vmem>>, vector<1x16xf32>,
          %get3A_156 = vector.shape_cast %get3A_155 : vector<1x16xf32> to vector<16xf32>
          %swap3A_157 = arith.index_cast %add3A_127 : i32 to index
          %swap3A_158 = arith.constant 48 : index
          %swap3A_159 = tpu.vector_load %arg8[%swap3A_157, %swap3A_158] {strides = array<i32>} : memref<64x384xf32, #tpu.memory_space<vmem>>, vector<1x16xf32>,
          %swap3A_160 = vector.shape_cast %swap3A_159 : vector<1x16xf32> to vector<16xf32>
          %swap3A_161 = vector.shape_cast %get3A_156 : vector<16xf32> to vector<1x16xf32>
          tpu.vector_store %arg8[%swap3A_157, %swap3A_158], %swap3A_161 {add = true, strides = array<i32>} : memref<64x384xf32, #tpu.memory_space<vmem>>, vector<1x16xf32>,
          %get3A_162 = arith.index_cast %add3A_127 : i32 to index
          %get3A_163 = arith.constant 64 : index
          %get3A_164 = tpu.vector_load %arg5[%get3A_162, %get3A_163] {strides = array<i32>} : memref<64x384xf32, #tpu.memory_space<vmem>>, vector<1x16xf32>,
          %get3A_165 = vector.shape_cast %get3A_164 : vector<1x16xf32> to vector<16xf32>
          %swap3A_166 = arith.index_cast %add3A_127 : i32 to index
          %swap3A_167 = arith.constant 64 : index
          %swap3A_168 = tpu.vector_load %arg8[%swap3A_166, %swap3A_167] {strides = array<i32>} : memref<64x384xf32, #tpu.memory_space<vmem>>, vector<1x16xf32>,
          %swap3A_169 = vector.shape_cast %swap3A_168 : vector<1x16xf32> to vector<16xf32>
          %swap3A_170 = vector.shape_cast %get3A_165 : vector<16xf32> to vector<1x16xf32>
          tpu.vector_store %arg8[%swap3A_166, %swap3A_167], %swap3A_170 {add = true, strides = array<i32>} : memref<64x384xf32, #tpu.memory_space<vmem>>, vector<1x16xf32>,
          %get3A_171 = arith.index_cast %add3A_127 : i32 to index
          %get3A_172 = arith.constant 80 : index
          %get3A_173 = tpu.vector_load %arg5[%get3A_171, %get3A_172] {strides = array<i32>} : memref<64x384xf32, #tpu.memory_space<vmem>>, vector<1x16xf32>,
          %get3A_174 = vector.shape_cast %get3A_173 : vector<1x16xf32> to vector<16xf32>
          %swap3A_175 = arith.index_cast %add3A_127 : i32 to index
          %swap3A_176 = arith.constant 80 : index
          %swap3A_177 = tpu.vector_load %arg8[%swap3A_175, %swap3A_176] {strides = array<i32>} : memref<64x384xf32, #tpu.memory_space<vmem>>, vector<1x16xf32>,
          %swap3A_178 = vector.shape_cast %swap3A_177 : vector<1x16xf32> to vector<16xf32>
          %swap3A_179 = vector.shape_cast %get3A_174 : vector<16xf32> to vector<1x16xf32>
          tpu.vector_store %arg8[%swap3A_175, %swap3A_176], %swap3A_179 {add = true, strides = array<i32>} : memref<64x384xf32, #tpu.memory_space<vmem>>, vector<1x16xf32>,
          %get3A_180 = arith.index_cast %add3A_127 : i32 to index
          %get3A_181 = arith.constant 96 : index
          %get3A_182 = tpu.vector_load %arg5[%get3A_180, %get3A_181] {strides = array<i32>} : memref<64x384xf32, #tpu.memory_space<vmem>>, vector<1x16xf32>,
          %get3A_183 = vector.shape_cast %get3A_182 : vector<1x16xf32> to vector<16xf32>
          %swap3A_184 = arith.index_cast %add3A_127 : i32 to index
          %swap3A_185 = arith.constant 96 : index
          %swap3A_186 = tpu.vector_load %arg8[%swap3A_184, %swap3A_185] {strides = array<i32>} : memref<64x384xf32, #tpu.memory_space<vmem>>, vector<1x16xf32>,
          %swap3A_187 = vector.shape_cast %swap3A_186 : vector<1x16xf32> to vector<16xf32>
          %swap3A_188 = vector.shape_cast %get3A_183 : vector<16xf32> to vector<1x16xf32>
          tpu.vector_store %arg8[%swap3A_184, %swap3A_185], %swap3A_188 {add = true, strides = array<i32>} : memref<64x384xf32, #tpu.memory_space<vmem>>, vector<1x16xf32>,
          %get3A_189 = arith.index_cast %add3A_127 : i32 to index
          %get3A_190 = arith.constant 112 : index
          %get3A_191 = tpu.vector_load %arg5[%get3A_189, %get3A_190] {strides = array<i32>} : memref<64x384xf32, #tpu.memory_space<vmem>>, vector<1x16xf32>,
          %get3A_192 = vector.shape_cast %get3A_191 : vector<1x16xf32> to vector<16xf32>
          %swap3A_193 = arith.index_cast %add3A_127 : i32 to index
          %swap3A_194 = arith.constant 112 : index
          %swap3A_195 = tpu.vector_load %arg8[%swap3A_193, %swap3A_194] {strides = array<i32>} : memref<64x384xf32, #tpu.memory_space<vmem>>, vector<1x16xf32>,
          %swap3A_196 = vector.shape_cast %swap3A_195 : vector<1x16xf32> to vector<16xf32>
          %swap3A_197 = vector.shape_cast %get3A_192 : vector<16xf32> to vector<1x16xf32>
          tpu.vector_store %arg8[%swap3A_193, %swap3A_194], %swap3A_197 {add = true, strides = array<i32>} : memref<64x384xf32, #tpu.memory_space<vmem>>, vector<1x16xf32>,
          %get3A_198 = arith.index_cast %add3A_127 : i32 to index
          %get3A_199 = arith.constant 128 : index
          %get3A_200 = tpu.vector_load %arg5[%get3A_198, %get3A_199] {strides = array<i32>} : memref<64x384xf32, #tpu.memory_space<vmem>>, vector<1x16xf32>,
          %get3A_201 = vector.shape_cast %get3A_200 : vector<1x16xf32> to vector<16xf32>
          %swap3A_202 = arith.index_cast %add3A_127 : i32 to index
          %swap3A_203 = arith.constant 128 : index
          %swap3A_204 = tpu.vector_load %arg8[%swap3A_202, %swap3A_203] {strides = array<i32>} : memref<64x384xf32, #tpu.memory_space<vmem>>, vector<1x16xf32>,
          %swap3A_205 = vector.shape_cast %swap3A_204 : vector<1x16xf32> to vector<16xf32>
          %swap3A_206 = vector.shape_cast %get3A_201 : vector<16xf32> to vector<1x16xf32>
          tpu.vector_store %arg8[%swap3A_202, %swap3A_203], %swap3A_206 {add = true, strides = array<i32>} : memref<64x384xf32, #tpu.memory_space<vmem>>, vector<1x16xf32>,
          %get3A_207 = arith.index_cast %add3A_127 : i32 to index
          %get3A_208 = arith.constant 144 : index
          %get3A_209 = tpu.vector_load %arg5[%get3A_207, %get3A_208] {strides = array<i32>} : memref<64x384xf32, #tpu.memory_space<vmem>>, vector<1x16xf32>,
          %get3A_210 = vector.shape_cast %get3A_209 : vector<1x16xf32> to vector<16xf32>
          %swap3A_211 = arith.index_cast %add3A_127 : i32 to index
          %swap3A_212 = arith.constant 144 : index
          %swap3A_213 = tpu.vector_load %arg8[%swap3A_211, %swap3A_212] {strides = array<i32>} : memref<64x384xf32, #tpu.memory_space<vmem>>, vector<1x16xf32>,
          %swap3A_214 = vector.shape_cast %swap3A_213 : vector<1x16xf32> to vector<16xf32>
          %swap3A_215 = vector.shape_cast %get3A_210 : vector<16xf32> to vector<1x16xf32>
          tpu.vector_store %arg8[%swap3A_211, %swap3A_212], %swap3A_215 {add = true, strides = array<i32>} : memref<64x384xf32, #tpu.memory_space<vmem>>, vector<1x16xf32>,
          %get3A_216 = arith.index_cast %add3A_127 : i32 to index
          %get3A_217 = arith.constant 160 : index
          %get3A_218 = tpu.vector_load %arg5[%get3A_216, %get3A_217] {strides = array<i32>} : memref<64x384xf32, #tpu.memory_space<vmem>>, vector<1x16xf32>,
          %get3A_219 = vector.shape_cast %get3A_218 : vector<1x16xf32> to vector<16xf32>
          %swap3A_220 = arith.index_cast %add3A_127 : i32 to index
          %swap3A_221 = arith.constant 160 : index
          %swap3A_222 = tpu.vector_load %arg8[%swap3A_220, %swap3A_221] {strides = array<i32>} : memref<64x384xf32, #tpu.memory_space<vmem>>, vector<1x16xf32>,
          %swap3A_223 = vector.shape_cast %swap3A_222 : vector<1x16xf32> to vector<16xf32>
          %swap3A_224 = vector.shape_cast %get3A_219 : vector<16xf32> to vector<1x16xf32>
          tpu.vector_store %arg8[%swap3A_220, %swap3A_221], %swap3A_224 {add = true, strides = array<i32>} : memref<64x384xf32, #tpu.memory_space<vmem>>, vector<1x16xf32>,
          %get3A_225 = arith.index_cast %add3A_127 : i32 to index
          %get3A_226 = arith.constant 176 : index
          %get3A_227 = tpu.vector_load %arg5[%get3A_225, %get3A_226] {strides = array<i32>} : memref<64x384xf32, #tpu.memory_space<vmem>>, vector<1x16xf32>,
          %get3A_228 = vector.shape_cast %get3A_227 : vector<1x16xf32> to vector<16xf32>
          %swap3A_229 = arith.index_cast %add3A_127 : i32 to index
          %swap3A_230 = arith.constant 176 : index
          %swap3A_231 = tpu.vector_load %arg8[%swap3A_229, %swap3A_230] {strides = array<i32>} : memref<64x384xf32, #tpu.memory_space<vmem>>, vector<1x16xf32>,
          %swap3A_232 = vector.shape_cast %swap3A_231 : vector<1x16xf32> to vector<16xf32>
          %swap3A_233 = vector.shape_cast %get3A_228 : vector<16xf32> to vector<1x16xf32>
          tpu.vector_store %arg8[%swap3A_229, %swap3A_230], %swap3A_233 {add = true, strides = array<i32>} : memref<64x384xf32, #tpu.memory_space<vmem>>, vector<1x16xf32>,
          %get3A_234 = arith.index_cast %add3A_127 : i32 to index
          %get3A_235 = arith.constant 192 : index
          %get3A_236 = tpu.vector_load %arg5[%get3A_234, %get3A_235] {strides = array<i32>} : memref<64x384xf32, #tpu.memory_space<vmem>>, vector<1x16xf32>,
          %get3A_237 = vector.shape_cast %get3A_236 : vector<1x16xf32> to vector<16xf32>
          %swap3A_238 = arith.index_cast %add3A_127 : i32 to index
          %swap3A_239 = arith.constant 192 : index
          %swap3A_240 = tpu.vector_load %arg8[%swap3A_238, %swap3A_239] {strides = array<i32>} : memref<64x384xf32, #tpu.memory_space<vmem>>, vector<1x16xf32>,
          %swap3A_241 = vector.shape_cast %swap3A_240 : vector<1x16xf32> to vector<16xf32>
          %swap3A_242 = vector.shape_cast %get3A_237 : vector<16xf32> to vector<1x16xf32>
          tpu.vector_store %arg8[%swap3A_238, %swap3A_239], %swap3A_242 {add = true, strides = array<i32>} : memref<64x384xf32, #tpu.memory_space<vmem>>, vector<1x16xf32>,
          %get3A_243 = arith.index_cast %add3A_127 : i32 to index
          %get3A_244 = arith.constant 208 : index
          %get3A_245 = tpu.vector_load %arg5[%get3A_243, %get3A_244] {strides = array<i32>} : memref<64x384xf32, #tpu.memory_space<vmem>>, vector<1x16xf32>,
          %get3A_246 = vector.shape_cast %get3A_245 : vector<1x16xf32> to vector<16xf32>
          %swap3A_247 = arith.index_cast %add3A_127 : i32 to index
          %swap3A_248 = arith.constant 208 : index
          %swap3A_249 = tpu.vector_load %arg8[%swap3A_247, %swap3A_248] {strides = array<i32>} : memref<64x384xf32, #tpu.memory_space<vmem>>, vector<1x16xf32>,
          %swap3A_250 = vector.shape_cast %swap3A_249 : vector<1x16xf32> to vector<16xf32>
          %swap3A_251 = vector.shape_cast %get3A_246 : vector<16xf32> to vector<1x16xf32>
          tpu.vector_store %arg8[%swap3A_247, %swap3A_248], %swap3A_251 {add = true, strides = array<i32>} : memref<64x384xf32, #tpu.memory_space<vmem>>, vector<1x16xf32>,
          %get3A_252 = arith.index_cast %add3A_127 : i32 to index
          %get3A_253 = arith.constant 224 : index
          %get3A_254 = tpu.vector_load %arg5[%get3A_252, %get3A_253] {strides = array<i32>} : memref<64x384xf32, #tpu.memory_space<vmem>>, vector<1x16xf32>,
          %get3A_255 = vector.shape_cast %get3A_254 : vector<1x16xf32> to vector<16xf32>
          %swap3A_256 = arith.index_cast %add3A_127 : i32 to index
          %swap3A_257 = arith.constant 224 : index
          %swap3A_258 = tpu.vector_load %arg8[%swap3A_256, %swap3A_257] {strides = array<i32>} : memref<64x384xf32, #tpu.memory_space<vmem>>, vector<1x16xf32>,
          %swap3A_259 = vector.shape_cast %swap3A_258 : vector<1x16xf32> to vector<16xf32>
          %swap3A_260 = vector.shape_cast %get3A_255 : vector<16xf32> to vector<1x16xf32>
          tpu.vector_store %arg8[%swap3A_256, %swap3A_257], %swap3A_260 {add = true, strides = array<i32>} : memref<64x384xf32, #tpu.memory_space<vmem>>, vector<1x16xf32>,
          %get3A_261 = arith.index_cast %add3A_127 : i32 to index
          %get3A_262 = arith.constant 240 : index
          %get3A_263 = tpu.vector_load %arg5[%get3A_261, %get3A_262] {strides = array<i32>} : memref<64x384xf32, #tpu.memory_space<vmem>>, vector<1x16xf32>,
          %get3A_264 = vector.shape_cast %get3A_263 : vector<1x16xf32> to vector<16xf32>
          %swap3A_265 = arith.index_cast %add3A_127 : i32 to index
          %swap3A_266 = arith.constant 240 : index
          %swap3A_267 = tpu.vector_load %arg8[%swap3A_265, %swap3A_266] {strides = array<i32>} : memref<64x384xf32, #tpu.memory_space<vmem>>, vector<1x16xf32>,
          %swap3A_268 = vector.shape_cast %swap3A_267 : vector<1x16xf32> to vector<16xf32>
          %swap3A_269 = vector.shape_cast %get3A_264 : vector<16xf32> to vector<1x16xf32>
          tpu.vector_store %arg8[%swap3A_265, %swap3A_266], %swap3A_269 {add = true, strides = array<i32>} : memref<64x384xf32, #tpu.memory_space<vmem>>, vector<1x16xf32>,
          %get3A_270 = arith.index_cast %add3A_127 : i32 to index
          %get3A_271 = arith.constant 256 : index
          %get3A_272 = tpu.vector_load %arg5[%get3A_270, %get3A_271] {strides = array<i32>} : memref<64x384xf32, #tpu.memory_space<vmem>>, vector<1x16xf32>,
          %get3A_273 = vector.shape_cast %get3A_272 : vector<1x16xf32> to vector<16xf32>
          %swap3A_274 = arith.index_cast %add3A_127 : i32 to index
          %swap3A_275 = arith.constant 256 : index
          %swap3A_276 = tpu.vector_load %arg8[%swap3A_274, %swap3A_275] {strides = array<i32>} : memref<64x384xf32, #tpu.memory_space<vmem>>, vector<1x16xf32>,
          %swap3A_277 = vector.shape_cast %swap3A_276 : vector<1x16xf32> to vector<16xf32>
          %swap3A_278 = vector.shape_cast %get3A_273 : vector<16xf32> to vector<1x16xf32>
          tpu.vector_store %arg8[%swap3A_274, %swap3A_275], %swap3A_278 {add = true, strides = array<i32>} : memref<64x384xf32, #tpu.memory_space<vmem>>, vector<1x16xf32>,
          %get3A_279 = arith.index_cast %add3A_127 : i32 to index
          %get3A_280 = arith.constant 272 : index
          %get3A_281 = tpu.vector_load %arg5[%get3A_279, %get3A_280] {strides = array<i32>} : memref<64x384xf32, #tpu.memory_space<vmem>>, vector<1x16xf32>,
          %get3A_282 = vector.shape_cast %get3A_281 : vector<1x16xf32> to vector<16xf32>
          %swap3A_283 = arith.index_cast %add3A_127 : i32 to index
          %swap3A_284 = arith.constant 272 : index
          %swap3A_285 = tpu.vector_load %arg8[%swap3A_283, %swap3A_284] {strides = array<i32>} : memref<64x384xf32, #tpu.memory_space<vmem>>, vector<1x16xf32>,
          %swap3A_286 = vector.shape_cast %swap3A_285 : vector<1x16xf32> to vector<16xf32>
          %swap3A_287 = vector.shape_cast %get3A_282 : vector<16xf32> to vector<1x16xf32>
          tpu.vector_store %arg8[%swap3A_283, %swap3A_284], %swap3A_287 {add = true, strides = array<i32>} : memref<64x384xf32, #tpu.memory_space<vmem>>, vector<1x16xf32>,
          %get3A_288 = arith.index_cast %add3A_127 : i32 to index
          %get3A_289 = arith.constant 288 : index
          %get3A_290 = tpu.vector_load %arg5[%get3A_288, %get3A_289] {strides = array<i32>} : memref<64x384xf32, #tpu.memory_space<vmem>>, vector<1x16xf32>,
          %get3A_291 = vector.shape_cast %get3A_290 : vector<1x16xf32> to vector<16xf32>
          %swap3A_292 = arith.index_cast %add3A_127 : i32 to index
          %swap3A_293 = arith.constant 288 : index
          %swap3A_294 = tpu.vector_load %arg8[%swap3A_292, %swap3A_293] {strides = array<i32>} : memref<64x384xf32, #tpu.memory_space<vmem>>, vector<1x16xf32>,
          %swap3A_295 = vector.shape_cast %swap3A_294 : vector<1x16xf32> to vector<16xf32>
          %swap3A_296 = vector.shape_cast %get3A_291 : vector<16xf32> to vector<1x16xf32>
          tpu.vector_store %arg8[%swap3A_292, %swap3A_293], %swap3A_296 {add = true, strides = array<i32>} : memref<64x384xf32, #tpu.memory_space<vmem>>, vector<1x16xf32>,
          %get3A_297 = arith.index_cast %add3A_127 : i32 to index
          %get3A_298 = arith.constant 304 : index
          %get3A_299 = tpu.vector_load %arg5[%get3A_297, %get3A_298] {strides = array<i32>} : memref<64x384xf32, #tpu.memory_space<vmem>>, vector<1x16xf32>,
          %get3A_300 = vector.shape_cast %get3A_299 : vector<1x16xf32> to vector<16xf32>
          %swap3A_301 = arith.index_cast %add3A_127 : i32 to index
          %swap3A_302 = arith.constant 304 : index
          %swap3A_303 = tpu.vector_load %arg8[%swap3A_301, %swap3A_302] {strides = array<i32>} : memref<64x384xf32, #tpu.memory_space<vmem>>, vector<1x16xf32>,
          %swap3A_304 = vector.shape_cast %swap3A_303 : vector<1x16xf32> to vector<16xf32>
          %swap3A_305 = vector.shape_cast %get3A_300 : vector<16xf32> to vector<1x16xf32>
          tpu.vector_store %arg8[%swap3A_301, %swap3A_302], %swap3A_305 {add = true, strides = array<i32>} : memref<64x384xf32, #tpu.memory_space<vmem>>, vector<1x16xf32>,
          %get3A_306 = arith.index_cast %add3A_127 : i32 to index
          %get3A_307 = arith.constant 320 : index
          %get3A_308 = tpu.vector_load %arg5[%get3A_306, %get3A_307] {strides = array<i32>} : memref<64x384xf32, #tpu.memory_space<vmem>>, vector<1x16xf32>,
          %get3A_309 = vector.shape_cast %get3A_308 : vector<1x16xf32> to vector<16xf32>
          %swap3A_310 = arith.index_cast %add3A_127 : i32 to index
          %swap3A_311 = arith.constant 320 : index
          %swap3A_312 = tpu.vector_load %arg8[%swap3A_310, %swap3A_311] {strides = array<i32>} : memref<64x384xf32, #tpu.memory_space<vmem>>, vector<1x16xf32>,
          %swap3A_313 = vector.shape_cast %swap3A_312 : vector<1x16xf32> to vector<16xf32>
          %swap3A_314 = vector.shape_cast %get3A_309 : vector<16xf32> to vector<1x16xf32>
          tpu.vector_store %arg8[%swap3A_310, %swap3A_311], %swap3A_314 {add = true, strides = array<i32>} : memref<64x384xf32, #tpu.memory_space<vmem>>, vector<1x16xf32>,
          %get3A_315 = arith.index_cast %add3A_127 : i32 to index
          %get3A_316 = arith.constant 336 : index
          %get3A_317 = tpu.vector_load %arg5[%get3A_315, %get3A_316] {strides = array<i32>} : memref<64x384xf32, #tpu.memory_space<vmem>>, vector<1x16xf32>,
          %get3A_318 = vector.shape_cast %get3A_317 : vector<1x16xf32> to vector<16xf32>
          %swap3A_319 = arith.index_cast %add3A_127 : i32 to index
          %swap3A_320 = arith.constant 336 : index
          %swap3A_321 = tpu.vector_load %arg8[%swap3A_319, %swap3A_320] {strides = array<i32>} : memref<64x384xf32, #tpu.memory_space<vmem>>, vector<1x16xf32>,
          %swap3A_322 = vector.shape_cast %swap3A_321 : vector<1x16xf32> to vector<16xf32>
          %swap3A_323 = vector.shape_cast %get3A_318 : vector<16xf32> to vector<1x16xf32>
          tpu.vector_store %arg8[%swap3A_319, %swap3A_320], %swap3A_323 {add = true, strides = array<i32>} : memref<64x384xf32, #tpu.memory_space<vmem>>, vector<1x16xf32>,
          %get3A_324 = arith.index_cast %add3A_127 : i32 to index
          %get3A_325 = arith.constant 352 : index
          %get3A_326 = tpu.vector_load %arg5[%get3A_324, %get3A_325] {strides = array<i32>} : memref<64x384xf32, #tpu.memory_space<vmem>>, vector<1x16xf32>,
          %get3A_327 = vector.shape_cast %get3A_326 : vector<1x16xf32> to vector<16xf32>
          %swap3A_328 = arith.index_cast %add3A_127 : i32 to index
          %swap3A_329 = arith.constant 352 : index
          %swap3A_330 = tpu.vector_load %arg8[%swap3A_328, %swap3A_329] {strides = array<i32>} : memref<64x384xf32, #tpu.memory_space<vmem>>, vector<1x16xf32>,
          %swap3A_331 = vector.shape_cast %swap3A_330 : vector<1x16xf32> to vector<16xf32>
          %swap3A_332 = vector.shape_cast %get3A_327 : vector<16xf32> to vector<1x16xf32>
          tpu.vector_store %arg8[%swap3A_328, %swap3A_329], %swap3A_332 {add = true, strides = array<i32>} : memref<64x384xf32, #tpu.memory_space<vmem>>, vector<1x16xf32>,
          %get3A_333 = arith.index_cast %add3A_127 : i32 to index
          %get3A_334 = arith.constant 368 : index
          %get3A_335 = tpu.vector_load %arg5[%get3A_333, %get3A_334] {strides = array<i32>} : memref<64x384xf32, #tpu.memory_space<vmem>>, vector<1x16xf32>,
          %get3A_336 = vector.shape_cast %get3A_335 : vector<1x16xf32> to vector<16xf32>
          %swap3A_337 = arith.index_cast %add3A_127 : i32 to index
          %swap3A_338 = arith.constant 368 : index
          %swap3A_339 = tpu.vector_load %arg8[%swap3A_337, %swap3A_338] {strides = array<i32>} : memref<64x384xf32, #tpu.memory_space<vmem>>, vector<1x16xf32>,
          %swap3A_340 = vector.shape_cast %swap3A_339 : vector<1x16xf32> to vector<16xf32>
          %swap3A_341 = vector.shape_cast %get3A_336 : vector<16xf32> to vector<1x16xf32>
          tpu.vector_store %arg8[%swap3A_337, %swap3A_338], %swap3A_341 {add = true, strides = array<i32>} : memref<64x384xf32, #tpu.memory_space<vmem>>, vector<1x16xf32>,
          %add3A_342 = arith.constant 1 : i32
          %add3A_343 = arith.addi %mul3A_125, %add3A_342 : i32
          %get3A_344 = arith.index_cast %add3A_343 : i32 to index
          %get3A_345 = arith.constant 0 : index
          %get3A_346 = tpu.vector_load %arg5[%get3A_344, %get3A_345] {strides = array<i32>} : memref<64x384xf32, #tpu.memory_space<vmem>>, vector<1x16xf32>,
          %get3A_347 = vector.shape_cast %get3A_346 : vector<1x16xf32> to vector<16xf32>
          %swap3A_348 = arith.index_cast %add3A_343 : i32 to index
          %swap3A_349 = arith.constant 0 : index
          %swap3A_350 = tpu.vector_load %arg8[%swap3A_348, %swap3A_349] {strides = array<i32>} : memref<64x384xf32, #tpu.memory_space<vmem>>, vector<1x16xf32>,
          %swap3A_351 = vector.shape_cast %swap3A_350 : vector<1x16xf32> to vector<16xf32>
          %swap3A_352 = vector.shape_cast %get3A_347 : vector<16xf32> to vector<1x16xf32>
          tpu.vector_store %arg8[%swap3A_348, %swap3A_349], %swap3A_352 {add = true, strides = array<i32>} : memref<64x384xf32, #tpu.memory_space<vmem>>, vector<1x16xf32>,
          %get3A_353 = arith.index_cast %add3A_343 : i32 to index
          %get3A_354 = arith.constant 16 : index
          %get3A_355 = tpu.vector_load %arg5[%get3A_353, %get3A_354] {strides = array<i32>} : memref<64x384xf32, #tpu.memory_space<vmem>>, vector<1x16xf32>,
          %get3A_356 = vector.shape_cast %get3A_355 : vector<1x16xf32> to vector<16xf32>
          %swap3A_357 = arith.index_cast %add3A_343 : i32 to index
          %swap3A_358 = arith.constant 16 : index
          %swap3A_359 = tpu.vector_load %arg8[%swap3A_357, %swap3A_358] {strides = array<i32>} : memref<64x384xf32, #tpu.memory_space<vmem>>, vector<1x16xf32>,
          %swap3A_360 = vector.shape_cast %swap3A_359 : vector<1x16xf32> to vector<16xf32>
          %swap3A_361 = vector.shape_cast %get3A_356 : vector<16xf32> to vector<1x16xf32>
          tpu.vector_store %arg8[%swap3A_357, %swap3A_358], %swap3A_361 {add = true, strides = array<i32>} : memref<64x384xf32, #tpu.memory_space<vmem>>, vector<1x16xf32>,
          %get3A_362 = arith.index_cast %add3A_343 : i32 to index
          %get3A_363 = arith.constant 32 : index
          %get3A_364 = tpu.vector_load %arg5[%get3A_362, %get3A_363] {strides = array<i32>} : memref<64x384xf32, #tpu.memory_space<vmem>>, vector<1x16xf32>,
          %get3A_365 = vector.shape_cast %get3A_364 : vector<1x16xf32> to vector<16xf32>
          %swap3A_366 = arith.index_cast %add3A_343 : i32 to index
          %swap3A_367 = arith.constant 32 : index
          %swap3A_368 = tpu.vector_load %arg8[%swap3A_366, %swap3A_367] {strides = array<i32>} : memref<64x384xf32, #tpu.memory_space<vmem>>, vector<1x16xf32>,
          %swap3A_369 = vector.shape_cast %swap3A_368 : vector<1x16xf32> to vector<16xf32>
          %swap3A_370 = vector.shape_cast %get3A_365 : vector<16xf32> to vector<1x16xf32>
          tpu.vector_store %arg8[%swap3A_366, %swap3A_367], %swap3A_370 {add = true, strides = array<i32>} : memref<64x384xf32, #tpu.memory_space<vmem>>, vector<1x16xf32>,
          %get3A_371 = arith.index_cast %add3A_343 : i32 to index
          %get3A_372 = arith.constant 48 : index
          %get3A_373 = tpu.vector_load %arg5[%get3A_371, %get3A_372] {strides = array<i32>} : memref<64x384xf32, #tpu.memory_space<vmem>>, vector<1x16xf32>,
          %get3A_374 = vector.shape_cast %get3A_373 : vector<1x16xf32> to vector<16xf32>
          %swap3A_375 = arith.index_cast %add3A_343 : i32 to index
          %swap3A_376 = arith.constant 48 : index
          %swap3A_377 = tpu.vector_load %arg8[%swap3A_375, %swap3A_376] {strides = array<i32>} : memref<64x384xf32, #tpu.memory_space<vmem>>, vector<1x16xf32>,
          %swap3A_378 = vector.shape_cast %swap3A_377 : vector<1x16xf32> to vector<16xf32>
          %swap3A_379 = vector.shape_cast %get3A_374 : vector<16xf32> to vector<1x16xf32>
          tpu.vector_store %arg8[%swap3A_375, %swap3A_376], %swap3A_379 {add = true, strides = array<i32>} : memref<64x384xf32, #tpu.memory_space<vmem>>, vector<1x16xf32>,
          %get3A_380 = arith.index_cast %add3A_343 : i32 to index
          %get3A_381 = arith.constant 64 : index
          %get3A_382 = tpu.vector_load %arg5[%get3A_380, %get3A_381] {strides = array<i32>} : memref<64x384xf32, #tpu.memory_space<vmem>>, vector<1x16xf32>,
          %get3A_383 = vector.shape_cast %get3A_382 : vector<1x16xf32> to vector<16xf32>
          %swap3A_384 = arith.index_cast %add3A_343 : i32 to index
          %swap3A_385 = arith.constant 64 : index
          %swap3A_386 = tpu.vector_load %arg8[%swap3A_384, %swap3A_385] {strides = array<i32>} : memref<64x384xf32, #tpu.memory_space<vmem>>, vector<1x16xf32>,
          %swap3A_387 = vector.shape_cast %swap3A_386 : vector<1x16xf32> to vector<16xf32>
          %swap3A_388 = vector.shape_cast %get3A_383 : vector<16xf32> to vector<1x16xf32>
          tpu.vector_store %arg8[%swap3A_384, %swap3A_385], %swap3A_388 {add = true, strides = array<i32>} : memref<64x384xf32, #tpu.memory_space<vmem>>, vector<1x16xf32>,
          %get3A_389 = arith.index_cast %add3A_343 : i32 to index
          %get3A_390 = arith.constant 80 : index
          %get3A_391 = tpu.vector_load %arg5[%get3A_389, %get3A_390] {strides = array<i32>} : memref<64x384xf32, #tpu.memory_space<vmem>>, vector<1x16xf32>,
          %get3A_392 = vector.shape_cast %get3A_391 : vector<1x16xf32> to vector<16xf32>
          %swap3A_393 = arith.index_cast %add3A_343 : i32 to index
          %swap3A_394 = arith.constant 80 : index
          %swap3A_395 = tpu.vector_load %arg8[%swap3A_393, %swap3A_394] {strides = array<i32>} : memref<64x384xf32, #tpu.memory_space<vmem>>, vector<1x16xf32>,
          %swap3A_396 = vector.shape_cast %swap3A_395 : vector<1x16xf32> to vector<16xf32>
          %swap3A_397 = vector.shape_cast %get3A_392 : vector<16xf32> to vector<1x16xf32>
          tpu.vector_store %arg8[%swap3A_393, %swap3A_394], %swap3A_397 {add = true, strides = array<i32>} : memref<64x384xf32, #tpu.memory_space<vmem>>, vector<1x16xf32>,
          %get3A_398 = arith.index_cast %add3A_343 : i32 to index
          %get3A_399 = arith.constant 96 : index
          %get3A_400 = tpu.vector_load %arg5[%get3A_398, %get3A_399] {strides = array<i32>} : memref<64x384xf32, #tpu.memory_space<vmem>>, vector<1x16xf32>,
          %get3A_401 = vector.shape_cast %get3A_400 : vector<1x16xf32> to vector<16xf32>
          %swap3A_402 = arith.index_cast %add3A_343 : i32 to index
          %swap3A_403 = arith.constant 96 : index
          %swap3A_404 = tpu.vector_load %arg8[%swap3A_402, %swap3A_403] {strides = array<i32>} : memref<64x384xf32, #tpu.memory_space<vmem>>, vector<1x16xf32>,
          %swap3A_405 = vector.shape_cast %swap3A_404 : vector<1x16xf32> to vector<16xf32>
          %swap3A_406 = vector.shape_cast %get3A_401 : vector<16xf32> to vector<1x16xf32>
          tpu.vector_store %arg8[%swap3A_402, %swap3A_403], %swap3A_406 {add = true, strides = array<i32>} : memref<64x384xf32, #tpu.memory_space<vmem>>, vector<1x16xf32>,
          %get3A_407 = arith.index_cast %add3A_343 : i32 to index
          %get3A_408 = arith.constant 112 : index
          %get3A_409 = tpu.vector_load %arg5[%get3A_407, %get3A_408] {strides = array<i32>} : memref<64x384xf32, #tpu.memory_space<vmem>>, vector<1x16xf32>,
          %get3A_410 = vector.shape_cast %get3A_409 : vector<1x16xf32> to vector<16xf32>
          %swap3A_411 = arith.index_cast %add3A_343 : i32 to index
          %swap3A_412 = arith.constant 112 : index
          %swap3A_413 = tpu.vector_load %arg8[%swap3A_411, %swap3A_412] {strides = array<i32>} : memref<64x384xf32, #tpu.memory_space<vmem>>, vector<1x16xf32>,
          %swap3A_414 = vector.shape_cast %swap3A_413 : vector<1x16xf32> to vector<16xf32>
          %swap3A_415 = vector.shape_cast %get3A_410 : vector<16xf32> to vector<1x16xf32>
          tpu.vector_store %arg8[%swap3A_411, %swap3A_412], %swap3A_415 {add = true, strides = array<i32>} : memref<64x384xf32, #tpu.memory_space<vmem>>, vector<1x16xf32>,
          %get3A_416 = arith.index_cast %add3A_343 : i32 to index
          %get3A_417 = arith.constant 128 : index
          %get3A_418 = tpu.vector_load %arg5[%get3A_416, %get3A_417] {strides = array<i32>} : memref<64x384xf32, #tpu.memory_space<vmem>>, vector<1x16xf32>,
          %get3A_419 = vector.shape_cast %get3A_418 : vector<1x16xf32> to vector<16xf32>
          %swap3A_420 = arith.index_cast %add3A_343 : i32 to index
          %swap3A_421 = arith.constant 128 : index
          %swap3A_422 = tpu.vector_load %arg8[%swap3A_420, %swap3A_421] {strides = array<i32>} : memref<64x384xf32, #tpu.memory_space<vmem>>, vector<1x16xf32>,
          %swap3A_423 = vector.shape_cast %swap3A_422 : vector<1x16xf32> to vector<16xf32>
          %swap3A_424 = vector.shape_cast %get3A_419 : vector<16xf32> to vector<1x16xf32>
          tpu.vector_store %arg8[%swap3A_420, %swap3A_421], %swap3A_424 {add = true, strides = array<i32>} : memref<64x384xf32, #tpu.memory_space<vmem>>, vector<1x16xf32>,
          %get3A_425 = arith.index_cast %add3A_343 : i32 to index
          %get3A_426 = arith.constant 144 : index
          %get3A_427 = tpu.vector_load %arg5[%get3A_425, %get3A_426] {strides = array<i32>} : memref<64x384xf32, #tpu.memory_space<vmem>>, vector<1x16xf32>,
          %get3A_428 = vector.shape_cast %get3A_427 : vector<1x16xf32> to vector<16xf32>
          %swap3A_429 = arith.index_cast %add3A_343 : i32 to index
          %swap3A_430 = arith.constant 144 : index
          %swap3A_431 = tpu.vector_load %arg8[%swap3A_429, %swap3A_430] {strides = array<i32>} : memref<64x384xf32, #tpu.memory_space<vmem>>, vector<1x16xf32>,
          %swap3A_432 = vector.shape_cast %swap3A_431 : vector<1x16xf32> to vector<16xf32>
          %swap3A_433 = vector.shape_cast %get3A_428 : vector<16xf32> to vector<1x16xf32>
          tpu.vector_store %arg8[%swap3A_429, %swap3A_430], %swap3A_433 {add = true, strides = array<i32>} : memref<64x384xf32, #tpu.memory_space<vmem>>, vector<1x16xf32>,
          %get3A_434 = arith.index_cast %add3A_343 : i32 to index
          %get3A_435 = arith.constant 160 : index
          %get3A_436 = tpu.vector_load %arg5[%get3A_434, %get3A_435] {strides = array<i32>} : memref<64x384xf32, #tpu.memory_space<vmem>>, vector<1x16xf32>,
          %get3A_437 = vector.shape_cast %get3A_436 : vector<1x16xf32> to vector<16xf32>
          %swap3A_438 = arith.index_cast %add3A_343 : i32 to index
          %swap3A_439 = arith.constant 160 : index
          %swap3A_440 = tpu.vector_load %arg8[%swap3A_438, %swap3A_439] {strides = array<i32>} : memref<64x384xf32, #tpu.memory_space<vmem>>, vector<1x16xf32>,
          %swap3A_441 = vector.shape_cast %swap3A_440 : vector<1x16xf32> to vector<16xf32>
          %swap3A_442 = vector.shape_cast %get3A_437 : vector<16xf32> to vector<1x16xf32>
          tpu.vector_store %arg8[%swap3A_438, %swap3A_439], %swap3A_442 {add = true, strides = array<i32>} : memref<64x384xf32, #tpu.memory_space<vmem>>, vector<1x16xf32>,
          %get3A_443 = arith.index_cast %add3A_343 : i32 to index
          %get3A_444 = arith.constant 176 : index
          %get3A_445 = tpu.vector_load %arg5[%get3A_443, %get3A_444] {strides = array<i32>} : memref<64x384xf32, #tpu.memory_space<vmem>>, vector<1x16xf32>,
          %get3A_446 = vector.shape_cast %get3A_445 : vector<1x16xf32> to vector<16xf32>
          %swap3A_447 = arith.index_cast %add3A_343 : i32 to index
          %swap3A_448 = arith.constant 176 : index
          %swap3A_449 = tpu.vector_load %arg8[%swap3A_447, %swap3A_448] {strides = array<i32>} : memref<64x384xf32, #tpu.memory_space<vmem>>, vector<1x16xf32>,
          %swap3A_450 = vector.shape_cast %swap3A_449 : vector<1x16xf32> to vector<16xf32>
          %swap3A_451 = vector.shape_cast %get3A_446 : vector<16xf32> to vector<1x16xf32>
          tpu.vector_store %arg8[%swap3A_447, %swap3A_448], %swap3A_451 {add = true, strides = array<i32>} : memref<64x384xf32, #tpu.memory_space<vmem>>, vector<1x16xf32>,
          %get3A_452 = arith.index_cast %add3A_343 : i32 to index
          %get3A_453 = arith.constant 192 : index
          %get3A_454 = tpu.vector_load %arg5[%get3A_452, %get3A_453] {strides = array<i32>} : memref<64x384xf32, #tpu.memory_space<vmem>>, vector<1x16xf32>,
          %get3A_455 = vector.shape_cast %get3A_454 : vector<1x16xf32> to vector<16xf32>
          %swap3A_456 = arith.index_cast %add3A_343 : i32 to index
          %swap3A_457 = arith.constant 192 : index
          %swap3A_458 = tpu.vector_load %arg8[%swap3A_456, %swap3A_457] {strides = array<i32>} : memref<64x384xf32, #tpu.memory_space<vmem>>, vector<1x16xf32>,
          %swap3A_459 = vector.shape_cast %swap3A_458 : vector<1x16xf32> to vector<16xf32>
          %swap3A_460 = vector.shape_cast %get3A_455 : vector<16xf32> to vector<1x16xf32>
          tpu.vector_store %arg8[%swap3A_456, %swap3A_457], %swap3A_460 {add = true, strides = array<i32>} : memref<64x384xf32, #tpu.memory_space<vmem>>, vector<1x16xf32>,
          %get3A_461 = arith.index_cast %add3A_343 : i32 to index
          %get3A_462 = arith.constant 208 : index
          %get3A_463 = tpu.vector_load %arg5[%get3A_461, %get3A_462] {strides = array<i32>} : memref<64x384xf32, #tpu.memory_space<vmem>>, vector<1x16xf32>,
          %get3A_464 = vector.shape_cast %get3A_463 : vector<1x16xf32> to vector<16xf32>
          %swap3A_465 = arith.index_cast %add3A_343 : i32 to index
          %swap3A_466 = arith.constant 208 : index
          %swap3A_467 = tpu.vector_load %arg8[%swap3A_465, %swap3A_466] {strides = array<i32>} : memref<64x384xf32, #tpu.memory_space<vmem>>, vector<1x16xf32>,
          %swap3A_468 = vector.shape_cast %swap3A_467 : vector<1x16xf32> to vector<16xf32>
          %swap3A_469 = vector.shape_cast %get3A_464 : vector<16xf32> to vector<1x16xf32>
          tpu.vector_store %arg8[%swap3A_465, %swap3A_466], %swap3A_469 {add = true, strides = array<i32>} : memref<64x384xf32, #tpu.memory_space<vmem>>, vector<1x16xf32>,
          %get3A_470 = arith.index_cast %add3A_343 : i32 to index
          %get3A_471 = arith.constant 224 : index
          %get3A_472 = tpu.vector_load %arg5[%get3A_470, %get3A_471] {strides = array<i32>} : memref<64x384xf32, #tpu.memory_space<vmem>>, vector<1x16xf32>,
          %get3A_473 = vector.shape_cast %get3A_472 : vector<1x16xf32> to vector<16xf32>
          %swap3A_474 = arith.index_cast %add3A_343 : i32 to index
          %swap3A_475 = arith.constant 224 : index
          %swap3A_476 = tpu.vector_load %arg8[%swap3A_474, %swap3A_475] {strides = array<i32>} : memref<64x384xf32, #tpu.memory_space<vmem>>, vector<1x16xf32>,
          %swap3A_477 = vector.shape_cast %swap3A_476 : vector<1x16xf32> to vector<16xf32>
          %swap3A_478 = vector.shape_cast %get3A_473 : vector<16xf32> to vector<1x16xf32>
          tpu.vector_store %arg8[%swap3A_474, %swap3A_475], %swap3A_478 {add = true, strides = array<i32>} : memref<64x384xf32, #tpu.memory_space<vmem>>, vector<1x16xf32>,
          %get3A_479 = arith.index_cast %add3A_343 : i32 to index
          %get3A_480 = arith.constant 240 : index
          %get3A_481 = tpu.vector_load %arg5[%get3A_479, %get3A_480] {strides = array<i32>} : memref<64x384xf32, #tpu.memory_space<vmem>>, vector<1x16xf32>,
          %get3A_482 = vector.shape_cast %get3A_481 : vector<1x16xf32> to vector<16xf32>
          %swap3A_483 = arith.index_cast %add3A_343 : i32 to index
          %swap3A_484 = arith.constant 240 : index
          %swap3A_485 = tpu.vector_load %arg8[%swap3A_483, %swap3A_484] {strides = array<i32>} : memref<64x384xf32, #tpu.memory_space<vmem>>, vector<1x16xf32>,
          %swap3A_486 = vector.shape_cast %swap3A_485 : vector<1x16xf32> to vector<16xf32>
          %swap3A_487 = vector.shape_cast %get3A_482 : vector<16xf32> to vector<1x16xf32>
          tpu.vector_store %arg8[%swap3A_483, %swap3A_484], %swap3A_487 {add = true, strides = array<i32>} : memref<64x384xf32, #tpu.memory_space<vmem>>, vector<1x16xf32>,
          %get3A_488 = arith.index_cast %add3A_343 : i32 to index
          %get3A_489 = arith.constant 256 : index
          %get3A_490 = tpu.vector_load %arg5[%get3A_488, %get3A_489] {strides = array<i32>} : memref<64x384xf32, #tpu.memory_space<vmem>>, vector<1x16xf32>,
          %get3A_491 = vector.shape_cast %get3A_490 : vector<1x16xf32> to vector<16xf32>
          %swap3A_492 = arith.index_cast %add3A_343 : i32 to index
          %swap3A_493 = arith.constant 256 : index
          %swap3A_494 = tpu.vector_load %arg8[%swap3A_492, %swap3A_493] {strides = array<i32>} : memref<64x384xf32, #tpu.memory_space<vmem>>, vector<1x16xf32>,
          %swap3A_495 = vector.shape_cast %swap3A_494 : vector<1x16xf32> to vector<16xf32>
          %swap3A_496 = vector.shape_cast %get3A_491 : vector<16xf32> to vector<1x16xf32>
          tpu.vector_store %arg8[%swap3A_492, %swap3A_493], %swap3A_496 {add = true, strides = array<i32>} : memref<64x384xf32, #tpu.memory_space<vmem>>, vector<1x16xf32>,
          %get3A_497 = arith.index_cast %add3A_343 : i32 to index
          %get3A_498 = arith.constant 272 : index
          %get3A_499 = tpu.vector_load %arg5[%get3A_497, %get3A_498] {strides = array<i32>} : memref<64x384xf32, #tpu.memory_space<vmem>>, vector<1x16xf32>,
          %get3A_500 = vector.shape_cast %get3A_499 : vector<1x16xf32> to vector<16xf32>
          %swap3A_501 = arith.index_cast %add3A_343 : i32 to index
          %swap3A_502 = arith.constant 272 : index
          %swap3A_503 = tpu.vector_load %arg8[%swap3A_501, %swap3A_502] {strides = array<i32>} : memref<64x384xf32, #tpu.memory_space<vmem>>, vector<1x16xf32>,
          %swap3A_504 = vector.shape_cast %swap3A_503 : vector<1x16xf32> to vector<16xf32>
          %swap3A_505 = vector.shape_cast %get3A_500 : vector<16xf32> to vector<1x16xf32>
          tpu.vector_store %arg8[%swap3A_501, %swap3A_502], %swap3A_505 {add = true, strides = array<i32>} : memref<64x384xf32, #tpu.memory_space<vmem>>, vector<1x16xf32>,
          %get3A_506 = arith.index_cast %add3A_343 : i32 to index
          %get3A_507 = arith.constant 288 : index
          %get3A_508 = tpu.vector_load %arg5[%get3A_506, %get3A_507] {strides = array<i32>} : memref<64x384xf32, #tpu.memory_space<vmem>>, vector<1x16xf32>,
          %get3A_509 = vector.shape_cast %get3A_508 : vector<1x16xf32> to vector<16xf32>
          %swap3A_510 = arith.index_cast %add3A_343 : i32 to index
          %swap3A_511 = arith.constant 288 : index
          %swap3A_512 = tpu.vector_load %arg8[%swap3A_510, %swap3A_511] {strides = array<i32>} : memref<64x384xf32, #tpu.memory_space<vmem>>, vector<1x16xf32>,
          %swap3A_513 = vector.shape_cast %swap3A_512 : vector<1x16xf32> to vector<16xf32>
          %swap3A_514 = vector.shape_cast %get3A_509 : vector<16xf32> to vector<1x16xf32>
          tpu.vector_store %arg8[%swap3A_510, %swap3A_511], %swap3A_514 {add = true, strides = array<i32>} : memref<64x384xf32, #tpu.memory_space<vmem>>, vector<1x16xf32>,
          %get3A_515 = arith.index_cast %add3A_343 : i32 to index
          %get3A_516 = arith.constant 304 : index
          %get3A_517 = tpu.vector_load %arg5[%get3A_515, %get3A_516] {strides = array<i32>} : memref<64x384xf32, #tpu.memory_space<vmem>>, vector<1x16xf32>,
          %get3A_518 = vector.shape_cast %get3A_517 : vector<1x16xf32> to vector<16xf32>
          %swap3A_519 = arith.index_cast %add3A_343 : i32 to index
          %swap3A_520 = arith.constant 304 : index
          %swap3A_521 = tpu.vector_load %arg8[%swap3A_519, %swap3A_520] {strides = array<i32>} : memref<64x384xf32, #tpu.memory_space<vmem>>, vector<1x16xf32>,
          %swap3A_522 = vector.shape_cast %swap3A_521 : vector<1x16xf32> to vector<16xf32>
          %swap3A_523 = vector.shape_cast %get3A_518 : vector<16xf32> to vector<1x16xf32>
          tpu.vector_store %arg8[%swap3A_519, %swap3A_520], %swap3A_523 {add = true, strides = array<i32>} : memref<64x384xf32, #tpu.memory_space<vmem>>, vector<1x16xf32>,
          %get3A_524 = arith.index_cast %add3A_343 : i32 to index
          %get3A_525 = arith.constant 320 : index
          %get3A_526 = tpu.vector_load %arg5[%get3A_524, %get3A_525] {strides = array<i32>} : memref<64x384xf32, #tpu.memory_space<vmem>>, vector<1x16xf32>,
          %get3A_527 = vector.shape_cast %get3A_526 : vector<1x16xf32> to vector<16xf32>
          %swap3A_528 = arith.index_cast %add3A_343 : i32 to index
          %swap3A_529 = arith.constant 320 : index
          %swap3A_530 = tpu.vector_load %arg8[%swap3A_528, %swap3A_529] {strides = array<i32>} : memref<64x384xf32, #tpu.memory_space<vmem>>, vector<1x16xf32>,
          %swap3A_531 = vector.shape_cast %swap3A_530 : vector<1x16xf32> to vector<16xf32>
          %swap3A_532 = vector.shape_cast %get3A_527 : vector<16xf32> to vector<1x16xf32>
          tpu.vector_store %arg8[%swap3A_528, %swap3A_529], %swap3A_532 {add = true, strides = array<i32>} : memref<64x384xf32, #tpu.memory_space<vmem>>, vector<1x16xf32>,
          %get3A_533 = arith.index_cast %add3A_343 : i32 to index
          %get3A_534 = arith.constant 336 : index
          %get3A_535 = tpu.vector_load %arg5[%get3A_533, %get3A_534] {strides = array<i32>} : memref<64x384xf32, #tpu.memory_space<vmem>>, vector<1x16xf32>,
          %get3A_536 = vector.shape_cast %get3A_535 : vector<1x16xf32> to vector<16xf32>
          %swap3A_537 = arith.index_cast %add3A_343 : i32 to index
          %swap3A_538 = arith.constant 336 : index
          %swap3A_539 = tpu.vector_load %arg8[%swap3A_537, %swap3A_538] {strides = array<i32>} : memref<64x384xf32, #tpu.memory_space<vmem>>, vector<1x16xf32>,
          %swap3A_540 = vector.shape_cast %swap3A_539 : vector<1x16xf32> to vector<16xf32>
          %swap3A_541 = vector.shape_cast %get3A_536 : vector<16xf32> to vector<1x16xf32>
          tpu.vector_store %arg8[%swap3A_537, %swap3A_538], %swap3A_541 {add = true, strides = array<i32>} : memref<64x384xf32, #tpu.memory_space<vmem>>, vector<1x16xf32>,
          %get3A_542 = arith.index_cast %add3A_343 : i32 to index
          %get3A_543 = arith.constant 352 : index
          %get3A_544 = tpu.vector_load %arg5[%get3A_542, %get3A_543] {strides = array<i32>} : memref<64x384xf32, #tpu.memory_space<vmem>>, vector<1x16xf32>,
          %get3A_545 = vector.shape_cast %get3A_544 : vector<1x16xf32> to vector<16xf32>
          %swap3A_546 = arith.index_cast %add3A_343 : i32 to index
          %swap3A_547 = arith.constant 352 : index
          %swap3A_548 = tpu.vector_load %arg8[%swap3A_546, %swap3A_547] {strides = array<i32>} : memref<64x384xf32, #tpu.memory_space<vmem>>, vector<1x16xf32>,
          %swap3A_549 = vector.shape_cast %swap3A_548 : vector<1x16xf32> to vector<16xf32>
          %swap3A_550 = vector.shape_cast %get3A_545 : vector<16xf32> to vector<1x16xf32>
          tpu.vector_store %arg8[%swap3A_546, %swap3A_547], %swap3A_550 {add = true, strides = array<i32>} : memref<64x384xf32, #tpu.memory_space<vmem>>, vector<1x16xf32>,
          %get3A_551 = arith.index_cast %add3A_343 : i32 to index
          %get3A_552 = arith.constant 368 : index
          %get3A_553 = tpu.vector_load %arg5[%get3A_551, %get3A_552] {strides = array<i32>} : memref<64x384xf32, #tpu.memory_space<vmem>>, vector<1x16xf32>,
          %get3A_554 = vector.shape_cast %get3A_553 : vector<1x16xf32> to vector<16xf32>
          %swap3A_555 = arith.index_cast %add3A_343 : i32 to index
          %swap3A_556 = arith.constant 368 : index
          %swap3A_557 = tpu.vector_load %arg8[%swap3A_555, %swap3A_556] {strides = array<i32>} : memref<64x384xf32, #tpu.memory_space<vmem>>, vector<1x16xf32>,
          %swap3A_558 = vector.shape_cast %swap3A_557 : vector<1x16xf32> to vector<16xf32>
          %swap3A_559 = vector.shape_cast %get3A_554 : vector<16xf32> to vector<1x16xf32>
          tpu.vector_store %arg8[%swap3A_555, %swap3A_556], %swap3A_559 {add = true, strides = array<i32>} : memref<64x384xf32, #tpu.memory_space<vmem>>, vector<1x16xf32>,
          %add3A_560 = arith.constant 2 : i32
          %add3A_561 = arith.addi %mul3A_125, %add3A_560 : i32
          %get3A_562 = arith.index_cast %add3A_561 : i32 to index
          %get3A_563 = arith.constant 0 : index
          %get3A_564 = tpu.vector_load %arg5[%get3A_562, %get3A_563] {strides = array<i32>} : memref<64x384xf32, #tpu.memory_space<vmem>>, vector<1x16xf32>,
          %get3A_565 = vector.shape_cast %get3A_564 : vector<1x16xf32> to vector<16xf32>
          %swap3A_566 = arith.index_cast %add3A_561 : i32 to index
          %swap3A_567 = arith.constant 0 : index
          %swap3A_568 = tpu.vector_load %arg8[%swap3A_566, %swap3A_567] {strides = array<i32>} : memref<64x384xf32, #tpu.memory_space<vmem>>, vector<1x16xf32>,
          %swap3A_569 = vector.shape_cast %swap3A_568 : vector<1x16xf32> to vector<16xf32>
          %swap3A_570 = vector.shape_cast %get3A_565 : vector<16xf32> to vector<1x16xf32>
          tpu.vector_store %arg8[%swap3A_566, %swap3A_567], %swap3A_570 {add = true, strides = array<i32>} : memref<64x384xf32, #tpu.memory_space<vmem>>, vector<1x16xf32>,
          %get3A_571 = arith.index_cast %add3A_561 : i32 to index
          %get3A_572 = arith.constant 16 : index
          %get3A_573 = tpu.vector_load %arg5[%get3A_571, %get3A_572] {strides = array<i32>} : memref<64x384xf32, #tpu.memory_space<vmem>>, vector<1x16xf32>,
          %get3A_574 = vector.shape_cast %get3A_573 : vector<1x16xf32> to vector<16xf32>
          %swap3A_575 = arith.index_cast %add3A_561 : i32 to index
          %swap3A_576 = arith.constant 16 : index
          %swap3A_577 = tpu.vector_load %arg8[%swap3A_575, %swap3A_576] {strides = array<i32>} : memref<64x384xf32, #tpu.memory_space<vmem>>, vector<1x16xf32>,
          %swap3A_578 = vector.shape_cast %swap3A_577 : vector<1x16xf32> to vector<16xf32>
          %swap3A_579 = vector.shape_cast %get3A_574 : vector<16xf32> to vector<1x16xf32>
          tpu.vector_store %arg8[%swap3A_575, %swap3A_576], %swap3A_579 {add = true, strides = array<i32>} : memref<64x384xf32, #tpu.memory_space<vmem>>, vector<1x16xf32>,
          %get3A_580 = arith.index_cast %add3A_561 : i32 to index
          %get3A_581 = arith.constant 32 : index
          %get3A_582 = tpu.vector_load %arg5[%get3A_580, %get3A_581] {strides = array<i32>} : memref<64x384xf32, #tpu.memory_space<vmem>>, vector<1x16xf32>,
          %get3A_583 = vector.shape_cast %get3A_582 : vector<1x16xf32> to vector<16xf32>
          %swap3A_584 = arith.index_cast %add3A_561 : i32 to index
          %swap3A_585 = arith.constant 32 : index
          %swap3A_586 = tpu.vector_load %arg8[%swap3A_584, %swap3A_585] {strides = array<i32>} : memref<64x384xf32, #tpu.memory_space<vmem>>, vector<1x16xf32>,
          %swap3A_587 = vector.shape_cast %swap3A_586 : vector<1x16xf32> to vector<16xf32>
          %swap3A_588 = vector.shape_cast %get3A_583 : vector<16xf32> to vector<1x16xf32>
          tpu.vector_store %arg8[%swap3A_584, %swap3A_585], %swap3A_588 {add = true, strides = array<i32>} : memref<64x384xf32, #tpu.memory_space<vmem>>, vector<1x16xf32>,
          %get3A_589 = arith.index_cast %add3A_561 : i32 to index
          %get3A_590 = arith.constant 48 : index
          %get3A_591 = tpu.vector_load %arg5[%get3A_589, %get3A_590] {strides = array<i32>} : memref<64x384xf32, #tpu.memory_space<vmem>>, vector<1x16xf32>,
          %get3A_592 = vector.shape_cast %get3A_591 : vector<1x16xf32> to vector<16xf32>
          %swap3A_593 = arith.index_cast %add3A_561 : i32 to index
          %swap3A_594 = arith.constant 48 : index
          %swap3A_595 = tpu.vector_load %arg8[%swap3A_593, %swap3A_594] {strides = array<i32>} : memref<64x384xf32, #tpu.memory_space<vmem>>, vector<1x16xf32>,
          %swap3A_596 = vector.shape_cast %swap3A_595 : vector<1x16xf32> to vector<16xf32>
          %swap3A_597 = vector.shape_cast %get3A_592 : vector<16xf32> to vector<1x16xf32>
          tpu.vector_store %arg8[%swap3A_593, %swap3A_594], %swap3A_597 {add = true, strides = array<i32>} : memref<64x384xf32, #tpu.memory_space<vmem>>, vector<1x16xf32>,
          %get3A_598 = arith.index_cast %add3A_561 : i32 to index
          %get3A_599 = arith.constant 64 : index
          %get3A_600 = tpu.vector_load %arg5[%get3A_598, %get3A_599] {strides = array<i32>} : memref<64x384xf32, #tpu.memory_space<vmem>>, vector<1x16xf32>,
          %get3A_601 = vector.shape_cast %get3A_600 : vector<1x16xf32> to vector<16xf32>
          %swap3A_602 = arith.index_cast %add3A_561 : i32 to index
          %swap3A_603 = arith.constant 64 : index
          %swap3A_604 = tpu.vector_load %arg8[%swap3A_602, %swap3A_603] {strides = array<i32>} : memref<64x384xf32, #tpu.memory_space<vmem>>, vector<1x16xf32>,
          %swap3A_605 = vector.shape_cast %swap3A_604 : vector<1x16xf32> to vector<16xf32>
          %swap3A_606 = vector.shape_cast %get3A_601 : vector<16xf32> to vector<1x16xf32>
          tpu.vector_store %arg8[%swap3A_602, %swap3A_603], %swap3A_606 {add = true, strides = array<i32>} : memref<64x384xf32, #tpu.memory_space<vmem>>, vector<1x16xf32>,
          %get3A_607 = arith.index_cast %add3A_561 : i32 to index
          %get3A_608 = arith.constant 80 : index
          %get3A_609 = tpu.vector_load %arg5[%get3A_607, %get3A_608] {strides = array<i32>} : memref<64x384xf32, #tpu.memory_space<vmem>>, vector<1x16xf32>,
          %get3A_610 = vector.shape_cast %get3A_609 : vector<1x16xf32> to vector<16xf32>
          %swap3A_611 = arith.index_cast %add3A_561 : i32 to index
          %swap3A_612 = arith.constant 80 : index
          %swap3A_613 = tpu.vector_load %arg8[%swap3A_611, %swap3A_612] {strides = array<i32>} : memref<64x384xf32, #tpu.memory_space<vmem>>, vector<1x16xf32>,
          %swap3A_614 = vector.shape_cast %swap3A_613 : vector<1x16xf32> to vector<16xf32>
          %swap3A_615 = vector.shape_cast %get3A_610 : vector<16xf32> to vector<1x16xf32>
          tpu.vector_store %arg8[%swap3A_611, %swap3A_612], %swap3A_615 {add = true, strides = array<i32>} : memref<64x384xf32, #tpu.memory_space<vmem>>, vector<1x16xf32>,
          %get3A_616 = arith.index_cast %add3A_561 : i32 to index
          %get3A_617 = arith.constant 96 : index
          %get3A_618 = tpu.vector_load %arg5[%get3A_616, %get3A_617] {strides = array<i32>} : memref<64x384xf32, #tpu.memory_space<vmem>>, vector<1x16xf32>,
          %get3A_619 = vector.shape_cast %get3A_618 : vector<1x16xf32> to vector<16xf32>
          %swap3A_620 = arith.index_cast %add3A_561 : i32 to index
          %swap3A_621 = arith.constant 96 : index
          %swap3A_622 = tpu.vector_load %arg8[%swap3A_620, %swap3A_621] {strides = array<i32>} : memref<64x384xf32, #tpu.memory_space<vmem>>, vector<1x16xf32>,
          %swap3A_623 = vector.shape_cast %swap3A_622 : vector<1x16xf32> to vector<16xf32>
          %swap3A_624 = vector.shape_cast %get3A_619 : vector<16xf32> to vector<1x16xf32>
          tpu.vector_store %arg8[%swap3A_620, %swap3A_621], %swap3A_624 {add = true, strides = array<i32>} : memref<64x384xf32, #tpu.memory_space<vmem>>, vector<1x16xf32>,
          %get3A_625 = arith.index_cast %add3A_561 : i32 to index
          %get3A_626 = arith.constant 112 : index
          %get3A_627 = tpu.vector_load %arg5[%get3A_625, %get3A_626] {strides = array<i32>} : memref<64x384xf32, #tpu.memory_space<vmem>>, vector<1x16xf32>,
          %get3A_628 = vector.shape_cast %get3A_627 : vector<1x16xf32> to vector<16xf32>
          %swap3A_629 = arith.index_cast %add3A_561 : i32 to index
          %swap3A_630 = arith.constant 112 : index
          %swap3A_631 = tpu.vector_load %arg8[%swap3A_629, %swap3A_630] {strides = array<i32>} : memref<64x384xf32, #tpu.memory_space<vmem>>, vector<1x16xf32>,
          %swap3A_632 = vector.shape_cast %swap3A_631 : vector<1x16xf32> to vector<16xf32>
          %swap3A_633 = vector.shape_cast %get3A_628 : vector<16xf32> to vector<1x16xf32>
          tpu.vector_store %arg8[%swap3A_629, %swap3A_630], %swap3A_633 {add = true, strides = array<i32>} : memref<64x384xf32, #tpu.memory_space<vmem>>, vector<1x16xf32>,
          %get3A_634 = arith.index_cast %add3A_561 : i32 to index
          %get3A_635 = arith.constant 128 : index
          %get3A_636 = tpu.vector_load %arg5[%get3A_634, %get3A_635] {strides = array<i32>} : memref<64x384xf32, #tpu.memory_space<vmem>>, vector<1x16xf32>,
          %get3A_637 = vector.shape_cast %get3A_636 : vector<1x16xf32> to vector<16xf32>
          %swap3A_638 = arith.index_cast %add3A_561 : i32 to index
          %swap3A_639 = arith.constant 128 : index
          %swap3A_640 = tpu.vector_load %arg8[%swap3A_638, %swap3A_639] {strides = array<i32>} : memref<64x384xf32, #tpu.memory_space<vmem>>, vector<1x16xf32>,
          %swap3A_641 = vector.shape_cast %swap3A_640 : vector<1x16xf32> to vector<16xf32>
          %swap3A_642 = vector.shape_cast %get3A_637 : vector<16xf32> to vector<1x16xf32>
          tpu.vector_store %arg8[%swap3A_638, %swap3A_639], %swap3A_642 {add = true, strides = array<i32>} : memref<64x384xf32, #tpu.memory_space<vmem>>, vector<1x16xf32>,
          %get3A_643 = arith.index_cast %add3A_561 : i32 to index
          %get3A_644 = arith.constant 144 : index
          %get3A_645 = tpu.vector_load %arg5[%get3A_643, %get3A_644] {strides = array<i32>} : memref<64x384xf32, #tpu.memory_space<vmem>>, vector<1x16xf32>,
          %get3A_646 = vector.shape_cast %get3A_645 : vector<1x16xf32> to vector<16xf32>
          %swap3A_647 = arith.index_cast %add3A_561 : i32 to index
          %swap3A_648 = arith.constant 144 : index
          %swap3A_649 = tpu.vector_load %arg8[%swap3A_647, %swap3A_648] {strides = array<i32>} : memref<64x384xf32, #tpu.memory_space<vmem>>, vector<1x16xf32>,
          %swap3A_650 = vector.shape_cast %swap3A_649 : vector<1x16xf32> to vector<16xf32>
          %swap3A_651 = vector.shape_cast %get3A_646 : vector<16xf32> to vector<1x16xf32>
          tpu.vector_store %arg8[%swap3A_647, %swap3A_648], %swap3A_651 {add = true, strides = array<i32>} : memref<64x384xf32, #tpu.memory_space<vmem>>, vector<1x16xf32>,
          %get3A_652 = arith.index_cast %add3A_561 : i32 to index
          %get3A_653 = arith.constant 160 : index
          %get3A_654 = tpu.vector_load %arg5[%get3A_652, %get3A_653] {strides = array<i32>} : memref<64x384xf32, #tpu.memory_space<vmem>>, vector<1x16xf32>,
          %get3A_655 = vector.shape_cast %get3A_654 : vector<1x16xf32> to vector<16xf32>
          %swap3A_656 = arith.index_cast %add3A_561 : i32 to index
          %swap3A_657 = arith.constant 160 : index
          %swap3A_658 = tpu.vector_load %arg8[%swap3A_656, %swap3A_657] {strides = array<i32>} : memref<64x384xf32, #tpu.memory_space<vmem>>, vector<1x16xf32>,
          %swap3A_659 = vector.shape_cast %swap3A_658 : vector<1x16xf32> to vector<16xf32>
          %swap3A_660 = vector.shape_cast %get3A_655 : vector<16xf32> to vector<1x16xf32>
          tpu.vector_store %arg8[%swap3A_656, %swap3A_657], %swap3A_660 {add = true, strides = array<i32>} : memref<64x384xf32, #tpu.memory_space<vmem>>, vector<1x16xf32>,
          %get3A_661 = arith.index_cast %add3A_561 : i32 to index
          %get3A_662 = arith.constant 176 : index
          %get3A_663 = tpu.vector_load %arg5[%get3A_661, %get3A_662] {strides = array<i32>} : memref<64x384xf32, #tpu.memory_space<vmem>>, vector<1x16xf32>,
          %get3A_664 = vector.shape_cast %get3A_663 : vector<1x16xf32> to vector<16xf32>
          %swap3A_665 = arith.index_cast %add3A_561 : i32 to index
          %swap3A_666 = arith.constant 176 : index
          %swap3A_667 = tpu.vector_load %arg8[%swap3A_665, %swap3A_666] {strides = array<i32>} : memref<64x384xf32, #tpu.memory_space<vmem>>, vector<1x16xf32>,
          %swap3A_668 = vector.shape_cast %swap3A_667 : vector<1x16xf32> to vector<16xf32>
          %swap3A_669 = vector.shape_cast %get3A_664 : vector<16xf32> to vector<1x16xf32>
          tpu.vector_store %arg8[%swap3A_665, %swap3A_666], %swap3A_669 {add = true, strides = array<i32>} : memref<64x384xf32, #tpu.memory_space<vmem>>, vector<1x16xf32>,
          %get3A_670 = arith.index_cast %add3A_561 : i32 to index
          %get3A_671 = arith.constant 192 : index
          %get3A_672 = tpu.vector_load %arg5[%get3A_670, %get3A_671] {strides = array<i32>} : memref<64x384xf32, #tpu.memory_space<vmem>>, vector<1x16xf32>,
          %get3A_673 = vector.shape_cast %get3A_672 : vector<1x16xf32> to vector<16xf32>
          %swap3A_674 = arith.index_cast %add3A_561 : i32 to index
          %swap3A_675 = arith.constant 192 : index
          %swap3A_676 = tpu.vector_load %arg8[%swap3A_674, %swap3A_675] {strides = array<i32>} : memref<64x384xf32, #tpu.memory_space<vmem>>, vector<1x16xf32>,
          %swap3A_677 = vector.shape_cast %swap3A_676 : vector<1x16xf32> to vector<16xf32>
          %swap3A_678 = vector.shape_cast %get3A_673 : vector<16xf32> to vector<1x16xf32>
          tpu.vector_store %arg8[%swap3A_674, %swap3A_675], %swap3A_678 {add = true, strides = array<i32>} : memref<64x384xf32, #tpu.memory_space<vmem>>, vector<1x16xf32>,
          %get3A_679 = arith.index_cast %add3A_561 : i32 to index
          %get3A_680 = arith.constant 208 : index
          %get3A_681 = tpu.vector_load %arg5[%get3A_679, %get3A_680] {strides = array<i32>} : memref<64x384xf32, #tpu.memory_space<vmem>>, vector<1x16xf32>,
          %get3A_682 = vector.shape_cast %get3A_681 : vector<1x16xf32> to vector<16xf32>
          %swap3A_683 = arith.index_cast %add3A_561 : i32 to index
          %swap3A_684 = arith.constant 208 : index
          %swap3A_685 = tpu.vector_load %arg8[%swap3A_683, %swap3A_684] {strides = array<i32>} : memref<64x384xf32, #tpu.memory_space<vmem>>, vector<1x16xf32>,
          %swap3A_686 = vector.shape_cast %swap3A_685 : vector<1x16xf32> to vector<16xf32>
          %swap3A_687 = vector.shape_cast %get3A_682 : vector<16xf32> to vector<1x16xf32>
          tpu.vector_store %arg8[%swap3A_683, %swap3A_684], %swap3A_687 {add = true, strides = array<i32>} : memref<64x384xf32, #tpu.memory_space<vmem>>, vector<1x16xf32>,
          %get3A_688 = arith.index_cast %add3A_561 : i32 to index
          %get3A_689 = arith.constant 224 : index
          %get3A_690 = tpu.vector_load %arg5[%get3A_688, %get3A_689] {strides = array<i32>} : memref<64x384xf32, #tpu.memory_space<vmem>>, vector<1x16xf32>,
          %get3A_691 = vector.shape_cast %get3A_690 : vector<1x16xf32> to vector<16xf32>
          %swap3A_692 = arith.index_cast %add3A_561 : i32 to index
          %swap3A_693 = arith.constant 224 : index
          %swap3A_694 = tpu.vector_load %arg8[%swap3A_692, %swap3A_693] {strides = array<i32>} : memref<64x384xf32, #tpu.memory_space<vmem>>, vector<1x16xf32>,
          %swap3A_695 = vector.shape_cast %swap3A_694 : vector<1x16xf32> to vector<16xf32>
          %swap3A_696 = vector.shape_cast %get3A_691 : vector<16xf32> to vector<1x16xf32>
          tpu.vector_store %arg8[%swap3A_692, %swap3A_693], %swap3A_696 {add = true, strides = array<i32>} : memref<64x384xf32, #tpu.memory_space<vmem>>, vector<1x16xf32>,
          %get3A_697 = arith.index_cast %add3A_561 : i32 to index
          %get3A_698 = arith.constant 240 : index
          %get3A_699 = tpu.vector_load %arg5[%get3A_697, %get3A_698] {strides = array<i32>} : memref<64x384xf32, #tpu.memory_space<vmem>>, vector<1x16xf32>,
          %get3A_700 = vector.shape_cast %get3A_699 : vector<1x16xf32> to vector<16xf32>
          %swap3A_701 = arith.index_cast %add3A_561 : i32 to index
          %swap3A_702 = arith.constant 240 : index
          %swap3A_703 = tpu.vector_load %arg8[%swap3A_701, %swap3A_702] {strides = array<i32>} : memref<64x384xf32, #tpu.memory_space<vmem>>, vector<1x16xf32>,
          %swap3A_704 = vector.shape_cast %swap3A_703 : vector<1x16xf32> to vector<16xf32>
          %swap3A_705 = vector.shape_cast %get3A_700 : vector<16xf32> to vector<1x16xf32>
          tpu.vector_store %arg8[%swap3A_701, %swap3A_702], %swap3A_705 {add = true, strides = array<i32>} : memref<64x384xf32, #tpu.memory_space<vmem>>, vector<1x16xf32>,
          %get3A_706 = arith.index_cast %add3A_561 : i32 to index
          %get3A_707 = arith.constant 256 : index
          %get3A_708 = tpu.vector_load %arg5[%get3A_706, %get3A_707] {strides = array<i32>} : memref<64x384xf32, #tpu.memory_space<vmem>>, vector<1x16xf32>,
          %get3A_709 = vector.shape_cast %get3A_708 : vector<1x16xf32> to vector<16xf32>
          %swap3A_710 = arith.index_cast %add3A_561 : i32 to index
          %swap3A_711 = arith.constant 256 : index
          %swap3A_712 = tpu.vector_load %arg8[%swap3A_710, %swap3A_711] {strides = array<i32>} : memref<64x384xf32, #tpu.memory_space<vmem>>, vector<1x16xf32>,
          %swap3A_713 = vector.shape_cast %swap3A_712 : vector<1x16xf32> to vector<16xf32>
          %swap3A_714 = vector.shape_cast %get3A_709 : vector<16xf32> to vector<1x16xf32>
          tpu.vector_store %arg8[%swap3A_710, %swap3A_711], %swap3A_714 {add = true, strides = array<i32>} : memref<64x384xf32, #tpu.memory_space<vmem>>, vector<1x16xf32>,
          %get3A_715 = arith.index_cast %add3A_561 : i32 to index
          %get3A_716 = arith.constant 272 : index
          %get3A_717 = tpu.vector_load %arg5[%get3A_715, %get3A_716] {strides = array<i32>} : memref<64x384xf32, #tpu.memory_space<vmem>>, vector<1x16xf32>,
          %get3A_718 = vector.shape_cast %get3A_717 : vector<1x16xf32> to vector<16xf32>
          %swap3A_719 = arith.index_cast %add3A_561 : i32 to index
          %swap3A_720 = arith.constant 272 : index
          %swap3A_721 = tpu.vector_load %arg8[%swap3A_719, %swap3A_720] {strides = array<i32>} : memref<64x384xf32, #tpu.memory_space<vmem>>, vector<1x16xf32>,
          %swap3A_722 = vector.shape_cast %swap3A_721 : vector<1x16xf32> to vector<16xf32>
          %swap3A_723 = vector.shape_cast %get3A_718 : vector<16xf32> to vector<1x16xf32>
          tpu.vector_store %arg8[%swap3A_719, %swap3A_720], %swap3A_723 {add = true, strides = array<i32>} : memref<64x384xf32, #tpu.memory_space<vmem>>, vector<1x16xf32>,
          %get3A_724 = arith.index_cast %add3A_561 : i32 to index
          %get3A_725 = arith.constant 288 : index
          %get3A_726 = tpu.vector_load %arg5[%get3A_724, %get3A_725] {strides = array<i32>} : memref<64x384xf32, #tpu.memory_space<vmem>>, vector<1x16xf32>,
          %get3A_727 = vector.shape_cast %get3A_726 : vector<1x16xf32> to vector<16xf32>
          %swap3A_728 = arith.index_cast %add3A_561 : i32 to index
          %swap3A_729 = arith.constant 288 : index
          %swap3A_730 = tpu.vector_load %arg8[%swap3A_728, %swap3A_729] {strides = array<i32>} : memref<64x384xf32, #tpu.memory_space<vmem>>, vector<1x16xf32>,
          %swap3A_731 = vector.shape_cast %swap3A_730 : vector<1x16xf32> to vector<16xf32>
          %swap3A_732 = vector.shape_cast %get3A_727 : vector<16xf32> to vector<1x16xf32>
          tpu.vector_store %arg8[%swap3A_728, %swap3A_729], %swap3A_732 {add = true, strides = array<i32>} : memref<64x384xf32, #tpu.memory_space<vmem>>, vector<1x16xf32>,
          %get3A_733 = arith.index_cast %add3A_561 : i32 to index
          %get3A_734 = arith.constant 304 : index
          %get3A_735 = tpu.vector_load %arg5[%get3A_733, %get3A_734] {strides = array<i32>} : memref<64x384xf32, #tpu.memory_space<vmem>>, vector<1x16xf32>,
          %get3A_736 = vector.shape_cast %get3A_735 : vector<1x16xf32> to vector<16xf32>
          %swap3A_737 = arith.index_cast %add3A_561 : i32 to index
          %swap3A_738 = arith.constant 304 : index
          %swap3A_739 = tpu.vector_load %arg8[%swap3A_737, %swap3A_738] {strides = array<i32>} : memref<64x384xf32, #tpu.memory_space<vmem>>, vector<1x16xf32>,
          %swap3A_740 = vector.shape_cast %swap3A_739 : vector<1x16xf32> to vector<16xf32>
          %swap3A_741 = vector.shape_cast %get3A_736 : vector<16xf32> to vector<1x16xf32>
          tpu.vector_store %arg8[%swap3A_737, %swap3A_738], %swap3A_741 {add = true, strides = array<i32>} : memref<64x384xf32, #tpu.memory_space<vmem>>, vector<1x16xf32>,
          %get3A_742 = arith.index_cast %add3A_561 : i32 to index
          %get3A_743 = arith.constant 320 : index
          %get3A_744 = tpu.vector_load %arg5[%get3A_742, %get3A_743] {strides = array<i32>} : memref<64x384xf32, #tpu.memory_space<vmem>>, vector<1x16xf32>,
          %get3A_745 = vector.shape_cast %get3A_744 : vector<1x16xf32> to vector<16xf32>
          %swap3A_746 = arith.index_cast %add3A_561 : i32 to index
          %swap3A_747 = arith.constant 320 : index
          %swap3A_748 = tpu.vector_load %arg8[%swap3A_746, %swap3A_747] {strides = array<i32>} : memref<64x384xf32, #tpu.memory_space<vmem>>, vector<1x16xf32>,
          %swap3A_749 = vector.shape_cast %swap3A_748 : vector<1x16xf32> to vector<16xf32>
          %swap3A_750 = vector.shape_cast %get3A_745 : vector<16xf32> to vector<1x16xf32>
          tpu.vector_store %arg8[%swap3A_746, %swap3A_747], %swap3A_750 {add = true, strides = array<i32>} : memref<64x384xf32, #tpu.memory_space<vmem>>, vector<1x16xf32>,
          %get3A_751 = arith.index_cast %add3A_561 : i32 to index
          %get3A_752 = arith.constant 336 : index
          %get3A_753 = tpu.vector_load %arg5[%get3A_751, %get3A_752] {strides = array<i32>} : memref<64x384xf32, #tpu.memory_space<vmem>>, vector<1x16xf32>,
          %get3A_754 = vector.shape_cast %get3A_753 : vector<1x16xf32> to vector<16xf32>
          %swap3A_755 = arith.index_cast %add3A_561 : i32 to index
          %swap3A_756 = arith.constant 336 : index
          %swap3A_757 = tpu.vector_load %arg8[%swap3A_755, %swap3A_756] {strides = array<i32>} : memref<64x384xf32, #tpu.memory_space<vmem>>, vector<1x16xf32>,
          %swap3A_758 = vector.shape_cast %swap3A_757 : vector<1x16xf32> to vector<16xf32>
          %swap3A_759 = vector.shape_cast %get3A_754 : vector<16xf32> to vector<1x16xf32>
          tpu.vector_store %arg8[%swap3A_755, %swap3A_756], %swap3A_759 {add = true, strides = array<i32>} : memref<64x384xf32, #tpu.memory_space<vmem>>, vector<1x16xf32>,
          %get3A_760 = arith.index_cast %add3A_561 : i32 to index
          %get3A_761 = arith.constant 352 : index
          %get3A_762 = tpu.vector_load %arg5[%get3A_760, %get3A_761] {strides = array<i32>} : memref<64x384xf32, #tpu.memory_space<vmem>>, vector<1x16xf32>,
          %get3A_763 = vector.shape_cast %get3A_762 : vector<1x16xf32> to vector<16xf32>
          %swap3A_764 = arith.index_cast %add3A_561 : i32 to index
          %swap3A_765 = arith.constant 352 : index
          %swap3A_766 = tpu.vector_load %arg8[%swap3A_764, %swap3A_765] {strides = array<i32>} : memref<64x384xf32, #tpu.memory_space<vmem>>, vector<1x16xf32>,
          %swap3A_767 = vector.shape_cast %swap3A_766 : vector<1x16xf32> to vector<16xf32>
          %swap3A_768 = vector.shape_cast %get3A_763 : vector<16xf32> to vector<1x16xf32>
          tpu.vector_store %arg8[%swap3A_764, %swap3A_765], %swap3A_768 {add = true, strides = array<i32>} : memref<64x384xf32, #tpu.memory_space<vmem>>, vector<1x16xf32>,
          %get3A_769 = arith.index_cast %add3A_561 : i32 to index
          %get3A_770 = arith.constant 368 : index
          %get3A_771 = tpu.vector_load %arg5[%get3A_769, %get3A_770] {strides = array<i32>} : memref<64x384xf32, #tpu.memory_space<vmem>>, vector<1x16xf32>,
          %get3A_772 = vector.shape_cast %get3A_771 : vector<1x16xf32> to vector<16xf32>
          %swap3A_773 = arith.index_cast %add3A_561 : i32 to index
          %swap3A_774 = arith.constant 368 : index
          %swap3A_775 = tpu.vector_load %arg8[%swap3A_773, %swap3A_774] {strides = array<i32>} : memref<64x384xf32, #tpu.memory_space<vmem>>, vector<1x16xf32>,
          %swap3A_776 = vector.shape_cast %swap3A_775 : vector<1x16xf32> to vector<16xf32>
          %swap3A_777 = vector.shape_cast %get3A_772 : vector<16xf32> to vector<1x16xf32>
          tpu.vector_store %arg8[%swap3A_773, %swap3A_774], %swap3A_777 {add = true, strides = array<i32>} : memref<64x384xf32, #tpu.memory_space<vmem>>, vector<1x16xf32>,
          %add3A_778 = arith.constant 3 : i32
          %add3A_779 = arith.addi %mul3A_125, %add3A_778 : i32
          %get3A_780 = arith.index_cast %add3A_779 : i32 to index
          %get3A_781 = arith.constant 0 : index
          %get3A_782 = tpu.vector_load %arg5[%get3A_780, %get3A_781] {strides = array<i32>} : memref<64x384xf32, #tpu.memory_space<vmem>>, vector<1x16xf32>,
          %get3A_783 = vector.shape_cast %get3A_782 : vector<1x16xf32> to vector<16xf32>
          %swap3A_784 = arith.index_cast %add3A_779 : i32 to index
          %swap3A_785 = arith.constant 0 : index
          %swap3A_786 = tpu.vector_load %arg8[%swap3A_784, %swap3A_785] {strides = array<i32>} : memref<64x384xf32, #tpu.memory_space<vmem>>, vector<1x16xf32>,
          %swap3A_787 = vector.shape_cast %swap3A_786 : vector<1x16xf32> to vector<16xf32>
          %swap3A_788 = vector.shape_cast %get3A_783 : vector<16xf32> to vector<1x16xf32>
          tpu.vector_store %arg8[%swap3A_784, %swap3A_785], %swap3A_788 {add = true, strides = array<i32>} : memref<64x384xf32, #tpu.memory_space<vmem>>, vector<1x16xf32>,
          %get3A_789 = arith.index_cast %add3A_779 : i32 to index
          %get3A_790 = arith.constant 16 : index
          %get3A_791 = tpu.vector_load %arg5[%get3A_789, %get3A_790] {strides = array<i32>} : memref<64x384xf32, #tpu.memory_space<vmem>>, vector<1x16xf32>,
          %get3A_792 = vector.shape_cast %get3A_791 : vector<1x16xf32> to vector<16xf32>
          %swap3A_793 = arith.index_cast %add3A_779 : i32 to index
          %swap3A_794 = arith.constant 16 : index
          %swap3A_795 = tpu.vector_load %arg8[%swap3A_793, %swap3A_794] {strides = array<i32>} : memref<64x384xf32, #tpu.memory_space<vmem>>, vector<1x16xf32>,
          %swap3A_796 = vector.shape_cast %swap3A_795 : vector<1x16xf32> to vector<16xf32>
          %swap3A_797 = vector.shape_cast %get3A_792 : vector<16xf32> to vector<1x16xf32>
          tpu.vector_store %arg8[%swap3A_793, %swap3A_794], %swap3A_797 {add = true, strides = array<i32>} : memref<64x384xf32, #tpu.memory_space<vmem>>, vector<1x16xf32>,
          %get3A_798 = arith.index_cast %add3A_779 : i32 to index
          %get3A_799 = arith.constant 32 : index
          %get3A_800 = tpu.vector_load %arg5[%get3A_798, %get3A_799] {strides = array<i32>} : memref<64x384xf32, #tpu.memory_space<vmem>>, vector<1x16xf32>,
          %get3A_801 = vector.shape_cast %get3A_800 : vector<1x16xf32> to vector<16xf32>
          %swap3A_802 = arith.index_cast %add3A_779 : i32 to index
          %swap3A_803 = arith.constant 32 : index
          %swap3A_804 = tpu.vector_load %arg8[%swap3A_802, %swap3A_803] {strides = array<i32>} : memref<64x384xf32, #tpu.memory_space<vmem>>, vector<1x16xf32>,
          %swap3A_805 = vector.shape_cast %swap3A_804 : vector<1x16xf32> to vector<16xf32>
          %swap3A_806 = vector.shape_cast %get3A_801 : vector<16xf32> to vector<1x16xf32>
          tpu.vector_store %arg8[%swap3A_802, %swap3A_803], %swap3A_806 {add = true, strides = array<i32>} : memref<64x384xf32, #tpu.memory_space<vmem>>, vector<1x16xf32>,
          %get3A_807 = arith.index_cast %add3A_779 : i32 to index
          %get3A_808 = arith.constant 48 : index
          %get3A_809 = tpu.vector_load %arg5[%get3A_807, %get3A_808] {strides = array<i32>} : memref<64x384xf32, #tpu.memory_space<vmem>>, vector<1x16xf32>,
          %get3A_810 = vector.shape_cast %get3A_809 : vector<1x16xf32> to vector<16xf32>
          %swap3A_811 = arith.index_cast %add3A_779 : i32 to index
          %swap3A_812 = arith.constant 48 : index
          %swap3A_813 = tpu.vector_load %arg8[%swap3A_811, %swap3A_812] {strides = array<i32>} : memref<64x384xf32, #tpu.memory_space<vmem>>, vector<1x16xf32>,
          %swap3A_814 = vector.shape_cast %swap3A_813 : vector<1x16xf32> to vector<16xf32>
          %swap3A_815 = vector.shape_cast %get3A_810 : vector<16xf32> to vector<1x16xf32>
          tpu.vector_store %arg8[%swap3A_811, %swap3A_812], %swap3A_815 {add = true, strides = array<i32>} : memref<64x384xf32, #tpu.memory_space<vmem>>, vector<1x16xf32>,
          %get3A_816 = arith.index_cast %add3A_779 : i32 to index
          %get3A_817 = arith.constant 64 : index
          %get3A_818 = tpu.vector_load %arg5[%get3A_816, %get3A_817] {strides = array<i32>} : memref<64x384xf32, #tpu.memory_space<vmem>>, vector<1x16xf32>,
          %get3A_819 = vector.shape_cast %get3A_818 : vector<1x16xf32> to vector<16xf32>
          %swap3A_820 = arith.index_cast %add3A_779 : i32 to index
          %swap3A_821 = arith.constant 64 : index
          %swap3A_822 = tpu.vector_load %arg8[%swap3A_820, %swap3A_821] {strides = array<i32>} : memref<64x384xf32, #tpu.memory_space<vmem>>, vector<1x16xf32>,
          %swap3A_823 = vector.shape_cast %swap3A_822 : vector<1x16xf32> to vector<16xf32>
          %swap3A_824 = vector.shape_cast %get3A_819 : vector<16xf32> to vector<1x16xf32>
          tpu.vector_store %arg8[%swap3A_820, %swap3A_821], %swap3A_824 {add = true, strides = array<i32>} : memref<64x384xf32, #tpu.memory_space<vmem>>, vector<1x16xf32>,
          %get3A_825 = arith.index_cast %add3A_779 : i32 to index
          %get3A_826 = arith.constant 80 : index
          %get3A_827 = tpu.vector_load %arg5[%get3A_825, %get3A_826] {strides = array<i32>} : memref<64x384xf32, #tpu.memory_space<vmem>>, vector<1x16xf32>,
          %get3A_828 = vector.shape_cast %get3A_827 : vector<1x16xf32> to vector<16xf32>
          %swap3A_829 = arith.index_cast %add3A_779 : i32 to index
          %swap3A_830 = arith.constant 80 : index
          %swap3A_831 = tpu.vector_load %arg8[%swap3A_829, %swap3A_830] {strides = array<i32>} : memref<64x384xf32, #tpu.memory_space<vmem>>, vector<1x16xf32>,
          %swap3A_832 = vector.shape_cast %swap3A_831 : vector<1x16xf32> to vector<16xf32>
          %swap3A_833 = vector.shape_cast %get3A_828 : vector<16xf32> to vector<1x16xf32>
          tpu.vector_store %arg8[%swap3A_829, %swap3A_830], %swap3A_833 {add = true, strides = array<i32>} : memref<64x384xf32, #tpu.memory_space<vmem>>, vector<1x16xf32>,
          %get3A_834 = arith.index_cast %add3A_779 : i32 to index
          %get3A_835 = arith.constant 96 : index
          %get3A_836 = tpu.vector_load %arg5[%get3A_834, %get3A_835] {strides = array<i32>} : memref<64x384xf32, #tpu.memory_space<vmem>>, vector<1x16xf32>,
          %get3A_837 = vector.shape_cast %get3A_836 : vector<1x16xf32> to vector<16xf32>
          %swap3A_838 = arith.index_cast %add3A_779 : i32 to index
          %swap3A_839 = arith.constant 96 : index
          %swap3A_840 = tpu.vector_load %arg8[%swap3A_838, %swap3A_839] {strides = array<i32>} : memref<64x384xf32, #tpu.memory_space<vmem>>, vector<1x16xf32>,
          %swap3A_841 = vector.shape_cast %swap3A_840 : vector<1x16xf32> to vector<16xf32>
          %swap3A_842 = vector.shape_cast %get3A_837 : vector<16xf32> to vector<1x16xf32>
          tpu.vector_store %arg8[%swap3A_838, %swap3A_839], %swap3A_842 {add = true, strides = array<i32>} : memref<64x384xf32, #tpu.memory_space<vmem>>, vector<1x16xf32>,
          %get3A_843 = arith.index_cast %add3A_779 : i32 to index
          %get3A_844 = arith.constant 112 : index
          %get3A_845 = tpu.vector_load %arg5[%get3A_843, %get3A_844] {strides = array<i32>} : memref<64x384xf32, #tpu.memory_space<vmem>>, vector<1x16xf32>,
          %get3A_846 = vector.shape_cast %get3A_845 : vector<1x16xf32> to vector<16xf32>
          %swap3A_847 = arith.index_cast %add3A_779 : i32 to index
          %swap3A_848 = arith.constant 112 : index
          %swap3A_849 = tpu.vector_load %arg8[%swap3A_847, %swap3A_848] {strides = array<i32>} : memref<64x384xf32, #tpu.memory_space<vmem>>, vector<1x16xf32>,
          %swap3A_850 = vector.shape_cast %swap3A_849 : vector<1x16xf32> to vector<16xf32>
          %swap3A_851 = vector.shape_cast %get3A_846 : vector<16xf32> to vector<1x16xf32>
          tpu.vector_store %arg8[%swap3A_847, %swap3A_848], %swap3A_851 {add = true, strides = array<i32>} : memref<64x384xf32, #tpu.memory_space<vmem>>, vector<1x16xf32>,
          %get3A_852 = arith.index_cast %add3A_779 : i32 to index
          %get3A_853 = arith.constant 128 : index
          %get3A_854 = tpu.vector_load %arg5[%get3A_852, %get3A_853] {strides = array<i32>} : memref<64x384xf32, #tpu.memory_space<vmem>>, vector<1x16xf32>,
          %get3A_855 = vector.shape_cast %get3A_854 : vector<1x16xf32> to vector<16xf32>
          %swap3A_856 = arith.index_cast %add3A_779 : i32 to index
          %swap3A_857 = arith.constant 128 : index
          %swap3A_858 = tpu.vector_load %arg8[%swap3A_856, %swap3A_857] {strides = array<i32>} : memref<64x384xf32, #tpu.memory_space<vmem>>, vector<1x16xf32>,
          %swap3A_859 = vector.shape_cast %swap3A_858 : vector<1x16xf32> to vector<16xf32>
          %swap3A_860 = vector.shape_cast %get3A_855 : vector<16xf32> to vector<1x16xf32>
          tpu.vector_store %arg8[%swap3A_856, %swap3A_857], %swap3A_860 {add = true, strides = array<i32>} : memref<64x384xf32, #tpu.memory_space<vmem>>, vector<1x16xf32>,
          %get3A_861 = arith.index_cast %add3A_779 : i32 to index
          %get3A_862 = arith.constant 144 : index
          %get3A_863 = tpu.vector_load %arg5[%get3A_861, %get3A_862] {strides = array<i32>} : memref<64x384xf32, #tpu.memory_space<vmem>>, vector<1x16xf32>,
          %get3A_864 = vector.shape_cast %get3A_863 : vector<1x16xf32> to vector<16xf32>
          %swap3A_865 = arith.index_cast %add3A_779 : i32 to index
          %swap3A_866 = arith.constant 144 : index
          %swap3A_867 = tpu.vector_load %arg8[%swap3A_865, %swap3A_866] {strides = array<i32>} : memref<64x384xf32, #tpu.memory_space<vmem>>, vector<1x16xf32>,
          %swap3A_868 = vector.shape_cast %swap3A_867 : vector<1x16xf32> to vector<16xf32>
          %swap3A_869 = vector.shape_cast %get3A_864 : vector<16xf32> to vector<1x16xf32>
          tpu.vector_store %arg8[%swap3A_865, %swap3A_866], %swap3A_869 {add = true, strides = array<i32>} : memref<64x384xf32, #tpu.memory_space<vmem>>, vector<1x16xf32>,
          %get3A_870 = arith.index_cast %add3A_779 : i32 to index
          %get3A_871 = arith.constant 160 : index
          %get3A_872 = tpu.vector_load %arg5[%get3A_870, %get3A_871] {strides = array<i32>} : memref<64x384xf32, #tpu.memory_space<vmem>>, vector<1x16xf32>,
          %get3A_873 = vector.shape_cast %get3A_872 : vector<1x16xf32> to vector<16xf32>
          %swap3A_874 = arith.index_cast %add3A_779 : i32 to index
          %swap3A_875 = arith.constant 160 : index
          %swap3A_876 = tpu.vector_load %arg8[%swap3A_874, %swap3A_875] {strides = array<i32>} : memref<64x384xf32, #tpu.memory_space<vmem>>, vector<1x16xf32>,
          %swap3A_877 = vector.shape_cast %swap3A_876 : vector<1x16xf32> to vector<16xf32>
          %swap3A_878 = vector.shape_cast %get3A_873 : vector<16xf32> to vector<1x16xf32>
          tpu.vector_store %arg8[%swap3A_874, %swap3A_875], %swap3A_878 {add = true, strides = array<i32>} : memref<64x384xf32, #tpu.memory_space<vmem>>, vector<1x16xf32>,
          %get3A_879 = arith.index_cast %add3A_779 : i32 to index
          %get3A_880 = arith.constant 176 : index
          %get3A_881 = tpu.vector_load %arg5[%get3A_879, %get3A_880] {strides = array<i32>} : memref<64x384xf32, #tpu.memory_space<vmem>>, vector<1x16xf32>,
          %get3A_882 = vector.shape_cast %get3A_881 : vector<1x16xf32> to vector<16xf32>
          %swap3A_883 = arith.index_cast %add3A_779 : i32 to index
          %swap3A_884 = arith.constant 176 : index
          %swap3A_885 = tpu.vector_load %arg8[%swap3A_883, %swap3A_884] {strides = array<i32>} : memref<64x384xf32, #tpu.memory_space<vmem>>, vector<1x16xf32>,
          %swap3A_886 = vector.shape_cast %swap3A_885 : vector<1x16xf32> to vector<16xf32>
          %swap3A_887 = vector.shape_cast %get3A_882 : vector<16xf32> to vector<1x16xf32>
          tpu.vector_store %arg8[%swap3A_883, %swap3A_884], %swap3A_887 {add = true, strides = array<i32>} : memref<64x384xf32, #tpu.memory_space<vmem>>, vector<1x16xf32>,
          %get3A_888 = arith.index_cast %add3A_779 : i32 to index
          %get3A_889 = arith.constant 192 : index
          %get3A_890 = tpu.vector_load %arg5[%get3A_888, %get3A_889] {strides = array<i32>} : memref<64x384xf32, #tpu.memory_space<vmem>>, vector<1x16xf32>,
          %get3A_891 = vector.shape_cast %get3A_890 : vector<1x16xf32> to vector<16xf32>
          %swap3A_892 = arith.index_cast %add3A_779 : i32 to index
          %swap3A_893 = arith.constant 192 : index
          %swap3A_894 = tpu.vector_load %arg8[%swap3A_892, %swap3A_893] {strides = array<i32>} : memref<64x384xf32, #tpu.memory_space<vmem>>, vector<1x16xf32>,
          %swap3A_895 = vector.shape_cast %swap3A_894 : vector<1x16xf32> to vector<16xf32>
          %swap3A_896 = vector.shape_cast %get3A_891 : vector<16xf32> to vector<1x16xf32>
          tpu.vector_store %arg8[%swap3A_892, %swap3A_893], %swap3A_896 {add = true, strides = array<i32>} : memref<64x384xf32, #tpu.memory_space<vmem>>, vector<1x16xf32>,
          %get3A_897 = arith.index_cast %add3A_779 : i32 to index
          %get3A_898 = arith.constant 208 : index
          %get3A_899 = tpu.vector_load %arg5[%get3A_897, %get3A_898] {strides = array<i32>} : memref<64x384xf32, #tpu.memory_space<vmem>>, vector<1x16xf32>,
          %get3A_900 = vector.shape_cast %get3A_899 : vector<1x16xf32> to vector<16xf32>
          %swap3A_901 = arith.index_cast %add3A_779 : i32 to index
          %swap3A_902 = arith.constant 208 : index
          %swap3A_903 = tpu.vector_load %arg8[%swap3A_901, %swap3A_902] {strides = array<i32>} : memref<64x384xf32, #tpu.memory_space<vmem>>, vector<1x16xf32>,
          %swap3A_904 = vector.shape_cast %swap3A_903 : vector<1x16xf32> to vector<16xf32>
          %swap3A_905 = vector.shape_cast %get3A_900 : vector<16xf32> to vector<1x16xf32>
          tpu.vector_store %arg8[%swap3A_901, %swap3A_902], %swap3A_905 {add = true, strides = array<i32>} : memref<64x384xf32, #tpu.memory_space<vmem>>, vector<1x16xf32>,
          %get3A_906 = arith.index_cast %add3A_779 : i32 to index
          %get3A_907 = arith.constant 224 : index
          %get3A_908 = tpu.vector_load %arg5[%get3A_906, %get3A_907] {strides = array<i32>} : memref<64x384xf32, #tpu.memory_space<vmem>>, vector<1x16xf32>,
          %get3A_909 = vector.shape_cast %get3A_908 : vector<1x16xf32> to vector<16xf32>
          %swap3A_910 = arith.index_cast %add3A_779 : i32 to index
          %swap3A_911 = arith.constant 224 : index
          %swap3A_912 = tpu.vector_load %arg8[%swap3A_910, %swap3A_911] {strides = array<i32>} : memref<64x384xf32, #tpu.memory_space<vmem>>, vector<1x16xf32>,
          %swap3A_913 = vector.shape_cast %swap3A_912 : vector<1x16xf32> to vector<16xf32>
          %swap3A_914 = vector.shape_cast %get3A_909 : vector<16xf32> to vector<1x16xf32>
          tpu.vector_store %arg8[%swap3A_910, %swap3A_911], %swap3A_914 {add = true, strides = array<i32>} : memref<64x384xf32, #tpu.memory_space<vmem>>, vector<1x16xf32>,
          %get3A_915 = arith.index_cast %add3A_779 : i32 to index
          %get3A_916 = arith.constant 240 : index
          %get3A_917 = tpu.vector_load %arg5[%get3A_915, %get3A_916] {strides = array<i32>} : memref<64x384xf32, #tpu.memory_space<vmem>>, vector<1x16xf32>,
          %get3A_918 = vector.shape_cast %get3A_917 : vector<1x16xf32> to vector<16xf32>
          %swap3A_919 = arith.index_cast %add3A_779 : i32 to index
          %swap3A_920 = arith.constant 240 : index
          %swap3A_921 = tpu.vector_load %arg8[%swap3A_919, %swap3A_920] {strides = array<i32>} : memref<64x384xf32, #tpu.memory_space<vmem>>, vector<1x16xf32>,
          %swap3A_922 = vector.shape_cast %swap3A_921 : vector<1x16xf32> to vector<16xf32>
          %swap3A_923 = vector.shape_cast %get3A_918 : vector<16xf32> to vector<1x16xf32>
          tpu.vector_store %arg8[%swap3A_919, %swap3A_920], %swap3A_923 {add = true, strides = array<i32>} : memref<64x384xf32, #tpu.memory_space<vmem>>, vector<1x16xf32>,
          %get3A_924 = arith.index_cast %add3A_779 : i32 to index
          %get3A_925 = arith.constant 256 : index
          %get3A_926 = tpu.vector_load %arg5[%get3A_924, %get3A_925] {strides = array<i32>} : memref<64x384xf32, #tpu.memory_space<vmem>>, vector<1x16xf32>,
          %get3A_927 = vector.shape_cast %get3A_926 : vector<1x16xf32> to vector<16xf32>
          %swap3A_928 = arith.index_cast %add3A_779 : i32 to index
          %swap3A_929 = arith.constant 256 : index
          %swap3A_930 = tpu.vector_load %arg8[%swap3A_928, %swap3A_929] {strides = array<i32>} : memref<64x384xf32, #tpu.memory_space<vmem>>, vector<1x16xf32>,
          %swap3A_931 = vector.shape_cast %swap3A_930 : vector<1x16xf32> to vector<16xf32>
          %swap3A_932 = vector.shape_cast %get3A_927 : vector<16xf32> to vector<1x16xf32>
          tpu.vector_store %arg8[%swap3A_928, %swap3A_929], %swap3A_932 {add = true, strides = array<i32>} : memref<64x384xf32, #tpu.memory_space<vmem>>, vector<1x16xf32>,
          %get3A_933 = arith.index_cast %add3A_779 : i32 to index
          %get3A_934 = arith.constant 272 : index
          %get3A_935 = tpu.vector_load %arg5[%get3A_933, %get3A_934] {strides = array<i32>} : memref<64x384xf32, #tpu.memory_space<vmem>>, vector<1x16xf32>,
          %get3A_936 = vector.shape_cast %get3A_935 : vector<1x16xf32> to vector<16xf32>
          %swap3A_937 = arith.index_cast %add3A_779 : i32 to index
          %swap3A_938 = arith.constant 272 : index
          %swap3A_939 = tpu.vector_load %arg8[%swap3A_937, %swap3A_938] {strides = array<i32>} : memref<64x384xf32, #tpu.memory_space<vmem>>, vector<1x16xf32>,
          %swap3A_940 = vector.shape_cast %swap3A_939 : vector<1x16xf32> to vector<16xf32>
          %swap3A_941 = vector.shape_cast %get3A_936 : vector<16xf32> to vector<1x16xf32>
          tpu.vector_store %arg8[%swap3A_937, %swap3A_938], %swap3A_941 {add = true, strides = array<i32>} : memref<64x384xf32, #tpu.memory_space<vmem>>, vector<1x16xf32>,
          %get3A_942 = arith.index_cast %add3A_779 : i32 to index
          %get3A_943 = arith.constant 288 : index
          %get3A_944 = tpu.vector_load %arg5[%get3A_942, %get3A_943] {strides = array<i32>} : memref<64x384xf32, #tpu.memory_space<vmem>>, vector<1x16xf32>,
          %get3A_945 = vector.shape_cast %get3A_944 : vector<1x16xf32> to vector<16xf32>
          %swap3A_946 = arith.index_cast %add3A_779 : i32 to index
          %swap3A_947 = arith.constant 288 : index
          %swap3A_948 = tpu.vector_load %arg8[%swap3A_946, %swap3A_947] {strides = array<i32>} : memref<64x384xf32, #tpu.memory_space<vmem>>, vector<1x16xf32>,
          %swap3A_949 = vector.shape_cast %swap3A_948 : vector<1x16xf32> to vector<16xf32>
          %swap3A_950 = vector.shape_cast %get3A_945 : vector<16xf32> to vector<1x16xf32>
          tpu.vector_store %arg8[%swap3A_946, %swap3A_947], %swap3A_950 {add = true, strides = array<i32>} : memref<64x384xf32, #tpu.memory_space<vmem>>, vector<1x16xf32>,
          %get3A_951 = arith.index_cast %add3A_779 : i32 to index
          %get3A_952 = arith.constant 304 : index
          %get3A_953 = tpu.vector_load %arg5[%get3A_951, %get3A_952] {strides = array<i32>} : memref<64x384xf32, #tpu.memory_space<vmem>>, vector<1x16xf32>,
          %get3A_954 = vector.shape_cast %get3A_953 : vector<1x16xf32> to vector<16xf32>
          %swap3A_955 = arith.index_cast %add3A_779 : i32 to index
          %swap3A_956 = arith.constant 304 : index
          %swap3A_957 = tpu.vector_load %arg8[%swap3A_955, %swap3A_956] {strides = array<i32>} : memref<64x384xf32, #tpu.memory_space<vmem>>, vector<1x16xf32>,
          %swap3A_958 = vector.shape_cast %swap3A_957 : vector<1x16xf32> to vector<16xf32>
          %swap3A_959 = vector.shape_cast %get3A_954 : vector<16xf32> to vector<1x16xf32>
          tpu.vector_store %arg8[%swap3A_955, %swap3A_956], %swap3A_959 {add = true, strides = array<i32>} : memref<64x384xf32, #tpu.memory_space<vmem>>, vector<1x16xf32>,
          %get3A_960 = arith.index_cast %add3A_779 : i32 to index
          %get3A_961 = arith.constant 320 : index
          %get3A_962 = tpu.vector_load %arg5[%get3A_960, %get3A_961] {strides = array<i32>} : memref<64x384xf32, #tpu.memory_space<vmem>>, vector<1x16xf32>,
          %get3A_963 = vector.shape_cast %get3A_962 : vector<1x16xf32> to vector<16xf32>
          %swap3A_964 = arith.index_cast %add3A_779 : i32 to index
          %swap3A_965 = arith.constant 320 : index
          %swap3A_966 = tpu.vector_load %arg8[%swap3A_964, %swap3A_965] {strides = array<i32>} : memref<64x384xf32, #tpu.memory_space<vmem>>, vector<1x16xf32>,
          %swap3A_967 = vector.shape_cast %swap3A_966 : vector<1x16xf32> to vector<16xf32>
          %swap3A_968 = vector.shape_cast %get3A_963 : vector<16xf32> to vector<1x16xf32>
          tpu.vector_store %arg8[%swap3A_964, %swap3A_965], %swap3A_968 {add = true, strides = array<i32>} : memref<64x384xf32, #tpu.memory_space<vmem>>, vector<1x16xf32>,
          %get3A_969 = arith.index_cast %add3A_779 : i32 to index
          %get3A_970 = arith.constant 336 : index
          %get3A_971 = tpu.vector_load %arg5[%get3A_969, %get3A_970] {strides = array<i32>} : memref<64x384xf32, #tpu.memory_space<vmem>>, vector<1x16xf32>,
          %get3A_972 = vector.shape_cast %get3A_971 : vector<1x16xf32> to vector<16xf32>
          %swap3A_973 = arith.index_cast %add3A_779 : i32 to index
          %swap3A_974 = arith.constant 336 : index
          %swap3A_975 = tpu.vector_load %arg8[%swap3A_973, %swap3A_974] {strides = array<i32>} : memref<64x384xf32, #tpu.memory_space<vmem>>, vector<1x16xf32>,
          %swap3A_976 = vector.shape_cast %swap3A_975 : vector<1x16xf32> to vector<16xf32>
          %swap3A_977 = vector.shape_cast %get3A_972 : vector<16xf32> to vector<1x16xf32>
          tpu.vector_store %arg8[%swap3A_973, %swap3A_974], %swap3A_977 {add = true, strides = array<i32>} : memref<64x384xf32, #tpu.memory_space<vmem>>, vector<1x16xf32>,
          %get3A_978 = arith.index_cast %add3A_779 : i32 to index
          %get3A_979 = arith.constant 352 : index
          %get3A_980 = tpu.vector_load %arg5[%get3A_978, %get3A_979] {strides = array<i32>} : memref<64x384xf32, #tpu.memory_space<vmem>>, vector<1x16xf32>,
          %get3A_981 = vector.shape_cast %get3A_980 : vector<1x16xf32> to vector<16xf32>
          %swap3A_982 = arith.index_cast %add3A_779 : i32 to index
          %swap3A_983 = arith.constant 352 : index
          %swap3A_984 = tpu.vector_load %arg8[%swap3A_982, %swap3A_983] {strides = array<i32>} : memref<64x384xf32, #tpu.memory_space<vmem>>, vector<1x16xf32>,
          %swap3A_985 = vector.shape_cast %swap3A_984 : vector<1x16xf32> to vector<16xf32>
          %swap3A_986 = vector.shape_cast %get3A_981 : vector<16xf32> to vector<1x16xf32>
          tpu.vector_store %arg8[%swap3A_982, %swap3A_983], %swap3A_986 {add = true, strides = array<i32>} : memref<64x384xf32, #tpu.memory_space<vmem>>, vector<1x16xf32>,
          %get3A_987 = arith.index_cast %add3A_779 : i32 to index
          %get3A_988 = arith.constant 368 : index
          %get3A_989 = tpu.vector_load %arg5[%get3A_987, %get3A_988] {strides = array<i32>} : memref<64x384xf32, #tpu.memory_space<vmem>>, vector<1x16xf32>,
          %get3A_990 = vector.shape_cast %get3A_989 : vector<1x16xf32> to vector<16xf32>
          %swap3A_991 = arith.index_cast %add3A_779 : i32 to index
          %swap3A_992 = arith.constant 368 : index
          %swap3A_993 = tpu.vector_load %arg8[%swap3A_991, %swap3A_992] {strides = array<i32>} : memref<64x384xf32, #tpu.memory_space<vmem>>, vector<1x16xf32>,
          %swap3A_994 = vector.shape_cast %swap3A_993 : vector<1x16xf32> to vector<16xf32>
          %swap3A_995 = vector.shape_cast %get3A_990 : vector<16xf32> to vector<1x16xf32>
          tpu.vector_store %arg8[%swap3A_991, %swap3A_992], %swap3A_995 {add = true, strides = array<i32>} : memref<64x384xf32, #tpu.memory_space<vmem>>, vector<1x16xf32>,
        }
        %scan3A_111 = arith.constant 16 : i32
        %mul3A_112 = arith.constant 32 : i32
        %mul3A_113 = arith.muli %add3A_89, %mul3A_112 : i32
        %add3A_114 = arith.addi %add3A, %mul3A_113 : i32
        %dma_start3A_115 = arith.constant 0 : i32
        %dma_start3A_116 = arith.constant 0 : i32
        %dma_start3A_117 = tpu.memref_slice %arg4[%add3A_114, %dma_start3A_115, %dma_start3A_116] : memref<1568x64x384xf32, #tpu.memory_space<hbm>> -> memref<1x64x384xf32, #tpu.memory_space<hbm>>
        %dma_start3A_118 = tpu.memref_squeeze %dma_start3A_117 : memref<1x64x384xf32, #tpu.memory_space<hbm>> -> memref<64x384xf32, #tpu.memory_space<hbm>>
        %dma_start3A_119 = arith.constant 0 : i32
        %dma_start3A_120 = arith.constant 0 : i32
        %dma_start3A_121 = tpu.memref_slice %arg4[%add3A_114, %dma_start3A_119, %dma_start3A_120] : memref<1568x64x384xf32, #tpu.memory_space<hbm>> -> memref<1x64x384xf32, #tpu.memory_space<hbm>>
        %dma_start3A_122 = tpu.memref_squeeze %dma_start3A_121 : memref<1x64x384xf32, #tpu.memory_space<hbm>> -> memref<64x384xf32, #tpu.memory_space<hbm>>
        tpu.enqueue_dma source(%arg8 : memref<64x384xf32, #tpu.memory_space<vmem>>) target(%dma_start3A_122 : memref<64x384xf32, #tpu.memory_space<hbm>>) target_semaphore(%arg16 : memref<!tpu.dma_semaphore, #tpu.memory_space<semaphore_mem>>)
      } else {
      }
      %add3A_81 = arith.constant 3 : i32
      %add3A_82 = arith.addi %mul3A_62, %add3A_81 : i32
      %lt3A_83 = arith.constant 49 : i32
      %lt3A_84 = arith.cmpi slt, %add3A_82, %lt3A_83 : i32
      %convert_element_type3A_85 = arith.extui %lt3A_84 : i1 to i32
      %cond3A_86 = arith.constant 0 : i32
      %cond3A_87 = arith.cmpi ne, %convert_element_type3A_85, %cond3A_86 : i32
      scf.if %cond3A_87 {
        %add3A_88 = arith.constant 3 : i32
        %add3A_89 = arith.addi %mul3A_62, %add3A_88 : i32
        %dma_wait3A_90 = arith.constant 0 : i32
        %dma_wait3A_91 = arith.constant 0 : i32
        %dma_wait3A_92 = arith.constant 0 : i32
        %dma_wait3A_93 = tpu.memref_slice %arg2[%dma_wait3A_90, %dma_wait3A_91, %dma_wait3A_92] : memref<1568x64x384xf32, #tpu.memory_space<hbm>> -> memref<1x64x384xf32, #tpu.memory_space<hbm>>
        %dma_wait3A_94 = tpu.memref_squeeze %dma_wait3A_93 : memref<1x64x384xf32, #tpu.memory_space<hbm>> -> memref<64x384xf32, #tpu.memory_space<hbm>>
        %dma_wait3A_95 = arith.constant 0 : i32
        %dma_wait3A_96 = arith.constant 0 : i32
        %dma_wait3A_97 = tpu.memref_slice %arg2[%dma_wait3A_90, %dma_wait3A_95, %dma_wait3A_96] : memref<1568x64x384xf32, #tpu.memory_space<hbm>> -> memref<1x64x384xf32, #tpu.memory_space<hbm>>
        %dma_wait3A_98 = tpu.memref_squeeze %dma_wait3A_97 : memref<1x64x384xf32, #tpu.memory_space<hbm>> -> memref<64x384xf32, #tpu.memory_space<hbm>>
        tpu.wait_dma2 semaphore(%arg13 : memref<!tpu.dma_semaphore, #tpu.memory_space<semaphore_mem>>) src(%dma_wait3A_98 : memref<64x384xf32, #tpu.memory_space<hbm>>) dst(%arg9 : memref<64x384xf32, #tpu.memory_space<vmem>>)
        %add3A_99 = arith.constant 2 : i32
        %add3A_100 = arith.addi %add3A_89, %add3A_99 : i32
        %lt3A_101 = arith.constant 49 : i32
        %lt3A_102 = arith.cmpi slt, %add3A_100, %lt3A_101 : i32
        %convert_element_type3A_103 = arith.extui %lt3A_102 : i1 to i32
        %cond3A_104 = arith.constant 0 : i32
        %cond3A_105 = arith.cmpi ne, %convert_element_type3A_103, %cond3A_104 : i32
        scf.if %cond3A_105 {
          %ge3A = arith.constant 2 : i32
          %ge3A_123 = arith.cmpi sge, %add3A_89, %ge3A : i32
          %convert_element_type3A_124 = arith.extui %ge3A_123 : i1 to i32
          %cond3A_125 = arith.constant 0 : i32
          %cond3A_126 = arith.cmpi ne, %convert_element_type3A_124, %cond3A_125 : i32
          scf.if %cond3A_126 {
            %dma_wait3A_140 = arith.constant 0 : i32
            %dma_wait3A_141 = arith.constant 0 : i32
            %dma_wait3A_142 = arith.constant 0 : i32
            %dma_wait3A_143 = tpu.memref_slice %arg4[%dma_wait3A_140, %dma_wait3A_141, %dma_wait3A_142] : memref<1568x64x384xf32, #tpu.memory_space<hbm>> -> memref<1x64x384xf32, #tpu.memory_space<hbm>>
            %dma_wait3A_144 = tpu.memref_squeeze %dma_wait3A_143 : memref<1x64x384xf32, #tpu.memory_space<hbm>> -> memref<64x384xf32, #tpu.memory_space<hbm>>
            %dma_wait3A_145 = arith.constant 0 : i32
            %dma_wait3A_146 = arith.constant 0 : i32
            %dma_wait3A_147 = tpu.memref_slice %arg4[%dma_wait3A_140, %dma_wait3A_145, %dma_wait3A_146] : memref<1568x64x384xf32, #tpu.memory_space<hbm>> -> memref<1x64x384xf32, #tpu.memory_space<hbm>>
            %dma_wait3A_148 = tpu.memref_squeeze %dma_wait3A_147 : memref<1x64x384xf32, #tpu.memory_space<hbm>> -> memref<64x384xf32, #tpu.memory_space<hbm>>
            tpu.wait_dma2 semaphore(%arg15 : memref<!tpu.dma_semaphore, #tpu.memory_space<semaphore_mem>>) src(%arg7 : memref<64x384xf32, #tpu.memory_space<vmem>>) dst(%dma_wait3A_148 : memref<64x384xf32, #tpu.memory_space<hbm>>)
          } else {
          }
          %add3A_127 = arith.constant 2 : i32
          %add3A_128 = arith.addi %add3A_89, %add3A_127 : i32
          %mul3A_129 = arith.constant 32 : i32
          %mul3A_130 = arith.muli %add3A_128, %mul3A_129 : i32
          %add3A_131 = arith.addi %add3A, %mul3A_130 : i32
          %dma_start3A_132 = arith.constant 0 : i32
          %dma_start3A_133 = arith.constant 0 : i32
          %dma_start3A_134 = tpu.memref_slice %arg2[%add3A_131, %dma_start3A_132, %dma_start3A_133] : memref<1568x64x384xf32, #tpu.memory_space<hbm>> -> memref<1x64x384xf32, #tpu.memory_space<hbm>>
          %dma_start3A_135 = tpu.memref_squeeze %dma_start3A_134 : memref<1x64x384xf32, #tpu.memory_space<hbm>> -> memref<64x384xf32, #tpu.memory_space<hbm>>
          %dma_start3A_136 = arith.constant 0 : i32
          %dma_start3A_137 = arith.constant 0 : i32
          %dma_start3A_138 = tpu.memref_slice %arg2[%add3A_131, %dma_start3A_136, %dma_start3A_137] : memref<1568x64x384xf32, #tpu.memory_space<hbm>> -> memref<1x64x384xf32, #tpu.memory_space<hbm>>
          %dma_start3A_139 = tpu.memref_squeeze %dma_start3A_138 : memref<1x64x384xf32, #tpu.memory_space<hbm>> -> memref<64x384xf32, #tpu.memory_space<hbm>>
          tpu.enqueue_dma source(%dma_start3A_139 : memref<64x384xf32, #tpu.memory_space<hbm>>) target(%arg7 : memref<64x384xf32, #tpu.memory_space<vmem>>) target_semaphore(%arg11 : memref<!tpu.dma_semaphore, #tpu.memory_space<semaphore_mem>>)
        } else {
        }
        %scan3A_106 = arith.constant 0 : i32
        %scan3A_107 = arith.constant 0 : i32
        %scan3A_108 = arith.constant 16 : i32
        %scan3A_109 = arith.addi %scan3A_107, %scan3A_108 : i32
        %scan3A_110 = arith.constant 1 : i32
        scf.for %scan3A_123 = %scan3A_107 to %scan3A_109 step %scan3A_110  : i32 {
          %mul3A_124 = arith.constant 4 : i32
          %mul3A_125 = arith.muli %scan3A_123, %mul3A_124 : i32
          %add3A_126 = arith.constant 0 : i32
          %add3A_127 = arith.addi %mul3A_125, %add3A_126 : i32
          %get3A = arith.index_cast %add3A_127 : i32 to index
          %get3A_128 = arith.constant 0 : index
          %get3A_129 = tpu.vector_load %arg5[%get3A, %get3A_128] {strides = array<i32>} : memref<64x384xf32, #tpu.memory_space<vmem>>, vector<1x16xf32>,
          %get3A_130 = vector.shape_cast %get3A_129 : vector<1x16xf32> to vector<16xf32>
          %swap3A = arith.index_cast %add3A_127 : i32 to index
          %swap3A_131 = arith.constant 0 : index
          %swap3A_132 = tpu.vector_load %arg9[%swap3A, %swap3A_131] {strides = array<i32>} : memref<64x384xf32, #tpu.memory_space<vmem>>, vector<1x16xf32>,
          %swap3A_133 = vector.shape_cast %swap3A_132 : vector<1x16xf32> to vector<16xf32>
          %swap3A_134 = vector.shape_cast %get3A_130 : vector<16xf32> to vector<1x16xf32>
          tpu.vector_store %arg9[%swap3A, %swap3A_131], %swap3A_134 {add = true, strides = array<i32>} : memref<64x384xf32, #tpu.memory_space<vmem>>, vector<1x16xf32>,
          %get3A_135 = arith.index_cast %add3A_127 : i32 to index
          %get3A_136 = arith.constant 16 : index
          %get3A_137 = tpu.vector_load %arg5[%get3A_135, %get3A_136] {strides = array<i32>} : memref<64x384xf32, #tpu.memory_space<vmem>>, vector<1x16xf32>,
          %get3A_138 = vector.shape_cast %get3A_137 : vector<1x16xf32> to vector<16xf32>
          %swap3A_139 = arith.index_cast %add3A_127 : i32 to index
          %swap3A_140 = arith.constant 16 : index
          %swap3A_141 = tpu.vector_load %arg9[%swap3A_139, %swap3A_140] {strides = array<i32>} : memref<64x384xf32, #tpu.memory_space<vmem>>, vector<1x16xf32>,
          %swap3A_142 = vector.shape_cast %swap3A_141 : vector<1x16xf32> to vector<16xf32>
          %swap3A_143 = vector.shape_cast %get3A_138 : vector<16xf32> to vector<1x16xf32>
          tpu.vector_store %arg9[%swap3A_139, %swap3A_140], %swap3A_143 {add = true, strides = array<i32>} : memref<64x384xf32, #tpu.memory_space<vmem>>, vector<1x16xf32>,
          %get3A_144 = arith.index_cast %add3A_127 : i32 to index
          %get3A_145 = arith.constant 32 : index
          %get3A_146 = tpu.vector_load %arg5[%get3A_144, %get3A_145] {strides = array<i32>} : memref<64x384xf32, #tpu.memory_space<vmem>>, vector<1x16xf32>,
          %get3A_147 = vector.shape_cast %get3A_146 : vector<1x16xf32> to vector<16xf32>
          %swap3A_148 = arith.index_cast %add3A_127 : i32 to index
          %swap3A_149 = arith.constant 32 : index
          %swap3A_150 = tpu.vector_load %arg9[%swap3A_148, %swap3A_149] {strides = array<i32>} : memref<64x384xf32, #tpu.memory_space<vmem>>, vector<1x16xf32>,
          %swap3A_151 = vector.shape_cast %swap3A_150 : vector<1x16xf32> to vector<16xf32>
          %swap3A_152 = vector.shape_cast %get3A_147 : vector<16xf32> to vector<1x16xf32>
          tpu.vector_store %arg9[%swap3A_148, %swap3A_149], %swap3A_152 {add = true, strides = array<i32>} : memref<64x384xf32, #tpu.memory_space<vmem>>, vector<1x16xf32>,
          %get3A_153 = arith.index_cast %add3A_127 : i32 to index
          %get3A_154 = arith.constant 48 : index
          %get3A_155 = tpu.vector_load %arg5[%get3A_153, %get3A_154] {strides = array<i32>} : memref<64x384xf32, #tpu.memory_space<vmem>>, vector<1x16xf32>,
          %get3A_156 = vector.shape_cast %get3A_155 : vector<1x16xf32> to vector<16xf32>
          %swap3A_157 = arith.index_cast %add3A_127 : i32 to index
          %swap3A_158 = arith.constant 48 : index
          %swap3A_159 = tpu.vector_load %arg9[%swap3A_157, %swap3A_158] {strides = array<i32>} : memref<64x384xf32, #tpu.memory_space<vmem>>, vector<1x16xf32>,
          %swap3A_160 = vector.shape_cast %swap3A_159 : vector<1x16xf32> to vector<16xf32>
          %swap3A_161 = vector.shape_cast %get3A_156 : vector<16xf32> to vector<1x16xf32>
          tpu.vector_store %arg9[%swap3A_157, %swap3A_158], %swap3A_161 {add = true, strides = array<i32>} : memref<64x384xf32, #tpu.memory_space<vmem>>, vector<1x16xf32>,
          %get3A_162 = arith.index_cast %add3A_127 : i32 to index
          %get3A_163 = arith.constant 64 : index
          %get3A_164 = tpu.vector_load %arg5[%get3A_162, %get3A_163] {strides = array<i32>} : memref<64x384xf32, #tpu.memory_space<vmem>>, vector<1x16xf32>,
          %get3A_165 = vector.shape_cast %get3A_164 : vector<1x16xf32> to vector<16xf32>
          %swap3A_166 = arith.index_cast %add3A_127 : i32 to index
          %swap3A_167 = arith.constant 64 : index
          %swap3A_168 = tpu.vector_load %arg9[%swap3A_166, %swap3A_167] {strides = array<i32>} : memref<64x384xf32, #tpu.memory_space<vmem>>, vector<1x16xf32>,
          %swap3A_169 = vector.shape_cast %swap3A_168 : vector<1x16xf32> to vector<16xf32>
          %swap3A_170 = vector.shape_cast %get3A_165 : vector<16xf32> to vector<1x16xf32>
          tpu.vector_store %arg9[%swap3A_166, %swap3A_167], %swap3A_170 {add = true, strides = array<i32>} : memref<64x384xf32, #tpu.memory_space<vmem>>, vector<1x16xf32>,
          %get3A_171 = arith.index_cast %add3A_127 : i32 to index
          %get3A_172 = arith.constant 80 : index
          %get3A_173 = tpu.vector_load %arg5[%get3A_171, %get3A_172] {strides = array<i32>} : memref<64x384xf32, #tpu.memory_space<vmem>>, vector<1x16xf32>,
          %get3A_174 = vector.shape_cast %get3A_173 : vector<1x16xf32> to vector<16xf32>
          %swap3A_175 = arith.index_cast %add3A_127 : i32 to index
          %swap3A_176 = arith.constant 80 : index
          %swap3A_177 = tpu.vector_load %arg9[%swap3A_175, %swap3A_176] {strides = array<i32>} : memref<64x384xf32, #tpu.memory_space<vmem>>, vector<1x16xf32>,
          %swap3A_178 = vector.shape_cast %swap3A_177 : vector<1x16xf32> to vector<16xf32>
          %swap3A_179 = vector.shape_cast %get3A_174 : vector<16xf32> to vector<1x16xf32>
          tpu.vector_store %arg9[%swap3A_175, %swap3A_176], %swap3A_179 {add = true, strides = array<i32>} : memref<64x384xf32, #tpu.memory_space<vmem>>, vector<1x16xf32>,
          %get3A_180 = arith.index_cast %add3A_127 : i32 to index
          %get3A_181 = arith.constant 96 : index
          %get3A_182 = tpu.vector_load %arg5[%get3A_180, %get3A_181] {strides = array<i32>} : memref<64x384xf32, #tpu.memory_space<vmem>>, vector<1x16xf32>,
          %get3A_183 = vector.shape_cast %get3A_182 : vector<1x16xf32> to vector<16xf32>
          %swap3A_184 = arith.index_cast %add3A_127 : i32 to index
          %swap3A_185 = arith.constant 96 : index
          %swap3A_186 = tpu.vector_load %arg9[%swap3A_184, %swap3A_185] {strides = array<i32>} : memref<64x384xf32, #tpu.memory_space<vmem>>, vector<1x16xf32>,
          %swap3A_187 = vector.shape_cast %swap3A_186 : vector<1x16xf32> to vector<16xf32>
          %swap3A_188 = vector.shape_cast %get3A_183 : vector<16xf32> to vector<1x16xf32>
          tpu.vector_store %arg9[%swap3A_184, %swap3A_185], %swap3A_188 {add = true, strides = array<i32>} : memref<64x384xf32, #tpu.memory_space<vmem>>, vector<1x16xf32>,
          %get3A_189 = arith.index_cast %add3A_127 : i32 to index
          %get3A_190 = arith.constant 112 : index
          %get3A_191 = tpu.vector_load %arg5[%get3A_189, %get3A_190] {strides = array<i32>} : memref<64x384xf32, #tpu.memory_space<vmem>>, vector<1x16xf32>,
          %get3A_192 = vector.shape_cast %get3A_191 : vector<1x16xf32> to vector<16xf32>
          %swap3A_193 = arith.index_cast %add3A_127 : i32 to index
          %swap3A_194 = arith.constant 112 : index
          %swap3A_195 = tpu.vector_load %arg9[%swap3A_193, %swap3A_194] {strides = array<i32>} : memref<64x384xf32, #tpu.memory_space<vmem>>, vector<1x16xf32>,
          %swap3A_196 = vector.shape_cast %swap3A_195 : vector<1x16xf32> to vector<16xf32>
          %swap3A_197 = vector.shape_cast %get3A_192 : vector<16xf32> to vector<1x16xf32>
          tpu.vector_store %arg9[%swap3A_193, %swap3A_194], %swap3A_197 {add = true, strides = array<i32>} : memref<64x384xf32, #tpu.memory_space<vmem>>, vector<1x16xf32>,
          %get3A_198 = arith.index_cast %add3A_127 : i32 to index
          %get3A_199 = arith.constant 128 : index
          %get3A_200 = tpu.vector_load %arg5[%get3A_198, %get3A_199] {strides = array<i32>} : memref<64x384xf32, #tpu.memory_space<vmem>>, vector<1x16xf32>,
          %get3A_201 = vector.shape_cast %get3A_200 : vector<1x16xf32> to vector<16xf32>
          %swap3A_202 = arith.index_cast %add3A_127 : i32 to index
          %swap3A_203 = arith.constant 128 : index
          %swap3A_204 = tpu.vector_load %arg9[%swap3A_202, %swap3A_203] {strides = array<i32>} : memref<64x384xf32, #tpu.memory_space<vmem>>, vector<1x16xf32>,
          %swap3A_205 = vector.shape_cast %swap3A_204 : vector<1x16xf32> to vector<16xf32>
          %swap3A_206 = vector.shape_cast %get3A_201 : vector<16xf32> to vector<1x16xf32>
          tpu.vector_store %arg9[%swap3A_202, %swap3A_203], %swap3A_206 {add = true, strides = array<i32>} : memref<64x384xf32, #tpu.memory_space<vmem>>, vector<1x16xf32>,
          %get3A_207 = arith.index_cast %add3A_127 : i32 to index
          %get3A_208 = arith.constant 144 : index
          %get3A_209 = tpu.vector_load %arg5[%get3A_207, %get3A_208] {strides = array<i32>} : memref<64x384xf32, #tpu.memory_space<vmem>>, vector<1x16xf32>,
          %get3A_210 = vector.shape_cast %get3A_209 : vector<1x16xf32> to vector<16xf32>
          %swap3A_211 = arith.index_cast %add3A_127 : i32 to index
          %swap3A_212 = arith.constant 144 : index
          %swap3A_213 = tpu.vector_load %arg9[%swap3A_211, %swap3A_212] {strides = array<i32>} : memref<64x384xf32, #tpu.memory_space<vmem>>, vector<1x16xf32>,
          %swap3A_214 = vector.shape_cast %swap3A_213 : vector<1x16xf32> to vector<16xf32>
          %swap3A_215 = vector.shape_cast %get3A_210 : vector<16xf32> to vector<1x16xf32>
          tpu.vector_store %arg9[%swap3A_211, %swap3A_212], %swap3A_215 {add = true, strides = array<i32>} : memref<64x384xf32, #tpu.memory_space<vmem>>, vector<1x16xf32>,
          %get3A_216 = arith.index_cast %add3A_127 : i32 to index
          %get3A_217 = arith.constant 160 : index
          %get3A_218 = tpu.vector_load %arg5[%get3A_216, %get3A_217] {strides = array<i32>} : memref<64x384xf32, #tpu.memory_space<vmem>>, vector<1x16xf32>,
          %get3A_219 = vector.shape_cast %get3A_218 : vector<1x16xf32> to vector<16xf32>
          %swap3A_220 = arith.index_cast %add3A_127 : i32 to index
          %swap3A_221 = arith.constant 160 : index
          %swap3A_222 = tpu.vector_load %arg9[%swap3A_220, %swap3A_221] {strides = array<i32>} : memref<64x384xf32, #tpu.memory_space<vmem>>, vector<1x16xf32>,
          %swap3A_223 = vector.shape_cast %swap3A_222 : vector<1x16xf32> to vector<16xf32>
          %swap3A_224 = vector.shape_cast %get3A_219 : vector<16xf32> to vector<1x16xf32>
          tpu.vector_store %arg9[%swap3A_220, %swap3A_221], %swap3A_224 {add = true, strides = array<i32>} : memref<64x384xf32, #tpu.memory_space<vmem>>, vector<1x16xf32>,
          %get3A_225 = arith.index_cast %add3A_127 : i32 to index
          %get3A_226 = arith.constant 176 : index
          %get3A_227 = tpu.vector_load %arg5[%get3A_225, %get3A_226] {strides = array<i32>} : memref<64x384xf32, #tpu.memory_space<vmem>>, vector<1x16xf32>,
          %get3A_228 = vector.shape_cast %get3A_227 : vector<1x16xf32> to vector<16xf32>
          %swap3A_229 = arith.index_cast %add3A_127 : i32 to index
          %swap3A_230 = arith.constant 176 : index
          %swap3A_231 = tpu.vector_load %arg9[%swap3A_229, %swap3A_230] {strides = array<i32>} : memref<64x384xf32, #tpu.memory_space<vmem>>, vector<1x16xf32>,
          %swap3A_232 = vector.shape_cast %swap3A_231 : vector<1x16xf32> to vector<16xf32>
          %swap3A_233 = vector.shape_cast %get3A_228 : vector<16xf32> to vector<1x16xf32>
          tpu.vector_store %arg9[%swap3A_229, %swap3A_230], %swap3A_233 {add = true, strides = array<i32>} : memref<64x384xf32, #tpu.memory_space<vmem>>, vector<1x16xf32>,
          %get3A_234 = arith.index_cast %add3A_127 : i32 to index
          %get3A_235 = arith.constant 192 : index
          %get3A_236 = tpu.vector_load %arg5[%get3A_234, %get3A_235] {strides = array<i32>} : memref<64x384xf32, #tpu.memory_space<vmem>>, vector<1x16xf32>,
          %get3A_237 = vector.shape_cast %get3A_236 : vector<1x16xf32> to vector<16xf32>
          %swap3A_238 = arith.index_cast %add3A_127 : i32 to index
          %swap3A_239 = arith.constant 192 : index
          %swap3A_240 = tpu.vector_load %arg9[%swap3A_238, %swap3A_239] {strides = array<i32>} : memref<64x384xf32, #tpu.memory_space<vmem>>, vector<1x16xf32>,
          %swap3A_241 = vector.shape_cast %swap3A_240 : vector<1x16xf32> to vector<16xf32>
          %swap3A_242 = vector.shape_cast %get3A_237 : vector<16xf32> to vector<1x16xf32>
          tpu.vector_store %arg9[%swap3A_238, %swap3A_239], %swap3A_242 {add = true, strides = array<i32>} : memref<64x384xf32, #tpu.memory_space<vmem>>, vector<1x16xf32>,
          %get3A_243 = arith.index_cast %add3A_127 : i32 to index
          %get3A_244 = arith.constant 208 : index
          %get3A_245 = tpu.vector_load %arg5[%get3A_243, %get3A_244] {strides = array<i32>} : memref<64x384xf32, #tpu.memory_space<vmem>>, vector<1x16xf32>,
          %get3A_246 = vector.shape_cast %get3A_245 : vector<1x16xf32> to vector<16xf32>
          %swap3A_247 = arith.index_cast %add3A_127 : i32 to index
          %swap3A_248 = arith.constant 208 : index
          %swap3A_249 = tpu.vector_load %arg9[%swap3A_247, %swap3A_248] {strides = array<i32>} : memref<64x384xf32, #tpu.memory_space<vmem>>, vector<1x16xf32>,
          %swap3A_250 = vector.shape_cast %swap3A_249 : vector<1x16xf32> to vector<16xf32>
          %swap3A_251 = vector.shape_cast %get3A_246 : vector<16xf32> to vector<1x16xf32>
          tpu.vector_store %arg9[%swap3A_247, %swap3A_248], %swap3A_251 {add = true, strides = array<i32>} : memref<64x384xf32, #tpu.memory_space<vmem>>, vector<1x16xf32>,
          %get3A_252 = arith.index_cast %add3A_127 : i32 to index
          %get3A_253 = arith.constant 224 : index
          %get3A_254 = tpu.vector_load %arg5[%get3A_252, %get3A_253] {strides = array<i32>} : memref<64x384xf32, #tpu.memory_space<vmem>>, vector<1x16xf32>,
          %get3A_255 = vector.shape_cast %get3A_254 : vector<1x16xf32> to vector<16xf32>
          %swap3A_256 = arith.index_cast %add3A_127 : i32 to index
          %swap3A_257 = arith.constant 224 : index
          %swap3A_258 = tpu.vector_load %arg9[%swap3A_256, %swap3A_257] {strides = array<i32>} : memref<64x384xf32, #tpu.memory_space<vmem>>, vector<1x16xf32>,
          %swap3A_259 = vector.shape_cast %swap3A_258 : vector<1x16xf32> to vector<16xf32>
          %swap3A_260 = vector.shape_cast %get3A_255 : vector<16xf32> to vector<1x16xf32>
          tpu.vector_store %arg9[%swap3A_256, %swap3A_257], %swap3A_260 {add = true, strides = array<i32>} : memref<64x384xf32, #tpu.memory_space<vmem>>, vector<1x16xf32>,
          %get3A_261 = arith.index_cast %add3A_127 : i32 to index
          %get3A_262 = arith.constant 240 : index
          %get3A_263 = tpu.vector_load %arg5[%get3A_261, %get3A_262] {strides = array<i32>} : memref<64x384xf32, #tpu.memory_space<vmem>>, vector<1x16xf32>,
          %get3A_264 = vector.shape_cast %get3A_263 : vector<1x16xf32> to vector<16xf32>
          %swap3A_265 = arith.index_cast %add3A_127 : i32 to index
          %swap3A_266 = arith.constant 240 : index
          %swap3A_267 = tpu.vector_load %arg9[%swap3A_265, %swap3A_266] {strides = array<i32>} : memref<64x384xf32, #tpu.memory_space<vmem>>, vector<1x16xf32>,
          %swap3A_268 = vector.shape_cast %swap3A_267 : vector<1x16xf32> to vector<16xf32>
          %swap3A_269 = vector.shape_cast %get3A_264 : vector<16xf32> to vector<1x16xf32>
          tpu.vector_store %arg9[%swap3A_265, %swap3A_266], %swap3A_269 {add = true, strides = array<i32>} : memref<64x384xf32, #tpu.memory_space<vmem>>, vector<1x16xf32>,
          %get3A_270 = arith.index_cast %add3A_127 : i32 to index
          %get3A_271 = arith.constant 256 : index
          %get3A_272 = tpu.vector_load %arg5[%get3A_270, %get3A_271] {strides = array<i32>} : memref<64x384xf32, #tpu.memory_space<vmem>>, vector<1x16xf32>,
          %get3A_273 = vector.shape_cast %get3A_272 : vector<1x16xf32> to vector<16xf32>
          %swap3A_274 = arith.index_cast %add3A_127 : i32 to index
          %swap3A_275 = arith.constant 256 : index
          %swap3A_276 = tpu.vector_load %arg9[%swap3A_274, %swap3A_275] {strides = array<i32>} : memref<64x384xf32, #tpu.memory_space<vmem>>, vector<1x16xf32>,
          %swap3A_277 = vector.shape_cast %swap3A_276 : vector<1x16xf32> to vector<16xf32>
          %swap3A_278 = vector.shape_cast %get3A_273 : vector<16xf32> to vector<1x16xf32>
          tpu.vector_store %arg9[%swap3A_274, %swap3A_275], %swap3A_278 {add = true, strides = array<i32>} : memref<64x384xf32, #tpu.memory_space<vmem>>, vector<1x16xf32>,
          %get3A_279 = arith.index_cast %add3A_127 : i32 to index
          %get3A_280 = arith.constant 272 : index
          %get3A_281 = tpu.vector_load %arg5[%get3A_279, %get3A_280] {strides = array<i32>} : memref<64x384xf32, #tpu.memory_space<vmem>>, vector<1x16xf32>,
          %get3A_282 = vector.shape_cast %get3A_281 : vector<1x16xf32> to vector<16xf32>
          %swap3A_283 = arith.index_cast %add3A_127 : i32 to index
          %swap3A_284 = arith.constant 272 : index
          %swap3A_285 = tpu.vector_load %arg9[%swap3A_283, %swap3A_284] {strides = array<i32>} : memref<64x384xf32, #tpu.memory_space<vmem>>, vector<1x16xf32>,
          %swap3A_286 = vector.shape_cast %swap3A_285 : vector<1x16xf32> to vector<16xf32>
          %swap3A_287 = vector.shape_cast %get3A_282 : vector<16xf32> to vector<1x16xf32>
          tpu.vector_store %arg9[%swap3A_283, %swap3A_284], %swap3A_287 {add = true, strides = array<i32>} : memref<64x384xf32, #tpu.memory_space<vmem>>, vector<1x16xf32>,
          %get3A_288 = arith.index_cast %add3A_127 : i32 to index
          %get3A_289 = arith.constant 288 : index
          %get3A_290 = tpu.vector_load %arg5[%get3A_288, %get3A_289] {strides = array<i32>} : memref<64x384xf32, #tpu.memory_space<vmem>>, vector<1x16xf32>,
          %get3A_291 = vector.shape_cast %get3A_290 : vector<1x16xf32> to vector<16xf32>
          %swap3A_292 = arith.index_cast %add3A_127 : i32 to index
          %swap3A_293 = arith.constant 288 : index
          %swap3A_294 = tpu.vector_load %arg9[%swap3A_292, %swap3A_293] {strides = array<i32>} : memref<64x384xf32, #tpu.memory_space<vmem>>, vector<1x16xf32>,
          %swap3A_295 = vector.shape_cast %swap3A_294 : vector<1x16xf32> to vector<16xf32>
          %swap3A_296 = vector.shape_cast %get3A_291 : vector<16xf32> to vector<1x16xf32>
          tpu.vector_store %arg9[%swap3A_292, %swap3A_293], %swap3A_296 {add = true, strides = array<i32>} : memref<64x384xf32, #tpu.memory_space<vmem>>, vector<1x16xf32>,
          %get3A_297 = arith.index_cast %add3A_127 : i32 to index
          %get3A_298 = arith.constant 304 : index
          %get3A_299 = tpu.vector_load %arg5[%get3A_297, %get3A_298] {strides = array<i32>} : memref<64x384xf32, #tpu.memory_space<vmem>>, vector<1x16xf32>,
          %get3A_300 = vector.shape_cast %get3A_299 : vector<1x16xf32> to vector<16xf32>
          %swap3A_301 = arith.index_cast %add3A_127 : i32 to index
          %swap3A_302 = arith.constant 304 : index
          %swap3A_303 = tpu.vector_load %arg9[%swap3A_301, %swap3A_302] {strides = array<i32>} : memref<64x384xf32, #tpu.memory_space<vmem>>, vector<1x16xf32>,
          %swap3A_304 = vector.shape_cast %swap3A_303 : vector<1x16xf32> to vector<16xf32>
          %swap3A_305 = vector.shape_cast %get3A_300 : vector<16xf32> to vector<1x16xf32>
          tpu.vector_store %arg9[%swap3A_301, %swap3A_302], %swap3A_305 {add = true, strides = array<i32>} : memref<64x384xf32, #tpu.memory_space<vmem>>, vector<1x16xf32>,
          %get3A_306 = arith.index_cast %add3A_127 : i32 to index
          %get3A_307 = arith.constant 320 : index
          %get3A_308 = tpu.vector_load %arg5[%get3A_306, %get3A_307] {strides = array<i32>} : memref<64x384xf32, #tpu.memory_space<vmem>>, vector<1x16xf32>,
          %get3A_309 = vector.shape_cast %get3A_308 : vector<1x16xf32> to vector<16xf32>
          %swap3A_310 = arith.index_cast %add3A_127 : i32 to index
          %swap3A_311 = arith.constant 320 : index
          %swap3A_312 = tpu.vector_load %arg9[%swap3A_310, %swap3A_311] {strides = array<i32>} : memref<64x384xf32, #tpu.memory_space<vmem>>, vector<1x16xf32>,
          %swap3A_313 = vector.shape_cast %swap3A_312 : vector<1x16xf32> to vector<16xf32>
          %swap3A_314 = vector.shape_cast %get3A_309 : vector<16xf32> to vector<1x16xf32>
          tpu.vector_store %arg9[%swap3A_310, %swap3A_311], %swap3A_314 {add = true, strides = array<i32>} : memref<64x384xf32, #tpu.memory_space<vmem>>, vector<1x16xf32>,
          %get3A_315 = arith.index_cast %add3A_127 : i32 to index
          %get3A_316 = arith.constant 336 : index
          %get3A_317 = tpu.vector_load %arg5[%get3A_315, %get3A_316] {strides = array<i32>} : memref<64x384xf32, #tpu.memory_space<vmem>>, vector<1x16xf32>,
          %get3A_318 = vector.shape_cast %get3A_317 : vector<1x16xf32> to vector<16xf32>
          %swap3A_319 = arith.index_cast %add3A_127 : i32 to index
          %swap3A_320 = arith.constant 336 : index
          %swap3A_321 = tpu.vector_load %arg9[%swap3A_319, %swap3A_320] {strides = array<i32>} : memref<64x384xf32, #tpu.memory_space<vmem>>, vector<1x16xf32>,
          %swap3A_322 = vector.shape_cast %swap3A_321 : vector<1x16xf32> to vector<16xf32>
          %swap3A_323 = vector.shape_cast %get3A_318 : vector<16xf32> to vector<1x16xf32>
          tpu.vector_store %arg9[%swap3A_319, %swap3A_320], %swap3A_323 {add = true, strides = array<i32>} : memref<64x384xf32, #tpu.memory_space<vmem>>, vector<1x16xf32>,
          %get3A_324 = arith.index_cast %add3A_127 : i32 to index
          %get3A_325 = arith.constant 352 : index
          %get3A_326 = tpu.vector_load %arg5[%get3A_324, %get3A_325] {strides = array<i32>} : memref<64x384xf32, #tpu.memory_space<vmem>>, vector<1x16xf32>,
          %get3A_327 = vector.shape_cast %get3A_326 : vector<1x16xf32> to vector<16xf32>
          %swap3A_328 = arith.index_cast %add3A_127 : i32 to index
          %swap3A_329 = arith.constant 352 : index
          %swap3A_330 = tpu.vector_load %arg9[%swap3A_328, %swap3A_329] {strides = array<i32>} : memref<64x384xf32, #tpu.memory_space<vmem>>, vector<1x16xf32>,
          %swap3A_331 = vector.shape_cast %swap3A_330 : vector<1x16xf32> to vector<16xf32>
          %swap3A_332 = vector.shape_cast %get3A_327 : vector<16xf32> to vector<1x16xf32>
          tpu.vector_store %arg9[%swap3A_328, %swap3A_329], %swap3A_332 {add = true, strides = array<i32>} : memref<64x384xf32, #tpu.memory_space<vmem>>, vector<1x16xf32>,
          %get3A_333 = arith.index_cast %add3A_127 : i32 to index
          %get3A_334 = arith.constant 368 : index
          %get3A_335 = tpu.vector_load %arg5[%get3A_333, %get3A_334] {strides = array<i32>} : memref<64x384xf32, #tpu.memory_space<vmem>>, vector<1x16xf32>,
          %get3A_336 = vector.shape_cast %get3A_335 : vector<1x16xf32> to vector<16xf32>
          %swap3A_337 = arith.index_cast %add3A_127 : i32 to index
          %swap3A_338 = arith.constant 368 : index
          %swap3A_339 = tpu.vector_load %arg9[%swap3A_337, %swap3A_338] {strides = array<i32>} : memref<64x384xf32, #tpu.memory_space<vmem>>, vector<1x16xf32>,
          %swap3A_340 = vector.shape_cast %swap3A_339 : vector<1x16xf32> to vector<16xf32>
          %swap3A_341 = vector.shape_cast %get3A_336 : vector<16xf32> to vector<1x16xf32>
          tpu.vector_store %arg9[%swap3A_337, %swap3A_338], %swap3A_341 {add = true, strides = array<i32>} : memref<64x384xf32, #tpu.memory_space<vmem>>, vector<1x16xf32>,
          %add3A_342 = arith.constant 1 : i32
          %add3A_343 = arith.addi %mul3A_125, %add3A_342 : i32
          %get3A_344 = arith.index_cast %add3A_343 : i32 to index
          %get3A_345 = arith.constant 0 : index
          %get3A_346 = tpu.vector_load %arg5[%get3A_344, %get3A_345] {strides = array<i32>} : memref<64x384xf32, #tpu.memory_space<vmem>>, vector<1x16xf32>,
          %get3A_347 = vector.shape_cast %get3A_346 : vector<1x16xf32> to vector<16xf32>
          %swap3A_348 = arith.index_cast %add3A_343 : i32 to index
          %swap3A_349 = arith.constant 0 : index
          %swap3A_350 = tpu.vector_load %arg9[%swap3A_348, %swap3A_349] {strides = array<i32>} : memref<64x384xf32, #tpu.memory_space<vmem>>, vector<1x16xf32>,
          %swap3A_351 = vector.shape_cast %swap3A_350 : vector<1x16xf32> to vector<16xf32>
          %swap3A_352 = vector.shape_cast %get3A_347 : vector<16xf32> to vector<1x16xf32>
          tpu.vector_store %arg9[%swap3A_348, %swap3A_349], %swap3A_352 {add = true, strides = array<i32>} : memref<64x384xf32, #tpu.memory_space<vmem>>, vector<1x16xf32>,
          %get3A_353 = arith.index_cast %add3A_343 : i32 to index
          %get3A_354 = arith.constant 16 : index
          %get3A_355 = tpu.vector_load %arg5[%get3A_353, %get3A_354] {strides = array<i32>} : memref<64x384xf32, #tpu.memory_space<vmem>>, vector<1x16xf32>,
          %get3A_356 = vector.shape_cast %get3A_355 : vector<1x16xf32> to vector<16xf32>
          %swap3A_357 = arith.index_cast %add3A_343 : i32 to index
          %swap3A_358 = arith.constant 16 : index
          %swap3A_359 = tpu.vector_load %arg9[%swap3A_357, %swap3A_358] {strides = array<i32>} : memref<64x384xf32, #tpu.memory_space<vmem>>, vector<1x16xf32>,
          %swap3A_360 = vector.shape_cast %swap3A_359 : vector<1x16xf32> to vector<16xf32>
          %swap3A_361 = vector.shape_cast %get3A_356 : vector<16xf32> to vector<1x16xf32>
          tpu.vector_store %arg9[%swap3A_357, %swap3A_358], %swap3A_361 {add = true, strides = array<i32>} : memref<64x384xf32, #tpu.memory_space<vmem>>, vector<1x16xf32>,
          %get3A_362 = arith.index_cast %add3A_343 : i32 to index
          %get3A_363 = arith.constant 32 : index
          %get3A_364 = tpu.vector_load %arg5[%get3A_362, %get3A_363] {strides = array<i32>} : memref<64x384xf32, #tpu.memory_space<vmem>>, vector<1x16xf32>,
          %get3A_365 = vector.shape_cast %get3A_364 : vector<1x16xf32> to vector<16xf32>
          %swap3A_366 = arith.index_cast %add3A_343 : i32 to index
          %swap3A_367 = arith.constant 32 : index
          %swap3A_368 = tpu.vector_load %arg9[%swap3A_366, %swap3A_367] {strides = array<i32>} : memref<64x384xf32, #tpu.memory_space<vmem>>, vector<1x16xf32>,
          %swap3A_369 = vector.shape_cast %swap3A_368 : vector<1x16xf32> to vector<16xf32>
          %swap3A_370 = vector.shape_cast %get3A_365 : vector<16xf32> to vector<1x16xf32>
          tpu.vector_store %arg9[%swap3A_366, %swap3A_367], %swap3A_370 {add = true, strides = array<i32>} : memref<64x384xf32, #tpu.memory_space<vmem>>, vector<1x16xf32>,
          %get3A_371 = arith.index_cast %add3A_343 : i32 to index
          %get3A_372 = arith.constant 48 : index
          %get3A_373 = tpu.vector_load %arg5[%get3A_371, %get3A_372] {strides = array<i32>} : memref<64x384xf32, #tpu.memory_space<vmem>>, vector<1x16xf32>,
          %get3A_374 = vector.shape_cast %get3A_373 : vector<1x16xf32> to vector<16xf32>
          %swap3A_375 = arith.index_cast %add3A_343 : i32 to index
          %swap3A_376 = arith.constant 48 : index
          %swap3A_377 = tpu.vector_load %arg9[%swap3A_375, %swap3A_376] {strides = array<i32>} : memref<64x384xf32, #tpu.memory_space<vmem>>, vector<1x16xf32>,
          %swap3A_378 = vector.shape_cast %swap3A_377 : vector<1x16xf32> to vector<16xf32>
          %swap3A_379 = vector.shape_cast %get3A_374 : vector<16xf32> to vector<1x16xf32>
          tpu.vector_store %arg9[%swap3A_375, %swap3A_376], %swap3A_379 {add = true, strides = array<i32>} : memref<64x384xf32, #tpu.memory_space<vmem>>, vector<1x16xf32>,
          %get3A_380 = arith.index_cast %add3A_343 : i32 to index
          %get3A_381 = arith.constant 64 : index
          %get3A_382 = tpu.vector_load %arg5[%get3A_380, %get3A_381] {strides = array<i32>} : memref<64x384xf32, #tpu.memory_space<vmem>>, vector<1x16xf32>,
          %get3A_383 = vector.shape_cast %get3A_382 : vector<1x16xf32> to vector<16xf32>
          %swap3A_384 = arith.index_cast %add3A_343 : i32 to index
          %swap3A_385 = arith.constant 64 : index
          %swap3A_386 = tpu.vector_load %arg9[%swap3A_384, %swap3A_385] {strides = array<i32>} : memref<64x384xf32, #tpu.memory_space<vmem>>, vector<1x16xf32>,
          %swap3A_387 = vector.shape_cast %swap3A_386 : vector<1x16xf32> to vector<16xf32>
          %swap3A_388 = vector.shape_cast %get3A_383 : vector<16xf32> to vector<1x16xf32>
          tpu.vector_store %arg9[%swap3A_384, %swap3A_385], %swap3A_388 {add = true, strides = array<i32>} : memref<64x384xf32, #tpu.memory_space<vmem>>, vector<1x16xf32>,
          %get3A_389 = arith.index_cast %add3A_343 : i32 to index
          %get3A_390 = arith.constant 80 : index
          %get3A_391 = tpu.vector_load %arg5[%get3A_389, %get3A_390] {strides = array<i32>} : memref<64x384xf32, #tpu.memory_space<vmem>>, vector<1x16xf32>,
          %get3A_392 = vector.shape_cast %get3A_391 : vector<1x16xf32> to vector<16xf32>
          %swap3A_393 = arith.index_cast %add3A_343 : i32 to index
          %swap3A_394 = arith.constant 80 : index
          %swap3A_395 = tpu.vector_load %arg9[%swap3A_393, %swap3A_394] {strides = array<i32>} : memref<64x384xf32, #tpu.memory_space<vmem>>, vector<1x16xf32>,
          %swap3A_396 = vector.shape_cast %swap3A_395 : vector<1x16xf32> to vector<16xf32>
          %swap3A_397 = vector.shape_cast %get3A_392 : vector<16xf32> to vector<1x16xf32>
          tpu.vector_store %arg9[%swap3A_393, %swap3A_394], %swap3A_397 {add = true, strides = array<i32>} : memref<64x384xf32, #tpu.memory_space<vmem>>, vector<1x16xf32>,
          %get3A_398 = arith.index_cast %add3A_343 : i32 to index
          %get3A_399 = arith.constant 96 : index
          %get3A_400 = tpu.vector_load %arg5[%get3A_398, %get3A_399] {strides = array<i32>} : memref<64x384xf32, #tpu.memory_space<vmem>>, vector<1x16xf32>,
          %get3A_401 = vector.shape_cast %get3A_400 : vector<1x16xf32> to vector<16xf32>
          %swap3A_402 = arith.index_cast %add3A_343 : i32 to index
          %swap3A_403 = arith.constant 96 : index
          %swap3A_404 = tpu.vector_load %arg9[%swap3A_402, %swap3A_403] {strides = array<i32>} : memref<64x384xf32, #tpu.memory_space<vmem>>, vector<1x16xf32>,
          %swap3A_405 = vector.shape_cast %swap3A_404 : vector<1x16xf32> to vector<16xf32>
          %swap3A_406 = vector.shape_cast %get3A_401 : vector<16xf32> to vector<1x16xf32>
          tpu.vector_store %arg9[%swap3A_402, %swap3A_403], %swap3A_406 {add = true, strides = array<i32>} : memref<64x384xf32, #tpu.memory_space<vmem>>, vector<1x16xf32>,
          %get3A_407 = arith.index_cast %add3A_343 : i32 to index
          %get3A_408 = arith.constant 112 : index
          %get3A_409 = tpu.vector_load %arg5[%get3A_407, %get3A_408] {strides = array<i32>} : memref<64x384xf32, #tpu.memory_space<vmem>>, vector<1x16xf32>,
          %get3A_410 = vector.shape_cast %get3A_409 : vector<1x16xf32> to vector<16xf32>
          %swap3A_411 = arith.index_cast %add3A_343 : i32 to index
          %swap3A_412 = arith.constant 112 : index
          %swap3A_413 = tpu.vector_load %arg9[%swap3A_411, %swap3A_412] {strides = array<i32>} : memref<64x384xf32, #tpu.memory_space<vmem>>, vector<1x16xf32>,
          %swap3A_414 = vector.shape_cast %swap3A_413 : vector<1x16xf32> to vector<16xf32>
          %swap3A_415 = vector.shape_cast %get3A_410 : vector<16xf32> to vector<1x16xf32>
          tpu.vector_store %arg9[%swap3A_411, %swap3A_412], %swap3A_415 {add = true, strides = array<i32>} : memref<64x384xf32, #tpu.memory_space<vmem>>, vector<1x16xf32>,
          %get3A_416 = arith.index_cast %add3A_343 : i32 to index
          %get3A_417 = arith.constant 128 : index
          %get3A_418 = tpu.vector_load %arg5[%get3A_416, %get3A_417] {strides = array<i32>} : memref<64x384xf32, #tpu.memory_space<vmem>>, vector<1x16xf32>,
          %get3A_419 = vector.shape_cast %get3A_418 : vector<1x16xf32> to vector<16xf32>
          %swap3A_420 = arith.index_cast %add3A_343 : i32 to index
          %swap3A_421 = arith.constant 128 : index
          %swap3A_422 = tpu.vector_load %arg9[%swap3A_420, %swap3A_421] {strides = array<i32>} : memref<64x384xf32, #tpu.memory_space<vmem>>, vector<1x16xf32>,
          %swap3A_423 = vector.shape_cast %swap3A_422 : vector<1x16xf32> to vector<16xf32>
          %swap3A_424 = vector.shape_cast %get3A_419 : vector<16xf32> to vector<1x16xf32>
          tpu.vector_store %arg9[%swap3A_420, %swap3A_421], %swap3A_424 {add = true, strides = array<i32>} : memref<64x384xf32, #tpu.memory_space<vmem>>, vector<1x16xf32>,
          %get3A_425 = arith.index_cast %add3A_343 : i32 to index
          %get3A_426 = arith.constant 144 : index
          %get3A_427 = tpu.vector_load %arg5[%get3A_425, %get3A_426] {strides = array<i32>} : memref<64x384xf32, #tpu.memory_space<vmem>>, vector<1x16xf32>,
          %get3A_428 = vector.shape_cast %get3A_427 : vector<1x16xf32> to vector<16xf32>
          %swap3A_429 = arith.index_cast %add3A_343 : i32 to index
          %swap3A_430 = arith.constant 144 : index
          %swap3A_431 = tpu.vector_load %arg9[%swap3A_429, %swap3A_430] {strides = array<i32>} : memref<64x384xf32, #tpu.memory_space<vmem>>, vector<1x16xf32>,
          %swap3A_432 = vector.shape_cast %swap3A_431 : vector<1x16xf32> to vector<16xf32>
          %swap3A_433 = vector.shape_cast %get3A_428 : vector<16xf32> to vector<1x16xf32>
          tpu.vector_store %arg9[%swap3A_429, %swap3A_430], %swap3A_433 {add = true, strides = array<i32>} : memref<64x384xf32, #tpu.memory_space<vmem>>, vector<1x16xf32>,
          %get3A_434 = arith.index_cast %add3A_343 : i32 to index
          %get3A_435 = arith.constant 160 : index
          %get3A_436 = tpu.vector_load %arg5[%get3A_434, %get3A_435] {strides = array<i32>} : memref<64x384xf32, #tpu.memory_space<vmem>>, vector<1x16xf32>,
          %get3A_437 = vector.shape_cast %get3A_436 : vector<1x16xf32> to vector<16xf32>
          %swap3A_438 = arith.index_cast %add3A_343 : i32 to index
          %swap3A_439 = arith.constant 160 : index
          %swap3A_440 = tpu.vector_load %arg9[%swap3A_438, %swap3A_439] {strides = array<i32>} : memref<64x384xf32, #tpu.memory_space<vmem>>, vector<1x16xf32>,
          %swap3A_441 = vector.shape_cast %swap3A_440 : vector<1x16xf32> to vector<16xf32>
          %swap3A_442 = vector.shape_cast %get3A_437 : vector<16xf32> to vector<1x16xf32>
          tpu.vector_store %arg9[%swap3A_438, %swap3A_439], %swap3A_442 {add = true, strides = array<i32>} : memref<64x384xf32, #tpu.memory_space<vmem>>, vector<1x16xf32>,
          %get3A_443 = arith.index_cast %add3A_343 : i32 to index
          %get3A_444 = arith.constant 176 : index
          %get3A_445 = tpu.vector_load %arg5[%get3A_443, %get3A_444] {strides = array<i32>} : memref<64x384xf32, #tpu.memory_space<vmem>>, vector<1x16xf32>,
          %get3A_446 = vector.shape_cast %get3A_445 : vector<1x16xf32> to vector<16xf32>
          %swap3A_447 = arith.index_cast %add3A_343 : i32 to index
          %swap3A_448 = arith.constant 176 : index
          %swap3A_449 = tpu.vector_load %arg9[%swap3A_447, %swap3A_448] {strides = array<i32>} : memref<64x384xf32, #tpu.memory_space<vmem>>, vector<1x16xf32>,
          %swap3A_450 = vector.shape_cast %swap3A_449 : vector<1x16xf32> to vector<16xf32>
          %swap3A_451 = vector.shape_cast %get3A_446 : vector<16xf32> to vector<1x16xf32>
          tpu.vector_store %arg9[%swap3A_447, %swap3A_448], %swap3A_451 {add = true, strides = array<i32>} : memref<64x384xf32, #tpu.memory_space<vmem>>, vector<1x16xf32>,
          %get3A_452 = arith.index_cast %add3A_343 : i32 to index
          %get3A_453 = arith.constant 192 : index
          %get3A_454 = tpu.vector_load %arg5[%get3A_452, %get3A_453] {strides = array<i32>} : memref<64x384xf32, #tpu.memory_space<vmem>>, vector<1x16xf32>,
          %get3A_455 = vector.shape_cast %get3A_454 : vector<1x16xf32> to vector<16xf32>
          %swap3A_456 = arith.index_cast %add3A_343 : i32 to index
          %swap3A_457 = arith.constant 192 : index
          %swap3A_458 = tpu.vector_load %arg9[%swap3A_456, %swap3A_457] {strides = array<i32>} : memref<64x384xf32, #tpu.memory_space<vmem>>, vector<1x16xf32>,
          %swap3A_459 = vector.shape_cast %swap3A_458 : vector<1x16xf32> to vector<16xf32>
          %swap3A_460 = vector.shape_cast %get3A_455 : vector<16xf32> to vector<1x16xf32>
          tpu.vector_store %arg9[%swap3A_456, %swap3A_457], %swap3A_460 {add = true, strides = array<i32>} : memref<64x384xf32, #tpu.memory_space<vmem>>, vector<1x16xf32>,
          %get3A_461 = arith.index_cast %add3A_343 : i32 to index
          %get3A_462 = arith.constant 208 : index
          %get3A_463 = tpu.vector_load %arg5[%get3A_461, %get3A_462] {strides = array<i32>} : memref<64x384xf32, #tpu.memory_space<vmem>>, vector<1x16xf32>,
          %get3A_464 = vector.shape_cast %get3A_463 : vector<1x16xf32> to vector<16xf32>
          %swap3A_465 = arith.index_cast %add3A_343 : i32 to index
          %swap3A_466 = arith.constant 208 : index
          %swap3A_467 = tpu.vector_load %arg9[%swap3A_465, %swap3A_466] {strides = array<i32>} : memref<64x384xf32, #tpu.memory_space<vmem>>, vector<1x16xf32>,
          %swap3A_468 = vector.shape_cast %swap3A_467 : vector<1x16xf32> to vector<16xf32>
          %swap3A_469 = vector.shape_cast %get3A_464 : vector<16xf32> to vector<1x16xf32>
          tpu.vector_store %arg9[%swap3A_465, %swap3A_466], %swap3A_469 {add = true, strides = array<i32>} : memref<64x384xf32, #tpu.memory_space<vmem>>, vector<1x16xf32>,
          %get3A_470 = arith.index_cast %add3A_343 : i32 to index
          %get3A_471 = arith.constant 224 : index
          %get3A_472 = tpu.vector_load %arg5[%get3A_470, %get3A_471] {strides = array<i32>} : memref<64x384xf32, #tpu.memory_space<vmem>>, vector<1x16xf32>,
          %get3A_473 = vector.shape_cast %get3A_472 : vector<1x16xf32> to vector<16xf32>
          %swap3A_474 = arith.index_cast %add3A_343 : i32 to index
          %swap3A_475 = arith.constant 224 : index
          %swap3A_476 = tpu.vector_load %arg9[%swap3A_474, %swap3A_475] {strides = array<i32>} : memref<64x384xf32, #tpu.memory_space<vmem>>, vector<1x16xf32>,
          %swap3A_477 = vector.shape_cast %swap3A_476 : vector<1x16xf32> to vector<16xf32>
          %swap3A_478 = vector.shape_cast %get3A_473 : vector<16xf32> to vector<1x16xf32>
          tpu.vector_store %arg9[%swap3A_474, %swap3A_475], %swap3A_478 {add = true, strides = array<i32>} : memref<64x384xf32, #tpu.memory_space<vmem>>, vector<1x16xf32>,
          %get3A_479 = arith.index_cast %add3A_343 : i32 to index
          %get3A_480 = arith.constant 240 : index
          %get3A_481 = tpu.vector_load %arg5[%get3A_479, %get3A_480] {strides = array<i32>} : memref<64x384xf32, #tpu.memory_space<vmem>>, vector<1x16xf32>,
          %get3A_482 = vector.shape_cast %get3A_481 : vector<1x16xf32> to vector<16xf32>
          %swap3A_483 = arith.index_cast %add3A_343 : i32 to index
          %swap3A_484 = arith.constant 240 : index
          %swap3A_485 = tpu.vector_load %arg9[%swap3A_483, %swap3A_484] {strides = array<i32>} : memref<64x384xf32, #tpu.memory_space<vmem>>, vector<1x16xf32>,
          %swap3A_486 = vector.shape_cast %swap3A_485 : vector<1x16xf32> to vector<16xf32>
          %swap3A_487 = vector.shape_cast %get3A_482 : vector<16xf32> to vector<1x16xf32>
          tpu.vector_store %arg9[%swap3A_483, %swap3A_484], %swap3A_487 {add = true, strides = array<i32>} : memref<64x384xf32, #tpu.memory_space<vmem>>, vector<1x16xf32>,
          %get3A_488 = arith.index_cast %add3A_343 : i32 to index
          %get3A_489 = arith.constant 256 : index
          %get3A_490 = tpu.vector_load %arg5[%get3A_488, %get3A_489] {strides = array<i32>} : memref<64x384xf32, #tpu.memory_space<vmem>>, vector<1x16xf32>,
          %get3A_491 = vector.shape_cast %get3A_490 : vector<1x16xf32> to vector<16xf32>
          %swap3A_492 = arith.index_cast %add3A_343 : i32 to index
          %swap3A_493 = arith.constant 256 : index
          %swap3A_494 = tpu.vector_load %arg9[%swap3A_492, %swap3A_493] {strides = array<i32>} : memref<64x384xf32, #tpu.memory_space<vmem>>, vector<1x16xf32>,
          %swap3A_495 = vector.shape_cast %swap3A_494 : vector<1x16xf32> to vector<16xf32>
          %swap3A_496 = vector.shape_cast %get3A_491 : vector<16xf32> to vector<1x16xf32>
          tpu.vector_store %arg9[%swap3A_492, %swap3A_493], %swap3A_496 {add = true, strides = array<i32>} : memref<64x384xf32, #tpu.memory_space<vmem>>, vector<1x16xf32>,
          %get3A_497 = arith.index_cast %add3A_343 : i32 to index
          %get3A_498 = arith.constant 272 : index
          %get3A_499 = tpu.vector_load %arg5[%get3A_497, %get3A_498] {strides = array<i32>} : memref<64x384xf32, #tpu.memory_space<vmem>>, vector<1x16xf32>,
          %get3A_500 = vector.shape_cast %get3A_499 : vector<1x16xf32> to vector<16xf32>
          %swap3A_501 = arith.index_cast %add3A_343 : i32 to index
          %swap3A_502 = arith.constant 272 : index
          %swap3A_503 = tpu.vector_load %arg9[%swap3A_501, %swap3A_502] {strides = array<i32>} : memref<64x384xf32, #tpu.memory_space<vmem>>, vector<1x16xf32>,
          %swap3A_504 = vector.shape_cast %swap3A_503 : vector<1x16xf32> to vector<16xf32>
          %swap3A_505 = vector.shape_cast %get3A_500 : vector<16xf32> to vector<1x16xf32>
          tpu.vector_store %arg9[%swap3A_501, %swap3A_502], %swap3A_505 {add = true, strides = array<i32>} : memref<64x384xf32, #tpu.memory_space<vmem>>, vector<1x16xf32>,
          %get3A_506 = arith.index_cast %add3A_343 : i32 to index
          %get3A_507 = arith.constant 288 : index
          %get3A_508 = tpu.vector_load %arg5[%get3A_506, %get3A_507] {strides = array<i32>} : memref<64x384xf32, #tpu.memory_space<vmem>>, vector<1x16xf32>,
          %get3A_509 = vector.shape_cast %get3A_508 : vector<1x16xf32> to vector<16xf32>
          %swap3A_510 = arith.index_cast %add3A_343 : i32 to index
          %swap3A_511 = arith.constant 288 : index
          %swap3A_512 = tpu.vector_load %arg9[%swap3A_510, %swap3A_511] {strides = array<i32>} : memref<64x384xf32, #tpu.memory_space<vmem>>, vector<1x16xf32>,
          %swap3A_513 = vector.shape_cast %swap3A_512 : vector<1x16xf32> to vector<16xf32>
          %swap3A_514 = vector.shape_cast %get3A_509 : vector<16xf32> to vector<1x16xf32>
          tpu.vector_store %arg9[%swap3A_510, %swap3A_511], %swap3A_514 {add = true, strides = array<i32>} : memref<64x384xf32, #tpu.memory_space<vmem>>, vector<1x16xf32>,
          %get3A_515 = arith.index_cast %add3A_343 : i32 to index
          %get3A_516 = arith.constant 304 : index
          %get3A_517 = tpu.vector_load %arg5[%get3A_515, %get3A_516] {strides = array<i32>} : memref<64x384xf32, #tpu.memory_space<vmem>>, vector<1x16xf32>,
          %get3A_518 = vector.shape_cast %get3A_517 : vector<1x16xf32> to vector<16xf32>
          %swap3A_519 = arith.index_cast %add3A_343 : i32 to index
          %swap3A_520 = arith.constant 304 : index
          %swap3A_521 = tpu.vector_load %arg9[%swap3A_519, %swap3A_520] {strides = array<i32>} : memref<64x384xf32, #tpu.memory_space<vmem>>, vector<1x16xf32>,
          %swap3A_522 = vector.shape_cast %swap3A_521 : vector<1x16xf32> to vector<16xf32>
          %swap3A_523 = vector.shape_cast %get3A_518 : vector<16xf32> to vector<1x16xf32>
          tpu.vector_store %arg9[%swap3A_519, %swap3A_520], %swap3A_523 {add = true, strides = array<i32>} : memref<64x384xf32, #tpu.memory_space<vmem>>, vector<1x16xf32>,
          %get3A_524 = arith.index_cast %add3A_343 : i32 to index
          %get3A_525 = arith.constant 320 : index
          %get3A_526 = tpu.vector_load %arg5[%get3A_524, %get3A_525] {strides = array<i32>} : memref<64x384xf32, #tpu.memory_space<vmem>>, vector<1x16xf32>,
          %get3A_527 = vector.shape_cast %get3A_526 : vector<1x16xf32> to vector<16xf32>
          %swap3A_528 = arith.index_cast %add3A_343 : i32 to index
          %swap3A_529 = arith.constant 320 : index
          %swap3A_530 = tpu.vector_load %arg9[%swap3A_528, %swap3A_529] {strides = array<i32>} : memref<64x384xf32, #tpu.memory_space<vmem>>, vector<1x16xf32>,
          %swap3A_531 = vector.shape_cast %swap3A_530 : vector<1x16xf32> to vector<16xf32>
          %swap3A_532 = vector.shape_cast %get3A_527 : vector<16xf32> to vector<1x16xf32>
          tpu.vector_store %arg9[%swap3A_528, %swap3A_529], %swap3A_532 {add = true, strides = array<i32>} : memref<64x384xf32, #tpu.memory_space<vmem>>, vector<1x16xf32>,
          %get3A_533 = arith.index_cast %add3A_343 : i32 to index
          %get3A_534 = arith.constant 336 : index
          %get3A_535 = tpu.vector_load %arg5[%get3A_533, %get3A_534] {strides = array<i32>} : memref<64x384xf32, #tpu.memory_space<vmem>>, vector<1x16xf32>,
          %get3A_536 = vector.shape_cast %get3A_535 : vector<1x16xf32> to vector<16xf32>
          %swap3A_537 = arith.index_cast %add3A_343 : i32 to index
          %swap3A_538 = arith.constant 336 : index
          %swap3A_539 = tpu.vector_load %arg9[%swap3A_537, %swap3A_538] {strides = array<i32>} : memref<64x384xf32, #tpu.memory_space<vmem>>, vector<1x16xf32>,
          %swap3A_540 = vector.shape_cast %swap3A_539 : vector<1x16xf32> to vector<16xf32>
          %swap3A_541 = vector.shape_cast %get3A_536 : vector<16xf32> to vector<1x16xf32>
          tpu.vector_store %arg9[%swap3A_537, %swap3A_538], %swap3A_541 {add = true, strides = array<i32>} : memref<64x384xf32, #tpu.memory_space<vmem>>, vector<1x16xf32>,
          %get3A_542 = arith.index_cast %add3A_343 : i32 to index
          %get3A_543 = arith.constant 352 : index
          %get3A_544 = tpu.vector_load %arg5[%get3A_542, %get3A_543] {strides = array<i32>} : memref<64x384xf32, #tpu.memory_space<vmem>>, vector<1x16xf32>,
          %get3A_545 = vector.shape_cast %get3A_544 : vector<1x16xf32> to vector<16xf32>
          %swap3A_546 = arith.index_cast %add3A_343 : i32 to index
          %swap3A_547 = arith.constant 352 : index
          %swap3A_548 = tpu.vector_load %arg9[%swap3A_546, %swap3A_547] {strides = array<i32>} : memref<64x384xf32, #tpu.memory_space<vmem>>, vector<1x16xf32>,
          %swap3A_549 = vector.shape_cast %swap3A_548 : vector<1x16xf32> to vector<16xf32>
          %swap3A_550 = vector.shape_cast %get3A_545 : vector<16xf32> to vector<1x16xf32>
          tpu.vector_store %arg9[%swap3A_546, %swap3A_547], %swap3A_550 {add = true, strides = array<i32>} : memref<64x384xf32, #tpu.memory_space<vmem>>, vector<1x16xf32>,
          %get3A_551 = arith.index_cast %add3A_343 : i32 to index
          %get3A_552 = arith.constant 368 : index
          %get3A_553 = tpu.vector_load %arg5[%get3A_551, %get3A_552] {strides = array<i32>} : memref<64x384xf32, #tpu.memory_space<vmem>>, vector<1x16xf32>,
          %get3A_554 = vector.shape_cast %get3A_553 : vector<1x16xf32> to vector<16xf32>
          %swap3A_555 = arith.index_cast %add3A_343 : i32 to index
          %swap3A_556 = arith.constant 368 : index
          %swap3A_557 = tpu.vector_load %arg9[%swap3A_555, %swap3A_556] {strides = array<i32>} : memref<64x384xf32, #tpu.memory_space<vmem>>, vector<1x16xf32>,
          %swap3A_558 = vector.shape_cast %swap3A_557 : vector<1x16xf32> to vector<16xf32>
          %swap3A_559 = vector.shape_cast %get3A_554 : vector<16xf32> to vector<1x16xf32>
          tpu.vector_store %arg9[%swap3A_555, %swap3A_556], %swap3A_559 {add = true, strides = array<i32>} : memref<64x384xf32, #tpu.memory_space<vmem>>, vector<1x16xf32>,
          %add3A_560 = arith.constant 2 : i32
          %add3A_561 = arith.addi %mul3A_125, %add3A_560 : i32
          %get3A_562 = arith.index_cast %add3A_561 : i32 to index
          %get3A_563 = arith.constant 0 : index
          %get3A_564 = tpu.vector_load %arg5[%get3A_562, %get3A_563] {strides = array<i32>} : memref<64x384xf32, #tpu.memory_space<vmem>>, vector<1x16xf32>,
          %get3A_565 = vector.shape_cast %get3A_564 : vector<1x16xf32> to vector<16xf32>
          %swap3A_566 = arith.index_cast %add3A_561 : i32 to index
          %swap3A_567 = arith.constant 0 : index
          %swap3A_568 = tpu.vector_load %arg9[%swap3A_566, %swap3A_567] {strides = array<i32>} : memref<64x384xf32, #tpu.memory_space<vmem>>, vector<1x16xf32>,
          %swap3A_569 = vector.shape_cast %swap3A_568 : vector<1x16xf32> to vector<16xf32>
          %swap3A_570 = vector.shape_cast %get3A_565 : vector<16xf32> to vector<1x16xf32>
          tpu.vector_store %arg9[%swap3A_566, %swap3A_567], %swap3A_570 {add = true, strides = array<i32>} : memref<64x384xf32, #tpu.memory_space<vmem>>, vector<1x16xf32>,
          %get3A_571 = arith.index_cast %add3A_561 : i32 to index
          %get3A_572 = arith.constant 16 : index
          %get3A_573 = tpu.vector_load %arg5[%get3A_571, %get3A_572] {strides = array<i32>} : memref<64x384xf32, #tpu.memory_space<vmem>>, vector<1x16xf32>,
          %get3A_574 = vector.shape_cast %get3A_573 : vector<1x16xf32> to vector<16xf32>
          %swap3A_575 = arith.index_cast %add3A_561 : i32 to index
          %swap3A_576 = arith.constant 16 : index
          %swap3A_577 = tpu.vector_load %arg9[%swap3A_575, %swap3A_576] {strides = array<i32>} : memref<64x384xf32, #tpu.memory_space<vmem>>, vector<1x16xf32>,
          %swap3A_578 = vector.shape_cast %swap3A_577 : vector<1x16xf32> to vector<16xf32>
          %swap3A_579 = vector.shape_cast %get3A_574 : vector<16xf32> to vector<1x16xf32>
          tpu.vector_store %arg9[%swap3A_575, %swap3A_576], %swap3A_579 {add = true, strides = array<i32>} : memref<64x384xf32, #tpu.memory_space<vmem>>, vector<1x16xf32>,
          %get3A_580 = arith.index_cast %add3A_561 : i32 to index
          %get3A_581 = arith.constant 32 : index
          %get3A_582 = tpu.vector_load %arg5[%get3A_580, %get3A_581] {strides = array<i32>} : memref<64x384xf32, #tpu.memory_space<vmem>>, vector<1x16xf32>,
          %get3A_583 = vector.shape_cast %get3A_582 : vector<1x16xf32> to vector<16xf32>
          %swap3A_584 = arith.index_cast %add3A_561 : i32 to index
          %swap3A_585 = arith.constant 32 : index
          %swap3A_586 = tpu.vector_load %arg9[%swap3A_584, %swap3A_585] {strides = array<i32>} : memref<64x384xf32, #tpu.memory_space<vmem>>, vector<1x16xf32>,
          %swap3A_587 = vector.shape_cast %swap3A_586 : vector<1x16xf32> to vector<16xf32>
          %swap3A_588 = vector.shape_cast %get3A_583 : vector<16xf32> to vector<1x16xf32>
          tpu.vector_store %arg9[%swap3A_584, %swap3A_585], %swap3A_588 {add = true, strides = array<i32>} : memref<64x384xf32, #tpu.memory_space<vmem>>, vector<1x16xf32>,
          %get3A_589 = arith.index_cast %add3A_561 : i32 to index
          %get3A_590 = arith.constant 48 : index
          %get3A_591 = tpu.vector_load %arg5[%get3A_589, %get3A_590] {strides = array<i32>} : memref<64x384xf32, #tpu.memory_space<vmem>>, vector<1x16xf32>,
          %get3A_592 = vector.shape_cast %get3A_591 : vector<1x16xf32> to vector<16xf32>
          %swap3A_593 = arith.index_cast %add3A_561 : i32 to index
          %swap3A_594 = arith.constant 48 : index
          %swap3A_595 = tpu.vector_load %arg9[%swap3A_593, %swap3A_594] {strides = array<i32>} : memref<64x384xf32, #tpu.memory_space<vmem>>, vector<1x16xf32>,
          %swap3A_596 = vector.shape_cast %swap3A_595 : vector<1x16xf32> to vector<16xf32>
          %swap3A_597 = vector.shape_cast %get3A_592 : vector<16xf32> to vector<1x16xf32>
          tpu.vector_store %arg9[%swap3A_593, %swap3A_594], %swap3A_597 {add = true, strides = array<i32>} : memref<64x384xf32, #tpu.memory_space<vmem>>, vector<1x16xf32>,
          %get3A_598 = arith.index_cast %add3A_561 : i32 to index
          %get3A_599 = arith.constant 64 : index
          %get3A_600 = tpu.vector_load %arg5[%get3A_598, %get3A_599] {strides = array<i32>} : memref<64x384xf32, #tpu.memory_space<vmem>>, vector<1x16xf32>,
          %get3A_601 = vector.shape_cast %get3A_600 : vector<1x16xf32> to vector<16xf32>
          %swap3A_602 = arith.index_cast %add3A_561 : i32 to index
          %swap3A_603 = arith.constant 64 : index
          %swap3A_604 = tpu.vector_load %arg9[%swap3A_602, %swap3A_603] {strides = array<i32>} : memref<64x384xf32, #tpu.memory_space<vmem>>, vector<1x16xf32>,
          %swap3A_605 = vector.shape_cast %swap3A_604 : vector<1x16xf32> to vector<16xf32>
          %swap3A_606 = vector.shape_cast %get3A_601 : vector<16xf32> to vector<1x16xf32>
          tpu.vector_store %arg9[%swap3A_602, %swap3A_603], %swap3A_606 {add = true, strides = array<i32>} : memref<64x384xf32, #tpu.memory_space<vmem>>, vector<1x16xf32>,
          %get3A_607 = arith.index_cast %add3A_561 : i32 to index
          %get3A_608 = arith.constant 80 : index
          %get3A_609 = tpu.vector_load %arg5[%get3A_607, %get3A_608] {strides = array<i32>} : memref<64x384xf32, #tpu.memory_space<vmem>>, vector<1x16xf32>,
          %get3A_610 = vector.shape_cast %get3A_609 : vector<1x16xf32> to vector<16xf32>
          %swap3A_611 = arith.index_cast %add3A_561 : i32 to index
          %swap3A_612 = arith.constant 80 : index
          %swap3A_613 = tpu.vector_load %arg9[%swap3A_611, %swap3A_612] {strides = array<i32>} : memref<64x384xf32, #tpu.memory_space<vmem>>, vector<1x16xf32>,
          %swap3A_614 = vector.shape_cast %swap3A_613 : vector<1x16xf32> to vector<16xf32>
          %swap3A_615 = vector.shape_cast %get3A_610 : vector<16xf32> to vector<1x16xf32>
          tpu.vector_store %arg9[%swap3A_611, %swap3A_612], %swap3A_615 {add = true, strides = array<i32>} : memref<64x384xf32, #tpu.memory_space<vmem>>, vector<1x16xf32>,
          %get3A_616 = arith.index_cast %add3A_561 : i32 to index
          %get3A_617 = arith.constant 96 : index
          %get3A_618 = tpu.vector_load %arg5[%get3A_616, %get3A_617] {strides = array<i32>} : memref<64x384xf32, #tpu.memory_space<vmem>>, vector<1x16xf32>,
          %get3A_619 = vector.shape_cast %get3A_618 : vector<1x16xf32> to vector<16xf32>
          %swap3A_620 = arith.index_cast %add3A_561 : i32 to index
          %swap3A_621 = arith.constant 96 : index
          %swap3A_622 = tpu.vector_load %arg9[%swap3A_620, %swap3A_621] {strides = array<i32>} : memref<64x384xf32, #tpu.memory_space<vmem>>, vector<1x16xf32>,
          %swap3A_623 = vector.shape_cast %swap3A_622 : vector<1x16xf32> to vector<16xf32>
          %swap3A_624 = vector.shape_cast %get3A_619 : vector<16xf32> to vector<1x16xf32>
          tpu.vector_store %arg9[%swap3A_620, %swap3A_621], %swap3A_624 {add = true, strides = array<i32>} : memref<64x384xf32, #tpu.memory_space<vmem>>, vector<1x16xf32>,
          %get3A_625 = arith.index_cast %add3A_561 : i32 to index
          %get3A_626 = arith.constant 112 : index
          %get3A_627 = tpu.vector_load %arg5[%get3A_625, %get3A_626] {strides = array<i32>} : memref<64x384xf32, #tpu.memory_space<vmem>>, vector<1x16xf32>,
          %get3A_628 = vector.shape_cast %get3A_627 : vector<1x16xf32> to vector<16xf32>
          %swap3A_629 = arith.index_cast %add3A_561 : i32 to index
          %swap3A_630 = arith.constant 112 : index
          %swap3A_631 = tpu.vector_load %arg9[%swap3A_629, %swap3A_630] {strides = array<i32>} : memref<64x384xf32, #tpu.memory_space<vmem>>, vector<1x16xf32>,
          %swap3A_632 = vector.shape_cast %swap3A_631 : vector<1x16xf32> to vector<16xf32>
          %swap3A_633 = vector.shape_cast %get3A_628 : vector<16xf32> to vector<1x16xf32>
          tpu.vector_store %arg9[%swap3A_629, %swap3A_630], %swap3A_633 {add = true, strides = array<i32>} : memref<64x384xf32, #tpu.memory_space<vmem>>, vector<1x16xf32>,
          %get3A_634 = arith.index_cast %add3A_561 : i32 to index
          %get3A_635 = arith.constant 128 : index
          %get3A_636 = tpu.vector_load %arg5[%get3A_634, %get3A_635] {strides = array<i32>} : memref<64x384xf32, #tpu.memory_space<vmem>>, vector<1x16xf32>,
          %get3A_637 = vector.shape_cast %get3A_636 : vector<1x16xf32> to vector<16xf32>
          %swap3A_638 = arith.index_cast %add3A_561 : i32 to index
          %swap3A_639 = arith.constant 128 : index
          %swap3A_640 = tpu.vector_load %arg9[%swap3A_638, %swap3A_639] {strides = array<i32>} : memref<64x384xf32, #tpu.memory_space<vmem>>, vector<1x16xf32>,
          %swap3A_641 = vector.shape_cast %swap3A_640 : vector<1x16xf32> to vector<16xf32>
          %swap3A_642 = vector.shape_cast %get3A_637 : vector<16xf32> to vector<1x16xf32>
          tpu.vector_store %arg9[%swap3A_638, %swap3A_639], %swap3A_642 {add = true, strides = array<i32>} : memref<64x384xf32, #tpu.memory_space<vmem>>, vector<1x16xf32>,
          %get3A_643 = arith.index_cast %add3A_561 : i32 to index
          %get3A_644 = arith.constant 144 : index
          %get3A_645 = tpu.vector_load %arg5[%get3A_643, %get3A_644] {strides = array<i32>} : memref<64x384xf32, #tpu.memory_space<vmem>>, vector<1x16xf32>,
          %get3A_646 = vector.shape_cast %get3A_645 : vector<1x16xf32> to vector<16xf32>
          %swap3A_647 = arith.index_cast %add3A_561 : i32 to index
          %swap3A_648 = arith.constant 144 : index
          %swap3A_649 = tpu.vector_load %arg9[%swap3A_647, %swap3A_648] {strides = array<i32>} : memref<64x384xf32, #tpu.memory_space<vmem>>, vector<1x16xf32>,
          %swap3A_650 = vector.shape_cast %swap3A_649 : vector<1x16xf32> to vector<16xf32>
          %swap3A_651 = vector.shape_cast %get3A_646 : vector<16xf32> to vector<1x16xf32>
          tpu.vector_store %arg9[%swap3A_647, %swap3A_648], %swap3A_651 {add = true, strides = array<i32>} : memref<64x384xf32, #tpu.memory_space<vmem>>, vector<1x16xf32>,
          %get3A_652 = arith.index_cast %add3A_561 : i32 to index
          %get3A_653 = arith.constant 160 : index
          %get3A_654 = tpu.vector_load %arg5[%get3A_652, %get3A_653] {strides = array<i32>} : memref<64x384xf32, #tpu.memory_space<vmem>>, vector<1x16xf32>,
          %get3A_655 = vector.shape_cast %get3A_654 : vector<1x16xf32> to vector<16xf32>
          %swap3A_656 = arith.index_cast %add3A_561 : i32 to index
          %swap3A_657 = arith.constant 160 : index
          %swap3A_658 = tpu.vector_load %arg9[%swap3A_656, %swap3A_657] {strides = array<i32>} : memref<64x384xf32, #tpu.memory_space<vmem>>, vector<1x16xf32>,
          %swap3A_659 = vector.shape_cast %swap3A_658 : vector<1x16xf32> to vector<16xf32>
          %swap3A_660 = vector.shape_cast %get3A_655 : vector<16xf32> to vector<1x16xf32>
          tpu.vector_store %arg9[%swap3A_656, %swap3A_657], %swap3A_660 {add = true, strides = array<i32>} : memref<64x384xf32, #tpu.memory_space<vmem>>, vector<1x16xf32>,
          %get3A_661 = arith.index_cast %add3A_561 : i32 to index
          %get3A_662 = arith.constant 176 : index
          %get3A_663 = tpu.vector_load %arg5[%get3A_661, %get3A_662] {strides = array<i32>} : memref<64x384xf32, #tpu.memory_space<vmem>>, vector<1x16xf32>,
          %get3A_664 = vector.shape_cast %get3A_663 : vector<1x16xf32> to vector<16xf32>
          %swap3A_665 = arith.index_cast %add3A_561 : i32 to index
          %swap3A_666 = arith.constant 176 : index
          %swap3A_667 = tpu.vector_load %arg9[%swap3A_665, %swap3A_666] {strides = array<i32>} : memref<64x384xf32, #tpu.memory_space<vmem>>, vector<1x16xf32>,
          %swap3A_668 = vector.shape_cast %swap3A_667 : vector<1x16xf32> to vector<16xf32>
          %swap3A_669 = vector.shape_cast %get3A_664 : vector<16xf32> to vector<1x16xf32>
          tpu.vector_store %arg9[%swap3A_665, %swap3A_666], %swap3A_669 {add = true, strides = array<i32>} : memref<64x384xf32, #tpu.memory_space<vmem>>, vector<1x16xf32>,
          %get3A_670 = arith.index_cast %add3A_561 : i32 to index
          %get3A_671 = arith.constant 192 : index
          %get3A_672 = tpu.vector_load %arg5[%get3A_670, %get3A_671] {strides = array<i32>} : memref<64x384xf32, #tpu.memory_space<vmem>>, vector<1x16xf32>,
          %get3A_673 = vector.shape_cast %get3A_672 : vector<1x16xf32> to vector<16xf32>
          %swap3A_674 = arith.index_cast %add3A_561 : i32 to index
          %swap3A_675 = arith.constant 192 : index
          %swap3A_676 = tpu.vector_load %arg9[%swap3A_674, %swap3A_675] {strides = array<i32>} : memref<64x384xf32, #tpu.memory_space<vmem>>, vector<1x16xf32>,
          %swap3A_677 = vector.shape_cast %swap3A_676 : vector<1x16xf32> to vector<16xf32>
          %swap3A_678 = vector.shape_cast %get3A_673 : vector<16xf32> to vector<1x16xf32>
          tpu.vector_store %arg9[%swap3A_674, %swap3A_675], %swap3A_678 {add = true, strides = array<i32>} : memref<64x384xf32, #tpu.memory_space<vmem>>, vector<1x16xf32>,
          %get3A_679 = arith.index_cast %add3A_561 : i32 to index
          %get3A_680 = arith.constant 208 : index
          %get3A_681 = tpu.vector_load %arg5[%get3A_679, %get3A_680] {strides = array<i32>} : memref<64x384xf32, #tpu.memory_space<vmem>>, vector<1x16xf32>,
          %get3A_682 = vector.shape_cast %get3A_681 : vector<1x16xf32> to vector<16xf32>
          %swap3A_683 = arith.index_cast %add3A_561 : i32 to index
          %swap3A_684 = arith.constant 208 : index
          %swap3A_685 = tpu.vector_load %arg9[%swap3A_683, %swap3A_684] {strides = array<i32>} : memref<64x384xf32, #tpu.memory_space<vmem>>, vector<1x16xf32>,
          %swap3A_686 = vector.shape_cast %swap3A_685 : vector<1x16xf32> to vector<16xf32>
          %swap3A_687 = vector.shape_cast %get3A_682 : vector<16xf32> to vector<1x16xf32>
          tpu.vector_store %arg9[%swap3A_683, %swap3A_684], %swap3A_687 {add = true, strides = array<i32>} : memref<64x384xf32, #tpu.memory_space<vmem>>, vector<1x16xf32>,
          %get3A_688 = arith.index_cast %add3A_561 : i32 to index
          %get3A_689 = arith.constant 224 : index
          %get3A_690 = tpu.vector_load %arg5[%get3A_688, %get3A_689] {strides = array<i32>} : memref<64x384xf32, #tpu.memory_space<vmem>>, vector<1x16xf32>,
          %get3A_691 = vector.shape_cast %get3A_690 : vector<1x16xf32> to vector<16xf32>
          %swap3A_692 = arith.index_cast %add3A_561 : i32 to index
          %swap3A_693 = arith.constant 224 : index
          %swap3A_694 = tpu.vector_load %arg9[%swap3A_692, %swap3A_693] {strides = array<i32>} : memref<64x384xf32, #tpu.memory_space<vmem>>, vector<1x16xf32>,
          %swap3A_695 = vector.shape_cast %swap3A_694 : vector<1x16xf32> to vector<16xf32>
          %swap3A_696 = vector.shape_cast %get3A_691 : vector<16xf32> to vector<1x16xf32>
          tpu.vector_store %arg9[%swap3A_692, %swap3A_693], %swap3A_696 {add = true, strides = array<i32>} : memref<64x384xf32, #tpu.memory_space<vmem>>, vector<1x16xf32>,
          %get3A_697 = arith.index_cast %add3A_561 : i32 to index
          %get3A_698 = arith.constant 240 : index
          %get3A_699 = tpu.vector_load %arg5[%get3A_697, %get3A_698] {strides = array<i32>} : memref<64x384xf32, #tpu.memory_space<vmem>>, vector<1x16xf32>,
          %get3A_700 = vector.shape_cast %get3A_699 : vector<1x16xf32> to vector<16xf32>
          %swap3A_701 = arith.index_cast %add3A_561 : i32 to index
          %swap3A_702 = arith.constant 240 : index
          %swap3A_703 = tpu.vector_load %arg9[%swap3A_701, %swap3A_702] {strides = array<i32>} : memref<64x384xf32, #tpu.memory_space<vmem>>, vector<1x16xf32>,
          %swap3A_704 = vector.shape_cast %swap3A_703 : vector<1x16xf32> to vector<16xf32>
          %swap3A_705 = vector.shape_cast %get3A_700 : vector<16xf32> to vector<1x16xf32>
          tpu.vector_store %arg9[%swap3A_701, %swap3A_702], %swap3A_705 {add = true, strides = array<i32>} : memref<64x384xf32, #tpu.memory_space<vmem>>, vector<1x16xf32>,
          %get3A_706 = arith.index_cast %add3A_561 : i32 to index
          %get3A_707 = arith.constant 256 : index
          %get3A_708 = tpu.vector_load %arg5[%get3A_706, %get3A_707] {strides = array<i32>} : memref<64x384xf32, #tpu.memory_space<vmem>>, vector<1x16xf32>,
          %get3A_709 = vector.shape_cast %get3A_708 : vector<1x16xf32> to vector<16xf32>
          %swap3A_710 = arith.index_cast %add3A_561 : i32 to index
          %swap3A_711 = arith.constant 256 : index
          %swap3A_712 = tpu.vector_load %arg9[%swap3A_710, %swap3A_711] {strides = array<i32>} : memref<64x384xf32, #tpu.memory_space<vmem>>, vector<1x16xf32>,
          %swap3A_713 = vector.shape_cast %swap3A_712 : vector<1x16xf32> to vector<16xf32>
          %swap3A_714 = vector.shape_cast %get3A_709 : vector<16xf32> to vector<1x16xf32>
          tpu.vector_store %arg9[%swap3A_710, %swap3A_711], %swap3A_714 {add = true, strides = array<i32>} : memref<64x384xf32, #tpu.memory_space<vmem>>, vector<1x16xf32>,
          %get3A_715 = arith.index_cast %add3A_561 : i32 to index
          %get3A_716 = arith.constant 272 : index
          %get3A_717 = tpu.vector_load %arg5[%get3A_715, %get3A_716] {strides = array<i32>} : memref<64x384xf32, #tpu.memory_space<vmem>>, vector<1x16xf32>,
          %get3A_718 = vector.shape_cast %get3A_717 : vector<1x16xf32> to vector<16xf32>
          %swap3A_719 = arith.index_cast %add3A_561 : i32 to index
          %swap3A_720 = arith.constant 272 : index
          %swap3A_721 = tpu.vector_load %arg9[%swap3A_719, %swap3A_720] {strides = array<i32>} : memref<64x384xf32, #tpu.memory_space<vmem>>, vector<1x16xf32>,
          %swap3A_722 = vector.shape_cast %swap3A_721 : vector<1x16xf32> to vector<16xf32>
          %swap3A_723 = vector.shape_cast %get3A_718 : vector<16xf32> to vector<1x16xf32>
          tpu.vector_store %arg9[%swap3A_719, %swap3A_720], %swap3A_723 {add = true, strides = array<i32>} : memref<64x384xf32, #tpu.memory_space<vmem>>, vector<1x16xf32>,
          %get3A_724 = arith.index_cast %add3A_561 : i32 to index
          %get3A_725 = arith.constant 288 : index
          %get3A_726 = tpu.vector_load %arg5[%get3A_724, %get3A_725] {strides = array<i32>} : memref<64x384xf32, #tpu.memory_space<vmem>>, vector<1x16xf32>,
          %get3A_727 = vector.shape_cast %get3A_726 : vector<1x16xf32> to vector<16xf32>
          %swap3A_728 = arith.index_cast %add3A_561 : i32 to index
          %swap3A_729 = arith.constant 288 : index
          %swap3A_730 = tpu.vector_load %arg9[%swap3A_728, %swap3A_729] {strides = array<i32>} : memref<64x384xf32, #tpu.memory_space<vmem>>, vector<1x16xf32>,
          %swap3A_731 = vector.shape_cast %swap3A_730 : vector<1x16xf32> to vector<16xf32>
          %swap3A_732 = vector.shape_cast %get3A_727 : vector<16xf32> to vector<1x16xf32>
          tpu.vector_store %arg9[%swap3A_728, %swap3A_729], %swap3A_732 {add = true, strides = array<i32>} : memref<64x384xf32, #tpu.memory_space<vmem>>, vector<1x16xf32>,
          %get3A_733 = arith.index_cast %add3A_561 : i32 to index
          %get3A_734 = arith.constant 304 : index
          %get3A_735 = tpu.vector_load %arg5[%get3A_733, %get3A_734] {strides = array<i32>} : memref<64x384xf32, #tpu.memory_space<vmem>>, vector<1x16xf32>,
          %get3A_736 = vector.shape_cast %get3A_735 : vector<1x16xf32> to vector<16xf32>
          %swap3A_737 = arith.index_cast %add3A_561 : i32 to index
          %swap3A_738 = arith.constant 304 : index
          %swap3A_739 = tpu.vector_load %arg9[%swap3A_737, %swap3A_738] {strides = array<i32>} : memref<64x384xf32, #tpu.memory_space<vmem>>, vector<1x16xf32>,
          %swap3A_740 = vector.shape_cast %swap3A_739 : vector<1x16xf32> to vector<16xf32>
          %swap3A_741 = vector.shape_cast %get3A_736 : vector<16xf32> to vector<1x16xf32>
          tpu.vector_store %arg9[%swap3A_737, %swap3A_738], %swap3A_741 {add = true, strides = array<i32>} : memref<64x384xf32, #tpu.memory_space<vmem>>, vector<1x16xf32>,
          %get3A_742 = arith.index_cast %add3A_561 : i32 to index
          %get3A_743 = arith.constant 320 : index
          %get3A_744 = tpu.vector_load %arg5[%get3A_742, %get3A_743] {strides = array<i32>} : memref<64x384xf32, #tpu.memory_space<vmem>>, vector<1x16xf32>,
          %get3A_745 = vector.shape_cast %get3A_744 : vector<1x16xf32> to vector<16xf32>
          %swap3A_746 = arith.index_cast %add3A_561 : i32 to index
          %swap3A_747 = arith.constant 320 : index
          %swap3A_748 = tpu.vector_load %arg9[%swap3A_746, %swap3A_747] {strides = array<i32>} : memref<64x384xf32, #tpu.memory_space<vmem>>, vector<1x16xf32>,
          %swap3A_749 = vector.shape_cast %swap3A_748 : vector<1x16xf32> to vector<16xf32>
          %swap3A_750 = vector.shape_cast %get3A_745 : vector<16xf32> to vector<1x16xf32>
          tpu.vector_store %arg9[%swap3A_746, %swap3A_747], %swap3A_750 {add = true, strides = array<i32>} : memref<64x384xf32, #tpu.memory_space<vmem>>, vector<1x16xf32>,
          %get3A_751 = arith.index_cast %add3A_561 : i32 to index
          %get3A_752 = arith.constant 336 : index
          %get3A_753 = tpu.vector_load %arg5[%get3A_751, %get3A_752] {strides = array<i32>} : memref<64x384xf32, #tpu.memory_space<vmem>>, vector<1x16xf32>,
          %get3A_754 = vector.shape_cast %get3A_753 : vector<1x16xf32> to vector<16xf32>
          %swap3A_755 = arith.index_cast %add3A_561 : i32 to index
          %swap3A_756 = arith.constant 336 : index
          %swap3A_757 = tpu.vector_load %arg9[%swap3A_755, %swap3A_756] {strides = array<i32>} : memref<64x384xf32, #tpu.memory_space<vmem>>, vector<1x16xf32>,
          %swap3A_758 = vector.shape_cast %swap3A_757 : vector<1x16xf32> to vector<16xf32>
          %swap3A_759 = vector.shape_cast %get3A_754 : vector<16xf32> to vector<1x16xf32>
          tpu.vector_store %arg9[%swap3A_755, %swap3A_756], %swap3A_759 {add = true, strides = array<i32>} : memref<64x384xf32, #tpu.memory_space<vmem>>, vector<1x16xf32>,
          %get3A_760 = arith.index_cast %add3A_561 : i32 to index
          %get3A_761 = arith.constant 352 : index
          %get3A_762 = tpu.vector_load %arg5[%get3A_760, %get3A_761] {strides = array<i32>} : memref<64x384xf32, #tpu.memory_space<vmem>>, vector<1x16xf32>,
          %get3A_763 = vector.shape_cast %get3A_762 : vector<1x16xf32> to vector<16xf32>
          %swap3A_764 = arith.index_cast %add3A_561 : i32 to index
          %swap3A_765 = arith.constant 352 : index
          %swap3A_766 = tpu.vector_load %arg9[%swap3A_764, %swap3A_765] {strides = array<i32>} : memref<64x384xf32, #tpu.memory_space<vmem>>, vector<1x16xf32>,
          %swap3A_767 = vector.shape_cast %swap3A_766 : vector<1x16xf32> to vector<16xf32>
          %swap3A_768 = vector.shape_cast %get3A_763 : vector<16xf32> to vector<1x16xf32>
          tpu.vector_store %arg9[%swap3A_764, %swap3A_765], %swap3A_768 {add = true, strides = array<i32>} : memref<64x384xf32, #tpu.memory_space<vmem>>, vector<1x16xf32>,
          %get3A_769 = arith.index_cast %add3A_561 : i32 to index
          %get3A_770 = arith.constant 368 : index
          %get3A_771 = tpu.vector_load %arg5[%get3A_769, %get3A_770] {strides = array<i32>} : memref<64x384xf32, #tpu.memory_space<vmem>>, vector<1x16xf32>,
          %get3A_772 = vector.shape_cast %get3A_771 : vector<1x16xf32> to vector<16xf32>
          %swap3A_773 = arith.index_cast %add3A_561 : i32 to index
          %swap3A_774 = arith.constant 368 : index
          %swap3A_775 = tpu.vector_load %arg9[%swap3A_773, %swap3A_774] {strides = array<i32>} : memref<64x384xf32, #tpu.memory_space<vmem>>, vector<1x16xf32>,
          %swap3A_776 = vector.shape_cast %swap3A_775 : vector<1x16xf32> to vector<16xf32>
          %swap3A_777 = vector.shape_cast %get3A_772 : vector<16xf32> to vector<1x16xf32>
          tpu.vector_store %arg9[%swap3A_773, %swap3A_774], %swap3A_777 {add = true, strides = array<i32>} : memref<64x384xf32, #tpu.memory_space<vmem>>, vector<1x16xf32>,
          %add3A_778 = arith.constant 3 : i32
          %add3A_779 = arith.addi %mul3A_125, %add3A_778 : i32
          %get3A_780 = arith.index_cast %add3A_779 : i32 to index
          %get3A_781 = arith.constant 0 : index
          %get3A_782 = tpu.vector_load %arg5[%get3A_780, %get3A_781] {strides = array<i32>} : memref<64x384xf32, #tpu.memory_space<vmem>>, vector<1x16xf32>,
          %get3A_783 = vector.shape_cast %get3A_782 : vector<1x16xf32> to vector<16xf32>
          %swap3A_784 = arith.index_cast %add3A_779 : i32 to index
          %swap3A_785 = arith.constant 0 : index
          %swap3A_786 = tpu.vector_load %arg9[%swap3A_784, %swap3A_785] {strides = array<i32>} : memref<64x384xf32, #tpu.memory_space<vmem>>, vector<1x16xf32>,
          %swap3A_787 = vector.shape_cast %swap3A_786 : vector<1x16xf32> to vector<16xf32>
          %swap3A_788 = vector.shape_cast %get3A_783 : vector<16xf32> to vector<1x16xf32>
          tpu.vector_store %arg9[%swap3A_784, %swap3A_785], %swap3A_788 {add = true, strides = array<i32>} : memref<64x384xf32, #tpu.memory_space<vmem>>, vector<1x16xf32>,
          %get3A_789 = arith.index_cast %add3A_779 : i32 to index
          %get3A_790 = arith.constant 16 : index
          %get3A_791 = tpu.vector_load %arg5[%get3A_789, %get3A_790] {strides = array<i32>} : memref<64x384xf32, #tpu.memory_space<vmem>>, vector<1x16xf32>,
          %get3A_792 = vector.shape_cast %get3A_791 : vector<1x16xf32> to vector<16xf32>
          %swap3A_793 = arith.index_cast %add3A_779 : i32 to index
          %swap3A_794 = arith.constant 16 : index
          %swap3A_795 = tpu.vector_load %arg9[%swap3A_793, %swap3A_794] {strides = array<i32>} : memref<64x384xf32, #tpu.memory_space<vmem>>, vector<1x16xf32>,
          %swap3A_796 = vector.shape_cast %swap3A_795 : vector<1x16xf32> to vector<16xf32>
          %swap3A_797 = vector.shape_cast %get3A_792 : vector<16xf32> to vector<1x16xf32>
          tpu.vector_store %arg9[%swap3A_793, %swap3A_794], %swap3A_797 {add = true, strides = array<i32>} : memref<64x384xf32, #tpu.memory_space<vmem>>, vector<1x16xf32>,
          %get3A_798 = arith.index_cast %add3A_779 : i32 to index
          %get3A_799 = arith.constant 32 : index
          %get3A_800 = tpu.vector_load %arg5[%get3A_798, %get3A_799] {strides = array<i32>} : memref<64x384xf32, #tpu.memory_space<vmem>>, vector<1x16xf32>,
          %get3A_801 = vector.shape_cast %get3A_800 : vector<1x16xf32> to vector<16xf32>
          %swap3A_802 = arith.index_cast %add3A_779 : i32 to index
          %swap3A_803 = arith.constant 32 : index
          %swap3A_804 = tpu.vector_load %arg9[%swap3A_802, %swap3A_803] {strides = array<i32>} : memref<64x384xf32, #tpu.memory_space<vmem>>, vector<1x16xf32>,
          %swap3A_805 = vector.shape_cast %swap3A_804 : vector<1x16xf32> to vector<16xf32>
          %swap3A_806 = vector.shape_cast %get3A_801 : vector<16xf32> to vector<1x16xf32>
          tpu.vector_store %arg9[%swap3A_802, %swap3A_803], %swap3A_806 {add = true, strides = array<i32>} : memref<64x384xf32, #tpu.memory_space<vmem>>, vector<1x16xf32>,
          %get3A_807 = arith.index_cast %add3A_779 : i32 to index
          %get3A_808 = arith.constant 48 : index
          %get3A_809 = tpu.vector_load %arg5[%get3A_807, %get3A_808] {strides = array<i32>} : memref<64x384xf32, #tpu.memory_space<vmem>>, vector<1x16xf32>,
          %get3A_810 = vector.shape_cast %get3A_809 : vector<1x16xf32> to vector<16xf32>
          %swap3A_811 = arith.index_cast %add3A_779 : i32 to index
          %swap3A_812 = arith.constant 48 : index
          %swap3A_813 = tpu.vector_load %arg9[%swap3A_811, %swap3A_812] {strides = array<i32>} : memref<64x384xf32, #tpu.memory_space<vmem>>, vector<1x16xf32>,
          %swap3A_814 = vector.shape_cast %swap3A_813 : vector<1x16xf32> to vector<16xf32>
          %swap3A_815 = vector.shape_cast %get3A_810 : vector<16xf32> to vector<1x16xf32>
          tpu.vector_store %arg9[%swap3A_811, %swap3A_812], %swap3A_815 {add = true, strides = array<i32>} : memref<64x384xf32, #tpu.memory_space<vmem>>, vector<1x16xf32>,
          %get3A_816 = arith.index_cast %add3A_779 : i32 to index
          %get3A_817 = arith.constant 64 : index
          %get3A_818 = tpu.vector_load %arg5[%get3A_816, %get3A_817] {strides = array<i32>} : memref<64x384xf32, #tpu.memory_space<vmem>>, vector<1x16xf32>,
          %get3A_819 = vector.shape_cast %get3A_818 : vector<1x16xf32> to vector<16xf32>
          %swap3A_820 = arith.index_cast %add3A_779 : i32 to index
          %swap3A_821 = arith.constant 64 : index
          %swap3A_822 = tpu.vector_load %arg9[%swap3A_820, %swap3A_821] {strides = array<i32>} : memref<64x384xf32, #tpu.memory_space<vmem>>, vector<1x16xf32>,
          %swap3A_823 = vector.shape_cast %swap3A_822 : vector<1x16xf32> to vector<16xf32>
          %swap3A_824 = vector.shape_cast %get3A_819 : vector<16xf32> to vector<1x16xf32>
          tpu.vector_store %arg9[%swap3A_820, %swap3A_821], %swap3A_824 {add = true, strides = array<i32>} : memref<64x384xf32, #tpu.memory_space<vmem>>, vector<1x16xf32>,
          %get3A_825 = arith.index_cast %add3A_779 : i32 to index
          %get3A_826 = arith.constant 80 : index
          %get3A_827 = tpu.vector_load %arg5[%get3A_825, %get3A_826] {strides = array<i32>} : memref<64x384xf32, #tpu.memory_space<vmem>>, vector<1x16xf32>,
          %get3A_828 = vector.shape_cast %get3A_827 : vector<1x16xf32> to vector<16xf32>
          %swap3A_829 = arith.index_cast %add3A_779 : i32 to index
          %swap3A_830 = arith.constant 80 : index
          %swap3A_831 = tpu.vector_load %arg9[%swap3A_829, %swap3A_830] {strides = array<i32>} : memref<64x384xf32, #tpu.memory_space<vmem>>, vector<1x16xf32>,
          %swap3A_832 = vector.shape_cast %swap3A_831 : vector<1x16xf32> to vector<16xf32>
          %swap3A_833 = vector.shape_cast %get3A_828 : vector<16xf32> to vector<1x16xf32>
          tpu.vector_store %arg9[%swap3A_829, %swap3A_830], %swap3A_833 {add = true, strides = array<i32>} : memref<64x384xf32, #tpu.memory_space<vmem>>, vector<1x16xf32>,
          %get3A_834 = arith.index_cast %add3A_779 : i32 to index
          %get3A_835 = arith.constant 96 : index
          %get3A_836 = tpu.vector_load %arg5[%get3A_834, %get3A_835] {strides = array<i32>} : memref<64x384xf32, #tpu.memory_space<vmem>>, vector<1x16xf32>,
          %get3A_837 = vector.shape_cast %get3A_836 : vector<1x16xf32> to vector<16xf32>
          %swap3A_838 = arith.index_cast %add3A_779 : i32 to index
          %swap3A_839 = arith.constant 96 : index
          %swap3A_840 = tpu.vector_load %arg9[%swap3A_838, %swap3A_839] {strides = array<i32>} : memref<64x384xf32, #tpu.memory_space<vmem>>, vector<1x16xf32>,
          %swap3A_841 = vector.shape_cast %swap3A_840 : vector<1x16xf32> to vector<16xf32>
          %swap3A_842 = vector.shape_cast %get3A_837 : vector<16xf32> to vector<1x16xf32>
          tpu.vector_store %arg9[%swap3A_838, %swap3A_839], %swap3A_842 {add = true, strides = array<i32>} : memref<64x384xf32, #tpu.memory_space<vmem>>, vector<1x16xf32>,
          %get3A_843 = arith.index_cast %add3A_779 : i32 to index
          %get3A_844 = arith.constant 112 : index
          %get3A_845 = tpu.vector_load %arg5[%get3A_843, %get3A_844] {strides = array<i32>} : memref<64x384xf32, #tpu.memory_space<vmem>>, vector<1x16xf32>,
          %get3A_846 = vector.shape_cast %get3A_845 : vector<1x16xf32> to vector<16xf32>
          %swap3A_847 = arith.index_cast %add3A_779 : i32 to index
          %swap3A_848 = arith.constant 112 : index
          %swap3A_849 = tpu.vector_load %arg9[%swap3A_847, %swap3A_848] {strides = array<i32>} : memref<64x384xf32, #tpu.memory_space<vmem>>, vector<1x16xf32>,
          %swap3A_850 = vector.shape_cast %swap3A_849 : vector<1x16xf32> to vector<16xf32>
          %swap3A_851 = vector.shape_cast %get3A_846 : vector<16xf32> to vector<1x16xf32>
          tpu.vector_store %arg9[%swap3A_847, %swap3A_848], %swap3A_851 {add = true, strides = array<i32>} : memref<64x384xf32, #tpu.memory_space<vmem>>, vector<1x16xf32>,
          %get3A_852 = arith.index_cast %add3A_779 : i32 to index
          %get3A_853 = arith.constant 128 : index
          %get3A_854 = tpu.vector_load %arg5[%get3A_852, %get3A_853] {strides = array<i32>} : memref<64x384xf32, #tpu.memory_space<vmem>>, vector<1x16xf32>,
          %get3A_855 = vector.shape_cast %get3A_854 : vector<1x16xf32> to vector<16xf32>
          %swap3A_856 = arith.index_cast %add3A_779 : i32 to index
          %swap3A_857 = arith.constant 128 : index
          %swap3A_858 = tpu.vector_load %arg9[%swap3A_856, %swap3A_857] {strides = array<i32>} : memref<64x384xf32, #tpu.memory_space<vmem>>, vector<1x16xf32>,
          %swap3A_859 = vector.shape_cast %swap3A_858 : vector<1x16xf32> to vector<16xf32>
          %swap3A_860 = vector.shape_cast %get3A_855 : vector<16xf32> to vector<1x16xf32>
          tpu.vector_store %arg9[%swap3A_856, %swap3A_857], %swap3A_860 {add = true, strides = array<i32>} : memref<64x384xf32, #tpu.memory_space<vmem>>, vector<1x16xf32>,
          %get3A_861 = arith.index_cast %add3A_779 : i32 to index
          %get3A_862 = arith.constant 144 : index
          %get3A_863 = tpu.vector_load %arg5[%get3A_861, %get3A_862] {strides = array<i32>} : memref<64x384xf32, #tpu.memory_space<vmem>>, vector<1x16xf32>,
          %get3A_864 = vector.shape_cast %get3A_863 : vector<1x16xf32> to vector<16xf32>
          %swap3A_865 = arith.index_cast %add3A_779 : i32 to index
          %swap3A_866 = arith.constant 144 : index
          %swap3A_867 = tpu.vector_load %arg9[%swap3A_865, %swap3A_866] {strides = array<i32>} : memref<64x384xf32, #tpu.memory_space<vmem>>, vector<1x16xf32>,
          %swap3A_868 = vector.shape_cast %swap3A_867 : vector<1x16xf32> to vector<16xf32>
          %swap3A_869 = vector.shape_cast %get3A_864 : vector<16xf32> to vector<1x16xf32>
          tpu.vector_store %arg9[%swap3A_865, %swap3A_866], %swap3A_869 {add = true, strides = array<i32>} : memref<64x384xf32, #tpu.memory_space<vmem>>, vector<1x16xf32>,
          %get3A_870 = arith.index_cast %add3A_779 : i32 to index
          %get3A_871 = arith.constant 160 : index
          %get3A_872 = tpu.vector_load %arg5[%get3A_870, %get3A_871] {strides = array<i32>} : memref<64x384xf32, #tpu.memory_space<vmem>>, vector<1x16xf32>,
          %get3A_873 = vector.shape_cast %get3A_872 : vector<1x16xf32> to vector<16xf32>
          %swap3A_874 = arith.index_cast %add3A_779 : i32 to index
          %swap3A_875 = arith.constant 160 : index
          %swap3A_876 = tpu.vector_load %arg9[%swap3A_874, %swap3A_875] {strides = array<i32>} : memref<64x384xf32, #tpu.memory_space<vmem>>, vector<1x16xf32>,
          %swap3A_877 = vector.shape_cast %swap3A_876 : vector<1x16xf32> to vector<16xf32>
          %swap3A_878 = vector.shape_cast %get3A_873 : vector<16xf32> to vector<1x16xf32>
          tpu.vector_store %arg9[%swap3A_874, %swap3A_875], %swap3A_878 {add = true, strides = array<i32>} : memref<64x384xf32, #tpu.memory_space<vmem>>, vector<1x16xf32>,
          %get3A_879 = arith.index_cast %add3A_779 : i32 to index
          %get3A_880 = arith.constant 176 : index
          %get3A_881 = tpu.vector_load %arg5[%get3A_879, %get3A_880] {strides = array<i32>} : memref<64x384xf32, #tpu.memory_space<vmem>>, vector<1x16xf32>,
          %get3A_882 = vector.shape_cast %get3A_881 : vector<1x16xf32> to vector<16xf32>
          %swap3A_883 = arith.index_cast %add3A_779 : i32 to index
          %swap3A_884 = arith.constant 176 : index
          %swap3A_885 = tpu.vector_load %arg9[%swap3A_883, %swap3A_884] {strides = array<i32>} : memref<64x384xf32, #tpu.memory_space<vmem>>, vector<1x16xf32>,
          %swap3A_886 = vector.shape_cast %swap3A_885 : vector<1x16xf32> to vector<16xf32>
          %swap3A_887 = vector.shape_cast %get3A_882 : vector<16xf32> to vector<1x16xf32>
          tpu.vector_store %arg9[%swap3A_883, %swap3A_884], %swap3A_887 {add = true, strides = array<i32>} : memref<64x384xf32, #tpu.memory_space<vmem>>, vector<1x16xf32>,
          %get3A_888 = arith.index_cast %add3A_779 : i32 to index
          %get3A_889 = arith.constant 192 : index
          %get3A_890 = tpu.vector_load %arg5[%get3A_888, %get3A_889] {strides = array<i32>} : memref<64x384xf32, #tpu.memory_space<vmem>>, vector<1x16xf32>,
          %get3A_891 = vector.shape_cast %get3A_890 : vector<1x16xf32> to vector<16xf32>
          %swap3A_892 = arith.index_cast %add3A_779 : i32 to index
          %swap3A_893 = arith.constant 192 : index
          %swap3A_894 = tpu.vector_load %arg9[%swap3A_892, %swap3A_893] {strides = array<i32>} : memref<64x384xf32, #tpu.memory_space<vmem>>, vector<1x16xf32>,
          %swap3A_895 = vector.shape_cast %swap3A_894 : vector<1x16xf32> to vector<16xf32>
          %swap3A_896 = vector.shape_cast %get3A_891 : vector<16xf32> to vector<1x16xf32>
          tpu.vector_store %arg9[%swap3A_892, %swap3A_893], %swap3A_896 {add = true, strides = array<i32>} : memref<64x384xf32, #tpu.memory_space<vmem>>, vector<1x16xf32>,
          %get3A_897 = arith.index_cast %add3A_779 : i32 to index
          %get3A_898 = arith.constant 208 : index
          %get3A_899 = tpu.vector_load %arg5[%get3A_897, %get3A_898] {strides = array<i32>} : memref<64x384xf32, #tpu.memory_space<vmem>>, vector<1x16xf32>,
          %get3A_900 = vector.shape_cast %get3A_899 : vector<1x16xf32> to vector<16xf32>
          %swap3A_901 = arith.index_cast %add3A_779 : i32 to index
          %swap3A_902 = arith.constant 208 : index
          %swap3A_903 = tpu.vector_load %arg9[%swap3A_901, %swap3A_902] {strides = array<i32>} : memref<64x384xf32, #tpu.memory_space<vmem>>, vector<1x16xf32>,
          %swap3A_904 = vector.shape_cast %swap3A_903 : vector<1x16xf32> to vector<16xf32>
          %swap3A_905 = vector.shape_cast %get3A_900 : vector<16xf32> to vector<1x16xf32>
          tpu.vector_store %arg9[%swap3A_901, %swap3A_902], %swap3A_905 {add = true, strides = array<i32>} : memref<64x384xf32, #tpu.memory_space<vmem>>, vector<1x16xf32>,
          %get3A_906 = arith.index_cast %add3A_779 : i32 to index
          %get3A_907 = arith.constant 224 : index
          %get3A_908 = tpu.vector_load %arg5[%get3A_906, %get3A_907] {strides = array<i32>} : memref<64x384xf32, #tpu.memory_space<vmem>>, vector<1x16xf32>,
          %get3A_909 = vector.shape_cast %get3A_908 : vector<1x16xf32> to vector<16xf32>
          %swap3A_910 = arith.index_cast %add3A_779 : i32 to index
          %swap3A_911 = arith.constant 224 : index
          %swap3A_912 = tpu.vector_load %arg9[%swap3A_910, %swap3A_911] {strides = array<i32>} : memref<64x384xf32, #tpu.memory_space<vmem>>, vector<1x16xf32>,
          %swap3A_913 = vector.shape_cast %swap3A_912 : vector<1x16xf32> to vector<16xf32>
          %swap3A_914 = vector.shape_cast %get3A_909 : vector<16xf32> to vector<1x16xf32>
          tpu.vector_store %arg9[%swap3A_910, %swap3A_911], %swap3A_914 {add = true, strides = array<i32>} : memref<64x384xf32, #tpu.memory_space<vmem>>, vector<1x16xf32>,
          %get3A_915 = arith.index_cast %add3A_779 : i32 to index
          %get3A_916 = arith.constant 240 : index
          %get3A_917 = tpu.vector_load %arg5[%get3A_915, %get3A_916] {strides = array<i32>} : memref<64x384xf32, #tpu.memory_space<vmem>>, vector<1x16xf32>,
          %get3A_918 = vector.shape_cast %get3A_917 : vector<1x16xf32> to vector<16xf32>
          %swap3A_919 = arith.index_cast %add3A_779 : i32 to index
          %swap3A_920 = arith.constant 240 : index
          %swap3A_921 = tpu.vector_load %arg9[%swap3A_919, %swap3A_920] {strides = array<i32>} : memref<64x384xf32, #tpu.memory_space<vmem>>, vector<1x16xf32>,
          %swap3A_922 = vector.shape_cast %swap3A_921 : vector<1x16xf32> to vector<16xf32>
          %swap3A_923 = vector.shape_cast %get3A_918 : vector<16xf32> to vector<1x16xf32>
          tpu.vector_store %arg9[%swap3A_919, %swap3A_920], %swap3A_923 {add = true, strides = array<i32>} : memref<64x384xf32, #tpu.memory_space<vmem>>, vector<1x16xf32>,
          %get3A_924 = arith.index_cast %add3A_779 : i32 to index
          %get3A_925 = arith.constant 256 : index
          %get3A_926 = tpu.vector_load %arg5[%get3A_924, %get3A_925] {strides = array<i32>} : memref<64x384xf32, #tpu.memory_space<vmem>>, vector<1x16xf32>,
          %get3A_927 = vector.shape_cast %get3A_926 : vector<1x16xf32> to vector<16xf32>
          %swap3A_928 = arith.index_cast %add3A_779 : i32 to index
          %swap3A_929 = arith.constant 256 : index
          %swap3A_930 = tpu.vector_load %arg9[%swap3A_928, %swap3A_929] {strides = array<i32>} : memref<64x384xf32, #tpu.memory_space<vmem>>, vector<1x16xf32>,
          %swap3A_931 = vector.shape_cast %swap3A_930 : vector<1x16xf32> to vector<16xf32>
          %swap3A_932 = vector.shape_cast %get3A_927 : vector<16xf32> to vector<1x16xf32>
          tpu.vector_store %arg9[%swap3A_928, %swap3A_929], %swap3A_932 {add = true, strides = array<i32>} : memref<64x384xf32, #tpu.memory_space<vmem>>, vector<1x16xf32>,
          %get3A_933 = arith.index_cast %add3A_779 : i32 to index
          %get3A_934 = arith.constant 272 : index
          %get3A_935 = tpu.vector_load %arg5[%get3A_933, %get3A_934] {strides = array<i32>} : memref<64x384xf32, #tpu.memory_space<vmem>>, vector<1x16xf32>,
          %get3A_936 = vector.shape_cast %get3A_935 : vector<1x16xf32> to vector<16xf32>
          %swap3A_937 = arith.index_cast %add3A_779 : i32 to index
          %swap3A_938 = arith.constant 272 : index
          %swap3A_939 = tpu.vector_load %arg9[%swap3A_937, %swap3A_938] {strides = array<i32>} : memref<64x384xf32, #tpu.memory_space<vmem>>, vector<1x16xf32>,
          %swap3A_940 = vector.shape_cast %swap3A_939 : vector<1x16xf32> to vector<16xf32>
          %swap3A_941 = vector.shape_cast %get3A_936 : vector<16xf32> to vector<1x16xf32>
          tpu.vector_store %arg9[%swap3A_937, %swap3A_938], %swap3A_941 {add = true, strides = array<i32>} : memref<64x384xf32, #tpu.memory_space<vmem>>, vector<1x16xf32>,
          %get3A_942 = arith.index_cast %add3A_779 : i32 to index
          %get3A_943 = arith.constant 288 : index
          %get3A_944 = tpu.vector_load %arg5[%get3A_942, %get3A_943] {strides = array<i32>} : memref<64x384xf32, #tpu.memory_space<vmem>>, vector<1x16xf32>,
          %get3A_945 = vector.shape_cast %get3A_944 : vector<1x16xf32> to vector<16xf32>
          %swap3A_946 = arith.index_cast %add3A_779 : i32 to index
          %swap3A_947 = arith.constant 288 : index
          %swap3A_948 = tpu.vector_load %arg9[%swap3A_946, %swap3A_947] {strides = array<i32>} : memref<64x384xf32, #tpu.memory_space<vmem>>, vector<1x16xf32>,
          %swap3A_949 = vector.shape_cast %swap3A_948 : vector<1x16xf32> to vector<16xf32>
          %swap3A_950 = vector.shape_cast %get3A_945 : vector<16xf32> to vector<1x16xf32>
          tpu.vector_store %arg9[%swap3A_946, %swap3A_947], %swap3A_950 {add = true, strides = array<i32>} : memref<64x384xf32, #tpu.memory_space<vmem>>, vector<1x16xf32>,
          %get3A_951 = arith.index_cast %add3A_779 : i32 to index
          %get3A_952 = arith.constant 304 : index
          %get3A_953 = tpu.vector_load %arg5[%get3A_951, %get3A_952] {strides = array<i32>} : memref<64x384xf32, #tpu.memory_space<vmem>>, vector<1x16xf32>,
          %get3A_954 = vector.shape_cast %get3A_953 : vector<1x16xf32> to vector<16xf32>
          %swap3A_955 = arith.index_cast %add3A_779 : i32 to index
          %swap3A_956 = arith.constant 304 : index
          %swap3A_957 = tpu.vector_load %arg9[%swap3A_955, %swap3A_956] {strides = array<i32>} : memref<64x384xf32, #tpu.memory_space<vmem>>, vector<1x16xf32>,
          %swap3A_958 = vector.shape_cast %swap3A_957 : vector<1x16xf32> to vector<16xf32>
          %swap3A_959 = vector.shape_cast %get3A_954 : vector<16xf32> to vector<1x16xf32>
          tpu.vector_store %arg9[%swap3A_955, %swap3A_956], %swap3A_959 {add = true, strides = array<i32>} : memref<64x384xf32, #tpu.memory_space<vmem>>, vector<1x16xf32>,
          %get3A_960 = arith.index_cast %add3A_779 : i32 to index
          %get3A_961 = arith.constant 320 : index
          %get3A_962 = tpu.vector_load %arg5[%get3A_960, %get3A_961] {strides = array<i32>} : memref<64x384xf32, #tpu.memory_space<vmem>>, vector<1x16xf32>,
          %get3A_963 = vector.shape_cast %get3A_962 : vector<1x16xf32> to vector<16xf32>
          %swap3A_964 = arith.index_cast %add3A_779 : i32 to index
          %swap3A_965 = arith.constant 320 : index
          %swap3A_966 = tpu.vector_load %arg9[%swap3A_964, %swap3A_965] {strides = array<i32>} : memref<64x384xf32, #tpu.memory_space<vmem>>, vector<1x16xf32>,
          %swap3A_967 = vector.shape_cast %swap3A_966 : vector<1x16xf32> to vector<16xf32>
          %swap3A_968 = vector.shape_cast %get3A_963 : vector<16xf32> to vector<1x16xf32>
          tpu.vector_store %arg9[%swap3A_964, %swap3A_965], %swap3A_968 {add = true, strides = array<i32>} : memref<64x384xf32, #tpu.memory_space<vmem>>, vector<1x16xf32>,
          %get3A_969 = arith.index_cast %add3A_779 : i32 to index
          %get3A_970 = arith.constant 336 : index
          %get3A_971 = tpu.vector_load %arg5[%get3A_969, %get3A_970] {strides = array<i32>} : memref<64x384xf32, #tpu.memory_space<vmem>>, vector<1x16xf32>,
          %get3A_972 = vector.shape_cast %get3A_971 : vector<1x16xf32> to vector<16xf32>
          %swap3A_973 = arith.index_cast %add3A_779 : i32 to index
          %swap3A_974 = arith.constant 336 : index
          %swap3A_975 = tpu.vector_load %arg9[%swap3A_973, %swap3A_974] {strides = array<i32>} : memref<64x384xf32, #tpu.memory_space<vmem>>, vector<1x16xf32>,
          %swap3A_976 = vector.shape_cast %swap3A_975 : vector<1x16xf32> to vector<16xf32>
          %swap3A_977 = vector.shape_cast %get3A_972 : vector<16xf32> to vector<1x16xf32>
          tpu.vector_store %arg9[%swap3A_973, %swap3A_974], %swap3A_977 {add = true, strides = array<i32>} : memref<64x384xf32, #tpu.memory_space<vmem>>, vector<1x16xf32>,
          %get3A_978 = arith.index_cast %add3A_779 : i32 to index
          %get3A_979 = arith.constant 352 : index
          %get3A_980 = tpu.vector_load %arg5[%get3A_978, %get3A_979] {strides = array<i32>} : memref<64x384xf32, #tpu.memory_space<vmem>>, vector<1x16xf32>,
          %get3A_981 = vector.shape_cast %get3A_980 : vector<1x16xf32> to vector<16xf32>
          %swap3A_982 = arith.index_cast %add3A_779 : i32 to index
          %swap3A_983 = arith.constant 352 : index
          %swap3A_984 = tpu.vector_load %arg9[%swap3A_982, %swap3A_983] {strides = array<i32>} : memref<64x384xf32, #tpu.memory_space<vmem>>, vector<1x16xf32>,
          %swap3A_985 = vector.shape_cast %swap3A_984 : vector<1x16xf32> to vector<16xf32>
          %swap3A_986 = vector.shape_cast %get3A_981 : vector<16xf32> to vector<1x16xf32>
          tpu.vector_store %arg9[%swap3A_982, %swap3A_983], %swap3A_986 {add = true, strides = array<i32>} : memref<64x384xf32, #tpu.memory_space<vmem>>, vector<1x16xf32>,
          %get3A_987 = arith.index_cast %add3A_779 : i32 to index
          %get3A_988 = arith.constant 368 : index
          %get3A_989 = tpu.vector_load %arg5[%get3A_987, %get3A_988] {strides = array<i32>} : memref<64x384xf32, #tpu.memory_space<vmem>>, vector<1x16xf32>,
          %get3A_990 = vector.shape_cast %get3A_989 : vector<1x16xf32> to vector<16xf32>
          %swap3A_991 = arith.index_cast %add3A_779 : i32 to index
          %swap3A_992 = arith.constant 368 : index
          %swap3A_993 = tpu.vector_load %arg9[%swap3A_991, %swap3A_992] {strides = array<i32>} : memref<64x384xf32, #tpu.memory_space<vmem>>, vector<1x16xf32>,
          %swap3A_994 = vector.shape_cast %swap3A_993 : vector<1x16xf32> to vector<16xf32>
          %swap3A_995 = vector.shape_cast %get3A_990 : vector<16xf32> to vector<1x16xf32>
          tpu.vector_store %arg9[%swap3A_991, %swap3A_992], %swap3A_995 {add = true, strides = array<i32>} : memref<64x384xf32, #tpu.memory_space<vmem>>, vector<1x16xf32>,
        }
        %scan3A_111 = arith.constant 16 : i32
        %mul3A_112 = arith.constant 32 : i32
        %mul3A_113 = arith.muli %add3A_89, %mul3A_112 : i32
        %add3A_114 = arith.addi %add3A, %mul3A_113 : i32
        %dma_start3A_115 = arith.constant 0 : i32
        %dma_start3A_116 = arith.constant 0 : i32
        %dma_start3A_117 = tpu.memref_slice %arg4[%add3A_114, %dma_start3A_115, %dma_start3A_116] : memref<1568x64x384xf32, #tpu.memory_space<hbm>> -> memref<1x64x384xf32, #tpu.memory_space<hbm>>
        %dma_start3A_118 = tpu.memref_squeeze %dma_start3A_117 : memref<1x64x384xf32, #tpu.memory_space<hbm>> -> memref<64x384xf32, #tpu.memory_space<hbm>>
        %dma_start3A_119 = arith.constant 0 : i32
        %dma_start3A_120 = arith.constant 0 : i32
        %dma_start3A_121 = tpu.memref_slice %arg4[%add3A_114, %dma_start3A_119, %dma_start3A_120] : memref<1568x64x384xf32, #tpu.memory_space<hbm>> -> memref<1x64x384xf32, #tpu.memory_space<hbm>>
        %dma_start3A_122 = tpu.memref_squeeze %dma_start3A_121 : memref<1x64x384xf32, #tpu.memory_space<hbm>> -> memref<64x384xf32, #tpu.memory_space<hbm>>
        tpu.enqueue_dma source(%arg9 : memref<64x384xf32, #tpu.memory_space<vmem>>) target(%dma_start3A_122 : memref<64x384xf32, #tpu.memory_space<hbm>>) target_semaphore(%arg17 : memref<!tpu.dma_semaphore, #tpu.memory_space<semaphore_mem>>)
      } else {
      }
    }
    %scan3A_24 = arith.constant 13 : i32
    %dma_wait3A = arith.constant 0 : i32
    %dma_wait3A_25 = arith.constant 0 : i32
    %dma_wait3A_26 = arith.constant 0 : i32
    %dma_wait3A_27 = tpu.memref_slice %arg4[%dma_wait3A, %dma_wait3A_25, %dma_wait3A_26] : memref<1568x64x384xf32, #tpu.memory_space<hbm>> -> memref<1x64x384xf32, #tpu.memory_space<hbm>>
    %dma_wait3A_28 = tpu.memref_squeeze %dma_wait3A_27 : memref<1x64x384xf32, #tpu.memory_space<hbm>> -> memref<64x384xf32, #tpu.memory_space<hbm>>
    %dma_wait3A_29 = arith.constant 0 : i32
    %dma_wait3A_30 = arith.constant 0 : i32
    %dma_wait3A_31 = tpu.memref_slice %arg4[%dma_wait3A, %dma_wait3A_29, %dma_wait3A_30] : memref<1568x64x384xf32, #tpu.memory_space<hbm>> -> memref<1x64x384xf32, #tpu.memory_space<hbm>>
    %dma_wait3A_32 = tpu.memref_squeeze %dma_wait3A_31 : memref<1x64x384xf32, #tpu.memory_space<hbm>> -> memref<64x384xf32, #tpu.memory_space<hbm>>
    tpu.wait_dma2 semaphore(%arg14 : memref<!tpu.dma_semaphore, #tpu.memory_space<semaphore_mem>>) src(%arg6 : memref<64x384xf32, #tpu.memory_space<vmem>>) dst(%dma_wait3A_32 : memref<64x384xf32, #tpu.memory_space<hbm>>)
    %dma_wait3A_33 = arith.constant 0 : i32
    %dma_wait3A_34 = arith.constant 0 : i32
    %dma_wait3A_35 = arith.constant 0 : i32
    %dma_wait3A_36 = tpu.memref_slice %arg4[%dma_wait3A_33, %dma_wait3A_34, %dma_wait3A_35] : memref<1568x64x384xf32, #tpu.memory_space<hbm>> -> memref<1x64x384xf32, #tpu.memory_space<hbm>>
    %dma_wait3A_37 = tpu.memref_squeeze %dma_wait3A_36 : memref<1x64x384xf32, #tpu.memory_space<hbm>> -> memref<64x384xf32, #tpu.memory_space<hbm>>
    %dma_wait3A_38 = arith.constant 0 : i32
    %dma_wait3A_39 = arith.constant 0 : i32
    %dma_wait3A_40 = tpu.memref_slice %arg4[%dma_wait3A_33, %dma_wait3A_38, %dma_wait3A_39] : memref<1568x64x384xf32, #tpu.memory_space<hbm>> -> memref<1x64x384xf32, #tpu.memory_space<hbm>>
    %dma_wait3A_41 = tpu.memref_squeeze %dma_wait3A_40 : memref<1x64x384xf32, #tpu.memory_space<hbm>> -> memref<64x384xf32, #tpu.memory_space<hbm>>
    tpu.wait_dma2 semaphore(%arg15 : memref<!tpu.dma_semaphore, #tpu.memory_space<semaphore_mem>>) src(%arg7 : memref<64x384xf32, #tpu.memory_space<vmem>>) dst(%dma_wait3A_41 : memref<64x384xf32, #tpu.memory_space<hbm>>)
    %dma_wait3A_42 = arith.constant 0 : i32
    %dma_wait3A_43 = arith.constant 0 : i32
    %dma_wait3A_44 = arith.constant 0 : i32
    %dma_wait3A_45 = tpu.memref_slice %arg4[%dma_wait3A_42, %dma_wait3A_43, %dma_wait3A_44] : memref<1568x64x384xf32, #tpu.memory_space<hbm>> -> memref<1x64x384xf32, #tpu.memory_space<hbm>>
    %dma_wait3A_46 = tpu.memref_squeeze %dma_wait3A_45 : memref<1x64x384xf32, #tpu.memory_space<hbm>> -> memref<64x384xf32, #tpu.memory_space<hbm>>
    %dma_wait3A_47 = arith.constant 0 : i32
    %dma_wait3A_48 = arith.constant 0 : i32
    %dma_wait3A_49 = tpu.memref_slice %arg4[%dma_wait3A_42, %dma_wait3A_47, %dma_wait3A_48] : memref<1568x64x384xf32, #tpu.memory_space<hbm>> -> memref<1x64x384xf32, #tpu.memory_space<hbm>>
    %dma_wait3A_50 = tpu.memref_squeeze %dma_wait3A_49 : memref<1x64x384xf32, #tpu.memory_space<hbm>> -> memref<64x384xf32, #tpu.memory_space<hbm>>
    tpu.wait_dma2 semaphore(%arg16 : memref<!tpu.dma_semaphore, #tpu.memory_space<semaphore_mem>>) src(%arg8 : memref<64x384xf32, #tpu.memory_space<vmem>>) dst(%dma_wait3A_50 : memref<64x384xf32, #tpu.memory_space<hbm>>)
    %dma_wait3A_51 = arith.constant 0 : i32
    %dma_wait3A_52 = arith.constant 0 : i32
    %dma_wait3A_53 = arith.constant 0 : i32
    %dma_wait3A_54 = tpu.memref_slice %arg4[%dma_wait3A_51, %dma_wait3A_52, %dma_wait3A_53] : memref<1568x64x384xf32, #tpu.memory_space<hbm>> -> memref<1x64x384xf32, #tpu.memory_space<hbm>>
    %dma_wait3A_55 = tpu.memref_squeeze %dma_wait3A_54 : memref<1x64x384xf32, #tpu.memory_space<hbm>> -> memref<64x384xf32, #tpu.memory_space<hbm>>
    %dma_wait3A_56 = arith.constant 0 : i32
    %dma_wait3A_57 = arith.constant 0 : i32
    %dma_wait3A_58 = tpu.memref_slice %arg4[%dma_wait3A_51, %dma_wait3A_56, %dma_wait3A_57] : memref<1568x64x384xf32, #tpu.memory_space<hbm>> -> memref<1x64x384xf32, #tpu.memory_space<hbm>>
    %dma_wait3A_59 = tpu.memref_squeeze %dma_wait3A_58 : memref<1x64x384xf32, #tpu.memory_space<hbm>> -> memref<64x384xf32, #tpu.memory_space<hbm>>
    tpu.wait_dma2 semaphore(%arg17 : memref<!tpu.dma_semaphore, #tpu.memory_space<semaphore_mem>>) src(%arg9 : memref<64x384xf32, #tpu.memory_space<vmem>>) dst(%dma_wait3A_59 : memref<64x384xf32, #tpu.memory_space<hbm>>)
    return
  }
}

</mosaic_0001>

<sc_bundles>
// kernel: _sc_add.3.cloned.1.call-start
scs
__scs_entry_jumppad:
0x0: {  	(pc) =	sbr.rel $0x88, $3  }
0x1: {  	(tag) =	ssettag $0x0;
	lr =	simm.s32 $0x1  }
0x2: {  	[smem:$0x3F9F] =	sst lr;
	_ =	strace $0xD0000000  }
0x3: {  	_ = 	snop  }
0x4: {  	_ = 	snop  }
0x5: {  	_ = 	snop  }
0x6: {  	_ = 	snop  }
0x7: {  	_ = 	snop  }
__scs_overlays_trampoline_lowered:
0x8: {  	[smem:$0x3FAE] =	sst s0  }
0x9: {  	[smem:$0x3FAF] =	sst s1  }
0xa: {  	[smem:$0x3FB0] =	sst s2  }
0xb: {  	[smem:$0x3FB1] =	sst s3  }
0xc: {  	[smem:$0x3FB2] =	sst s4  }
0xd: {  	[smem:$0x3FB3] =	sst s5  }
0xe: {  	[smem:$0x3FB4] =	sst s6  }
0xf: {  	[smem:$0x3FB5] =	sst s7  }
0x10: {  	[smem:$0x3FB6] =	sst s8  }
0x11: {  	[smem:$0x3FB7] =	sst s9;
	s0 =	simm.s32 @!p0 $0x0  }
0x12: {  	s1 =	sld [smem:$0x3F9D];
	s0 =	simm.s32 @p0 $0x1  }
0x13: {  	[smem:$0x3FB8] =	sst s0;
	s0 =	simm.s32 @!p1 $0x0  }
0x14: {  	s2 =	sld [smem:$0x3F9C];
	s0 =	simm.s32 @p1 $0x1  }
0x15: {  	[smem:$0x3FB9] =	sst s0;
	s0 =	simm.s32 @!p2 $0x0  }
0x16: {  	s3 =	sld [smem:$0x3FDB];
	s0 =	simm.s32 @p2 $0x1  }
0x17: {  	s4 =	simm.s32 $0x1BF5;
	[smem:$0x3FBB] =	sst s0  }
0x18: {  	s0 =	sld [smem:$0x3F9E];
	_ =	swait.ge [sflag:s4], $0x0  }
0x19: {  	s7 =	sld [smem:$0x3F9F]  }
0x1a: {  	s8 =	sadd.s32 $0xFFFFE003, lr  }
0x1b: {  	s9 =	sadd.s32 $0xFFFFFEF7, lr;
	s5 =	simm.s32 $0xFFFFFFFF;
	p2 =	slt.u32 s8, $0xFFFFF086  }
0x1c: {  	p1 =	slt.u32 s9, $0xF7A;
	s5 =	simm.s32 @!p2 $0x0  }
0x1d: {  	s5 =	simm.s32 @p1 $0x1;
	p0 =	seq.s32 s7, s2  }
0x1e: {  	s7 =	smul.u32 @!p0 $0xF7A, s2;
	p2 =	seq.s32 @!p0 s5, $0x0  }
0x1f: {  	s9 =	smul.u32 $0xF7A, s1;
	s8 =	simm.s32 @!p0 $0x1BF5;
	p2 =	por !p2, p0  }
0x20: {  	[sflag:s8] =	ssyncset.s32 @!p0 $0xFFFFF086;
	s6 =	sadd.s32 @!p0 s3, s7;
	s7 =	simm.s32 @!p0 $0x108  }
0x21: {  	s3 =	sadd.s32 s3, s9;
	s6 =	sadd.s32 @!p0 $0x88, s6;
	s7 =	simm.s32 @p2 $0x1082  }
0x22: {  	[simem:s7], [sflag:s8] =	dma.local @!p0 [hbm:s6], $0xF7A  }
0x23: {  	s9 =	sor.u32 $0xD0000000, s2;
	s6 =	simm.s32 $0x108;
	_ =	swait.ge @!p0 [sflag:s8], $0x0  }
0x24: {  	s3 =	sadd.s32 $0x88, s3;
	s6 =	simm.s32 @!p1 $0x1082;
	[sflag:s4] =	ssyncset.s32 $0xFFFFF086  }
0x25: {  	[simem:s6], [sflag:s4] =	dma.local [hbm:s3], $0xF7A  }
0x26: {  	[smem:$0x3F9F] =	sst s1;
	(tag) =	ssettag s2;
	_ =	strace s9  }
0x27: {  	s1 =	sld [smem:$0x3FAF]  }
0x28: {  	s2 =	sld [smem:$0x3FB0]  }
0x29: {  	s4 =	sld [smem:$0x3FB2]  }
0x2a: {  	p0 =	seq.s32 s5, $0x0;
	s5 =	sld [smem:$0x3FB3]  }
0x2b: {  	s6 =	sld [smem:$0x3FB4]  }
0x2c: {  	s7 =	sld [smem:$0x3FB5]  }
0x2d: {  	s3 =	simm.s32 $0x108;
	s8 =	sld [smem:$0x3FB6]  }
0x2e: {  	s3 =	simm.s32 @!p0 $0x1082;
	s9 =	sld [smem:$0x3FB7]  }
0x2f: {  	lr =	sadd.s32 s0, s3;
	s0 =	sld [smem:$0x3FAE]  }
0x30: {  	s3 =	sld [smem:$0x3FB1]  }
0x31: {  	[smem:$0x3FBA] =	sst s10  }
0x32: {  	s10 =	sld [smem:$0x3FB8];
	_ =	sdelay $0x3  }
0x33: {  	p0 =	seq.s32 s10, $0x1;
	s10 =	sld [smem:$0x3FBA];
	_ =	sdelay $0x3  }
0x34: {  	[smem:$0x3FBA] =	sst s10  }
0x35: {  	s10 =	sld [smem:$0x3FB9];
	_ =	sdelay $0x3  }
0x36: {  	p1 =	seq.s32 s10, $0x1;
	s10 =	sld [smem:$0x3FBA];
	_ =	sdelay $0x3  }
0x37: {  	[smem:$0x3FBA] =	sst s10  }
0x38: {  	s10 =	sld [smem:$0x3FBB]  }
0x39: {  	_ = 	snop;
	(pc) =	sbr.ind lr, $3  }
0x3a: {  	_ = 	snop  }
0x3b: {  	_ = 	snop  }
0x3c: {  	p2 =	seq.s32 s10, $0x1;
	s10 =	sld [smem:$0x3FBA]  }
0x3d: {  	_ =	shalt  }
0x3e: {  	_ =	shalt  }
0x3f: {  	_ =	shalt  }
0x40: {  	_ =	shalt  }
0x41: {  	_ =	shalt  }
0x42: {  	_ =	shalt  }
0x43: {  	_ =	shalt  }
0x44: {  	_ =	shalt  }
0x45: {  	_ =	shalt  }
0x46: {  	_ =	shalt  }
0x47: {  	_ =	shalt  }
0x48: {  	_ =	shalt  }
0x49: {  	_ =	shalt  }
0x4a: {  	_ =	shalt  }
0x4b: {  	_ =	shalt  }
0x4c: {  	_ =	shalt  }
0x4d: {  	_ =	shalt  }
0x4e: {  	_ =	shalt  }
0x4f: {  	_ =	shalt  }
0x50: {  	_ =	shalt  }
0x51: {  	_ =	shalt  }
0x52: {  	_ =	shalt  }
0x53: {  	_ =	shalt  }
0x54: {  	_ =	shalt  }
0x55: {  	_ =	shalt  }
0x56: {  	_ =	shalt  }
0x57: {  	_ =	shalt  }
0x58: {  	_ =	shalt  }
0x59: {  	_ =	shalt  }
0x5a: {  	_ =	shalt  }
0x5b: {  	_ =	shalt  }
0x5c: {  	_ =	shalt  }
0x5d: {  	_ =	shalt  }
0x5e: {  	_ =	shalt  }
0x5f: {  	_ =	shalt  }
0x60: {  	_ =	shalt  }
0x61: {  	_ =	shalt  }
0x62: {  	_ =	shalt  }
0x63: {  	_ =	shalt  }
0x64: {  	_ =	shalt  }
0x65: {  	_ =	shalt  }
0x66: {  	_ =	shalt  }
0x67: {  	_ =	shalt  }
0x68: {  	_ =	shalt  }
0x69: {  	_ =	shalt  }
0x6a: {  	_ =	shalt  }
0x6b: {  	_ =	shalt  }
0x6c: {  	_ =	shalt  }
0x6d: {  	_ =	shalt  }
0x6e: {  	_ =	shalt  }
0x6f: {  	_ =	shalt  }
0x70: {  	_ =	shalt  }
0x71: {  	_ =	shalt  }
0x72: {  	_ =	shalt  }
0x73: {  	_ =	shalt  }
0x74: {  	_ =	shalt  }
0x75: {  	_ =	shalt  }
0x76: {  	_ =	shalt  }
0x77: {  	_ =	shalt  }
0x78: {  	_ =	shalt  }
0x79: {  	_ =	shalt  }
0x7a: {  	_ =	shalt  }
0x7b: {  	_ =	shalt  }
0x7c: {  	_ =	shalt  }
0x7d: {  	_ =	shalt  }
0x7e: {  	_ =	shalt  }
0x7f: {  	_ =	shalt  }
0x80: {  	_ =	shalt  }
0x81: {  	_ =	shalt  }
0x82: {  	_ =	shalt  }
0x83: {  	_ =	shalt  }
0x84: {  	_ =	shalt  }
0x85: {  	_ =	shalt  }
0x86: {  	_ =	shalt  }
0x87: {  	_ =	shalt  }
.Lfunc_end0:
.L_simem_size_0:
called_computation_lowered:
.L_overlay_start_0:
0x88: {  	s2 =	sld [smem:$0x3FD9]  }
0x89: {  	s3 =	sld [smem:$0x3FFE];
	_ =	sdelay $0x1  }
0x8a: {  	s1 =	srdreg.scid  }
0x8b: {  	s0 =	sand.u32 $0x1, s1  }
0x8c: {  	s18 =	sshll.u32 s0, $0xA;
	s2 =	sadd.s32 s3, s2  }
0x8d: {  	s2 =	sadd.s32 s2, s18  }
0x8e: {  	[smem:$0x3FC6] =	sst s2  }
0x8f: {  	_ = 	snop  }
0x90: {  	s2 =	sld [smem:$0x3FC9]  }
0x91: {  	s19 =	sld [smem:$0x3FC8]  }
0x92: {  	s4 =	sld [smem:$0x3FD0];
	(tm) =	ssettm $0x1  }
0x93: {  	s5 =	sld [smem:$0x3FFB];
	_ =	sdelay $0x3  }
0x94: {  	_ =	strace s5  }
0x95: {  	s5 =	sld [smem:$0x3FFC];
	_ =	sdelay $0x3  }
0x96: {  	_ =	strace s5  }
0x97: {  	s5 =	sld [smem:$0x3FFD];
	_ =	sdelay $0x3  }
0x98: {  	_ =	strace s5  }
0x99: {  	_ =	strace $0x8FFFFFFF  }
0x9a: {  	s20 =	sld [smem:$0x3FDB];
	_ =	sdelay $0x1  }
0x9b: {  	s6 =	simm.s32 $_scs_section_size  }
0x9c: {  	s7 =	simm.s32 $_size__tile_overlayer_lowered;
	s8 =	simm.s32 $_tile_overlayer_lowered  }
0x9d: {  	s23 =	simm.s32 $0x1BFF;
	s22 =	sshll.u32 s8, $0x1;
	s5 =	sadd.s32 s6, s20  }
0x9e: {  	s9 =	simm.s32 $0x0;
	s21 =	sshll.u32 s7, $0x1;
	s7 =	sadd.s32 s22, s5  }
0x9f: {  	[timem:s9], [sflag:s23] =	dma.local [hbm:s7], s21  }
0xa0: {  	_ =	swait.ge [sflag:s23], s21  }
0xa1: {  	s6 =	ssub.s32 $0x0, s21;
	[sflag:s23] =	ssyncset.done $0x0  }
0xa2: {  	[sflag:s23] =	ssyncadd.s32 s6;
	_ =	sdelay $0x1  }
0xa3: {  	s24 =	simm.s32 $0x1B8B  }
0xa4: {  	_ =	swait.ge [sflag:s24], $0x1  }
0xa5: {  	[sflag:s24] =	ssyncset.done $0x0  }
0xa6: {  	s25 =	simm.s32 $0x1B8E;
	[sflag:s24] =	ssyncadd.s32 $0xFFFFFFFF  }
0xa7: {  	s26 =	simm.s32 $execute0_lowered;
	[smem:$0x3FD2] =	sst s25  }
0xa8: {  	s6 =	sshll.u32 s26, $0x1;
	_ =	strace $0x80000046;
	[dreg:$0x1] =	wrdreg $0xFFFFFFFF  }
0xa9: {  	s28 =	simm.s32 $_size_execute0_lowered;
	s5 =	sadd.s32 s5, s6;
	[dreg:$0x0] =	wrdreg $0x0  }
0xaa: {  	s6 =	sshll.u32 s28, $0x1;
	[dreg:$0x2] =	wrdreg s5  }
0xab: {  	[dreg:$0x3] =	wrdreg s6  }
0xac: {  	[dreg:$0x4] =	wrdreg $0xC0  }
0xad: {  	_ =	task [dreg:s9], $0x5FFFF  }
0xae: {  	[dreg:$0x1] =	wrdreg $0xFFFFFFFF  }
0xaf: {  	[dreg:$0x0] =	wrdreg $0x60  }
0xb0: {  	[dreg:$0x2] =	wrdreg s2  }
0xb1: {  	[dreg:$0x3] =	wrdreg s19  }
0xb2: {  	[dreg:$0x4] =	wrdreg s4  }
0xb3: {  	[dreg:$0x5] =	wrdreg $0x9  }
0xb4: {  	_ =	task.clear_ibuf [dreg:s9], $0x6FFFF;
	_ =	strace $0x90000046  }
0xb5: {  	s29 =	simm.s32 $0x9;
	_ =	strace $0x80000048  }
0xb6: {  	_ =	swait.ge [sflag:s29], $0x1  }
0xb7: {  	[sflag:s29] =	ssyncadd.s32 $0xFFFFFFFF  }
0xb8: {  	_ =	strace $0x90000048  }
0xb9: {  	_ =	sfence  }
0xba: {  	s30 =	sld [smem:$0x0];
	_ =	sdelay $0x2  }
0xbb: {  	s31 =	sshll.u32 s1, $0xD;
	s1 =	sshrl.u32 s1, $0x2  }
0xbc: {  	s3 =	sand.u32 $0x4000, s31;
	s1 =	sadd.s32 s1, s30  }
0xbd: {  	s0 =	sor.u32 s3, s0;
	s1 =	sshll.u32 s1, $0x11  }
0xbe: {  	s0 =	sor.u32 s1, s0  }
0xbf: {  	s0 =	sadd.s32 $0x8F2B, s0  }
0xc0: {  	[sflag:s0] =	ssyncadd.remote.s32 $0x1  }
0xc1: {  	_ =	sfence.sel $0xFFFF  }
0xc2: {  	[dreg:$0x0] =	wrdreg $0xFFFFFFFF;
	(pc) =	sbr.abs _section_cstart, $3  }
0xc3: {  	[dreg:$0x1] =	wrdreg $0xFFFFFFFF  }
0xc4: {  	_ =	task.clear_ibuf [dreg:s9], $0x2FFFF;
	_ =	strace $0x9FFFFFFF  }
0xc5: {  	(tm) =	ssettm $0x7FFFFFFF  }
tec
execute0_lowered:
.L_overlay_start_1:
0x0: {  	(tag) =	ssettag $0x1  }
0x1: {  	s1 =	rddreg [dreg:$0x0];
	s0 =	srdreg.scid  }
0x2: {  	s2 =	stileid.u32;
	s4 =	rddreg [dreg:$0x2]  }
0x3: {  	s6 =	simm.s32 $0x0;
	s14 =	simm.s32 $0x6000;
	s15 =	simm.s32 $0xC000  }
0x4: {  	s16 =	simm.s32 $0x1;
	s17 =	simm.s32 $0x2;
	s18 =	simm.s32 $0x18000  }
0x5: {  	s19 =	simm.s32 $0x3;
	s0 =	sand.u32 $0x1, s0;
	s2 =	sshll.u32 s2, $0x1  }
0x6: {  	s20 =	simm.s32 $0x5;
	s21 =	simm.s32 $0x12000;
	s5 =	sor.u32 s0, s2  }
0x7: {  	s22 =	simm.s32 $0x4;
	[smem:$0x7FF] =	sst s6;
	s2 =	smul.u32 $0x6000, s5  }
0x8: {  	s12 =	sadd.s32 $0x48000, s1;
	s0 =	ssub.s32 $0x2, s0;
	s3 =	smul.u32 $0xC00, s5  }
.Ltmp0:
0x9: {  	_ =	strace $0x80000047;
	s7 =	sshrl.u32 s0, $0x1;
	(pc) =	sbr.rel .LBB2_1-.Ltmp0, $4  }
0xa: {  	s0 =	ssub.s32 s0, s7;
	s2 =	sshrl.u32 s2, $0x3;
	s3 =	sadd.s32 s1, s3  }
0xb: {  	s0 =	smax.u32 s0, $0x1;
	s2 =	sadd.s32 s1, s2;
	[dreg:$0x4] =	wrdreg s3  }
0xc: {  	s9 =	sor.u32 $0x80, s5;
	[dreg:$0x6] =	wrdreg s0;
	s2 =	sadd.s32 $0x18000, s2  }
0xd: {  	s10 =	sor.u32 $0xA0, s5;
	s3 =	simm.s32 $0x0;
	[dreg:$0x5] =	wrdreg s2  }
.LBB2_17:
0xe: {  	_ =	swait.ge [sflag:s20], $0x6000  }
0xf: {  	[sflag:s20] =	ssyncset.done $0x0  }
0x10: {  	s0 =	simm.s32 $0x6;
	[sflag:s20] =	ssyncadd.s32 $0xFFFFA000  }
0x11: {  	_ =	swait.ge [sflag:s0], $0x6000  }
0x12: {  	[sflag:s0] =	ssyncset.done $0x0  }
0x13: {  	s30 =	simm.s32 $0x7;
	[sflag:s0] =	ssyncadd.s32 $0xFFFFA000  }
0x14: {  	_ =	swait.ge [sflag:s30], $0x6000  }
0x15: {  	[sflag:s30] =	ssyncset.done $0x0  }
0x16: {  	s2 =	simm.s32 $0x8;
	[sflag:s30] =	ssyncadd.s32 $0xFFFFA000  }
0x17: {  	_ =	swait.ge [sflag:s2], $0x6000  }
0x18: {  	s3 =	rddreg [dreg:$0x7]  }
0x19: {  	s31 =	rddreg [dreg:$0x6];
	s3 =	sadd.s32 $0x1, s3  }
0x1a: {  	p0 =	sne.s32 s3, s31  }
.Ltmp1:
0x1b: {  	_ = 	snop;
	(pc) =	sbr.rel @!p0 .LBB2_18-.Ltmp1, $3  }
0x1c: {  	_ =	sdelay $0x1  }
0x1d: {  	[sflag:s2] =	ssyncset.done $0x0  }
0x1e: {  	[sflag:s2] =	ssyncadd.s32 $0xFFFFA000  }
.LBB2_1:
0x1f: {  	[dreg:$0x7] =	wrdreg s3  }
0x20: {  	s0 =	rddreg [dreg:$0x1];
	s29 =	simm.s32 $0x9  }
0x21: {  	[tilespmem:s6], [sflag:$0x9] =	stream.linear.gather [hbm4b:s0+s6], $0x6000, $0x38;
	[tilespmem:$0x1E000] =	vst v63  }
0x22: {  	_ =	swait.ge [sflag:s29], $0x6000  }
.Ltmp2:
0x23: {  	[sflag:s29] =	ssyncset.done $0x0;
	(pc) =	sbr.rel .LBB2_2-.Ltmp2, $4  }
0x24: {  	s30 =	rddreg [dreg:$0x4];
	[sflag:s29] =	ssyncadd.s32 $0xFFFFA000  }
0x25: {  	[tilespmem:s14], [sflag:$0x1] =	stream.linear.gather [hbm4b:s30+s6], $0x6000, $0x38;
	[tilespmem:$0x1E000] =	vst v63  }
0x26: {  	s28 =	simm.s32 $0x0;
	s31 =	rddreg [dreg:$0x5]  }
0x27: {  	[tilespmem:s15], [sflag:$0x2] =	stream.linear.gather [hbm4b:s31+s6], $0x6000, $0x38;
	[tilespmem:$0x1E000] =	vst v63  }
.LBB2_16:
0x28: {  	s28 =	sadd.s32 $0x1, s28  }
0x29: {  	p0 =	sne.s32 s28, $0xD  }
.Ltmp3:
0x2a: {  	_ = 	snop;
	(pc) =	sbr.rel @!p0 .LBB2_17-.Ltmp3, $1  }
0x2b: {  	_ =	sdelay $0x3  }
.LBB2_2:
0x2c: {  	s29 =	sshll.u32 s28, $0x2  }
0x2d: {  	s30 =	sor.u32 $0x2, s29  }
0x2e: {  	p0 =	sgt.u32 s30, $0x30  }
0x2f: {  	_ =	swait.ge [sflag:s16], $0x6000;
	p1 =	seq.s32 @!p0 s28, $0x0  }
0x30: {  	[sflag:s16] =	ssyncset.done $0x0;
	s2 =	sshll.u32 @!p0 s30, $0x5;
	p1 =	por p1, p0  }
0x31: {  	[sflag:s16] =	ssyncadd.s32 $0xFFFFA000;
	s2 =	sor.u32 @!p0 s5, s2;
	s0 =	simm.s32 @!p1 $0x7  }
0x32: {  	s2 =	smul.u32 @!p0 $0xC00, s2;
	_ =	swait.ge @!p1 [sflag:s0], $0x6000  }
0x33: {  	s24 =	simm.s32 $0x0;
	s3 =	simm.s32 @!p0 $0x12000;
	[sflag:s0] =	ssyncset.done @!p1 $0x0  }
0x34: {  	[sflag:s0] =	ssyncadd.s32 @!p1 $0xFFFFA000;
	s0 =	sadd.s32 @!p0 s1, s2;
	s2 =	simm.s32 @!p0 $0x0  }
0x35: {  	[tilespmem:s3], [sflag:$0x3] =	stream.linear.gather @!p0 [hbm4b:s0+s2], $0x6000, $0x38;
	[tilespmem:$0x1E000] =	vst v63  }
0x36: {  	s0 =	simm.s32 $0x0;
	s2 =	smul.u32 $0xC00, s24  }
0x37: {  	s8 =	sand.u32 $0x200, s0  }
0x38: {  	s7 =	sor.u32 s8, s2  }
0x39: {  	v0 =	vld [tilespmem:s7+$0x70]  }
0x3a: {  	v1 =	vld [tilespmem:s7+$0x50]  }
0x3b: {  	v2 =	vld [tilespmem:s7+$0x60]  }
0x3c: {  	v3 =	vld [tilespmem:s7+$0x20]  }
0x3d: {  	v4 =	vld [tilespmem:s7+$0x10]  }
0x3e: {  	v5 =	vld [tilespmem:s7+$0x0]  }
0x3f: {  	v6 =	vld [tilespmem:s7+$0x30]  }
0x40: {  	[tilespmem:s7+$0x6060] =	vst.add.f32.msk $0xffff, v2  }
0x41: {  	[tilespmem:s7+$0x6020] =	vst.add.f32.msk $0xffff, v3  }
0x42: {  	[tilespmem:s7+$0x6010] =	vst.add.f32.msk $0xffff, v4  }
0x43: {  	v2 =	vld [tilespmem:s7+$0x40]  }
0x44: {  	[tilespmem:s7+$0x6030] =	vst.add.f32.msk $0xffff, v6  }
0x45: {  	[tilespmem:s7+$0x6050] =	vst.add.f32.msk $0xffff, v1  }
0x46: {  	[tilespmem:s7+$0x6070] =	vst.add.f32.msk $0xffff, v0  }
0x47: {  	s3 =	sadd.s32 $0x400, s2;
	[tilespmem:s7+$0x6000] =	vst.add.f32.msk $0xffff, v5  }
0x48: {  	s11 =	sor.u32 s8, s3;
	[tilespmem:s7+$0x6040] =	vst.add.f32.msk $0xffff, v2  }
0x49: {  	v0 =	vld [tilespmem:s11+$0x70]  }
0x4a: {  	v1 =	vld [tilespmem:s11+$0x20]  }
0x4b: {  	v2 =	vld [tilespmem:s11+$0x50]  }
0x4c: {  	v3 =	vld [tilespmem:s11+$0x10]  }
0x4d: {  	v4 =	vld [tilespmem:s11+$0x60]  }
0x4e: {  	v5 =	vld [tilespmem:s11+$0x40]  }
0x4f: {  	v6 =	vld [tilespmem:s11+$0x0]  }
0x50: {  	[tilespmem:s11+$0x6070] =	vst.add.f32.msk $0xffff, v0  }
0x51: {  	v0 =	vld [tilespmem:s11+$0x30]  }
0x52: {  	[tilespmem:s11+$0x6060] =	vst.add.f32.msk $0xffff, v4  }
0x53: {  	[tilespmem:s11+$0x6050] =	vst.add.f32.msk $0xffff, v2  }
0x54: {  	[tilespmem:s11+$0x6040] =	vst.add.f32.msk $0xffff, v5  }
0x55: {  	[tilespmem:s11+$0x6010] =	vst.add.f32.msk $0xffff, v3  }
0x56: {  	[tilespmem:s11+$0x6020] =	vst.add.f32.msk $0xffff, v1  }
0x57: {  	s7 =	sadd.s32 $0x800, s2;
	[tilespmem:s11+$0x6000] =	vst.add.f32.msk $0xffff, v6  }
0x58: {  	s25 =	sor.u32 s8, s7;
	[tilespmem:s11+$0x6030] =	vst.add.f32.msk $0xffff, v0  }
0x59: {  	v0 =	vld [tilespmem:s25+$0x70]  }
0x5a: {  	v1 =	vld [tilespmem:s25+$0x60]  }
0x5b: {  	v2 =	vld [tilespmem:s25+$0x10]  }
0x5c: {  	v3 =	vld [tilespmem:s25+$0x50]  }
0x5d: {  	v4 =	vld [tilespmem:s25+$0x30]  }
0x5e: {  	v5 =	vld [tilespmem:s25+$0x0]  }
0x5f: {  	[tilespmem:s25+$0x6070] =	vst.add.f32.msk $0xffff, v0  }
0x60: {  	v0 =	vld [tilespmem:s25+$0x40]  }
0x61: {  	[tilespmem:s25+$0x6060] =	vst.add.f32.msk $0xffff, v1  }
0x62: {  	[tilespmem:s25+$0x6010] =	vst.add.f32.msk $0xffff, v2  }
0x63: {  	v1 =	vld [tilespmem:s25+$0x20]  }
0x64: {  	[tilespmem:s25+$0x6000] =	vst.add.f32.msk $0xffff, v5  }
0x65: {  	[tilespmem:s25+$0x6050] =	vst.add.f32.msk $0xffff, v3  }
0x66: {  	[tilespmem:s25+$0x6030] =	vst.add.f32.msk $0xffff, v4  }
0x67: {  	s13 =	sor.u32 $0x80, s8;
	[tilespmem:s25+$0x6040] =	vst.add.f32.msk $0xffff, v0  }
0x68: {  	s26 =	sor.u32 s2, s13;
	[tilespmem:s25+$0x6020] =	vst.add.f32.msk $0xffff, v1  }
0x69: {  	v0 =	vld [tilespmem:s26+$0x60]  }
0x6a: {  	v1 =	vld [tilespmem:s26+$0x20]  }
0x6b: {  	v2 =	vld [tilespmem:s26+$0x30]  }
0x6c: {  	v3 =	vld [tilespmem:s26+$0x10]  }
0x6d: {  	v4 =	vld [tilespmem:s26+$0x70]  }
0x6e: {  	[tilespmem:s26+$0x6060] =	vst.add.f32.msk $0xffff, v0  }
0x6f: {  	[tilespmem:s26+$0x6020] =	vst.add.f32.msk $0xffff, v1  }
0x70: {  	v0 =	vld [tilespmem:s26+$0x50]  }
0x71: {  	v1 =	vld [tilespmem:s26+$0x0]  }
0x72: {  	[tilespmem:s26+$0x6010] =	vst.add.f32.msk $0xffff, v3  }
0x73: {  	v3 =	vld [tilespmem:s26+$0x40]  }
0x74: {  	[tilespmem:s26+$0x6070] =	vst.add.f32.msk $0xffff, v4  }
0x75: {  	[tilespmem:s26+$0x6030] =	vst.add.f32.msk $0xffff, v2  }
0x76: {  	[tilespmem:s26+$0x6050] =	vst.add.f32.msk $0xffff, v0  }
0x77: {  	[tilespmem:s26+$0x6000] =	vst.add.f32.msk $0xffff, v1  }
0x78: {  	s31 =	sor.u32 s13, s3;
	[tilespmem:s26+$0x6040] =	vst.add.f32.msk $0xffff, v3  }
0x79: {  	v0 =	vld [tilespmem:s31+$0x70]  }
0x7a: {  	v1 =	vld [tilespmem:s31+$0x60]  }
0x7b: {  	v2 =	vld [tilespmem:s31+$0x30]  }
0x7c: {  	v3 =	vld [tilespmem:s31+$0x40]  }
0x7d: {  	v4 =	vld [tilespmem:s31+$0x0]  }
0x7e: {  	[tilespmem:s31+$0x6070] =	vst.add.f32.msk $0xffff, v0  }
0x7f: {  	v0 =	vld [tilespmem:s31+$0x10]  }
0x80: {  	[tilespmem:s31+$0x6060] =	vst.add.f32.msk $0xffff, v1  }
0x81: {  	[tilespmem:s31+$0x6030] =	vst.add.f32.msk $0xffff, v2  }
0x82: {  	v1 =	vld [tilespmem:s31+$0x50]  }
0x83: {  	v2 =	vld [tilespmem:s31+$0x20]  }
0x84: {  	[tilespmem:s31+$0x6040] =	vst.add.f32.msk $0xffff, v3  }
0x85: {  	[tilespmem:s31+$0x6000] =	vst.add.f32.msk $0xffff, v4  }
0x86: {  	[tilespmem:s31+$0x6010] =	vst.add.f32.msk $0xffff, v0  }
0x87: {  	[tilespmem:s31+$0x6050] =	vst.add.f32.msk $0xffff, v1  }
0x88: {  	s13 =	sor.u32 s13, s7;
	[tilespmem:s31+$0x6020] =	vst.add.f32.msk $0xffff, v2  }
0x89: {  	v0 =	vld [tilespmem:s13+$0x70]  }
0x8a: {  	v1 =	vld [tilespmem:s13+$0x60]  }
0x8b: {  	v2 =	vld [tilespmem:s13+$0x50]  }
0x8c: {  	v3 =	vld [tilespmem:s13+$0x20]  }
0x8d: {  	v4 =	vld [tilespmem:s13+$0x10]  }
0x8e: {  	v5 =	vld [tilespmem:s13+$0x0]  }
0x8f: {  	[tilespmem:s13+$0x6070] =	vst.add.f32.msk $0xffff, v0  }
0x90: {  	v0 =	vld [tilespmem:s13+$0x30]  }
0x91: {  	[tilespmem:s13+$0x6060] =	vst.add.f32.msk $0xffff, v1  }
0x92: {  	[tilespmem:s13+$0x6050] =	vst.add.f32.msk $0xffff, v2  }
0x93: {  	v1 =	vld [tilespmem:s13+$0x40]  }
0x94: {  	[tilespmem:s13+$0x6000] =	vst.add.f32.msk $0xffff, v5  }
0x95: {  	[tilespmem:s13+$0x6010] =	vst.add.f32.msk $0xffff, v4  }
0x96: {  	[tilespmem:s13+$0x6020] =	vst.add.f32.msk $0xffff, v3  }
0x97: {  	s23 =	sor.u32 $0x100, s8;
	[tilespmem:s13+$0x6030] =	vst.add.f32.msk $0xffff, v0  }
0x98: {  	s24 =	sor.u32 s2, s23;
	[tilespmem:s13+$0x6040] =	vst.add.f32.msk $0xffff, v1  }
0x99: {  	v0 =	vld [tilespmem:s24+$0x70]  }
0x9a: {  	v1 =	vld [tilespmem:s24+$0x30]  }
0x9b: {  	v2 =	vld [tilespmem:s24+$0x20]  }
0x9c: {  	v3 =	vld [tilespmem:s24+$0x50]  }
0x9d: {  	v4 =	vld [tilespmem:s24+$0x60]  }
0x9e: {  	v5 =	vld [tilespmem:s24+$0x10]  }
0x9f: {  	[tilespmem:s24+$0x6070] =	vst.add.f32.msk $0xffff, v0  }
0xa0: {  	v0 =	vld [tilespmem:s24+$0x40]  }
0xa1: {  	[tilespmem:s24+$0x6030] =	vst.add.f32.msk $0xffff, v1  }
0xa2: {  	[tilespmem:s24+$0x6020] =	vst.add.f32.msk $0xffff, v2  }
0xa3: {  	v1 =	vld [tilespmem:s24+$0x0]  }
0xa4: {  	[tilespmem:s24+$0x6010] =	vst.add.f32.msk $0xffff, v5  }
0xa5: {  	[tilespmem:s24+$0x6050] =	vst.add.f32.msk $0xffff, v3  }
0xa6: {  	[tilespmem:s24+$0x6060] =	vst.add.f32.msk $0xffff, v4  }
0xa7: {  	[tilespmem:s24+$0x6040] =	vst.add.f32.msk $0xffff, v0  }
0xa8: {  	s25 =	sor.u32 s23, s3;
	[tilespmem:s24+$0x6000] =	vst.add.f32.msk $0xffff, v1  }
0xa9: {  	v0 =	vld [tilespmem:s25+$0x70]  }
0xaa: {  	v1 =	vld [tilespmem:s25+$0x20]  }
0xab: {  	v2 =	vld [tilespmem:s25+$0x60]  }
0xac: {  	v3 =	vld [tilespmem:s25+$0x40]  }
0xad: {  	v4 =	vld [tilespmem:s25+$0x50]  }
0xae: {  	v5 =	vld [tilespmem:s25+$0x10]  }
0xaf: {  	[tilespmem:s25+$0x6070] =	vst.add.f32.msk $0xffff, v0  }
0xb0: {  	v0 =	vld [tilespmem:s25+$0x0]  }
0xb1: {  	[tilespmem:s25+$0x6020] =	vst.add.f32.msk $0xffff, v1  }
0xb2: {  	[tilespmem:s25+$0x6050] =	vst.add.f32.msk $0xffff, v4  }
0xb3: {  	v1 =	vld [tilespmem:s25+$0x30]  }
0xb4: {  	[tilespmem:s25+$0x6040] =	vst.add.f32.msk $0xffff, v3  }
0xb5: {  	[tilespmem:s25+$0x6010] =	vst.add.f32.msk $0xffff, v5  }
0xb6: {  	[tilespmem:s25+$0x6060] =	vst.add.f32.msk $0xffff, v2  }
0xb7: {  	[tilespmem:s25+$0x6000] =	vst.add.f32.msk $0xffff, v0  }
0xb8: {  	s26 =	sor.u32 s23, s7;
	[tilespmem:s25+$0x6030] =	vst.add.f32.msk $0xffff, v1  }
0xb9: {  	v0 =	vld [tilespmem:s26+$0x50]  }
0xba: {  	v1 =	vld [tilespmem:s26+$0x70]  }
0xbb: {  	v2 =	vld [tilespmem:s26+$0x60]  }
0xbc: {  	v3 =	vld [tilespmem:s26+$0x10]  }
0xbd: {  	v4 =	vld [tilespmem:s26+$0x20]  }
0xbe: {  	v5 =	vld [tilespmem:s26+$0x40]  }
0xbf: {  	[tilespmem:s26+$0x6070] =	vst.add.f32.msk $0xffff, v1  }
0xc0: {  	v1 =	vld [tilespmem:s26+$0x0]  }
0xc1: {  	[tilespmem:s26+$0x6060] =	vst.add.f32.msk $0xffff, v2  }
0xc2: {  	[tilespmem:s26+$0x6010] =	vst.add.f32.msk $0xffff, v3  }
0xc3: {  	v2 =	vld [tilespmem:s26+$0x30]  }
0xc4: {  	[tilespmem:s26+$0x6050] =	vst.add.f32.msk $0xffff, v0  }
0xc5: {  	[tilespmem:s26+$0x6020] =	vst.add.f32.msk $0xffff, v4  }
0xc6: {  	[tilespmem:s26+$0x6040] =	vst.add.f32.msk $0xffff, v5  }
0xc7: {  	s8 =	sor.u32 $0x180, s8;
	[tilespmem:s26+$0x6000] =	vst.add.f32.msk $0xffff, v1  }
0xc8: {  	s2 =	sor.u32 s2, s8;
	[tilespmem:s26+$0x6030] =	vst.add.f32.msk $0xffff, v2  }
0xc9: {  	v0 =	vld [tilespmem:s2+$0x70]  }
0xca: {  	v1 =	vld [tilespmem:s2+$0x10]  }
0xcb: {  	v2 =	vld [tilespmem:s2+$0x40]  }
0xcc: {  	v3 =	vld [tilespmem:s2+$0x30]  }
0xcd: {  	v4 =	vld [tilespmem:s2+$0x50]  }
0xce: {  	v5 =	vld [tilespmem:s2+$0x20]  }
0xcf: {  	[tilespmem:s2+$0x6070] =	vst.add.f32.msk $0xffff, v0  }
0xd0: {  	v0 =	vld [tilespmem:s2+$0x60]  }
0xd1: {  	[tilespmem:s2+$0x6010] =	vst.add.f32.msk $0xffff, v1  }
0xd2: {  	[tilespmem:s2+$0x6040] =	vst.add.f32.msk $0xffff, v2  }
0xd3: {  	v1 =	vld [tilespmem:s2+$0x0]  }
0xd4: {  	[tilespmem:s2+$0x6020] =	vst.add.f32.msk $0xffff, v5  }
0xd5: {  	[tilespmem:s2+$0x6030] =	vst.add.f32.msk $0xffff, v3  }
0xd6: {  	[tilespmem:s2+$0x6050] =	vst.add.f32.msk $0xffff, v4  }
0xd7: {  	[tilespmem:s2+$0x6060] =	vst.add.f32.msk $0xffff, v0  }
0xd8: {  	s31 =	sor.u32 s8, s3;
	[tilespmem:s2+$0x6000] =	vst.add.f32.msk $0xffff, v1  }
0xd9: {  	v0 =	vld [tilespmem:s31+$0x70]  }
0xda: {  	v1 =	vld [tilespmem:s31+$0x10]  }
0xdb: {  	v2 =	vld [tilespmem:s31+$0x60]  }
0xdc: {  	v3 =	vld [tilespmem:s31+$0x20]  }
0xdd: {  	v4 =	vld [tilespmem:s31+$0x30]  }
0xde: {  	v5 =	vld [tilespmem:s31+$0x0]  }
0xdf: {  	[tilespmem:s31+$0x6070] =	vst.add.f32.msk $0xffff, v0  }
0xe0: {  	[tilespmem:s31+$0x6060] =	vst.add.f32.msk $0xffff, v2  }
0xe1: {  	v0 =	vld [tilespmem:s31+$0x50]  }
0xe2: {  	[tilespmem:s31+$0x6030] =	vst.add.f32.msk $0xffff, v4  }
0xe3: {  	v2 =	vld [tilespmem:s31+$0x40]  }
0xe4: {  	[tilespmem:s31+$0x6020] =	vst.add.f32.msk $0xffff, v3  }
0xe5: {  	[tilespmem:s31+$0x6000] =	vst.add.f32.msk $0xffff, v5  }
0xe6: {  	[tilespmem:s31+$0x6010] =	vst.add.f32.msk $0xffff, v1  }
0xe7: {  	[tilespmem:s31+$0x6050] =	vst.add.f32.msk $0xffff, v0  }
0xe8: {  	s7 =	sor.u32 s8, s7;
	[tilespmem:s31+$0x6040] =	vst.add.f32.msk $0xffff, v2  }
0xe9: {  	v2 =	vld [tilespmem:s7+$0x60]  }
0xea: {  	v3 =	vld [tilespmem:s7+$0x50]  }
0xeb: {  	v1 =	vld [tilespmem:s7+$0x40]  }
0xec: {  	v4 =	vld [tilespmem:s7+$0x30]  }
0xed: {  	v0 =	vld [tilespmem:s7+$0x20]  }
0xee: {  	v5 =	vld [tilespmem:s7+$0x10]  }
0xef: {  	[tilespmem:s7+$0x6060] =	vst.add.f32.msk $0xffff, v2  }
0xf0: {  	[tilespmem:s7+$0x6050] =	vst.add.f32.msk $0xffff, v3  }
0xf1: {  	[tilespmem:s7+$0x6030] =	vst.add.f32.msk $0xffff, v4  }
0xf2: {  	v3 =	vld [tilespmem:s7+$0x0]  }
0xf3: {  	v2 =	vld [tilespmem:s7+$0x70]  }
0xf4: {  	s3 =	simm.s32 $0x1;
	[tilespmem:s7+$0x6010] =	vst.add.f32.msk $0xffff, v5  }
.LBB2_3:
0xf5: {  	s2 =	smov.u32 s3  }
0xf6: {  	s8 =	sshrl.u32 s3, $0x1;
	[tilespmem:s7+$0x6040] =	vst.add.f32.msk $0xffff, v1;
	s0 =	sadd.s32 $0x200, s0;
	s2 =	sadd.s32 $0x1, s3  }
0xf7: {  	p1 =	sne.s32 s3, $0xF;
	s11 =	smul.u32 $0xC00, s8;
	[tilespmem:s7+$0x6020] =	vst.add.f32.msk $0xffff, v0  }
0xf8: {  	s24 =	sand.u32 $0x200, s0;
	[tilespmem:s7+$0x6000] =	vst.add.f32.msk $0xffff, v3  }
0xf9: {  	s25 =	sor.u32 s24, s11;
	s8 =	sadd.s32 $0x400, s11;
	s3 =	sadd.s32 $0x800, s11;
	[tilespmem:s7+$0x6070] =	vst.add.f32.msk $0xffff, v2  }
0xfa: {  	s23 =	sor.u32 $0x80, s24;
	s13 =	sor.u32 $0x100, s24;
	s7 =	sor.u32 $0x180, s24;
	v0 =	vld [tilespmem:s25+$0x70]  }
0xfb: {  	v1 =	vld [tilespmem:s25+$0x50]  }
0xfc: {  	v2 =	vld [tilespmem:s25+$0x60]  }
0xfd: {  	v3 =	vld [tilespmem:s25+$0x20]  }
0xfe: {  	v4 =	vld [tilespmem:s25+$0x10]  }
0xff: {  	v5 =	vld [tilespmem:s25+$0x0]  }
0x100: {  	v6 =	vld [tilespmem:s25+$0x30]  }
0x101: {  	[tilespmem:s25+$0x6060] =	vst.add.f32.msk $0xffff, v2  }
0x102: {  	[tilespmem:s25+$0x6020] =	vst.add.f32.msk $0xffff, v3  }
0x103: {  	[tilespmem:s25+$0x6010] =	vst.add.f32.msk $0xffff, v4  }
0x104: {  	v2 =	vld [tilespmem:s25+$0x40]  }
0x105: {  	[tilespmem:s25+$0x6030] =	vst.add.f32.msk $0xffff, v6  }
0x106: {  	[tilespmem:s25+$0x6050] =	vst.add.f32.msk $0xffff, v1  }
0x107: {  	[tilespmem:s25+$0x6070] =	vst.add.f32.msk $0xffff, v0  }
0x108: {  	[tilespmem:s25+$0x6000] =	vst.add.f32.msk $0xffff, v5  }
0x109: {  	[tilespmem:s25+$0x6040] =	vst.add.f32.msk $0xffff, v2;
	s25 =	sor.u32 s24, s8  }
0x10a: {  	v0 =	vld [tilespmem:s25+$0x70]  }
0x10b: {  	v1 =	vld [tilespmem:s25+$0x20]  }
0x10c: {  	v2 =	vld [tilespmem:s25+$0x50]  }
0x10d: {  	v3 =	vld [tilespmem:s25+$0x10]  }
0x10e: {  	v4 =	vld [tilespmem:s25+$0x60]  }
0x10f: {  	[tilespmem:s25+$0x6070] =	vst.add.f32.msk $0xffff, v0  }
0x110: {  	v0 =	vld [tilespmem:s25+$0x30]  }
0x111: {  	v5 =	vld [tilespmem:s25+$0x40]  }
0x112: {  	v6 =	vld [tilespmem:s25+$0x0]  }
0x113: {  	[tilespmem:s25+$0x6060] =	vst.add.f32.msk $0xffff, v4  }
0x114: {  	[tilespmem:s25+$0x6050] =	vst.add.f32.msk $0xffff, v2  }
0x115: {  	[tilespmem:s25+$0x6030] =	vst.add.f32.msk $0xffff, v0  }
0x116: {  	[tilespmem:s25+$0x6040] =	vst.add.f32.msk $0xffff, v5  }
0x117: {  	[tilespmem:s25+$0x6010] =	vst.add.f32.msk $0xffff, v3  }
0x118: {  	[tilespmem:s25+$0x6020] =	vst.add.f32.msk $0xffff, v1  }
0x119: {  	s24 =	sor.u32 s24, s3;
	[tilespmem:s25+$0x6000] =	vst.add.f32.msk $0xffff, v6  }
0x11a: {  	v0 =	vld [tilespmem:s24+$0x70]  }
0x11b: {  	v1 =	vld [tilespmem:s24+$0x60]  }
0x11c: {  	v2 =	vld [tilespmem:s24+$0x10]  }
0x11d: {  	v3 =	vld [tilespmem:s24+$0x50]  }
0x11e: {  	v4 =	vld [tilespmem:s24+$0x30]  }
0x11f: {  	[tilespmem:s24+$0x6070] =	vst.add.f32.msk $0xffff, v0  }
0x120: {  	v0 =	vld [tilespmem:s24+$0x40]  }
0x121: {  	v5 =	vld [tilespmem:s24+$0x0]  }
0x122: {  	[tilespmem:s24+$0x6060] =	vst.add.f32.msk $0xffff, v1  }
0x123: {  	[tilespmem:s24+$0x6010] =	vst.add.f32.msk $0xffff, v2  }
0x124: {  	v1 =	vld [tilespmem:s24+$0x20]  }
0x125: {  	[tilespmem:s24+$0x6040] =	vst.add.f32.msk $0xffff, v0  }
0x126: {  	[tilespmem:s24+$0x6000] =	vst.add.f32.msk $0xffff, v5  }
0x127: {  	[tilespmem:s24+$0x6050] =	vst.add.f32.msk $0xffff, v3  }
0x128: {  	[tilespmem:s24+$0x6030] =	vst.add.f32.msk $0xffff, v4  }
0x129: {  	[tilespmem:s24+$0x6020] =	vst.add.f32.msk $0xffff, v1;
	s24 =	sor.u32 s11, s23  }
0x12a: {  	v0 =	vld [tilespmem:s24+$0x60]  }
0x12b: {  	v1 =	vld [tilespmem:s24+$0x20]  }
0x12c: {  	v2 =	vld [tilespmem:s24+$0x30]  }
0x12d: {  	v3 =	vld [tilespmem:s24+$0x10]  }
0x12e: {  	v4 =	vld [tilespmem:s24+$0x70]  }
0x12f: {  	[tilespmem:s24+$0x6060] =	vst.add.f32.msk $0xffff, v0  }
0x130: {  	[tilespmem:s24+$0x6020] =	vst.add.f32.msk $0xffff, v1  }
0x131: {  	v0 =	vld [tilespmem:s24+$0x50]  }
0x132: {  	v1 =	vld [tilespmem:s24+$0x0]  }
0x133: {  	[tilespmem:s24+$0x6010] =	vst.add.f32.msk $0xffff, v3  }
0x134: {  	v3 =	vld [tilespmem:s24+$0x40]  }
0x135: {  	[tilespmem:s24+$0x6070] =	vst.add.f32.msk $0xffff, v4  }
0x136: {  	[tilespmem:s24+$0x6050] =	vst.add.f32.msk $0xffff, v0  }
0x137: {  	[tilespmem:s24+$0x6000] =	vst.add.f32.msk $0xffff, v1  }
0x138: {  	[tilespmem:s24+$0x6030] =	vst.add.f32.msk $0xffff, v2  }
0x139: {  	[tilespmem:s24+$0x6040] =	vst.add.f32.msk $0xffff, v3;
	s24 =	sor.u32 s23, s8  }
0x13a: {  	v0 =	vld [tilespmem:s24+$0x70]  }
0x13b: {  	v1 =	vld [tilespmem:s24+$0x60]  }
0x13c: {  	v2 =	vld [tilespmem:s24+$0x30]  }
0x13d: {  	v3 =	vld [tilespmem:s24+$0x40]  }
0x13e: {  	v4 =	vld [tilespmem:s24+$0x0]  }
0x13f: {  	[tilespmem:s24+$0x6070] =	vst.add.f32.msk $0xffff, v0  }
0x140: {  	v0 =	vld [tilespmem:s24+$0x10]  }
0x141: {  	[tilespmem:s24+$0x6060] =	vst.add.f32.msk $0xffff, v1  }
0x142: {  	[tilespmem:s24+$0x6030] =	vst.add.f32.msk $0xffff, v2  }
0x143: {  	v1 =	vld [tilespmem:s24+$0x50]  }
0x144: {  	v2 =	vld [tilespmem:s24+$0x20]  }
0x145: {  	[tilespmem:s24+$0x6010] =	vst.add.f32.msk $0xffff, v0  }
0x146: {  	[tilespmem:s24+$0x6040] =	vst.add.f32.msk $0xffff, v3  }
0x147: {  	[tilespmem:s24+$0x6000] =	vst.add.f32.msk $0xffff, v4  }
0x148: {  	[tilespmem:s24+$0x6050] =	vst.add.f32.msk $0xffff, v1  }
0x149: {  	s23 =	sor.u32 s23, s3;
	[tilespmem:s24+$0x6020] =	vst.add.f32.msk $0xffff, v2  }
0x14a: {  	v0 =	vld [tilespmem:s23+$0x70]  }
0x14b: {  	v1 =	vld [tilespmem:s23+$0x60]  }
0x14c: {  	v2 =	vld [tilespmem:s23+$0x50]  }
0x14d: {  	v3 =	vld [tilespmem:s23+$0x20]  }
0x14e: {  	v4 =	vld [tilespmem:s23+$0x10]  }
0x14f: {  	[tilespmem:s23+$0x6070] =	vst.add.f32.msk $0xffff, v0  }
0x150: {  	v0 =	vld [tilespmem:s23+$0x30]  }
0x151: {  	v5 =	vld [tilespmem:s23+$0x0]  }
0x152: {  	[tilespmem:s23+$0x6060] =	vst.add.f32.msk $0xffff, v1  }
0x153: {  	[tilespmem:s23+$0x6050] =	vst.add.f32.msk $0xffff, v2  }
0x154: {  	v1 =	vld [tilespmem:s23+$0x40]  }
0x155: {  	[tilespmem:s23+$0x6030] =	vst.add.f32.msk $0xffff, v0  }
0x156: {  	[tilespmem:s23+$0x6000] =	vst.add.f32.msk $0xffff, v5  }
0x157: {  	[tilespmem:s23+$0x6010] =	vst.add.f32.msk $0xffff, v4  }
0x158: {  	[tilespmem:s23+$0x6020] =	vst.add.f32.msk $0xffff, v3  }
0x159: {  	[tilespmem:s23+$0x6040] =	vst.add.f32.msk $0xffff, v1;
	s23 =	sor.u32 s11, s13  }
0x15a: {  	v0 =	vld [tilespmem:s23+$0x70]  }
0x15b: {  	v1 =	vld [tilespmem:s23+$0x30]  }
0x15c: {  	v2 =	vld [tilespmem:s23+$0x20]  }
0x15d: {  	v3 =	vld [tilespmem:s23+$0x50]  }
0x15e: {  	v4 =	vld [tilespmem:s23+$0x60]  }
0x15f: {  	[tilespmem:s23+$0x6070] =	vst.add.f32.msk $0xffff, v0  }
0x160: {  	v0 =	vld [tilespmem:s23+$0x40]  }
0x161: {  	v5 =	vld [tilespmem:s23+$0x10]  }
0x162: {  	[tilespmem:s23+$0x6030] =	vst.add.f32.msk $0xffff, v1  }
0x163: {  	[tilespmem:s23+$0x6020] =	vst.add.f32.msk $0xffff, v2  }
0x164: {  	v1 =	vld [tilespmem:s23+$0x0]  }
0x165: {  	[tilespmem:s23+$0x6040] =	vst.add.f32.msk $0xffff, v0  }
0x166: {  	[tilespmem:s23+$0x6010] =	vst.add.f32.msk $0xffff, v5  }
0x167: {  	[tilespmem:s23+$0x6050] =	vst.add.f32.msk $0xffff, v3  }
0x168: {  	[tilespmem:s23+$0x6060] =	vst.add.f32.msk $0xffff, v4  }
0x169: {  	[tilespmem:s23+$0x6000] =	vst.add.f32.msk $0xffff, v1;
	s23 =	sor.u32 s13, s8  }
0x16a: {  	v0 =	vld [tilespmem:s23+$0x70]  }
0x16b: {  	v1 =	vld [tilespmem:s23+$0x20]  }
0x16c: {  	v2 =	vld [tilespmem:s23+$0x60]  }
0x16d: {  	v3 =	vld [tilespmem:s23+$0x40]  }
0x16e: {  	v4 =	vld [tilespmem:s23+$0x50]  }
0x16f: {  	[tilespmem:s23+$0x6070] =	vst.add.f32.msk $0xffff, v0  }
0x170: {  	v0 =	vld [tilespmem:s23+$0x0]  }
0x171: {  	v5 =	vld [tilespmem:s23+$0x10]  }
0x172: {  	[tilespmem:s23+$0x6020] =	vst.add.f32.msk $0xffff, v1  }
0x173: {  	[tilespmem:s23+$0x6050] =	vst.add.f32.msk $0xffff, v4  }
0x174: {  	v1 =	vld [tilespmem:s23+$0x30]  }
0x175: {  	[tilespmem:s23+$0x6000] =	vst.add.f32.msk $0xffff, v0  }
0x176: {  	[tilespmem:s23+$0x6040] =	vst.add.f32.msk $0xffff, v3  }
0x177: {  	[tilespmem:s23+$0x6010] =	vst.add.f32.msk $0xffff, v5  }
0x178: {  	[tilespmem:s23+$0x6060] =	vst.add.f32.msk $0xffff, v2  }
0x179: {  	s13 =	sor.u32 s13, s3;
	[tilespmem:s23+$0x6030] =	vst.add.f32.msk $0xffff, v1  }
0x17a: {  	v0 =	vld [tilespmem:s13+$0x50]  }
0x17b: {  	v1 =	vld [tilespmem:s13+$0x70]  }
0x17c: {  	v2 =	vld [tilespmem:s13+$0x60]  }
0x17d: {  	v3 =	vld [tilespmem:s13+$0x10]  }
0x17e: {  	v4 =	vld [tilespmem:s13+$0x20]  }
0x17f: {  	v5 =	vld [tilespmem:s13+$0x40]  }
0x180: {  	[tilespmem:s13+$0x6070] =	vst.add.f32.msk $0xffff, v1  }
0x181: {  	v1 =	vld [tilespmem:s13+$0x0]  }
0x182: {  	[tilespmem:s13+$0x6060] =	vst.add.f32.msk $0xffff, v2  }
0x183: {  	[tilespmem:s13+$0x6010] =	vst.add.f32.msk $0xffff, v3  }
0x184: {  	v2 =	vld [tilespmem:s13+$0x30]  }
0x185: {  	[tilespmem:s13+$0x6050] =	vst.add.f32.msk $0xffff, v0  }
0x186: {  	[tilespmem:s13+$0x6000] =	vst.add.f32.msk $0xffff, v1  }
0x187: {  	[tilespmem:s13+$0x6020] =	vst.add.f32.msk $0xffff, v4  }
0x188: {  	[tilespmem:s13+$0x6040] =	vst.add.f32.msk $0xffff, v5  }
0x189: {  	s11 =	sor.u32 s11, s7;
	[tilespmem:s13+$0x6030] =	vst.add.f32.msk $0xffff, v2  }
0x18a: {  	v0 =	vld [tilespmem:s11+$0x70]  }
0x18b: {  	v1 =	vld [tilespmem:s11+$0x10]  }
0x18c: {  	v2 =	vld [tilespmem:s11+$0x40]  }
0x18d: {  	v3 =	vld [tilespmem:s11+$0x30]  }
0x18e: {  	v4 =	vld [tilespmem:s11+$0x50]  }
0x18f: {  	[tilespmem:s11+$0x6070] =	vst.add.f32.msk $0xffff, v0  }
0x190: {  	v0 =	vld [tilespmem:s11+$0x60]  }
0x191: {  	v5 =	vld [tilespmem:s11+$0x20]  }
0x192: {  	[tilespmem:s11+$0x6010] =	vst.add.f32.msk $0xffff, v1  }
0x193: {  	[tilespmem:s11+$0x6040] =	vst.add.f32.msk $0xffff, v2  }
0x194: {  	v1 =	vld [tilespmem:s11+$0x0]  }
0x195: {  	[tilespmem:s11+$0x6060] =	vst.add.f32.msk $0xffff, v0  }
0x196: {  	[tilespmem:s11+$0x6020] =	vst.add.f32.msk $0xffff, v5  }
0x197: {  	[tilespmem:s11+$0x6030] =	vst.add.f32.msk $0xffff, v3  }
0x198: {  	[tilespmem:s11+$0x6050] =	vst.add.f32.msk $0xffff, v4  }
0x199: {  	s8 =	sor.u32 s7, s8;
	[tilespmem:s11+$0x6000] =	vst.add.f32.msk $0xffff, v1  }
0x19a: {  	v0 =	vld [tilespmem:s8+$0x70]  }
0x19b: {  	v1 =	vld [tilespmem:s8+$0x10]  }
0x19c: {  	v2 =	vld [tilespmem:s8+$0x60]  }
0x19d: {  	v3 =	vld [tilespmem:s8+$0x20]  }
0x19e: {  	v4 =	vld [tilespmem:s8+$0x30]  }
0x19f: {  	v5 =	vld [tilespmem:s8+$0x0]  }
0x1a0: {  	[tilespmem:s8+$0x6070] =	vst.add.f32.msk $0xffff, v0  }
0x1a1: {  	[tilespmem:s8+$0x6060] =	vst.add.f32.msk $0xffff, v2  }
0x1a2: {  	v0 =	vld [tilespmem:s8+$0x50]  }
0x1a3: {  	[tilespmem:s8+$0x6030] =	vst.add.f32.msk $0xffff, v4  }
0x1a4: {  	v2 =	vld [tilespmem:s8+$0x40]  }
0x1a5: {  	[tilespmem:s8+$0x6020] =	vst.add.f32.msk $0xffff, v3  }
0x1a6: {  	[tilespmem:s8+$0x6000] =	vst.add.f32.msk $0xffff, v5  }
0x1a7: {  	[tilespmem:s8+$0x6050] =	vst.add.f32.msk $0xffff, v0  }
0x1a8: {  	[tilespmem:s8+$0x6010] =	vst.add.f32.msk $0xffff, v1  }
0x1a9: {  	s7 =	sor.u32 s7, s3;
	[tilespmem:s8+$0x6040] =	vst.add.f32.msk $0xffff, v2  }
0x1aa: {  	v2 =	vld [tilespmem:s7+$0x60]  }
0x1ab: {  	v3 =	vld [tilespmem:s7+$0x50]  }
0x1ac: {  	v1 =	vld [tilespmem:s7+$0x40]  }
0x1ad: {  	v4 =	vld [tilespmem:s7+$0x30]  }
0x1ae: {  	v0 =	vld [tilespmem:s7+$0x20]  }
0x1af: {  	[tilespmem:s7+$0x6060] =	vst.add.f32.msk $0xffff, v2  }
0x1b0: {  	v5 =	vld [tilespmem:s7+$0x10]  }
.Ltmp4:
0x1b1: {  	[tilespmem:s7+$0x6050] =	vst.add.f32.msk $0xffff, v3;
	(pc) =	sbr.rel @p1 .LBB2_3-.Ltmp4, $4  }
0x1b2: {  	[tilespmem:s7+$0x6030] =	vst.add.f32.msk $0xffff, v4  }
0x1b3: {  	v3 =	vld [tilespmem:s7+$0x0]  }
0x1b4: {  	v2 =	vld [tilespmem:s7+$0x70]  }
0x1b5: {  	s3 =	smov.u32 s2;
	[tilespmem:s7+$0x6010] =	vst.add.f32.msk $0xffff, v5  }
0x1b6: {  	s31 =	sshll.u32 s28, $0x7  }
0x1b7: {  	[tilespmem:s7+$0x6040] =	vst.add.f32.msk $0xffff, v1;
	s0 =	sor.u32 s5, s31  }
0x1b8: {  	[tilespmem:s7+$0x6020] =	vst.add.f32.msk $0xffff, v0;
	s0 =	smul.u32 $0xC00, s0  }
0x1b9: {  	[tilespmem:s7+$0x6000] =	vst.add.f32.msk $0xffff, v3  }
0x1ba: {  	[tilespmem:s7+$0x6070] =	vst.add.f32.msk $0xffff, v2;
	s2 =	sadd.s32 s4, s0  }
0x1bb: {  	[hbm4b:s2+s6] =	stream.linear.scatter [tilespmem:s14], [sflag:$0x5], $0x6000, $0x38;
	[tilespmem:$0x1E000] =	vst v63  }
0x1bc: {  	s2 =	sor.u32 $0x1, s29  }
0x1bd: {  	p1 =	sgt.u32 s2, $0x30  }
.Ltmp5:
0x1be: {  	_ = 	snop;
	(pc) =	sbr.rel @p1 .LBB2_8-.Ltmp5, $1  }
0x1bf: {  	_ =	sdelay $0x3  }
0x1c0: {  	_ =	swait.ge [sflag:s17], $0x6000  }
0x1c1: {  	p1 =	seq.s32 s28, $0x0;
	[sflag:s17] =	ssyncset.done $0x0  }
0x1c2: {  	s3 =	simm.s32 @!p1 $0x8;
	[sflag:s17] =	ssyncadd.s32 $0xFFFFA000  }
0x1c3: {  	s13 =	sadd.s32 s12, s0;
	_ =	swait.ge @!p1 [sflag:s3], $0x6000  }
0x1c4: {  	s0 =	simm.s32 $0x0;
	s23 =	simm.s32 $0x0;
	[sflag:s3] =	ssyncset.done @!p1 $0x0  }
0x1c5: {  	s11 =	sand.u32 $0x200, s0;
	[sflag:s3] =	ssyncadd.s32 @!p1 $0xFFFFA000;
	s3 =	smul.u32 $0xC00, s23  }
0x1c6: {  	[tilespmem:s18], [sflag:$0x4] =	stream.linear.gather [hbm4b:s13+s0], $0x6000, $0x38;
	[tilespmem:$0x1E000] =	vst v63  }
0x1c7: {  	s8 =	sor.u32 s11, s3  }
0x1c8: {  	v0 =	vld [tilespmem:s8+$0x70]  }
0x1c9: {  	v1 =	vld [tilespmem:s8+$0x50]  }
0x1ca: {  	v2 =	vld [tilespmem:s8+$0x60]  }
0x1cb: {  	v3 =	vld [tilespmem:s8+$0x20]  }
0x1cc: {  	v4 =	vld [tilespmem:s8+$0x10]  }
0x1cd: {  	v5 =	vld [tilespmem:s8+$0x0]  }
0x1ce: {  	v6 =	vld [tilespmem:s8+$0x30]  }
0x1cf: {  	[tilespmem:s8+$0xC060] =	vst.add.f32.msk $0xffff, v2  }
0x1d0: {  	[tilespmem:s8+$0xC020] =	vst.add.f32.msk $0xffff, v3  }
0x1d1: {  	[tilespmem:s8+$0xC010] =	vst.add.f32.msk $0xffff, v4  }
0x1d2: {  	v2 =	vld [tilespmem:s8+$0x40]  }
0x1d3: {  	[tilespmem:s8+$0xC030] =	vst.add.f32.msk $0xffff, v6  }
0x1d4: {  	[tilespmem:s8+$0xC050] =	vst.add.f32.msk $0xffff, v1  }
0x1d5: {  	[tilespmem:s8+$0xC070] =	vst.add.f32.msk $0xffff, v0  }
0x1d6: {  	s7 =	sadd.s32 $0x400, s3;
	[tilespmem:s8+$0xC000] =	vst.add.f32.msk $0xffff, v5  }
0x1d7: {  	s13 =	sor.u32 s11, s7;
	[tilespmem:s8+$0xC040] =	vst.add.f32.msk $0xffff, v2  }
0x1d8: {  	v0 =	vld [tilespmem:s13+$0x70]  }
0x1d9: {  	v1 =	vld [tilespmem:s13+$0x20]  }
0x1da: {  	v2 =	vld [tilespmem:s13+$0x50]  }
0x1db: {  	v3 =	vld [tilespmem:s13+$0x10]  }
0x1dc: {  	v4 =	vld [tilespmem:s13+$0x60]  }
0x1dd: {  	v5 =	vld [tilespmem:s13+$0x40]  }
0x1de: {  	v6 =	vld [tilespmem:s13+$0x0]  }
0x1df: {  	[tilespmem:s13+$0xC070] =	vst.add.f32.msk $0xffff, v0  }
0x1e0: {  	v0 =	vld [tilespmem:s13+$0x30]  }
0x1e1: {  	[tilespmem:s13+$0xC060] =	vst.add.f32.msk $0xffff, v4  }
0x1e2: {  	[tilespmem:s13+$0xC050] =	vst.add.f32.msk $0xffff, v2  }
0x1e3: {  	[tilespmem:s13+$0xC040] =	vst.add.f32.msk $0xffff, v5  }
0x1e4: {  	[tilespmem:s13+$0xC010] =	vst.add.f32.msk $0xffff, v3  }
0x1e5: {  	[tilespmem:s13+$0xC020] =	vst.add.f32.msk $0xffff, v1  }
0x1e6: {  	s8 =	sadd.s32 $0x800, s3;
	[tilespmem:s13+$0xC000] =	vst.add.f32.msk $0xffff, v6  }
0x1e7: {  	s24 =	sor.u32 s11, s8;
	[tilespmem:s13+$0xC030] =	vst.add.f32.msk $0xffff, v0  }
0x1e8: {  	v0 =	vld [tilespmem:s24+$0x70]  }
0x1e9: {  	v1 =	vld [tilespmem:s24+$0x60]  }
0x1ea: {  	v2 =	vld [tilespmem:s24+$0x10]  }
0x1eb: {  	v3 =	vld [tilespmem:s24+$0x50]  }
0x1ec: {  	v4 =	vld [tilespmem:s24+$0x30]  }
0x1ed: {  	v5 =	vld [tilespmem:s24+$0x0]  }
0x1ee: {  	[tilespmem:s24+$0xC070] =	vst.add.f32.msk $0xffff, v0  }
0x1ef: {  	v0 =	vld [tilespmem:s24+$0x40]  }
0x1f0: {  	[tilespmem:s24+$0xC060] =	vst.add.f32.msk $0xffff, v1  }
0x1f1: {  	[tilespmem:s24+$0xC010] =	vst.add.f32.msk $0xffff, v2  }
0x1f2: {  	v1 =	vld [tilespmem:s24+$0x20]  }
0x1f3: {  	[tilespmem:s24+$0xC000] =	vst.add.f32.msk $0xffff, v5  }
0x1f4: {  	[tilespmem:s24+$0xC050] =	vst.add.f32.msk $0xffff, v3  }
0x1f5: {  	[tilespmem:s24+$0xC030] =	vst.add.f32.msk $0xffff, v4  }
0x1f6: {  	s23 =	sor.u32 $0x80, s11;
	[tilespmem:s24+$0xC040] =	vst.add.f32.msk $0xffff, v0  }
0x1f7: {  	s25 =	sor.u32 s3, s23;
	[tilespmem:s24+$0xC020] =	vst.add.f32.msk $0xffff, v1  }
0x1f8: {  	v0 =	vld [tilespmem:s25+$0x60]  }
0x1f9: {  	v1 =	vld [tilespmem:s25+$0x20]  }
0x1fa: {  	v2 =	vld [tilespmem:s25+$0x30]  }
0x1fb: {  	v3 =	vld [tilespmem:s25+$0x10]  }
0x1fc: {  	v4 =	vld [tilespmem:s25+$0x70]  }
0x1fd: {  	[tilespmem:s25+$0xC060] =	vst.add.f32.msk $0xffff, v0  }
0x1fe: {  	[tilespmem:s25+$0xC020] =	vst.add.f32.msk $0xffff, v1  }
0x1ff: {  	v0 =	vld [tilespmem:s25+$0x50]  }
0x200: {  	v1 =	vld [tilespmem:s25+$0x0]  }
0x201: {  	[tilespmem:s25+$0xC010] =	vst.add.f32.msk $0xffff, v3  }
0x202: {  	v3 =	vld [tilespmem:s25+$0x40]  }
0x203: {  	[tilespmem:s25+$0xC070] =	vst.add.f32.msk $0xffff, v4  }
0x204: {  	[tilespmem:s25+$0xC030] =	vst.add.f32.msk $0xffff, v2  }
0x205: {  	[tilespmem:s25+$0xC050] =	vst.add.f32.msk $0xffff, v0  }
0x206: {  	[tilespmem:s25+$0xC000] =	vst.add.f32.msk $0xffff, v1  }
0x207: {  	s26 =	sor.u32 s23, s7;
	[tilespmem:s25+$0xC040] =	vst.add.f32.msk $0xffff, v3  }
0x208: {  	v0 =	vld [tilespmem:s26+$0x70]  }
0x209: {  	v1 =	vld [tilespmem:s26+$0x60]  }
0x20a: {  	v2 =	vld [tilespmem:s26+$0x30]  }
0x20b: {  	v3 =	vld [tilespmem:s26+$0x40]  }
0x20c: {  	v4 =	vld [tilespmem:s26+$0x0]  }
0x20d: {  	[tilespmem:s26+$0xC070] =	vst.add.f32.msk $0xffff, v0  }
0x20e: {  	v0 =	vld [tilespmem:s26+$0x10]  }
0x20f: {  	[tilespmem:s26+$0xC060] =	vst.add.f32.msk $0xffff, v1  }
0x210: {  	[tilespmem:s26+$0xC030] =	vst.add.f32.msk $0xffff, v2  }
0x211: {  	v1 =	vld [tilespmem:s26+$0x50]  }
0x212: {  	v2 =	vld [tilespmem:s26+$0x20]  }
0x213: {  	[tilespmem:s26+$0xC040] =	vst.add.f32.msk $0xffff, v3  }
0x214: {  	[tilespmem:s26+$0xC000] =	vst.add.f32.msk $0xffff, v4  }
0x215: {  	[tilespmem:s26+$0xC010] =	vst.add.f32.msk $0xffff, v0  }
0x216: {  	[tilespmem:s26+$0xC050] =	vst.add.f32.msk $0xffff, v1  }
0x217: {  	s24 =	sor.u32 s23, s8;
	[tilespmem:s26+$0xC020] =	vst.add.f32.msk $0xffff, v2  }
0x218: {  	v0 =	vld [tilespmem:s24+$0x70]  }
0x219: {  	v1 =	vld [tilespmem:s24+$0x60]  }
0x21a: {  	v2 =	vld [tilespmem:s24+$0x50]  }
0x21b: {  	v3 =	vld [tilespmem:s24+$0x20]  }
0x21c: {  	v4 =	vld [tilespmem:s24+$0x10]  }
0x21d: {  	v5 =	vld [tilespmem:s24+$0x0]  }
0x21e: {  	[tilespmem:s24+$0xC070] =	vst.add.f32.msk $0xffff, v0  }
0x21f: {  	v0 =	vld [tilespmem:s24+$0x30]  }
0x220: {  	[tilespmem:s24+$0xC060] =	vst.add.f32.msk $0xffff, v1  }
0x221: {  	[tilespmem:s24+$0xC050] =	vst.add.f32.msk $0xffff, v2  }
0x222: {  	v1 =	vld [tilespmem:s24+$0x40]  }
0x223: {  	[tilespmem:s24+$0xC000] =	vst.add.f32.msk $0xffff, v5  }
0x224: {  	[tilespmem:s24+$0xC010] =	vst.add.f32.msk $0xffff, v4  }
0x225: {  	[tilespmem:s24+$0xC020] =	vst.add.f32.msk $0xffff, v3  }
0x226: {  	s25 =	sor.u32 $0x100, s11;
	[tilespmem:s24+$0xC030] =	vst.add.f32.msk $0xffff, v0  }
0x227: {  	s26 =	sor.u32 s3, s25;
	[tilespmem:s24+$0xC040] =	vst.add.f32.msk $0xffff, v1  }
0x228: {  	v0 =	vld [tilespmem:s26+$0x70]  }
0x229: {  	v1 =	vld [tilespmem:s26+$0x30]  }
0x22a: {  	v2 =	vld [tilespmem:s26+$0x20]  }
0x22b: {  	v3 =	vld [tilespmem:s26+$0x50]  }
0x22c: {  	v4 =	vld [tilespmem:s26+$0x60]  }
0x22d: {  	v5 =	vld [tilespmem:s26+$0x10]  }
0x22e: {  	[tilespmem:s26+$0xC070] =	vst.add.f32.msk $0xffff, v0  }
0x22f: {  	v0 =	vld [tilespmem:s26+$0x40]  }
0x230: {  	[tilespmem:s26+$0xC030] =	vst.add.f32.msk $0xffff, v1  }
0x231: {  	[tilespmem:s26+$0xC020] =	vst.add.f32.msk $0xffff, v2  }
0x232: {  	v1 =	vld [tilespmem:s26+$0x0]  }
0x233: {  	[tilespmem:s26+$0xC010] =	vst.add.f32.msk $0xffff, v5  }
0x234: {  	[tilespmem:s26+$0xC050] =	vst.add.f32.msk $0xffff, v3  }
0x235: {  	[tilespmem:s26+$0xC060] =	vst.add.f32.msk $0xffff, v4  }
0x236: {  	[tilespmem:s26+$0xC040] =	vst.add.f32.msk $0xffff, v0  }
0x237: {  	s24 =	sor.u32 s25, s7;
	[tilespmem:s26+$0xC000] =	vst.add.f32.msk $0xffff, v1  }
0x238: {  	v0 =	vld [tilespmem:s24+$0x70]  }
0x239: {  	v1 =	vld [tilespmem:s24+$0x20]  }
0x23a: {  	v2 =	vld [tilespmem:s24+$0x60]  }
0x23b: {  	v3 =	vld [tilespmem:s24+$0x40]  }
0x23c: {  	v4 =	vld [tilespmem:s24+$0x50]  }
0x23d: {  	v5 =	vld [tilespmem:s24+$0x10]  }
0x23e: {  	[tilespmem:s24+$0xC070] =	vst.add.f32.msk $0xffff, v0  }
0x23f: {  	v0 =	vld [tilespmem:s24+$0x0]  }
0x240: {  	[tilespmem:s24+$0xC020] =	vst.add.f32.msk $0xffff, v1  }
0x241: {  	[tilespmem:s24+$0xC050] =	vst.add.f32.msk $0xffff, v4  }
0x242: {  	v1 =	vld [tilespmem:s24+$0x30]  }
0x243: {  	[tilespmem:s24+$0xC040] =	vst.add.f32.msk $0xffff, v3  }
0x244: {  	[tilespmem:s24+$0xC010] =	vst.add.f32.msk $0xffff, v5  }
0x245: {  	[tilespmem:s24+$0xC060] =	vst.add.f32.msk $0xffff, v2  }
0x246: {  	[tilespmem:s24+$0xC000] =	vst.add.f32.msk $0xffff, v0  }
0x247: {  	s25 =	sor.u32 s25, s8;
	[tilespmem:s24+$0xC030] =	vst.add.f32.msk $0xffff, v1  }
0x248: {  	v0 =	vld [tilespmem:s25+$0x50]  }
0x249: {  	v1 =	vld [tilespmem:s25+$0x70]  }
0x24a: {  	v2 =	vld [tilespmem:s25+$0x60]  }
0x24b: {  	v3 =	vld [tilespmem:s25+$0x10]  }
0x24c: {  	v4 =	vld [tilespmem:s25+$0x20]  }
0x24d: {  	v5 =	vld [tilespmem:s25+$0x40]  }
0x24e: {  	[tilespmem:s25+$0xC070] =	vst.add.f32.msk $0xffff, v1  }
0x24f: {  	v1 =	vld [tilespmem:s25+$0x0]  }
0x250: {  	[tilespmem:s25+$0xC060] =	vst.add.f32.msk $0xffff, v2  }
0x251: {  	[tilespmem:s25+$0xC010] =	vst.add.f32.msk $0xffff, v3  }
0x252: {  	v2 =	vld [tilespmem:s25+$0x30]  }
0x253: {  	[tilespmem:s25+$0xC050] =	vst.add.f32.msk $0xffff, v0  }
0x254: {  	[tilespmem:s25+$0xC020] =	vst.add.f32.msk $0xffff, v4  }
0x255: {  	[tilespmem:s25+$0xC040] =	vst.add.f32.msk $0xffff, v5  }
0x256: {  	s11 =	sor.u32 $0x180, s11;
	[tilespmem:s25+$0xC000] =	vst.add.f32.msk $0xffff, v1  }
0x257: {  	s3 =	sor.u32 s3, s11;
	[tilespmem:s25+$0xC030] =	vst.add.f32.msk $0xffff, v2  }
0x258: {  	v0 =	vld [tilespmem:s3+$0x70]  }
0x259: {  	v1 =	vld [tilespmem:s3+$0x10]  }
0x25a: {  	v2 =	vld [tilespmem:s3+$0x40]  }
0x25b: {  	v3 =	vld [tilespmem:s3+$0x30]  }
0x25c: {  	v4 =	vld [tilespmem:s3+$0x50]  }
0x25d: {  	v5 =	vld [tilespmem:s3+$0x20]  }
0x25e: {  	[tilespmem:s3+$0xC070] =	vst.add.f32.msk $0xffff, v0  }
0x25f: {  	v0 =	vld [tilespmem:s3+$0x60]  }
0x260: {  	[tilespmem:s3+$0xC010] =	vst.add.f32.msk $0xffff, v1  }
0x261: {  	[tilespmem:s3+$0xC040] =	vst.add.f32.msk $0xffff, v2  }
0x262: {  	v1 =	vld [tilespmem:s3+$0x0]  }
0x263: {  	[tilespmem:s3+$0xC020] =	vst.add.f32.msk $0xffff, v5  }
0x264: {  	[tilespmem:s3+$0xC030] =	vst.add.f32.msk $0xffff, v3  }
0x265: {  	[tilespmem:s3+$0xC050] =	vst.add.f32.msk $0xffff, v4  }
0x266: {  	[tilespmem:s3+$0xC060] =	vst.add.f32.msk $0xffff, v0  }
0x267: {  	s26 =	sor.u32 s11, s7;
	[tilespmem:s3+$0xC000] =	vst.add.f32.msk $0xffff, v1  }
0x268: {  	v0 =	vld [tilespmem:s26+$0x70]  }
0x269: {  	v1 =	vld [tilespmem:s26+$0x10]  }
0x26a: {  	v2 =	vld [tilespmem:s26+$0x60]  }
0x26b: {  	v3 =	vld [tilespmem:s26+$0x20]  }
0x26c: {  	v4 =	vld [tilespmem:s26+$0x30]  }
0x26d: {  	v5 =	vld [tilespmem:s26+$0x0]  }
0x26e: {  	[tilespmem:s26+$0xC070] =	vst.add.f32.msk $0xffff, v0  }
0x26f: {  	[tilespmem:s26+$0xC060] =	vst.add.f32.msk $0xffff, v2  }
0x270: {  	v0 =	vld [tilespmem:s26+$0x50]  }
0x271: {  	[tilespmem:s26+$0xC030] =	vst.add.f32.msk $0xffff, v4  }
0x272: {  	v2 =	vld [tilespmem:s26+$0x40]  }
0x273: {  	[tilespmem:s26+$0xC020] =	vst.add.f32.msk $0xffff, v3  }
0x274: {  	[tilespmem:s26+$0xC000] =	vst.add.f32.msk $0xffff, v5  }
0x275: {  	[tilespmem:s26+$0xC010] =	vst.add.f32.msk $0xffff, v1  }
0x276: {  	[tilespmem:s26+$0xC050] =	vst.add.f32.msk $0xffff, v0  }
0x277: {  	s8 =	sor.u32 s11, s8;
	[tilespmem:s26+$0xC040] =	vst.add.f32.msk $0xffff, v2  }
0x278: {  	v2 =	vld [tilespmem:s8+$0x60]  }
0x279: {  	v3 =	vld [tilespmem:s8+$0x50]  }
0x27a: {  	v1 =	vld [tilespmem:s8+$0x40]  }
0x27b: {  	v4 =	vld [tilespmem:s8+$0x30]  }
0x27c: {  	v0 =	vld [tilespmem:s8+$0x20]  }
0x27d: {  	v5 =	vld [tilespmem:s8+$0x10]  }
0x27e: {  	[tilespmem:s8+$0xC060] =	vst.add.f32.msk $0xffff, v2  }
0x27f: {  	[tilespmem:s8+$0xC050] =	vst.add.f32.msk $0xffff, v3  }
0x280: {  	[tilespmem:s8+$0xC030] =	vst.add.f32.msk $0xffff, v4  }
0x281: {  	v3 =	vld [tilespmem:s8+$0x0]  }
0x282: {  	v2 =	vld [tilespmem:s8+$0x70]  }
0x283: {  	s7 =	simm.s32 $0x1;
	[tilespmem:s8+$0xC010] =	vst.add.f32.msk $0xffff, v5  }
.LBB2_6:
0x284: {  	s3 =	smov.u32 s7  }
0x285: {  	s11 =	sshrl.u32 s7, $0x1;
	[tilespmem:s8+$0xC040] =	vst.add.f32.msk $0xffff, v1;
	s0 =	sadd.s32 $0x200, s0;
	s3 =	sadd.s32 $0x1, s7  }
0x286: {  	p1 =	sne.s32 s7, $0xF;
	s13 =	smul.u32 $0xC00, s11;
	[tilespmem:s8+$0xC020] =	vst.add.f32.msk $0xffff, v0  }
0x287: {  	s25 =	sand.u32 $0x200, s0;
	[tilespmem:s8+$0xC000] =	vst.add.f32.msk $0xffff, v3  }
0x288: {  	s26 =	sor.u32 s25, s13;
	s11 =	sadd.s32 $0x400, s13;
	s7 =	sadd.s32 $0x800, s13;
	[tilespmem:s8+$0xC070] =	vst.add.f32.msk $0xffff, v2  }
0x289: {  	s24 =	sor.u32 $0x80, s25;
	s23 =	sor.u32 $0x100, s25;
	s8 =	sor.u32 $0x180, s25;
	v0 =	vld [tilespmem:s26+$0x70]  }
0x28a: {  	v1 =	vld [tilespmem:s26+$0x50]  }
0x28b: {  	v2 =	vld [tilespmem:s26+$0x60]  }
0x28c: {  	v3 =	vld [tilespmem:s26+$0x20]  }
0x28d: {  	v4 =	vld [tilespmem:s26+$0x10]  }
0x28e: {  	v5 =	vld [tilespmem:s26+$0x0]  }
0x28f: {  	v6 =	vld [tilespmem:s26+$0x30]  }
0x290: {  	[tilespmem:s26+$0xC060] =	vst.add.f32.msk $0xffff, v2  }
0x291: {  	[tilespmem:s26+$0xC020] =	vst.add.f32.msk $0xffff, v3  }
0x292: {  	[tilespmem:s26+$0xC010] =	vst.add.f32.msk $0xffff, v4  }
0x293: {  	v2 =	vld [tilespmem:s26+$0x40]  }
0x294: {  	[tilespmem:s26+$0xC030] =	vst.add.f32.msk $0xffff, v6  }
0x295: {  	[tilespmem:s26+$0xC050] =	vst.add.f32.msk $0xffff, v1  }
0x296: {  	[tilespmem:s26+$0xC070] =	vst.add.f32.msk $0xffff, v0  }
0x297: {  	[tilespmem:s26+$0xC000] =	vst.add.f32.msk $0xffff, v5  }
0x298: {  	[tilespmem:s26+$0xC040] =	vst.add.f32.msk $0xffff, v2;
	s26 =	sor.u32 s25, s11  }
0x299: {  	v0 =	vld [tilespmem:s26+$0x70]  }
0x29a: {  	v1 =	vld [tilespmem:s26+$0x20]  }
0x29b: {  	v2 =	vld [tilespmem:s26+$0x50]  }
0x29c: {  	v3 =	vld [tilespmem:s26+$0x10]  }
0x29d: {  	v4 =	vld [tilespmem:s26+$0x60]  }
0x29e: {  	[tilespmem:s26+$0xC070] =	vst.add.f32.msk $0xffff, v0  }
0x29f: {  	v0 =	vld [tilespmem:s26+$0x30]  }
0x2a0: {  	v5 =	vld [tilespmem:s26+$0x40]  }
0x2a1: {  	v6 =	vld [tilespmem:s26+$0x0]  }
0x2a2: {  	[tilespmem:s26+$0xC060] =	vst.add.f32.msk $0xffff, v4  }
0x2a3: {  	[tilespmem:s26+$0xC050] =	vst.add.f32.msk $0xffff, v2  }
0x2a4: {  	[tilespmem:s26+$0xC030] =	vst.add.f32.msk $0xffff, v0  }
0x2a5: {  	[tilespmem:s26+$0xC040] =	vst.add.f32.msk $0xffff, v5  }
0x2a6: {  	[tilespmem:s26+$0xC010] =	vst.add.f32.msk $0xffff, v3  }
0x2a7: {  	[tilespmem:s26+$0xC020] =	vst.add.f32.msk $0xffff, v1  }
0x2a8: {  	s25 =	sor.u32 s25, s7;
	[tilespmem:s26+$0xC000] =	vst.add.f32.msk $0xffff, v6  }
0x2a9: {  	v0 =	vld [tilespmem:s25+$0x70]  }
0x2aa: {  	v1 =	vld [tilespmem:s25+$0x60]  }
0x2ab: {  	v2 =	vld [tilespmem:s25+$0x10]  }
0x2ac: {  	v3 =	vld [tilespmem:s25+$0x50]  }
0x2ad: {  	v4 =	vld [tilespmem:s25+$0x30]  }
0x2ae: {  	[tilespmem:s25+$0xC070] =	vst.add.f32.msk $0xffff, v0  }
0x2af: {  	v0 =	vld [tilespmem:s25+$0x40]  }
0x2b0: {  	v5 =	vld [tilespmem:s25+$0x0]  }
0x2b1: {  	[tilespmem:s25+$0xC060] =	vst.add.f32.msk $0xffff, v1  }
0x2b2: {  	[tilespmem:s25+$0xC010] =	vst.add.f32.msk $0xffff, v2  }
0x2b3: {  	v1 =	vld [tilespmem:s25+$0x20]  }
0x2b4: {  	[tilespmem:s25+$0xC040] =	vst.add.f32.msk $0xffff, v0  }
0x2b5: {  	[tilespmem:s25+$0xC000] =	vst.add.f32.msk $0xffff, v5  }
0x2b6: {  	[tilespmem:s25+$0xC050] =	vst.add.f32.msk $0xffff, v3  }
0x2b7: {  	[tilespmem:s25+$0xC030] =	vst.add.f32.msk $0xffff, v4  }
0x2b8: {  	[tilespmem:s25+$0xC020] =	vst.add.f32.msk $0xffff, v1;
	s25 =	sor.u32 s13, s24  }
0x2b9: {  	v0 =	vld [tilespmem:s25+$0x60]  }
0x2ba: {  	v1 =	vld [tilespmem:s25+$0x20]  }
0x2bb: {  	v2 =	vld [tilespmem:s25+$0x30]  }
0x2bc: {  	v3 =	vld [tilespmem:s25+$0x10]  }
0x2bd: {  	v4 =	vld [tilespmem:s25+$0x70]  }
0x2be: {  	[tilespmem:s25+$0xC060] =	vst.add.f32.msk $0xffff, v0  }
0x2bf: {  	[tilespmem:s25+$0xC020] =	vst.add.f32.msk $0xffff, v1  }
0x2c0: {  	v0 =	vld [tilespmem:s25+$0x50]  }
0x2c1: {  	v1 =	vld [tilespmem:s25+$0x0]  }
0x2c2: {  	[tilespmem:s25+$0xC010] =	vst.add.f32.msk $0xffff, v3  }
0x2c3: {  	v3 =	vld [tilespmem:s25+$0x40]  }
0x2c4: {  	[tilespmem:s25+$0xC070] =	vst.add.f32.msk $0xffff, v4  }
0x2c5: {  	[tilespmem:s25+$0xC050] =	vst.add.f32.msk $0xffff, v0  }
0x2c6: {  	[tilespmem:s25+$0xC000] =	vst.add.f32.msk $0xffff, v1  }
0x2c7: {  	[tilespmem:s25+$0xC030] =	vst.add.f32.msk $0xffff, v2  }
0x2c8: {  	[tilespmem:s25+$0xC040] =	vst.add.f32.msk $0xffff, v3;
	s25 =	sor.u32 s24, s11  }
0x2c9: {  	v0 =	vld [tilespmem:s25+$0x70]  }
0x2ca: {  	v1 =	vld [tilespmem:s25+$0x60]  }
0x2cb: {  	v2 =	vld [tilespmem:s25+$0x30]  }
0x2cc: {  	v3 =	vld [tilespmem:s25+$0x40]  }
0x2cd: {  	v4 =	vld [tilespmem:s25+$0x0]  }
0x2ce: {  	[tilespmem:s25+$0xC070] =	vst.add.f32.msk $0xffff, v0  }
0x2cf: {  	v0 =	vld [tilespmem:s25+$0x10]  }
0x2d0: {  	[tilespmem:s25+$0xC060] =	vst.add.f32.msk $0xffff, v1  }
0x2d1: {  	[tilespmem:s25+$0xC030] =	vst.add.f32.msk $0xffff, v2  }
0x2d2: {  	v1 =	vld [tilespmem:s25+$0x50]  }
0x2d3: {  	v2 =	vld [tilespmem:s25+$0x20]  }
0x2d4: {  	[tilespmem:s25+$0xC010] =	vst.add.f32.msk $0xffff, v0  }
0x2d5: {  	[tilespmem:s25+$0xC040] =	vst.add.f32.msk $0xffff, v3  }
0x2d6: {  	[tilespmem:s25+$0xC000] =	vst.add.f32.msk $0xffff, v4  }
0x2d7: {  	[tilespmem:s25+$0xC050] =	vst.add.f32.msk $0xffff, v1  }
0x2d8: {  	s24 =	sor.u32 s24, s7;
	[tilespmem:s25+$0xC020] =	vst.add.f32.msk $0xffff, v2  }
0x2d9: {  	v0 =	vld [tilespmem:s24+$0x70]  }
0x2da: {  	v1 =	vld [tilespmem:s24+$0x60]  }
0x2db: {  	v2 =	vld [tilespmem:s24+$0x50]  }
0x2dc: {  	v3 =	vld [tilespmem:s24+$0x20]  }
0x2dd: {  	v4 =	vld [tilespmem:s24+$0x10]  }
0x2de: {  	[tilespmem:s24+$0xC070] =	vst.add.f32.msk $0xffff, v0  }
0x2df: {  	v0 =	vld [tilespmem:s24+$0x30]  }
0x2e0: {  	v5 =	vld [tilespmem:s24+$0x0]  }
0x2e1: {  	[tilespmem:s24+$0xC060] =	vst.add.f32.msk $0xffff, v1  }
0x2e2: {  	[tilespmem:s24+$0xC050] =	vst.add.f32.msk $0xffff, v2  }
0x2e3: {  	v1 =	vld [tilespmem:s24+$0x40]  }
0x2e4: {  	[tilespmem:s24+$0xC030] =	vst.add.f32.msk $0xffff, v0  }
0x2e5: {  	[tilespmem:s24+$0xC000] =	vst.add.f32.msk $0xffff, v5  }
0x2e6: {  	[tilespmem:s24+$0xC010] =	vst.add.f32.msk $0xffff, v4  }
0x2e7: {  	[tilespmem:s24+$0xC020] =	vst.add.f32.msk $0xffff, v3  }
0x2e8: {  	[tilespmem:s24+$0xC040] =	vst.add.f32.msk $0xffff, v1;
	s24 =	sor.u32 s13, s23  }
0x2e9: {  	v0 =	vld [tilespmem:s24+$0x70]  }
0x2ea: {  	v1 =	vld [tilespmem:s24+$0x30]  }
0x2eb: {  	v2 =	vld [tilespmem:s24+$0x20]  }
0x2ec: {  	v3 =	vld [tilespmem:s24+$0x50]  }
0x2ed: {  	v4 =	vld [tilespmem:s24+$0x60]  }
0x2ee: {  	[tilespmem:s24+$0xC070] =	vst.add.f32.msk $0xffff, v0  }
0x2ef: {  	v0 =	vld [tilespmem:s24+$0x40]  }
0x2f0: {  	v5 =	vld [tilespmem:s24+$0x10]  }
0x2f1: {  	[tilespmem:s24+$0xC030] =	vst.add.f32.msk $0xffff, v1  }
0x2f2: {  	[tilespmem:s24+$0xC020] =	vst.add.f32.msk $0xffff, v2  }
0x2f3: {  	v1 =	vld [tilespmem:s24+$0x0]  }
0x2f4: {  	[tilespmem:s24+$0xC040] =	vst.add.f32.msk $0xffff, v0  }
0x2f5: {  	[tilespmem:s24+$0xC010] =	vst.add.f32.msk $0xffff, v5  }
0x2f6: {  	[tilespmem:s24+$0xC050] =	vst.add.f32.msk $0xffff, v3  }
0x2f7: {  	[tilespmem:s24+$0xC060] =	vst.add.f32.msk $0xffff, v4  }
0x2f8: {  	[tilespmem:s24+$0xC000] =	vst.add.f32.msk $0xffff, v1;
	s24 =	sor.u32 s23, s11  }
0x2f9: {  	v0 =	vld [tilespmem:s24+$0x70]  }
0x2fa: {  	v1 =	vld [tilespmem:s24+$0x20]  }
0x2fb: {  	v2 =	vld [tilespmem:s24+$0x60]  }
0x2fc: {  	v3 =	vld [tilespmem:s24+$0x40]  }
0x2fd: {  	v4 =	vld [tilespmem:s24+$0x50]  }
0x2fe: {  	[tilespmem:s24+$0xC070] =	vst.add.f32.msk $0xffff, v0  }
0x2ff: {  	v0 =	vld [tilespmem:s24+$0x0]  }
0x300: {  	v5 =	vld [tilespmem:s24+$0x10]  }
0x301: {  	[tilespmem:s24+$0xC020] =	vst.add.f32.msk $0xffff, v1  }
0x302: {  	[tilespmem:s24+$0xC050] =	vst.add.f32.msk $0xffff, v4  }
0x303: {  	v1 =	vld [tilespmem:s24+$0x30]  }
0x304: {  	[tilespmem:s24+$0xC000] =	vst.add.f32.msk $0xffff, v0  }
0x305: {  	[tilespmem:s24+$0xC040] =	vst.add.f32.msk $0xffff, v3  }
0x306: {  	[tilespmem:s24+$0xC010] =	vst.add.f32.msk $0xffff, v5  }
0x307: {  	[tilespmem:s24+$0xC060] =	vst.add.f32.msk $0xffff, v2  }
0x308: {  	s23 =	sor.u32 s23, s7;
	[tilespmem:s24+$0xC030] =	vst.add.f32.msk $0xffff, v1  }
0x309: {  	v0 =	vld [tilespmem:s23+$0x50]  }
0x30a: {  	v1 =	vld [tilespmem:s23+$0x70]  }
0x30b: {  	v2 =	vld [tilespmem:s23+$0x60]  }
0x30c: {  	v3 =	vld [tilespmem:s23+$0x10]  }
0x30d: {  	v4 =	vld [tilespmem:s23+$0x20]  }
0x30e: {  	v5 =	vld [tilespmem:s23+$0x40]  }
0x30f: {  	[tilespmem:s23+$0xC070] =	vst.add.f32.msk $0xffff, v1  }
0x310: {  	v1 =	vld [tilespmem:s23+$0x0]  }
0x311: {  	[tilespmem:s23+$0xC060] =	vst.add.f32.msk $0xffff, v2  }
0x312: {  	[tilespmem:s23+$0xC010] =	vst.add.f32.msk $0xffff, v3  }
0x313: {  	v2 =	vld [tilespmem:s23+$0x30]  }
0x314: {  	[tilespmem:s23+$0xC050] =	vst.add.f32.msk $0xffff, v0  }
0x315: {  	[tilespmem:s23+$0xC000] =	vst.add.f32.msk $0xffff, v1  }
0x316: {  	[tilespmem:s23+$0xC020] =	vst.add.f32.msk $0xffff, v4  }
0x317: {  	[tilespmem:s23+$0xC040] =	vst.add.f32.msk $0xffff, v5  }
0x318: {  	s13 =	sor.u32 s13, s8;
	[tilespmem:s23+$0xC030] =	vst.add.f32.msk $0xffff, v2  }
0x319: {  	v0 =	vld [tilespmem:s13+$0x70]  }
0x31a: {  	v1 =	vld [tilespmem:s13+$0x10]  }
0x31b: {  	v2 =	vld [tilespmem:s13+$0x40]  }
0x31c: {  	v3 =	vld [tilespmem:s13+$0x30]  }
0x31d: {  	v4 =	vld [tilespmem:s13+$0x50]  }
0x31e: {  	[tilespmem:s13+$0xC070] =	vst.add.f32.msk $0xffff, v0  }
0x31f: {  	v0 =	vld [tilespmem:s13+$0x60]  }
0x320: {  	v5 =	vld [tilespmem:s13+$0x20]  }
0x321: {  	[tilespmem:s13+$0xC010] =	vst.add.f32.msk $0xffff, v1  }
0x322: {  	[tilespmem:s13+$0xC040] =	vst.add.f32.msk $0xffff, v2  }
0x323: {  	v1 =	vld [tilespmem:s13+$0x0]  }
0x324: {  	[tilespmem:s13+$0xC060] =	vst.add.f32.msk $0xffff, v0  }
0x325: {  	[tilespmem:s13+$0xC020] =	vst.add.f32.msk $0xffff, v5  }
0x326: {  	[tilespmem:s13+$0xC030] =	vst.add.f32.msk $0xffff, v3  }
0x327: {  	[tilespmem:s13+$0xC050] =	vst.add.f32.msk $0xffff, v4  }
0x328: {  	s11 =	sor.u32 s8, s11;
	[tilespmem:s13+$0xC000] =	vst.add.f32.msk $0xffff, v1  }
0x329: {  	v0 =	vld [tilespmem:s11+$0x70]  }
0x32a: {  	v1 =	vld [tilespmem:s11+$0x10]  }
0x32b: {  	v2 =	vld [tilespmem:s11+$0x60]  }
0x32c: {  	v3 =	vld [tilespmem:s11+$0x20]  }
0x32d: {  	v4 =	vld [tilespmem:s11+$0x30]  }
0x32e: {  	v5 =	vld [tilespmem:s11+$0x0]  }
0x32f: {  	[tilespmem:s11+$0xC070] =	vst.add.f32.msk $0xffff, v0  }
0x330: {  	[tilespmem:s11+$0xC060] =	vst.add.f32.msk $0xffff, v2  }
0x331: {  	v0 =	vld [tilespmem:s11+$0x50]  }
0x332: {  	[tilespmem:s11+$0xC030] =	vst.add.f32.msk $0xffff, v4  }
0x333: {  	v2 =	vld [tilespmem:s11+$0x40]  }
0x334: {  	[tilespmem:s11+$0xC020] =	vst.add.f32.msk $0xffff, v3  }
0x335: {  	[tilespmem:s11+$0xC000] =	vst.add.f32.msk $0xffff, v5  }
0x336: {  	[tilespmem:s11+$0xC050] =	vst.add.f32.msk $0xffff, v0  }
0x337: {  	[tilespmem:s11+$0xC010] =	vst.add.f32.msk $0xffff, v1  }
0x338: {  	s8 =	sor.u32 s8, s7;
	[tilespmem:s11+$0xC040] =	vst.add.f32.msk $0xffff, v2  }
0x339: {  	v2 =	vld [tilespmem:s8+$0x60]  }
0x33a: {  	v3 =	vld [tilespmem:s8+$0x50]  }
0x33b: {  	v1 =	vld [tilespmem:s8+$0x40]  }
0x33c: {  	v4 =	vld [tilespmem:s8+$0x30]  }
0x33d: {  	v0 =	vld [tilespmem:s8+$0x20]  }
0x33e: {  	[tilespmem:s8+$0xC060] =	vst.add.f32.msk $0xffff, v2  }
0x33f: {  	v5 =	vld [tilespmem:s8+$0x10]  }
.Ltmp6:
0x340: {  	[tilespmem:s8+$0xC050] =	vst.add.f32.msk $0xffff, v3;
	(pc) =	sbr.rel @p1 .LBB2_6-.Ltmp6, $4  }
0x341: {  	[tilespmem:s8+$0xC030] =	vst.add.f32.msk $0xffff, v4  }
0x342: {  	v3 =	vld [tilespmem:s8+$0x0]  }
0x343: {  	v2 =	vld [tilespmem:s8+$0x70]  }
0x344: {  	s7 =	smov.u32 s3;
	[tilespmem:s8+$0xC010] =	vst.add.f32.msk $0xffff, v5  }
0x345: {  	s0 =	sshll.u32 s2, $0x5  }
0x346: {  	[tilespmem:s8+$0xC040] =	vst.add.f32.msk $0xffff, v1;
	s0 =	sor.u32 s5, s0  }
0x347: {  	[tilespmem:s8+$0xC020] =	vst.add.f32.msk $0xffff, v0;
	s0 =	smul.u32 $0xC00, s0  }
0x348: {  	[tilespmem:s8+$0xC000] =	vst.add.f32.msk $0xffff, v3  }
0x349: {  	[tilespmem:s8+$0xC070] =	vst.add.f32.msk $0xffff, v2;
	s0 =	sadd.s32 s4, s0  }
0x34a: {  	[hbm4b:s0+s6] =	stream.linear.scatter [tilespmem:s15], [sflag:$0x6], $0x6000, $0x38;
	[tilespmem:$0x1E000] =	vst v63  }
.LBB2_8:
.Ltmp7:
0x34b: {  	(pc) =	sbr.rel @p0 .LBB2_12-.Ltmp7, $1  }
0x34c: {  	_ =	sdelay $0x3  }
0x34d: {  	_ =	swait.ge [sflag:s19], $0x6000  }
0x34e: {  	[sflag:s19] =	ssyncset.done $0x0  }
0x34f: {  	s0 =	sadd.s32 s9, s31;
	[sflag:s19] =	ssyncadd.s32 $0xFFFFA000  }
0x350: {  	s0 =	smul.u32 $0xC00, s0;
	_ =	swait.ge [sflag:s20], $0x6000  }
0x351: {  	s25 =	simm.s32 $0x0;
	[sflag:s20] =	ssyncset.done $0x0  }
0x352: {  	s2 =	sadd.s32 s1, s0;
	s0 =	simm.s32 $0x0;
	[sflag:s20] =	ssyncadd.s32 $0xFFFFA000  }
0x353: {  	[tilespmem:s14], [sflag:$0x1] =	stream.linear.gather [hbm4b:s2+s0], $0x6000, $0x38;
	[tilespmem:$0x1E000] =	vst v63  }
0x354: {  	s2 =	smul.u32 $0xC00, s25  }
0x355: {  	s8 =	sand.u32 $0x200, s0  }
0x356: {  	s7 =	sor.u32 s8, s2  }
0x357: {  	v0 =	vld [tilespmem:s7+$0x70]  }
0x358: {  	v1 =	vld [tilespmem:s7+$0x50]  }
0x359: {  	v2 =	vld [tilespmem:s7+$0x60]  }
0x35a: {  	v3 =	vld [tilespmem:s7+$0x20]  }
0x35b: {  	v4 =	vld [tilespmem:s7+$0x10]  }
0x35c: {  	v5 =	vld [tilespmem:s7+$0x0]  }
0x35d: {  	v6 =	vld [tilespmem:s7+$0x30]  }
0x35e: {  	[tilespmem:s7+$0x12060] =	vst.add.f32.msk $0xffff, v2  }
0x35f: {  	[tilespmem:s7+$0x12020] =	vst.add.f32.msk $0xffff, v3  }
0x360: {  	[tilespmem:s7+$0x12010] =	vst.add.f32.msk $0xffff, v4  }
0x361: {  	v2 =	vld [tilespmem:s7+$0x40]  }
0x362: {  	[tilespmem:s7+$0x12030] =	vst.add.f32.msk $0xffff, v6  }
0x363: {  	[tilespmem:s7+$0x12050] =	vst.add.f32.msk $0xffff, v1  }
0x364: {  	[tilespmem:s7+$0x12070] =	vst.add.f32.msk $0xffff, v0  }
0x365: {  	s3 =	sadd.s32 $0x400, s2;
	[tilespmem:s7+$0x12000] =	vst.add.f32.msk $0xffff, v5  }
0x366: {  	s11 =	sor.u32 s8, s3;
	[tilespmem:s7+$0x12040] =	vst.add.f32.msk $0xffff, v2  }
0x367: {  	v0 =	vld [tilespmem:s11+$0x70]  }
0x368: {  	v1 =	vld [tilespmem:s11+$0x20]  }
0x369: {  	v2 =	vld [tilespmem:s11+$0x50]  }
0x36a: {  	v3 =	vld [tilespmem:s11+$0x10]  }
0x36b: {  	v4 =	vld [tilespmem:s11+$0x60]  }
0x36c: {  	v5 =	vld [tilespmem:s11+$0x40]  }
0x36d: {  	v6 =	vld [tilespmem:s11+$0x0]  }
0x36e: {  	[tilespmem:s11+$0x12070] =	vst.add.f32.msk $0xffff, v0  }
0x36f: {  	v0 =	vld [tilespmem:s11+$0x30]  }
0x370: {  	[tilespmem:s11+$0x12060] =	vst.add.f32.msk $0xffff, v4  }
0x371: {  	[tilespmem:s11+$0x12050] =	vst.add.f32.msk $0xffff, v2  }
0x372: {  	[tilespmem:s11+$0x12040] =	vst.add.f32.msk $0xffff, v5  }
0x373: {  	[tilespmem:s11+$0x12010] =	vst.add.f32.msk $0xffff, v3  }
0x374: {  	[tilespmem:s11+$0x12020] =	vst.add.f32.msk $0xffff, v1  }
0x375: {  	s7 =	sadd.s32 $0x800, s2;
	[tilespmem:s11+$0x12000] =	vst.add.f32.msk $0xffff, v6  }
0x376: {  	s26 =	sor.u32 s8, s7;
	[tilespmem:s11+$0x12030] =	vst.add.f32.msk $0xffff, v0  }
0x377: {  	v0 =	vld [tilespmem:s26+$0x70]  }
0x378: {  	v1 =	vld [tilespmem:s26+$0x60]  }
0x379: {  	v2 =	vld [tilespmem:s26+$0x10]  }
0x37a: {  	v3 =	vld [tilespmem:s26+$0x50]  }
0x37b: {  	v4 =	vld [tilespmem:s26+$0x30]  }
0x37c: {  	v5 =	vld [tilespmem:s26+$0x0]  }
0x37d: {  	[tilespmem:s26+$0x12070] =	vst.add.f32.msk $0xffff, v0  }
0x37e: {  	v0 =	vld [tilespmem:s26+$0x40]  }
0x37f: {  	[tilespmem:s26+$0x12060] =	vst.add.f32.msk $0xffff, v1  }
0x380: {  	[tilespmem:s26+$0x12010] =	vst.add.f32.msk $0xffff, v2  }
0x381: {  	v1 =	vld [tilespmem:s26+$0x20]  }
0x382: {  	[tilespmem:s26+$0x12000] =	vst.add.f32.msk $0xffff, v5  }
0x383: {  	[tilespmem:s26+$0x12050] =	vst.add.f32.msk $0xffff, v3  }
0x384: {  	[tilespmem:s26+$0x12030] =	vst.add.f32.msk $0xffff, v4  }
0x385: {  	s13 =	sor.u32 $0x80, s8;
	[tilespmem:s26+$0x12040] =	vst.add.f32.msk $0xffff, v0  }
0x386: {  	s23 =	sor.u32 s2, s13;
	[tilespmem:s26+$0x12020] =	vst.add.f32.msk $0xffff, v1  }
0x387: {  	v0 =	vld [tilespmem:s23+$0x60]  }
0x388: {  	v1 =	vld [tilespmem:s23+$0x20]  }
0x389: {  	v2 =	vld [tilespmem:s23+$0x30]  }
0x38a: {  	v3 =	vld [tilespmem:s23+$0x10]  }
0x38b: {  	v4 =	vld [tilespmem:s23+$0x70]  }
0x38c: {  	[tilespmem:s23+$0x12060] =	vst.add.f32.msk $0xffff, v0  }
0x38d: {  	[tilespmem:s23+$0x12020] =	vst.add.f32.msk $0xffff, v1  }
0x38e: {  	v0 =	vld [tilespmem:s23+$0x50]  }
0x38f: {  	v1 =	vld [tilespmem:s23+$0x0]  }
0x390: {  	[tilespmem:s23+$0x12010] =	vst.add.f32.msk $0xffff, v3  }
0x391: {  	v3 =	vld [tilespmem:s23+$0x40]  }
0x392: {  	[tilespmem:s23+$0x12070] =	vst.add.f32.msk $0xffff, v4  }
0x393: {  	[tilespmem:s23+$0x12030] =	vst.add.f32.msk $0xffff, v2  }
0x394: {  	[tilespmem:s23+$0x12050] =	vst.add.f32.msk $0xffff, v0  }
0x395: {  	[tilespmem:s23+$0x12000] =	vst.add.f32.msk $0xffff, v1  }
0x396: {  	s24 =	sor.u32 s13, s3;
	[tilespmem:s23+$0x12040] =	vst.add.f32.msk $0xffff, v3  }
0x397: {  	v0 =	vld [tilespmem:s24+$0x70]  }
0x398: {  	v1 =	vld [tilespmem:s24+$0x60]  }
0x399: {  	v2 =	vld [tilespmem:s24+$0x30]  }
0x39a: {  	v3 =	vld [tilespmem:s24+$0x40]  }
0x39b: {  	v4 =	vld [tilespmem:s24+$0x0]  }
0x39c: {  	[tilespmem:s24+$0x12070] =	vst.add.f32.msk $0xffff, v0  }
0x39d: {  	v0 =	vld [tilespmem:s24+$0x10]  }
0x39e: {  	[tilespmem:s24+$0x12060] =	vst.add.f32.msk $0xffff, v1  }
0x39f: {  	[tilespmem:s24+$0x12030] =	vst.add.f32.msk $0xffff, v2  }
0x3a0: {  	v1 =	vld [tilespmem:s24+$0x50]  }
0x3a1: {  	v2 =	vld [tilespmem:s24+$0x20]  }
0x3a2: {  	[tilespmem:s24+$0x12040] =	vst.add.f32.msk $0xffff, v3  }
0x3a3: {  	[tilespmem:s24+$0x12000] =	vst.add.f32.msk $0xffff, v4  }
0x3a4: {  	[tilespmem:s24+$0x12010] =	vst.add.f32.msk $0xffff, v0  }
0x3a5: {  	[tilespmem:s24+$0x12050] =	vst.add.f32.msk $0xffff, v1  }
0x3a6: {  	s25 =	sor.u32 s13, s7;
	[tilespmem:s24+$0x12020] =	vst.add.f32.msk $0xffff, v2  }
0x3a7: {  	v0 =	vld [tilespmem:s25+$0x70]  }
0x3a8: {  	v1 =	vld [tilespmem:s25+$0x60]  }
0x3a9: {  	v2 =	vld [tilespmem:s25+$0x50]  }
0x3aa: {  	v3 =	vld [tilespmem:s25+$0x20]  }
0x3ab: {  	v4 =	vld [tilespmem:s25+$0x10]  }
0x3ac: {  	v5 =	vld [tilespmem:s25+$0x0]  }
0x3ad: {  	[tilespmem:s25+$0x12070] =	vst.add.f32.msk $0xffff, v0  }
0x3ae: {  	v0 =	vld [tilespmem:s25+$0x30]  }
0x3af: {  	[tilespmem:s25+$0x12060] =	vst.add.f32.msk $0xffff, v1  }
0x3b0: {  	[tilespmem:s25+$0x12050] =	vst.add.f32.msk $0xffff, v2  }
0x3b1: {  	v1 =	vld [tilespmem:s25+$0x40]  }
0x3b2: {  	[tilespmem:s25+$0x12000] =	vst.add.f32.msk $0xffff, v5  }
0x3b3: {  	[tilespmem:s25+$0x12010] =	vst.add.f32.msk $0xffff, v4  }
0x3b4: {  	[tilespmem:s25+$0x12020] =	vst.add.f32.msk $0xffff, v3  }
0x3b5: {  	s26 =	sor.u32 $0x100, s8;
	[tilespmem:s25+$0x12030] =	vst.add.f32.msk $0xffff, v0  }
0x3b6: {  	s23 =	sor.u32 s2, s26;
	[tilespmem:s25+$0x12040] =	vst.add.f32.msk $0xffff, v1  }
0x3b7: {  	v0 =	vld [tilespmem:s23+$0x70]  }
0x3b8: {  	v1 =	vld [tilespmem:s23+$0x30]  }
0x3b9: {  	v2 =	vld [tilespmem:s23+$0x20]  }
0x3ba: {  	v3 =	vld [tilespmem:s23+$0x50]  }
0x3bb: {  	v4 =	vld [tilespmem:s23+$0x60]  }
0x3bc: {  	v5 =	vld [tilespmem:s23+$0x10]  }
0x3bd: {  	[tilespmem:s23+$0x12070] =	vst.add.f32.msk $0xffff, v0  }
0x3be: {  	v0 =	vld [tilespmem:s23+$0x40]  }
0x3bf: {  	[tilespmem:s23+$0x12030] =	vst.add.f32.msk $0xffff, v1  }
0x3c0: {  	[tilespmem:s23+$0x12020] =	vst.add.f32.msk $0xffff, v2  }
0x3c1: {  	v1 =	vld [tilespmem:s23+$0x0]  }
0x3c2: {  	[tilespmem:s23+$0x12010] =	vst.add.f32.msk $0xffff, v5  }
0x3c3: {  	[tilespmem:s23+$0x12050] =	vst.add.f32.msk $0xffff, v3  }
0x3c4: {  	[tilespmem:s23+$0x12060] =	vst.add.f32.msk $0xffff, v4  }
0x3c5: {  	[tilespmem:s23+$0x12040] =	vst.add.f32.msk $0xffff, v0  }
0x3c6: {  	s24 =	sor.u32 s26, s3;
	[tilespmem:s23+$0x12000] =	vst.add.f32.msk $0xffff, v1  }
0x3c7: {  	v0 =	vld [tilespmem:s24+$0x70]  }
0x3c8: {  	v1 =	vld [tilespmem:s24+$0x20]  }
0x3c9: {  	v2 =	vld [tilespmem:s24+$0x60]  }
0x3ca: {  	v3 =	vld [tilespmem:s24+$0x40]  }
0x3cb: {  	v4 =	vld [tilespmem:s24+$0x50]  }
0x3cc: {  	v5 =	vld [tilespmem:s24+$0x10]  }
0x3cd: {  	[tilespmem:s24+$0x12070] =	vst.add.f32.msk $0xffff, v0  }
0x3ce: {  	v0 =	vld [tilespmem:s24+$0x0]  }
0x3cf: {  	[tilespmem:s24+$0x12020] =	vst.add.f32.msk $0xffff, v1  }
0x3d0: {  	[tilespmem:s24+$0x12050] =	vst.add.f32.msk $0xffff, v4  }
0x3d1: {  	v1 =	vld [tilespmem:s24+$0x30]  }
0x3d2: {  	[tilespmem:s24+$0x12040] =	vst.add.f32.msk $0xffff, v3  }
0x3d3: {  	[tilespmem:s24+$0x12010] =	vst.add.f32.msk $0xffff, v5  }
0x3d4: {  	[tilespmem:s24+$0x12060] =	vst.add.f32.msk $0xffff, v2  }
0x3d5: {  	[tilespmem:s24+$0x12000] =	vst.add.f32.msk $0xffff, v0  }
0x3d6: {  	s25 =	sor.u32 s26, s7;
	[tilespmem:s24+$0x12030] =	vst.add.f32.msk $0xffff, v1  }
0x3d7: {  	v0 =	vld [tilespmem:s25+$0x50]  }
0x3d8: {  	v1 =	vld [tilespmem:s25+$0x70]  }
0x3d9: {  	v2 =	vld [tilespmem:s25+$0x60]  }
0x3da: {  	v3 =	vld [tilespmem:s25+$0x10]  }
0x3db: {  	v4 =	vld [tilespmem:s25+$0x20]  }
0x3dc: {  	v5 =	vld [tilespmem:s25+$0x40]  }
0x3dd: {  	[tilespmem:s25+$0x12070] =	vst.add.f32.msk $0xffff, v1  }
0x3de: {  	v1 =	vld [tilespmem:s25+$0x0]  }
0x3df: {  	[tilespmem:s25+$0x12060] =	vst.add.f32.msk $0xffff, v2  }
0x3e0: {  	[tilespmem:s25+$0x12010] =	vst.add.f32.msk $0xffff, v3  }
0x3e1: {  	v2 =	vld [tilespmem:s25+$0x30]  }
0x3e2: {  	[tilespmem:s25+$0x12050] =	vst.add.f32.msk $0xffff, v0  }
0x3e3: {  	[tilespmem:s25+$0x12020] =	vst.add.f32.msk $0xffff, v4  }
0x3e4: {  	[tilespmem:s25+$0x12040] =	vst.add.f32.msk $0xffff, v5  }
0x3e5: {  	s8 =	sor.u32 $0x180, s8;
	[tilespmem:s25+$0x12000] =	vst.add.f32.msk $0xffff, v1  }
0x3e6: {  	s2 =	sor.u32 s2, s8;
	[tilespmem:s25+$0x12030] =	vst.add.f32.msk $0xffff, v2  }
0x3e7: {  	v0 =	vld [tilespmem:s2+$0x70]  }
0x3e8: {  	v1 =	vld [tilespmem:s2+$0x10]  }
0x3e9: {  	v2 =	vld [tilespmem:s2+$0x40]  }
0x3ea: {  	v3 =	vld [tilespmem:s2+$0x30]  }
0x3eb: {  	v4 =	vld [tilespmem:s2+$0x50]  }
0x3ec: {  	v5 =	vld [tilespmem:s2+$0x20]  }
0x3ed: {  	[tilespmem:s2+$0x12070] =	vst.add.f32.msk $0xffff, v0  }
0x3ee: {  	v0 =	vld [tilespmem:s2+$0x60]  }
0x3ef: {  	[tilespmem:s2+$0x12010] =	vst.add.f32.msk $0xffff, v1  }
0x3f0: {  	[tilespmem:s2+$0x12040] =	vst.add.f32.msk $0xffff, v2  }
0x3f1: {  	v1 =	vld [tilespmem:s2+$0x0]  }
0x3f2: {  	[tilespmem:s2+$0x12020] =	vst.add.f32.msk $0xffff, v5  }
0x3f3: {  	[tilespmem:s2+$0x12030] =	vst.add.f32.msk $0xffff, v3  }
0x3f4: {  	[tilespmem:s2+$0x12050] =	vst.add.f32.msk $0xffff, v4  }
0x3f5: {  	[tilespmem:s2+$0x12060] =	vst.add.f32.msk $0xffff, v0  }
0x3f6: {  	s26 =	sor.u32 s8, s3;
	[tilespmem:s2+$0x12000] =	vst.add.f32.msk $0xffff, v1  }
0x3f7: {  	v0 =	vld [tilespmem:s26+$0x70]  }
0x3f8: {  	v1 =	vld [tilespmem:s26+$0x10]  }
0x3f9: {  	v2 =	vld [tilespmem:s26+$0x60]  }
0x3fa: {  	v3 =	vld [tilespmem:s26+$0x20]  }
0x3fb: {  	v4 =	vld [tilespmem:s26+$0x30]  }
0x3fc: {  	v5 =	vld [tilespmem:s26+$0x0]  }
0x3fd: {  	[tilespmem:s26+$0x12070] =	vst.add.f32.msk $0xffff, v0  }
0x3fe: {  	[tilespmem:s26+$0x12060] =	vst.add.f32.msk $0xffff, v2  }
0x3ff: {  	v0 =	vld [tilespmem:s26+$0x50]  }
0x400: {  	[tilespmem:s26+$0x12030] =	vst.add.f32.msk $0xffff, v4  }
0x401: {  	v2 =	vld [tilespmem:s26+$0x40]  }
0x402: {  	[tilespmem:s26+$0x12020] =	vst.add.f32.msk $0xffff, v3  }
0x403: {  	[tilespmem:s26+$0x12000] =	vst.add.f32.msk $0xffff, v5  }
0x404: {  	[tilespmem:s26+$0x12010] =	vst.add.f32.msk $0xffff, v1  }
0x405: {  	[tilespmem:s26+$0x12050] =	vst.add.f32.msk $0xffff, v0  }
0x406: {  	s7 =	sor.u32 s8, s7;
	[tilespmem:s26+$0x12040] =	vst.add.f32.msk $0xffff, v2  }
0x407: {  	v2 =	vld [tilespmem:s7+$0x60]  }
0x408: {  	v3 =	vld [tilespmem:s7+$0x50]  }
0x409: {  	v1 =	vld [tilespmem:s7+$0x40]  }
0x40a: {  	v4 =	vld [tilespmem:s7+$0x30]  }
0x40b: {  	v0 =	vld [tilespmem:s7+$0x20]  }
0x40c: {  	v5 =	vld [tilespmem:s7+$0x10]  }
0x40d: {  	[tilespmem:s7+$0x12060] =	vst.add.f32.msk $0xffff, v2  }
0x40e: {  	[tilespmem:s7+$0x12050] =	vst.add.f32.msk $0xffff, v3  }
0x40f: {  	[tilespmem:s7+$0x12030] =	vst.add.f32.msk $0xffff, v4  }
0x410: {  	v3 =	vld [tilespmem:s7+$0x0]  }
0x411: {  	v2 =	vld [tilespmem:s7+$0x70]  }
0x412: {  	s3 =	simm.s32 $0x1;
	[tilespmem:s7+$0x12010] =	vst.add.f32.msk $0xffff, v5  }
.LBB2_10:
0x413: {  	s2 =	smov.u32 s3  }
0x414: {  	s8 =	sshrl.u32 s3, $0x1;
	[tilespmem:s7+$0x12040] =	vst.add.f32.msk $0xffff, v1;
	s0 =	sadd.s32 $0x200, s0;
	s2 =	sadd.s32 $0x1, s3  }
0x415: {  	p0 =	sne.s32 s3, $0xF;
	s11 =	smul.u32 $0xC00, s8;
	[tilespmem:s7+$0x12020] =	vst.add.f32.msk $0xffff, v0  }
0x416: {  	s24 =	sand.u32 $0x200, s0;
	[tilespmem:s7+$0x12000] =	vst.add.f32.msk $0xffff, v3  }
0x417: {  	s25 =	sor.u32 s24, s11;
	s8 =	sadd.s32 $0x400, s11;
	s3 =	sadd.s32 $0x800, s11;
	[tilespmem:s7+$0x12070] =	vst.add.f32.msk $0xffff, v2  }
0x418: {  	s23 =	sor.u32 $0x80, s24;
	s13 =	sor.u32 $0x100, s24;
	s7 =	sor.u32 $0x180, s24;
	v0 =	vld [tilespmem:s25+$0x70]  }
0x419: {  	v1 =	vld [tilespmem:s25+$0x50]  }
0x41a: {  	v2 =	vld [tilespmem:s25+$0x60]  }
0x41b: {  	v3 =	vld [tilespmem:s25+$0x20]  }
0x41c: {  	v4 =	vld [tilespmem:s25+$0x10]  }
0x41d: {  	v5 =	vld [tilespmem:s25+$0x0]  }
0x41e: {  	v6 =	vld [tilespmem:s25+$0x30]  }
0x41f: {  	[tilespmem:s25+$0x12060] =	vst.add.f32.msk $0xffff, v2  }
0x420: {  	[tilespmem:s25+$0x12020] =	vst.add.f32.msk $0xffff, v3  }
0x421: {  	[tilespmem:s25+$0x12010] =	vst.add.f32.msk $0xffff, v4  }
0x422: {  	v2 =	vld [tilespmem:s25+$0x40]  }
0x423: {  	[tilespmem:s25+$0x12030] =	vst.add.f32.msk $0xffff, v6  }
0x424: {  	[tilespmem:s25+$0x12050] =	vst.add.f32.msk $0xffff, v1  }
0x425: {  	[tilespmem:s25+$0x12070] =	vst.add.f32.msk $0xffff, v0  }
0x426: {  	[tilespmem:s25+$0x12000] =	vst.add.f32.msk $0xffff, v5  }
0x427: {  	[tilespmem:s25+$0x12040] =	vst.add.f32.msk $0xffff, v2;
	s25 =	sor.u32 s24, s8  }
0x428: {  	v0 =	vld [tilespmem:s25+$0x70]  }
0x429: {  	v1 =	vld [tilespmem:s25+$0x20]  }
0x42a: {  	v2 =	vld [tilespmem:s25+$0x50]  }
0x42b: {  	v3 =	vld [tilespmem:s25+$0x10]  }
0x42c: {  	v4 =	vld [tilespmem:s25+$0x60]  }
0x42d: {  	[tilespmem:s25+$0x12070] =	vst.add.f32.msk $0xffff, v0  }
0x42e: {  	v0 =	vld [tilespmem:s25+$0x30]  }
0x42f: {  	v5 =	vld [tilespmem:s25+$0x40]  }
0x430: {  	v6 =	vld [tilespmem:s25+$0x0]  }
0x431: {  	[tilespmem:s25+$0x12060] =	vst.add.f32.msk $0xffff, v4  }
0x432: {  	[tilespmem:s25+$0x12050] =	vst.add.f32.msk $0xffff, v2  }
0x433: {  	[tilespmem:s25+$0x12030] =	vst.add.f32.msk $0xffff, v0  }
0x434: {  	[tilespmem:s25+$0x12040] =	vst.add.f32.msk $0xffff, v5  }
0x435: {  	[tilespmem:s25+$0x12010] =	vst.add.f32.msk $0xffff, v3  }
0x436: {  	[tilespmem:s25+$0x12020] =	vst.add.f32.msk $0xffff, v1  }
0x437: {  	s24 =	sor.u32 s24, s3;
	[tilespmem:s25+$0x12000] =	vst.add.f32.msk $0xffff, v6  }
0x438: {  	v0 =	vld [tilespmem:s24+$0x70]  }
0x439: {  	v1 =	vld [tilespmem:s24+$0x60]  }
0x43a: {  	v2 =	vld [tilespmem:s24+$0x10]  }
0x43b: {  	v3 =	vld [tilespmem:s24+$0x50]  }
0x43c: {  	v4 =	vld [tilespmem:s24+$0x30]  }
0x43d: {  	[tilespmem:s24+$0x12070] =	vst.add.f32.msk $0xffff, v0  }
0x43e: {  	v0 =	vld [tilespmem:s24+$0x40]  }
0x43f: {  	v5 =	vld [tilespmem:s24+$0x0]  }
0x440: {  	[tilespmem:s24+$0x12060] =	vst.add.f32.msk $0xffff, v1  }
0x441: {  	[tilespmem:s24+$0x12010] =	vst.add.f32.msk $0xffff, v2  }
0x442: {  	v1 =	vld [tilespmem:s24+$0x20]  }
0x443: {  	[tilespmem:s24+$0x12040] =	vst.add.f32.msk $0xffff, v0  }
0x444: {  	[tilespmem:s24+$0x12000] =	vst.add.f32.msk $0xffff, v5  }
0x445: {  	[tilespmem:s24+$0x12050] =	vst.add.f32.msk $0xffff, v3  }
0x446: {  	[tilespmem:s24+$0x12030] =	vst.add.f32.msk $0xffff, v4  }
0x447: {  	[tilespmem:s24+$0x12020] =	vst.add.f32.msk $0xffff, v1;
	s24 =	sor.u32 s11, s23  }
0x448: {  	v0 =	vld [tilespmem:s24+$0x60]  }
0x449: {  	v1 =	vld [tilespmem:s24+$0x20]  }
0x44a: {  	v2 =	vld [tilespmem:s24+$0x30]  }
0x44b: {  	v3 =	vld [tilespmem:s24+$0x10]  }
0x44c: {  	v4 =	vld [tilespmem:s24+$0x70]  }
0x44d: {  	[tilespmem:s24+$0x12060] =	vst.add.f32.msk $0xffff, v0  }
0x44e: {  	[tilespmem:s24+$0x12020] =	vst.add.f32.msk $0xffff, v1  }
0x44f: {  	v0 =	vld [tilespmem:s24+$0x50]  }
0x450: {  	v1 =	vld [tilespmem:s24+$0x0]  }
0x451: {  	[tilespmem:s24+$0x12010] =	vst.add.f32.msk $0xffff, v3  }
0x452: {  	v3 =	vld [tilespmem:s24+$0x40]  }
0x453: {  	[tilespmem:s24+$0x12070] =	vst.add.f32.msk $0xffff, v4  }
0x454: {  	[tilespmem:s24+$0x12050] =	vst.add.f32.msk $0xffff, v0  }
0x455: {  	[tilespmem:s24+$0x12000] =	vst.add.f32.msk $0xffff, v1  }
0x456: {  	[tilespmem:s24+$0x12030] =	vst.add.f32.msk $0xffff, v2  }
0x457: {  	[tilespmem:s24+$0x12040] =	vst.add.f32.msk $0xffff, v3;
	s24 =	sor.u32 s23, s8  }
0x458: {  	v0 =	vld [tilespmem:s24+$0x70]  }
0x459: {  	v1 =	vld [tilespmem:s24+$0x60]  }
0x45a: {  	v2 =	vld [tilespmem:s24+$0x30]  }
0x45b: {  	v3 =	vld [tilespmem:s24+$0x40]  }
0x45c: {  	v4 =	vld [tilespmem:s24+$0x0]  }
0x45d: {  	[tilespmem:s24+$0x12070] =	vst.add.f32.msk $0xffff, v0  }
0x45e: {  	v0 =	vld [tilespmem:s24+$0x10]  }
0x45f: {  	[tilespmem:s24+$0x12060] =	vst.add.f32.msk $0xffff, v1  }
0x460: {  	[tilespmem:s24+$0x12030] =	vst.add.f32.msk $0xffff, v2  }
0x461: {  	v1 =	vld [tilespmem:s24+$0x50]  }
0x462: {  	v2 =	vld [tilespmem:s24+$0x20]  }
0x463: {  	[tilespmem:s24+$0x12010] =	vst.add.f32.msk $0xffff, v0  }
0x464: {  	[tilespmem:s24+$0x12040] =	vst.add.f32.msk $0xffff, v3  }
0x465: {  	[tilespmem:s24+$0x12000] =	vst.add.f32.msk $0xffff, v4  }
0x466: {  	[tilespmem:s24+$0x12050] =	vst.add.f32.msk $0xffff, v1  }
0x467: {  	s23 =	sor.u32 s23, s3;
	[tilespmem:s24+$0x12020] =	vst.add.f32.msk $0xffff, v2  }
0x468: {  	v0 =	vld [tilespmem:s23+$0x70]  }
0x469: {  	v1 =	vld [tilespmem:s23+$0x60]  }
0x46a: {  	v2 =	vld [tilespmem:s23+$0x50]  }
0x46b: {  	v3 =	vld [tilespmem:s23+$0x20]  }
0x46c: {  	v4 =	vld [tilespmem:s23+$0x10]  }
0x46d: {  	[tilespmem:s23+$0x12070] =	vst.add.f32.msk $0xffff, v0  }
0x46e: {  	v0 =	vld [tilespmem:s23+$0x30]  }
0x46f: {  	v5 =	vld [tilespmem:s23+$0x0]  }
0x470: {  	[tilespmem:s23+$0x12060] =	vst.add.f32.msk $0xffff, v1  }
0x471: {  	[tilespmem:s23+$0x12050] =	vst.add.f32.msk $0xffff, v2  }
0x472: {  	v1 =	vld [tilespmem:s23+$0x40]  }
0x473: {  	[tilespmem:s23+$0x12030] =	vst.add.f32.msk $0xffff, v0  }
0x474: {  	[tilespmem:s23+$0x12000] =	vst.add.f32.msk $0xffff, v5  }
0x475: {  	[tilespmem:s23+$0x12010] =	vst.add.f32.msk $0xffff, v4  }
0x476: {  	[tilespmem:s23+$0x12020] =	vst.add.f32.msk $0xffff, v3  }
0x477: {  	[tilespmem:s23+$0x12040] =	vst.add.f32.msk $0xffff, v1;
	s23 =	sor.u32 s11, s13  }
0x478: {  	v0 =	vld [tilespmem:s23+$0x70]  }
0x479: {  	v1 =	vld [tilespmem:s23+$0x30]  }
0x47a: {  	v2 =	vld [tilespmem:s23+$0x20]  }
0x47b: {  	v3 =	vld [tilespmem:s23+$0x50]  }
0x47c: {  	v4 =	vld [tilespmem:s23+$0x60]  }
0x47d: {  	[tilespmem:s23+$0x12070] =	vst.add.f32.msk $0xffff, v0  }
0x47e: {  	v0 =	vld [tilespmem:s23+$0x40]  }
0x47f: {  	v5 =	vld [tilespmem:s23+$0x10]  }
0x480: {  	[tilespmem:s23+$0x12030] =	vst.add.f32.msk $0xffff, v1  }
0x481: {  	[tilespmem:s23+$0x12020] =	vst.add.f32.msk $0xffff, v2  }
0x482: {  	v1 =	vld [tilespmem:s23+$0x0]  }
0x483: {  	[tilespmem:s23+$0x12040] =	vst.add.f32.msk $0xffff, v0  }
0x484: {  	[tilespmem:s23+$0x12010] =	vst.add.f32.msk $0xffff, v5  }
0x485: {  	[tilespmem:s23+$0x12050] =	vst.add.f32.msk $0xffff, v3  }
0x486: {  	[tilespmem:s23+$0x12060] =	vst.add.f32.msk $0xffff, v4  }
0x487: {  	[tilespmem:s23+$0x12000] =	vst.add.f32.msk $0xffff, v1;
	s23 =	sor.u32 s13, s8  }
0x488: {  	v0 =	vld [tilespmem:s23+$0x70]  }
0x489: {  	v1 =	vld [tilespmem:s23+$0x20]  }
0x48a: {  	v2 =	vld [tilespmem:s23+$0x60]  }
0x48b: {  	v3 =	vld [tilespmem:s23+$0x40]  }
0x48c: {  	v4 =	vld [tilespmem:s23+$0x50]  }
0x48d: {  	[tilespmem:s23+$0x12070] =	vst.add.f32.msk $0xffff, v0  }
0x48e: {  	v0 =	vld [tilespmem:s23+$0x0]  }
0x48f: {  	v5 =	vld [tilespmem:s23+$0x10]  }
0x490: {  	[tilespmem:s23+$0x12020] =	vst.add.f32.msk $0xffff, v1  }
0x491: {  	[tilespmem:s23+$0x12050] =	vst.add.f32.msk $0xffff, v4  }
0x492: {  	v1 =	vld [tilespmem:s23+$0x30]  }
0x493: {  	[tilespmem:s23+$0x12000] =	vst.add.f32.msk $0xffff, v0  }
0x494: {  	[tilespmem:s23+$0x12040] =	vst.add.f32.msk $0xffff, v3  }
0x495: {  	[tilespmem:s23+$0x12010] =	vst.add.f32.msk $0xffff, v5  }
0x496: {  	[tilespmem:s23+$0x12060] =	vst.add.f32.msk $0xffff, v2  }
0x497: {  	s13 =	sor.u32 s13, s3;
	[tilespmem:s23+$0x12030] =	vst.add.f32.msk $0xffff, v1  }
0x498: {  	v0 =	vld [tilespmem:s13+$0x50]  }
0x499: {  	v1 =	vld [tilespmem:s13+$0x70]  }
0x49a: {  	v2 =	vld [tilespmem:s13+$0x60]  }
0x49b: {  	v3 =	vld [tilespmem:s13+$0x10]  }
0x49c: {  	v4 =	vld [tilespmem:s13+$0x20]  }
0x49d: {  	v5 =	vld [tilespmem:s13+$0x40]  }
0x49e: {  	[tilespmem:s13+$0x12070] =	vst.add.f32.msk $0xffff, v1  }
0x49f: {  	v1 =	vld [tilespmem:s13+$0x0]  }
0x4a0: {  	[tilespmem:s13+$0x12060] =	vst.add.f32.msk $0xffff, v2  }
0x4a1: {  	[tilespmem:s13+$0x12010] =	vst.add.f32.msk $0xffff, v3  }
0x4a2: {  	v2 =	vld [tilespmem:s13+$0x30]  }
0x4a3: {  	[tilespmem:s13+$0x12050] =	vst.add.f32.msk $0xffff, v0  }
0x4a4: {  	[tilespmem:s13+$0x12000] =	vst.add.f32.msk $0xffff, v1  }
0x4a5: {  	[tilespmem:s13+$0x12020] =	vst.add.f32.msk $0xffff, v4  }
0x4a6: {  	[tilespmem:s13+$0x12040] =	vst.add.f32.msk $0xffff, v5  }
0x4a7: {  	s11 =	sor.u32 s11, s7;
	[tilespmem:s13+$0x12030] =	vst.add.f32.msk $0xffff, v2  }
0x4a8: {  	v0 =	vld [tilespmem:s11+$0x70]  }
0x4a9: {  	v1 =	vld [tilespmem:s11+$0x10]  }
0x4aa: {  	v2 =	vld [tilespmem:s11+$0x40]  }
0x4ab: {  	v3 =	vld [tilespmem:s11+$0x30]  }
0x4ac: {  	v4 =	vld [tilespmem:s11+$0x50]  }
0x4ad: {  	[tilespmem:s11+$0x12070] =	vst.add.f32.msk $0xffff, v0  }
0x4ae: {  	v0 =	vld [tilespmem:s11+$0x60]  }
0x4af: {  	v5 =	vld [tilespmem:s11+$0x20]  }
0x4b0: {  	[tilespmem:s11+$0x12010] =	vst.add.f32.msk $0xffff, v1  }
0x4b1: {  	[tilespmem:s11+$0x12040] =	vst.add.f32.msk $0xffff, v2  }
0x4b2: {  	v1 =	vld [tilespmem:s11+$0x0]  }
0x4b3: {  	[tilespmem:s11+$0x12060] =	vst.add.f32.msk $0xffff, v0  }
0x4b4: {  	[tilespmem:s11+$0x12020] =	vst.add.f32.msk $0xffff, v5  }
0x4b5: {  	[tilespmem:s11+$0x12030] =	vst.add.f32.msk $0xffff, v3  }
0x4b6: {  	[tilespmem:s11+$0x12050] =	vst.add.f32.msk $0xffff, v4  }
0x4b7: {  	s8 =	sor.u32 s7, s8;
	[tilespmem:s11+$0x12000] =	vst.add.f32.msk $0xffff, v1  }
0x4b8: {  	v0 =	vld [tilespmem:s8+$0x70]  }
0x4b9: {  	v1 =	vld [tilespmem:s8+$0x10]  }
0x4ba: {  	v2 =	vld [tilespmem:s8+$0x60]  }
0x4bb: {  	v3 =	vld [tilespmem:s8+$0x20]  }
0x4bc: {  	v4 =	vld [tilespmem:s8+$0x30]  }
0x4bd: {  	v5 =	vld [tilespmem:s8+$0x0]  }
0x4be: {  	[tilespmem:s8+$0x12070] =	vst.add.f32.msk $0xffff, v0  }
0x4bf: {  	[tilespmem:s8+$0x12060] =	vst.add.f32.msk $0xffff, v2  }
0x4c0: {  	v0 =	vld [tilespmem:s8+$0x50]  }
0x4c1: {  	[tilespmem:s8+$0x12030] =	vst.add.f32.msk $0xffff, v4  }
0x4c2: {  	v2 =	vld [tilespmem:s8+$0x40]  }
0x4c3: {  	[tilespmem:s8+$0x12020] =	vst.add.f32.msk $0xffff, v3  }
0x4c4: {  	[tilespmem:s8+$0x12000] =	vst.add.f32.msk $0xffff, v5  }
0x4c5: {  	[tilespmem:s8+$0x12050] =	vst.add.f32.msk $0xffff, v0  }
0x4c6: {  	[tilespmem:s8+$0x12010] =	vst.add.f32.msk $0xffff, v1  }
0x4c7: {  	s7 =	sor.u32 s7, s3;
	[tilespmem:s8+$0x12040] =	vst.add.f32.msk $0xffff, v2  }
0x4c8: {  	v2 =	vld [tilespmem:s7+$0x60]  }
0x4c9: {  	v3 =	vld [tilespmem:s7+$0x50]  }
0x4ca: {  	v1 =	vld [tilespmem:s7+$0x40]  }
0x4cb: {  	v4 =	vld [tilespmem:s7+$0x30]  }
0x4cc: {  	v0 =	vld [tilespmem:s7+$0x20]  }
0x4cd: {  	[tilespmem:s7+$0x12060] =	vst.add.f32.msk $0xffff, v2  }
0x4ce: {  	v5 =	vld [tilespmem:s7+$0x10]  }
.Ltmp8:
0x4cf: {  	[tilespmem:s7+$0x12050] =	vst.add.f32.msk $0xffff, v3;
	(pc) =	sbr.rel @p0 .LBB2_10-.Ltmp8, $4  }
0x4d0: {  	[tilespmem:s7+$0x12030] =	vst.add.f32.msk $0xffff, v4  }
0x4d1: {  	v3 =	vld [tilespmem:s7+$0x0]  }
0x4d2: {  	v2 =	vld [tilespmem:s7+$0x70]  }
0x4d3: {  	s3 =	smov.u32 s2;
	[tilespmem:s7+$0x12010] =	vst.add.f32.msk $0xffff, v5  }
0x4d4: {  	s0 =	sshll.u32 s30, $0x5  }
0x4d5: {  	[tilespmem:s7+$0x12040] =	vst.add.f32.msk $0xffff, v1;
	s0 =	sor.u32 s5, s0  }
0x4d6: {  	[tilespmem:s7+$0x12020] =	vst.add.f32.msk $0xffff, v0;
	s0 =	smul.u32 $0xC00, s0  }
0x4d7: {  	[tilespmem:s7+$0x12000] =	vst.add.f32.msk $0xffff, v3  }
0x4d8: {  	[tilespmem:s7+$0x12070] =	vst.add.f32.msk $0xffff, v2;
	s0 =	sadd.s32 s4, s0  }
0x4d9: {  	[hbm4b:s0+s6] =	stream.linear.scatter [tilespmem:s21], [sflag:$0x7], $0x6000, $0x38;
	[tilespmem:$0x1E000] =	vst v63  }
.LBB2_12:
0x4da: {  	s29 =	sor.u32 $0x3, s29  }
0x4db: {  	p0 =	sgt.u32 s29, $0x30  }
.Ltmp9:
0x4dc: {  	_ = 	snop;
	(pc) =	sbr.rel @p0 .LBB2_16-.Ltmp9, $1  }
0x4dd: {  	_ =	sdelay $0x3  }
0x4de: {  	_ =	swait.ge [sflag:s22], $0x6000  }
0x4df: {  	p0 =	sgt.u32 s28, $0xA;
	[sflag:s22] =	ssyncset.done $0x0  }
0x4e0: {  	s0 =	simm.s32 @!p0 $0x6;
	s2 =	sadd.s32 @!p0 s10, s31;
	[sflag:s22] =	ssyncadd.s32 $0xFFFFA000  }
0x4e1: {  	s2 =	smul.u32 @!p0 $0xC00, s2;
	_ =	swait.ge @!p0 [sflag:s0], $0x6000  }
0x4e2: {  	s25 =	simm.s32 $0x0;
	s3 =	simm.s32 @!p0 $0xC000;
	[sflag:s0] =	ssyncset.done @!p0 $0x0  }
0x4e3: {  	[sflag:s0] =	ssyncadd.s32 @!p0 $0xFFFFA000;
	s0 =	sadd.s32 @!p0 s1, s2;
	s2 =	simm.s32 @!p0 $0x0  }
0x4e4: {  	[tilespmem:s3], [sflag:$0x2] =	stream.linear.gather @!p0 [hbm4b:s0+s2], $0x6000, $0x38;
	[tilespmem:$0x1E000] =	vst v63  }
0x4e5: {  	s0 =	simm.s32 $0x0;
	s2 =	smul.u32 $0xC00, s25  }
0x4e6: {  	s8 =	sand.u32 $0x200, s0  }
0x4e7: {  	s7 =	sor.u32 s8, s2  }
0x4e8: {  	v0 =	vld [tilespmem:s7+$0x70]  }
0x4e9: {  	v1 =	vld [tilespmem:s7+$0x50]  }
0x4ea: {  	v2 =	vld [tilespmem:s7+$0x60]  }
0x4eb: {  	v3 =	vld [tilespmem:s7+$0x20]  }
0x4ec: {  	v4 =	vld [tilespmem:s7+$0x10]  }
0x4ed: {  	v5 =	vld [tilespmem:s7+$0x0]  }
0x4ee: {  	v6 =	vld [tilespmem:s7+$0x30]  }
0x4ef: {  	[tilespmem:s7+$0x18060] =	vst.add.f32.msk $0xffff, v2  }
0x4f0: {  	[tilespmem:s7+$0x18020] =	vst.add.f32.msk $0xffff, v3  }
0x4f1: {  	[tilespmem:s7+$0x18010] =	vst.add.f32.msk $0xffff, v4  }
0x4f2: {  	v2 =	vld [tilespmem:s7+$0x40]  }
0x4f3: {  	[tilespmem:s7+$0x18030] =	vst.add.f32.msk $0xffff, v6  }
0x4f4: {  	[tilespmem:s7+$0x18050] =	vst.add.f32.msk $0xffff, v1  }
0x4f5: {  	[tilespmem:s7+$0x18070] =	vst.add.f32.msk $0xffff, v0  }
0x4f6: {  	s3 =	sadd.s32 $0x400, s2;
	[tilespmem:s7+$0x18000] =	vst.add.f32.msk $0xffff, v5  }
0x4f7: {  	s11 =	sor.u32 s8, s3;
	[tilespmem:s7+$0x18040] =	vst.add.f32.msk $0xffff, v2  }
0x4f8: {  	v0 =	vld [tilespmem:s11+$0x70]  }
0x4f9: {  	v1 =	vld [tilespmem:s11+$0x20]  }
0x4fa: {  	v2 =	vld [tilespmem:s11+$0x50]  }
0x4fb: {  	v3 =	vld [tilespmem:s11+$0x10]  }
0x4fc: {  	v4 =	vld [tilespmem:s11+$0x60]  }
0x4fd: {  	v5 =	vld [tilespmem:s11+$0x40]  }
0x4fe: {  	v6 =	vld [tilespmem:s11+$0x0]  }
0x4ff: {  	[tilespmem:s11+$0x18070] =	vst.add.f32.msk $0xffff, v0  }
0x500: {  	v0 =	vld [tilespmem:s11+$0x30]  }
0x501: {  	[tilespmem:s11+$0x18060] =	vst.add.f32.msk $0xffff, v4  }
0x502: {  	[tilespmem:s11+$0x18050] =	vst.add.f32.msk $0xffff, v2  }
0x503: {  	[tilespmem:s11+$0x18040] =	vst.add.f32.msk $0xffff, v5  }
0x504: {  	[tilespmem:s11+$0x18010] =	vst.add.f32.msk $0xffff, v3  }
0x505: {  	[tilespmem:s11+$0x18020] =	vst.add.f32.msk $0xffff, v1  }
0x506: {  	s7 =	sadd.s32 $0x800, s2;
	[tilespmem:s11+$0x18000] =	vst.add.f32.msk $0xffff, v6  }
0x507: {  	s26 =	sor.u32 s8, s7;
	[tilespmem:s11+$0x18030] =	vst.add.f32.msk $0xffff, v0  }
0x508: {  	v0 =	vld [tilespmem:s26+$0x70]  }
0x509: {  	v1 =	vld [tilespmem:s26+$0x60]  }
0x50a: {  	v2 =	vld [tilespmem:s26+$0x10]  }
0x50b: {  	v3 =	vld [tilespmem:s26+$0x50]  }
0x50c: {  	v4 =	vld [tilespmem:s26+$0x30]  }
0x50d: {  	v5 =	vld [tilespmem:s26+$0x0]  }
0x50e: {  	[tilespmem:s26+$0x18070] =	vst.add.f32.msk $0xffff, v0  }
0x50f: {  	v0 =	vld [tilespmem:s26+$0x40]  }
0x510: {  	[tilespmem:s26+$0x18060] =	vst.add.f32.msk $0xffff, v1  }
0x511: {  	[tilespmem:s26+$0x18010] =	vst.add.f32.msk $0xffff, v2  }
0x512: {  	v1 =	vld [tilespmem:s26+$0x20]  }
0x513: {  	[tilespmem:s26+$0x18000] =	vst.add.f32.msk $0xffff, v5  }
0x514: {  	[tilespmem:s26+$0x18050] =	vst.add.f32.msk $0xffff, v3  }
0x515: {  	[tilespmem:s26+$0x18030] =	vst.add.f32.msk $0xffff, v4  }
0x516: {  	s13 =	sor.u32 $0x80, s8;
	[tilespmem:s26+$0x18040] =	vst.add.f32.msk $0xffff, v0  }
0x517: {  	s30 =	sor.u32 s2, s13;
	[tilespmem:s26+$0x18020] =	vst.add.f32.msk $0xffff, v1  }
0x518: {  	v0 =	vld [tilespmem:s30+$0x60]  }
0x519: {  	v1 =	vld [tilespmem:s30+$0x20]  }
0x51a: {  	v2 =	vld [tilespmem:s30+$0x30]  }
0x51b: {  	v3 =	vld [tilespmem:s30+$0x10]  }
0x51c: {  	v4 =	vld [tilespmem:s30+$0x70]  }
0x51d: {  	[tilespmem:s30+$0x18060] =	vst.add.f32.msk $0xffff, v0  }
0x51e: {  	[tilespmem:s30+$0x18020] =	vst.add.f32.msk $0xffff, v1  }
0x51f: {  	v0 =	vld [tilespmem:s30+$0x50]  }
0x520: {  	v1 =	vld [tilespmem:s30+$0x0]  }
0x521: {  	[tilespmem:s30+$0x18010] =	vst.add.f32.msk $0xffff, v3  }
0x522: {  	v3 =	vld [tilespmem:s30+$0x40]  }
0x523: {  	[tilespmem:s30+$0x18070] =	vst.add.f32.msk $0xffff, v4  }
0x524: {  	[tilespmem:s30+$0x18030] =	vst.add.f32.msk $0xffff, v2  }
0x525: {  	[tilespmem:s30+$0x18050] =	vst.add.f32.msk $0xffff, v0  }
0x526: {  	[tilespmem:s30+$0x18000] =	vst.add.f32.msk $0xffff, v1  }
0x527: {  	s31 =	sor.u32 s13, s3;
	[tilespmem:s30+$0x18040] =	vst.add.f32.msk $0xffff, v3  }
0x528: {  	v0 =	vld [tilespmem:s31+$0x70]  }
0x529: {  	v1 =	vld [tilespmem:s31+$0x60]  }
0x52a: {  	v2 =	vld [tilespmem:s31+$0x30]  }
0x52b: {  	v3 =	vld [tilespmem:s31+$0x40]  }
0x52c: {  	v4 =	vld [tilespmem:s31+$0x0]  }
0x52d: {  	[tilespmem:s31+$0x18070] =	vst.add.f32.msk $0xffff, v0  }
0x52e: {  	v0 =	vld [tilespmem:s31+$0x10]  }
0x52f: {  	[tilespmem:s31+$0x18060] =	vst.add.f32.msk $0xffff, v1  }
0x530: {  	[tilespmem:s31+$0x18030] =	vst.add.f32.msk $0xffff, v2  }
0x531: {  	v1 =	vld [tilespmem:s31+$0x50]  }
0x532: {  	v2 =	vld [tilespmem:s31+$0x20]  }
0x533: {  	[tilespmem:s31+$0x18040] =	vst.add.f32.msk $0xffff, v3  }
0x534: {  	[tilespmem:s31+$0x18000] =	vst.add.f32.msk $0xffff, v4  }
0x535: {  	[tilespmem:s31+$0x18010] =	vst.add.f32.msk $0xffff, v0  }
0x536: {  	[tilespmem:s31+$0x18050] =	vst.add.f32.msk $0xffff, v1  }
0x537: {  	s23 =	sor.u32 s13, s7;
	[tilespmem:s31+$0x18020] =	vst.add.f32.msk $0xffff, v2  }
0x538: {  	v0 =	vld [tilespmem:s23+$0x70]  }
0x539: {  	v1 =	vld [tilespmem:s23+$0x60]  }
0x53a: {  	v2 =	vld [tilespmem:s23+$0x50]  }
0x53b: {  	v3 =	vld [tilespmem:s23+$0x20]  }
0x53c: {  	v4 =	vld [tilespmem:s23+$0x10]  }
0x53d: {  	v5 =	vld [tilespmem:s23+$0x0]  }
0x53e: {  	[tilespmem:s23+$0x18070] =	vst.add.f32.msk $0xffff, v0  }
0x53f: {  	v0 =	vld [tilespmem:s23+$0x30]  }
0x540: {  	[tilespmem:s23+$0x18060] =	vst.add.f32.msk $0xffff, v1  }
0x541: {  	[tilespmem:s23+$0x18050] =	vst.add.f32.msk $0xffff, v2  }
0x542: {  	v1 =	vld [tilespmem:s23+$0x40]  }
0x543: {  	[tilespmem:s23+$0x18000] =	vst.add.f32.msk $0xffff, v5  }
0x544: {  	[tilespmem:s23+$0x18010] =	vst.add.f32.msk $0xffff, v4  }
0x545: {  	[tilespmem:s23+$0x18020] =	vst.add.f32.msk $0xffff, v3  }
0x546: {  	s24 =	sor.u32 $0x100, s8;
	[tilespmem:s23+$0x18030] =	vst.add.f32.msk $0xffff, v0  }
0x547: {  	s25 =	sor.u32 s2, s24;
	[tilespmem:s23+$0x18040] =	vst.add.f32.msk $0xffff, v1  }
0x548: {  	v0 =	vld [tilespmem:s25+$0x70]  }
0x549: {  	v1 =	vld [tilespmem:s25+$0x30]  }
0x54a: {  	v2 =	vld [tilespmem:s25+$0x20]  }
0x54b: {  	v3 =	vld [tilespmem:s25+$0x50]  }
0x54c: {  	v4 =	vld [tilespmem:s25+$0x60]  }
0x54d: {  	v5 =	vld [tilespmem:s25+$0x10]  }
0x54e: {  	[tilespmem:s25+$0x18070] =	vst.add.f32.msk $0xffff, v0  }
0x54f: {  	v0 =	vld [tilespmem:s25+$0x40]  }
0x550: {  	[tilespmem:s25+$0x18030] =	vst.add.f32.msk $0xffff, v1  }
0x551: {  	[tilespmem:s25+$0x18020] =	vst.add.f32.msk $0xffff, v2  }
0x552: {  	v1 =	vld [tilespmem:s25+$0x0]  }
0x553: {  	[tilespmem:s25+$0x18010] =	vst.add.f32.msk $0xffff, v5  }
0x554: {  	[tilespmem:s25+$0x18050] =	vst.add.f32.msk $0xffff, v3  }
0x555: {  	[tilespmem:s25+$0x18060] =	vst.add.f32.msk $0xffff, v4  }
0x556: {  	[tilespmem:s25+$0x18040] =	vst.add.f32.msk $0xffff, v0  }
0x557: {  	s26 =	sor.u32 s24, s3;
	[tilespmem:s25+$0x18000] =	vst.add.f32.msk $0xffff, v1  }
0x558: {  	v0 =	vld [tilespmem:s26+$0x70]  }
0x559: {  	v1 =	vld [tilespmem:s26+$0x20]  }
0x55a: {  	v2 =	vld [tilespmem:s26+$0x60]  }
0x55b: {  	v3 =	vld [tilespmem:s26+$0x40]  }
0x55c: {  	v4 =	vld [tilespmem:s26+$0x50]  }
0x55d: {  	v5 =	vld [tilespmem:s26+$0x10]  }
0x55e: {  	[tilespmem:s26+$0x18070] =	vst.add.f32.msk $0xffff, v0  }
0x55f: {  	v0 =	vld [tilespmem:s26+$0x0]  }
0x560: {  	[tilespmem:s26+$0x18020] =	vst.add.f32.msk $0xffff, v1  }
0x561: {  	[tilespmem:s26+$0x18050] =	vst.add.f32.msk $0xffff, v4  }
0x562: {  	v1 =	vld [tilespmem:s26+$0x30]  }
0x563: {  	[tilespmem:s26+$0x18040] =	vst.add.f32.msk $0xffff, v3  }
0x564: {  	[tilespmem:s26+$0x18010] =	vst.add.f32.msk $0xffff, v5  }
0x565: {  	[tilespmem:s26+$0x18060] =	vst.add.f32.msk $0xffff, v2  }
0x566: {  	[tilespmem:s26+$0x18000] =	vst.add.f32.msk $0xffff, v0  }
0x567: {  	s30 =	sor.u32 s24, s7;
	[tilespmem:s26+$0x18030] =	vst.add.f32.msk $0xffff, v1  }
0x568: {  	v0 =	vld [tilespmem:s30+$0x50]  }
0x569: {  	v1 =	vld [tilespmem:s30+$0x70]  }
0x56a: {  	v2 =	vld [tilespmem:s30+$0x60]  }
0x56b: {  	v3 =	vld [tilespmem:s30+$0x10]  }
0x56c: {  	v4 =	vld [tilespmem:s30+$0x20]  }
0x56d: {  	v5 =	vld [tilespmem:s30+$0x40]  }
0x56e: {  	[tilespmem:s30+$0x18070] =	vst.add.f32.msk $0xffff, v1  }
0x56f: {  	v1 =	vld [tilespmem:s30+$0x0]  }
0x570: {  	[tilespmem:s30+$0x18060] =	vst.add.f32.msk $0xffff, v2  }
0x571: {  	[tilespmem:s30+$0x18010] =	vst.add.f32.msk $0xffff, v3  }
0x572: {  	v2 =	vld [tilespmem:s30+$0x30]  }
0x573: {  	[tilespmem:s30+$0x18050] =	vst.add.f32.msk $0xffff, v0  }
0x574: {  	[tilespmem:s30+$0x18020] =	vst.add.f32.msk $0xffff, v4  }
0x575: {  	[tilespmem:s30+$0x18040] =	vst.add.f32.msk $0xffff, v5  }
0x576: {  	s8 =	sor.u32 $0x180, s8;
	[tilespmem:s30+$0x18000] =	vst.add.f32.msk $0xffff, v1  }
0x577: {  	s2 =	sor.u32 s2, s8;
	[tilespmem:s30+$0x18030] =	vst.add.f32.msk $0xffff, v2  }
0x578: {  	v0 =	vld [tilespmem:s2+$0x70]  }
0x579: {  	v1 =	vld [tilespmem:s2+$0x10]  }
0x57a: {  	v2 =	vld [tilespmem:s2+$0x40]  }
0x57b: {  	v3 =	vld [tilespmem:s2+$0x30]  }
0x57c: {  	v4 =	vld [tilespmem:s2+$0x50]  }
0x57d: {  	v5 =	vld [tilespmem:s2+$0x20]  }
0x57e: {  	[tilespmem:s2+$0x18070] =	vst.add.f32.msk $0xffff, v0  }
0x57f: {  	v0 =	vld [tilespmem:s2+$0x60]  }
0x580: {  	[tilespmem:s2+$0x18010] =	vst.add.f32.msk $0xffff, v1  }
0x581: {  	[tilespmem:s2+$0x18040] =	vst.add.f32.msk $0xffff, v2  }
0x582: {  	v1 =	vld [tilespmem:s2+$0x0]  }
0x583: {  	[tilespmem:s2+$0x18020] =	vst.add.f32.msk $0xffff, v5  }
0x584: {  	[tilespmem:s2+$0x18030] =	vst.add.f32.msk $0xffff, v3  }
0x585: {  	[tilespmem:s2+$0x18050] =	vst.add.f32.msk $0xffff, v4  }
0x586: {  	[tilespmem:s2+$0x18060] =	vst.add.f32.msk $0xffff, v0  }
0x587: {  	s31 =	sor.u32 s8, s3;
	[tilespmem:s2+$0x18000] =	vst.add.f32.msk $0xffff, v1  }
0x588: {  	v0 =	vld [tilespmem:s31+$0x70]  }
0x589: {  	v1 =	vld [tilespmem:s31+$0x10]  }
0x58a: {  	v2 =	vld [tilespmem:s31+$0x60]  }
0x58b: {  	v3 =	vld [tilespmem:s31+$0x20]  }
0x58c: {  	v4 =	vld [tilespmem:s31+$0x30]  }
0x58d: {  	v5 =	vld [tilespmem:s31+$0x0]  }
0x58e: {  	[tilespmem:s31+$0x18070] =	vst.add.f32.msk $0xffff, v0  }
0x58f: {  	[tilespmem:s31+$0x18060] =	vst.add.f32.msk $0xffff, v2  }
0x590: {  	v0 =	vld [tilespmem:s31+$0x50]  }
0x591: {  	[tilespmem:s31+$0x18030] =	vst.add.f32.msk $0xffff, v4  }
0x592: {  	v2 =	vld [tilespmem:s31+$0x40]  }
0x593: {  	[tilespmem:s31+$0x18020] =	vst.add.f32.msk $0xffff, v3  }
0x594: {  	[tilespmem:s31+$0x18000] =	vst.add.f32.msk $0xffff, v5  }
0x595: {  	[tilespmem:s31+$0x18010] =	vst.add.f32.msk $0xffff, v1  }
0x596: {  	[tilespmem:s31+$0x18050] =	vst.add.f32.msk $0xffff, v0  }
0x597: {  	s7 =	sor.u32 s8, s7;
	[tilespmem:s31+$0x18040] =	vst.add.f32.msk $0xffff, v2  }
0x598: {  	v2 =	vld [tilespmem:s7+$0x60]  }
0x599: {  	v3 =	vld [tilespmem:s7+$0x50]  }
0x59a: {  	v1 =	vld [tilespmem:s7+$0x40]  }
0x59b: {  	v4 =	vld [tilespmem:s7+$0x30]  }
0x59c: {  	v0 =	vld [tilespmem:s7+$0x20]  }
0x59d: {  	v5 =	vld [tilespmem:s7+$0x10]  }
0x59e: {  	[tilespmem:s7+$0x18060] =	vst.add.f32.msk $0xffff, v2  }
0x59f: {  	[tilespmem:s7+$0x18050] =	vst.add.f32.msk $0xffff, v3  }
0x5a0: {  	[tilespmem:s7+$0x18030] =	vst.add.f32.msk $0xffff, v4  }
0x5a1: {  	v3 =	vld [tilespmem:s7+$0x0]  }
0x5a2: {  	v2 =	vld [tilespmem:s7+$0x70]  }
0x5a3: {  	s3 =	simm.s32 $0x1;
	[tilespmem:s7+$0x18010] =	vst.add.f32.msk $0xffff, v5  }
.LBB2_14:
0x5a4: {  	s2 =	smov.u32 s3  }
0x5a5: {  	s8 =	sshrl.u32 s3, $0x1;
	[tilespmem:s7+$0x18040] =	vst.add.f32.msk $0xffff, v1;
	s0 =	sadd.s32 $0x200, s0;
	s2 =	sadd.s32 $0x1, s3  }
0x5a6: {  	p0 =	sne.s32 s3, $0xF;
	s11 =	smul.u32 $0xC00, s8;
	[tilespmem:s7+$0x18020] =	vst.add.f32.msk $0xffff, v0  }
0x5a7: {  	s24 =	sand.u32 $0x200, s0;
	[tilespmem:s7+$0x18000] =	vst.add.f32.msk $0xffff, v3  }
0x5a8: {  	s25 =	sor.u32 s24, s11;
	s8 =	sadd.s32 $0x400, s11;
	s3 =	sadd.s32 $0x800, s11;
	[tilespmem:s7+$0x18070] =	vst.add.f32.msk $0xffff, v2  }
0x5a9: {  	s23 =	sor.u32 $0x80, s24;
	s13 =	sor.u32 $0x100, s24;
	s7 =	sor.u32 $0x180, s24;
	v0 =	vld [tilespmem:s25+$0x70]  }
0x5aa: {  	v1 =	vld [tilespmem:s25+$0x50]  }
0x5ab: {  	v2 =	vld [tilespmem:s25+$0x60]  }
0x5ac: {  	v3 =	vld [tilespmem:s25+$0x20]  }
0x5ad: {  	v4 =	vld [tilespmem:s25+$0x10]  }
0x5ae: {  	v5 =	vld [tilespmem:s25+$0x0]  }
0x5af: {  	v6 =	vld [tilespmem:s25+$0x30]  }
0x5b0: {  	[tilespmem:s25+$0x18060] =	vst.add.f32.msk $0xffff, v2  }
0x5b1: {  	[tilespmem:s25+$0x18020] =	vst.add.f32.msk $0xffff, v3  }
0x5b2: {  	[tilespmem:s25+$0x18010] =	vst.add.f32.msk $0xffff, v4  }
0x5b3: {  	v2 =	vld [tilespmem:s25+$0x40]  }
0x5b4: {  	[tilespmem:s25+$0x18030] =	vst.add.f32.msk $0xffff, v6  }
0x5b5: {  	[tilespmem:s25+$0x18050] =	vst.add.f32.msk $0xffff, v1  }
0x5b6: {  	[tilespmem:s25+$0x18070] =	vst.add.f32.msk $0xffff, v0  }
0x5b7: {  	[tilespmem:s25+$0x18000] =	vst.add.f32.msk $0xffff, v5  }
0x5b8: {  	[tilespmem:s25+$0x18040] =	vst.add.f32.msk $0xffff, v2;
	s25 =	sor.u32 s24, s8  }
0x5b9: {  	v0 =	vld [tilespmem:s25+$0x70]  }
0x5ba: {  	v1 =	vld [tilespmem:s25+$0x20]  }
0x5bb: {  	v2 =	vld [tilespmem:s25+$0x50]  }
0x5bc: {  	v3 =	vld [tilespmem:s25+$0x10]  }
0x5bd: {  	v4 =	vld [tilespmem:s25+$0x60]  }
0x5be: {  	[tilespmem:s25+$0x18070] =	vst.add.f32.msk $0xffff, v0  }
0x5bf: {  	v0 =	vld [tilespmem:s25+$0x30]  }
0x5c0: {  	v5 =	vld [tilespmem:s25+$0x40]  }
0x5c1: {  	v6 =	vld [tilespmem:s25+$0x0]  }
0x5c2: {  	[tilespmem:s25+$0x18060] =	vst.add.f32.msk $0xffff, v4  }
0x5c3: {  	[tilespmem:s25+$0x18050] =	vst.add.f32.msk $0xffff, v2  }
0x5c4: {  	[tilespmem:s25+$0x18030] =	vst.add.f32.msk $0xffff, v0  }
0x5c5: {  	[tilespmem:s25+$0x18040] =	vst.add.f32.msk $0xffff, v5  }
0x5c6: {  	[tilespmem:s25+$0x18010] =	vst.add.f32.msk $0xffff, v3  }
0x5c7: {  	[tilespmem:s25+$0x18020] =	vst.add.f32.msk $0xffff, v1  }
0x5c8: {  	s24 =	sor.u32 s24, s3;
	[tilespmem:s25+$0x18000] =	vst.add.f32.msk $0xffff, v6  }
0x5c9: {  	v0 =	vld [tilespmem:s24+$0x70]  }
0x5ca: {  	v1 =	vld [tilespmem:s24+$0x60]  }
0x5cb: {  	v2 =	vld [tilespmem:s24+$0x10]  }
0x5cc: {  	v3 =	vld [tilespmem:s24+$0x50]  }
0x5cd: {  	v4 =	vld [tilespmem:s24+$0x30]  }
0x5ce: {  	[tilespmem:s24+$0x18070] =	vst.add.f32.msk $0xffff, v0  }
0x5cf: {  	v0 =	vld [tilespmem:s24+$0x40]  }
0x5d0: {  	v5 =	vld [tilespmem:s24+$0x0]  }
0x5d1: {  	[tilespmem:s24+$0x18060] =	vst.add.f32.msk $0xffff, v1  }
0x5d2: {  	[tilespmem:s24+$0x18010] =	vst.add.f32.msk $0xffff, v2  }
0x5d3: {  	v1 =	vld [tilespmem:s24+$0x20]  }
0x5d4: {  	[tilespmem:s24+$0x18040] =	vst.add.f32.msk $0xffff, v0  }
0x5d5: {  	[tilespmem:s24+$0x18000] =	vst.add.f32.msk $0xffff, v5  }
0x5d6: {  	[tilespmem:s24+$0x18050] =	vst.add.f32.msk $0xffff, v3  }
0x5d7: {  	[tilespmem:s24+$0x18030] =	vst.add.f32.msk $0xffff, v4  }
0x5d8: {  	[tilespmem:s24+$0x18020] =	vst.add.f32.msk $0xffff, v1;
	s24 =	sor.u32 s11, s23  }
0x5d9: {  	v0 =	vld [tilespmem:s24+$0x60]  }
0x5da: {  	v1 =	vld [tilespmem:s24+$0x20]  }
0x5db: {  	v2 =	vld [tilespmem:s24+$0x30]  }
0x5dc: {  	v3 =	vld [tilespmem:s24+$0x10]  }
0x5dd: {  	v4 =	vld [tilespmem:s24+$0x70]  }
0x5de: {  	[tilespmem:s24+$0x18060] =	vst.add.f32.msk $0xffff, v0  }
0x5df: {  	[tilespmem:s24+$0x18020] =	vst.add.f32.msk $0xffff, v1  }
0x5e0: {  	v0 =	vld [tilespmem:s24+$0x50]  }
0x5e1: {  	v1 =	vld [tilespmem:s24+$0x0]  }
0x5e2: {  	[tilespmem:s24+$0x18010] =	vst.add.f32.msk $0xffff, v3  }
0x5e3: {  	v3 =	vld [tilespmem:s24+$0x40]  }
0x5e4: {  	[tilespmem:s24+$0x18070] =	vst.add.f32.msk $0xffff, v4  }
0x5e5: {  	[tilespmem:s24+$0x18050] =	vst.add.f32.msk $0xffff, v0  }
0x5e6: {  	[tilespmem:s24+$0x18000] =	vst.add.f32.msk $0xffff, v1  }
0x5e7: {  	[tilespmem:s24+$0x18030] =	vst.add.f32.msk $0xffff, v2  }
0x5e8: {  	[tilespmem:s24+$0x18040] =	vst.add.f32.msk $0xffff, v3;
	s24 =	sor.u32 s23, s8  }
0x5e9: {  	v0 =	vld [tilespmem:s24+$0x70]  }
0x5ea: {  	v1 =	vld [tilespmem:s24+$0x60]  }
0x5eb: {  	v2 =	vld [tilespmem:s24+$0x30]  }
0x5ec: {  	v3 =	vld [tilespmem:s24+$0x40]  }
0x5ed: {  	v4 =	vld [tilespmem:s24+$0x0]  }
0x5ee: {  	[tilespmem:s24+$0x18070] =	vst.add.f32.msk $0xffff, v0  }
0x5ef: {  	v0 =	vld [tilespmem:s24+$0x10]  }
0x5f0: {  	[tilespmem:s24+$0x18060] =	vst.add.f32.msk $0xffff, v1  }
0x5f1: {  	[tilespmem:s24+$0x18030] =	vst.add.f32.msk $0xffff, v2  }
0x5f2: {  	v1 =	vld [tilespmem:s24+$0x50]  }
0x5f3: {  	v2 =	vld [tilespmem:s24+$0x20]  }
0x5f4: {  	[tilespmem:s24+$0x18010] =	vst.add.f32.msk $0xffff, v0  }
0x5f5: {  	[tilespmem:s24+$0x18040] =	vst.add.f32.msk $0xffff, v3  }
0x5f6: {  	[tilespmem:s24+$0x18000] =	vst.add.f32.msk $0xffff, v4  }
0x5f7: {  	[tilespmem:s24+$0x18050] =	vst.add.f32.msk $0xffff, v1  }
0x5f8: {  	s23 =	sor.u32 s23, s3;
	[tilespmem:s24+$0x18020] =	vst.add.f32.msk $0xffff, v2  }
0x5f9: {  	v0 =	vld [tilespmem:s23+$0x70]  }
0x5fa: {  	v1 =	vld [tilespmem:s23+$0x60]  }
0x5fb: {  	v2 =	vld [tilespmem:s23+$0x50]  }
0x5fc: {  	v3 =	vld [tilespmem:s23+$0x20]  }
0x5fd: {  	v4 =	vld [tilespmem:s23+$0x10]  }
0x5fe: {  	[tilespmem:s23+$0x18070] =	vst.add.f32.msk $0xffff, v0  }
0x5ff: {  	v0 =	vld [tilespmem:s23+$0x30]  }
0x600: {  	v5 =	vld [tilespmem:s23+$0x0]  }
0x601: {  	[tilespmem:s23+$0x18060] =	vst.add.f32.msk $0xffff, v1  }
0x602: {  	[tilespmem:s23+$0x18050] =	vst.add.f32.msk $0xffff, v2  }
0x603: {  	v1 =	vld [tilespmem:s23+$0x40]  }
0x604: {  	[tilespmem:s23+$0x18030] =	vst.add.f32.msk $0xffff, v0  }
0x605: {  	[tilespmem:s23+$0x18000] =	vst.add.f32.msk $0xffff, v5  }
0x606: {  	[tilespmem:s23+$0x18010] =	vst.add.f32.msk $0xffff, v4  }
0x607: {  	[tilespmem:s23+$0x18020] =	vst.add.f32.msk $0xffff, v3  }
0x608: {  	[tilespmem:s23+$0x18040] =	vst.add.f32.msk $0xffff, v1;
	s23 =	sor.u32 s11, s13  }
0x609: {  	v0 =	vld [tilespmem:s23+$0x70]  }
0x60a: {  	v1 =	vld [tilespmem:s23+$0x30]  }
0x60b: {  	v2 =	vld [tilespmem:s23+$0x20]  }
0x60c: {  	v3 =	vld [tilespmem:s23+$0x50]  }
0x60d: {  	v4 =	vld [tilespmem:s23+$0x60]  }
0x60e: {  	[tilespmem:s23+$0x18070] =	vst.add.f32.msk $0xffff, v0  }
0x60f: {  	v0 =	vld [tilespmem:s23+$0x40]  }
0x610: {  	v5 =	vld [tilespmem:s23+$0x10]  }
0x611: {  	[tilespmem:s23+$0x18030] =	vst.add.f32.msk $0xffff, v1  }
0x612: {  	[tilespmem:s23+$0x18020] =	vst.add.f32.msk $0xffff, v2  }
0x613: {  	v1 =	vld [tilespmem:s23+$0x0]  }
0x614: {  	[tilespmem:s23+$0x18040] =	vst.add.f32.msk $0xffff, v0  }
0x615: {  	[tilespmem:s23+$0x18010] =	vst.add.f32.msk $0xffff, v5  }
0x616: {  	[tilespmem:s23+$0x18050] =	vst.add.f32.msk $0xffff, v3  }
0x617: {  	[tilespmem:s23+$0x18060] =	vst.add.f32.msk $0xffff, v4  }
0x618: {  	[tilespmem:s23+$0x18000] =	vst.add.f32.msk $0xffff, v1;
	s23 =	sor.u32 s13, s8  }
0x619: {  	v0 =	vld [tilespmem:s23+$0x70]  }
0x61a: {  	v1 =	vld [tilespmem:s23+$0x20]  }
0x61b: {  	v2 =	vld [tilespmem:s23+$0x60]  }
0x61c: {  	v3 =	vld [tilespmem:s23+$0x40]  }
0x61d: {  	v4 =	vld [tilespmem:s23+$0x50]  }
0x61e: {  	[tilespmem:s23+$0x18070] =	vst.add.f32.msk $0xffff, v0  }
0x61f: {  	v0 =	vld [tilespmem:s23+$0x0]  }
0x620: {  	v5 =	vld [tilespmem:s23+$0x10]  }
0x621: {  	[tilespmem:s23+$0x18020] =	vst.add.f32.msk $0xffff, v1  }
0x622: {  	[tilespmem:s23+$0x18050] =	vst.add.f32.msk $0xffff, v4  }
0x623: {  	v1 =	vld [tilespmem:s23+$0x30]  }
0x624: {  	[tilespmem:s23+$0x18000] =	vst.add.f32.msk $0xffff, v0  }
0x625: {  	[tilespmem:s23+$0x18040] =	vst.add.f32.msk $0xffff, v3  }
0x626: {  	[tilespmem:s23+$0x18010] =	vst.add.f32.msk $0xffff, v5  }
0x627: {  	[tilespmem:s23+$0x18060] =	vst.add.f32.msk $0xffff, v2  }
0x628: {  	s13 =	sor.u32 s13, s3;
	[tilespmem:s23+$0x18030] =	vst.add.f32.msk $0xffff, v1  }
0x629: {  	v0 =	vld [tilespmem:s13+$0x50]  }
0x62a: {  	v1 =	vld [tilespmem:s13+$0x70]  }
0x62b: {  	v2 =	vld [tilespmem:s13+$0x60]  }
0x62c: {  	v3 =	vld [tilespmem:s13+$0x10]  }
0x62d: {  	v4 =	vld [tilespmem:s13+$0x20]  }
0x62e: {  	v5 =	vld [tilespmem:s13+$0x40]  }
0x62f: {  	[tilespmem:s13+$0x18070] =	vst.add.f32.msk $0xffff, v1  }
0x630: {  	v1 =	vld [tilespmem:s13+$0x0]  }
0x631: {  	[tilespmem:s13+$0x18060] =	vst.add.f32.msk $0xffff, v2  }
0x632: {  	[tilespmem:s13+$0x18010] =	vst.add.f32.msk $0xffff, v3  }
0x633: {  	v2 =	vld [tilespmem:s13+$0x30]  }
0x634: {  	[tilespmem:s13+$0x18050] =	vst.add.f32.msk $0xffff, v0  }
0x635: {  	[tilespmem:s13+$0x18000] =	vst.add.f32.msk $0xffff, v1  }
0x636: {  	[tilespmem:s13+$0x18020] =	vst.add.f32.msk $0xffff, v4  }
0x637: {  	[tilespmem:s13+$0x18040] =	vst.add.f32.msk $0xffff, v5  }
0x638: {  	s11 =	sor.u32 s11, s7;
	[tilespmem:s13+$0x18030] =	vst.add.f32.msk $0xffff, v2  }
0x639: {  	v0 =	vld [tilespmem:s11+$0x70]  }
0x63a: {  	v1 =	vld [tilespmem:s11+$0x10]  }
0x63b: {  	v2 =	vld [tilespmem:s11+$0x40]  }
0x63c: {  	v3 =	vld [tilespmem:s11+$0x30]  }
0x63d: {  	v4 =	vld [tilespmem:s11+$0x50]  }
0x63e: {  	[tilespmem:s11+$0x18070] =	vst.add.f32.msk $0xffff, v0  }
0x63f: {  	v0 =	vld [tilespmem:s11+$0x60]  }
0x640: {  	v5 =	vld [tilespmem:s11+$0x20]  }
0x641: {  	[tilespmem:s11+$0x18010] =	vst.add.f32.msk $0xffff, v1  }
0x642: {  	[tilespmem:s11+$0x18040] =	vst.add.f32.msk $0xffff, v2  }
0x643: {  	v1 =	vld [tilespmem:s11+$0x0]  }
0x644: {  	[tilespmem:s11+$0x18060] =	vst.add.f32.msk $0xffff, v0  }
0x645: {  	[tilespmem:s11+$0x18020] =	vst.add.f32.msk $0xffff, v5  }
0x646: {  	[tilespmem:s11+$0x18030] =	vst.add.f32.msk $0xffff, v3  }
0x647: {  	[tilespmem:s11+$0x18050] =	vst.add.f32.msk $0xffff, v4  }
0x648: {  	s8 =	sor.u32 s7, s8;
	[tilespmem:s11+$0x18000] =	vst.add.f32.msk $0xffff, v1  }
0x649: {  	v0 =	vld [tilespmem:s8+$0x70]  }
0x64a: {  	v1 =	vld [tilespmem:s8+$0x10]  }
0x64b: {  	v2 =	vld [tilespmem:s8+$0x60]  }
0x64c: {  	v3 =	vld [tilespmem:s8+$0x20]  }
0x64d: {  	v4 =	vld [tilespmem:s8+$0x30]  }
0x64e: {  	v5 =	vld [tilespmem:s8+$0x0]  }
0x64f: {  	[tilespmem:s8+$0x18070] =	vst.add.f32.msk $0xffff, v0  }
0x650: {  	[tilespmem:s8+$0x18060] =	vst.add.f32.msk $0xffff, v2  }
0x651: {  	v0 =	vld [tilespmem:s8+$0x50]  }
0x652: {  	[tilespmem:s8+$0x18030] =	vst.add.f32.msk $0xffff, v4  }
0x653: {  	v2 =	vld [tilespmem:s8+$0x40]  }
0x654: {  	[tilespmem:s8+$0x18020] =	vst.add.f32.msk $0xffff, v3  }
0x655: {  	[tilespmem:s8+$0x18000] =	vst.add.f32.msk $0xffff, v5  }
0x656: {  	[tilespmem:s8+$0x18050] =	vst.add.f32.msk $0xffff, v0  }
0x657: {  	[tilespmem:s8+$0x18010] =	vst.add.f32.msk $0xffff, v1  }
0x658: {  	s7 =	sor.u32 s7, s3;
	[tilespmem:s8+$0x18040] =	vst.add.f32.msk $0xffff, v2  }
0x659: {  	v2 =	vld [tilespmem:s7+$0x60]  }
0x65a: {  	v3 =	vld [tilespmem:s7+$0x50]  }
0x65b: {  	v1 =	vld [tilespmem:s7+$0x40]  }
0x65c: {  	v4 =	vld [tilespmem:s7+$0x30]  }
0x65d: {  	v0 =	vld [tilespmem:s7+$0x20]  }
0x65e: {  	[tilespmem:s7+$0x18060] =	vst.add.f32.msk $0xffff, v2  }
0x65f: {  	v5 =	vld [tilespmem:s7+$0x10]  }
.Ltmp10:
0x660: {  	[tilespmem:s7+$0x18050] =	vst.add.f32.msk $0xffff, v3;
	(pc) =	sbr.rel @p0 .LBB2_14-.Ltmp10, $4  }
0x661: {  	[tilespmem:s7+$0x18030] =	vst.add.f32.msk $0xffff, v4  }
0x662: {  	v3 =	vld [tilespmem:s7+$0x0]  }
0x663: {  	v2 =	vld [tilespmem:s7+$0x70]  }
0x664: {  	s3 =	smov.u32 s2;
	[tilespmem:s7+$0x18010] =	vst.add.f32.msk $0xffff, v5  }
0x665: {  	s0 =	sshll.u32 s29, $0x5  }
.Ltmp11:
0x666: {  	[tilespmem:s7+$0x18040] =	vst.add.f32.msk $0xffff, v1;
	s0 =	sor.u32 s5, s0;
	(pc) =	sbr.rel .LBB2_16-.Ltmp11, $4  }
0x667: {  	[tilespmem:s7+$0x18020] =	vst.add.f32.msk $0xffff, v0;
	s0 =	smul.u32 $0xC00, s0  }
0x668: {  	[tilespmem:s7+$0x18000] =	vst.add.f32.msk $0xffff, v3  }
0x669: {  	[tilespmem:s7+$0x18070] =	vst.add.f32.msk $0xffff, v2;
	s0 =	sadd.s32 s4, s0  }
0x66a: {  	[hbm4b:s0+s6] =	stream.linear.scatter [tilespmem:s18], [sflag:$0x8], $0x6000, $0x38;
	[tilespmem:$0x1E000] =	vst v63  }
.LBB2_18:
0x66b: {  	_ =	sfence.sel $0x180000  }
0x66c: {  	[bflag:$0x0] =	sbarrier.arrive $0xFFFF  }
0x66d: {  	_ =	strace $0x90000047  }
0x66e: {  	s0 =	stileid.u32;
	[bflag:$0x2] =	sbarrier.arrive $0xFFFF  }
0x66f: {  	p0 =	sne.s32 s0, $0x0;
	s0 =	rddreg [dreg:$0x3]  }
0x670: {  	s0 =	sadd.s32 @!p0 $0x100000, s0  }
0x671: {  	[sflag:s0] =	ssyncadd.tile.s32 @!p0 $0x1;
	_ =	shalt  }
.Lfunc_end2:
_tile_overlayer_lowered:
.L_overlay_start_2:
0x672: {  	(tag) =	ssettag $0x2  }
0x673: {  	s0 =	rddreg [dreg:$0x0];
	s2 =	stileid.u32  }
0x674: {  	s1 =	rddreg [dreg:$0x1];
	p0 =	sne.s32 s2, $0x0  }
0x675: {  	s3 =	rddreg [dreg:$0x2];
	[bflag:$0x3] =	sbarrier.arrive $0xFFFF;
	s2 =	simm.s32 @!p0 $0x1C09  }
0x676: {  	[timem:s3], [sflag:s2] =	dma.local @!p0 [hbm:s0], s1  }
0x677: {  	s0 =	simm.s32 @!p0 $0x9  }
0x678: {  	_ =	swait.ge @!p0 [sflag:s0], s1  }
0x679: {  	s1 =	ssub.s32 @!p0 $0x0, s1;
	[sflag:s0] =	ssyncset.done @!p0 $0x0  }
0x67a: {  	[sflag:s0] =	ssyncadd.s32 @!p0 s1  }
0x67b: {  	[bflag:$0x3] =	sbarrier.arrive $0xFFFF  }
0x67c: {  	_ =	shalt  }

</sc_bundles>
